<compile_context>
chip_gen: v7x
topology: tpu7x:2x2x1
jax: 0.10.2.dev20260603
libtpu: 0.0.44.dev20260713+nightly
codegen_flags: <defaults>
</compile_context>

<pallas_src>
import functools

import jax
import jax.numpy as jnp
from jax import lax
from jax.experimental import pallas as pl
from jax.experimental.pallas import tpu as pltpu
from jax.experimental.pallas import tpu_sc as plsc

N_NODES = 10000
N_PAD = 10240
N_EDGES = 320000
FEAT = 128
NC = 2
NS = 16
NW = NC * NS
CHUNK = 128
NCHP = 80
EPT = NCHP * CHUNK
E_PAD = NW * EPT
GARBAGE = N_PAD - 1
RPT = N_PAD // NS
TCB = 1280
TCG = N_PAD // TCB

_MESH = plsc.VectorSubcoreMesh(core_axis_name="c", subcore_axis_name="s")


def _aggregate(mp, src3, dst3, zeros):

  @functools.partial(
      pl.kernel,
      out_type=jax.ShapeDtypeStruct((NC, N_PAD, FEAT), jnp.float32),
      mesh=_MESH,
      scratch_types=[
          pltpu.VMEM((2, CHUNK), jnp.int32),
          pltpu.VMEM((2, CHUNK), jnp.int32),
          pltpu.VMEM((CHUNK, FEAT), jnp.float32),
          pltpu.VMEM((CHUNK, FEAT), jnp.float32),
          pltpu.VMEM_SHARED((N_PAD, FEAT), jnp.float32),
          pltpu.SemaphoreType.DMA,
          pltpu.SemaphoreType.DMA,
      ],
  )
  def run(mp_hbm, src_hbm, dst_hbm, zeros_hbm, out_hbm,
          srcr, dstr, buf0, buf1, acc, sem, semp):
    c = lax.axis_index("c")
    s = lax.axis_index("s")
    wid = s * NC + c
    base = s * RPT

    pltpu.sync_copy(zeros_hbm, acc.at[pl.ds(base, RPT)])
    plsc.subcore_barrier()

    bufs = (buf0, buf1)
    pltpu.sync_copy(src_hbm.at[wid].at[0], srcr.at[0])
    pltpu.sync_copy(dst_hbm.at[wid].at[0], dstr.at[0])
    pltpu.async_copy(mp_hbm.at[srcr.at[0]], buf0, sem)
    pltpu.async_copy(src_hbm.at[wid].at[1], srcr.at[1], semp)
    pltpu.async_copy(dst_hbm.at[wid].at[1], dstr.at[1], semp)

    def outer(i, carry):
      j0 = i * 2
      for b in range(2):
        j = j0 + b

        @pl.when(j + 1 < NCHP)
        def _():
          pltpu.make_async_copy(src_hbm.at[wid].at[j + 1], srcr.at[1 - b], semp).wait()
          pltpu.make_async_copy(dst_hbm.at[wid].at[j + 1], dstr.at[1 - b], semp).wait()

        pltpu.make_async_copy(mp_hbm.at[srcr.at[b]], bufs[b], sem).wait()

        @pl.when(j + 1 < NCHP)
        def _():
          pltpu.async_copy(mp_hbm.at[srcr.at[1 - b]], bufs[1 - b], sem)

        pltpu.sync_copy(bufs[b], acc.at[dstr.at[b]], add=True)

        @pl.when(j + 2 < NCHP)
        def _():
          pltpu.async_copy(src_hbm.at[wid].at[j + 2], srcr.at[b], semp)
          pltpu.async_copy(dst_hbm.at[wid].at[j + 2], dstr.at[b], semp)
      return carry

    lax.fori_loop(0, NCHP // 2, outer, 0)
    plsc.subcore_barrier()
    pltpu.sync_copy(acc.at[pl.ds(base, RPT)], out_hbm.at[c].at[pl.ds(base, RPT)])

  return run(mp, src3, dst3, zeros)


def _tc_first(features, W1, deg):

  def body(f_ref, w_ref, d_ref, mp_ref, dis_ref):
    dis = lax.rsqrt(d_ref[0][:, :16] + d_ref[1][:, :16] + 1.0)
    dis_ref[...] = dis
    m = jnp.dot(f_ref[...], w_ref[...],
                preferred_element_type=jnp.float32,
                precision=lax.Precision.HIGHEST)
    mp_ref[...] = m * dis[:, 0:1]

  return pl.pallas_call(
      body,
      grid=(TCG,),
      in_specs=[
          pl.BlockSpec((TCB, FEAT), lambda i: (i, 0)),
          pl.BlockSpec((FEAT, FEAT), lambda i: (0, 0)),
          pl.BlockSpec((NC, TCB, FEAT), lambda i: (0, i, 0)),
      ],
      out_specs=(pl.BlockSpec((TCB, FEAT), lambda i: (i, 0)),
                 pl.BlockSpec((TCB, 16), lambda i: (i, 0))),
      out_shape=(jax.ShapeDtypeStruct((N_PAD, FEAT), jnp.float32),
                 jax.ShapeDtypeStruct((N_PAD, 16), jnp.float32)),
  )(features, W1, deg)


def _tc_mid(acc, mp, dis16, b, W, feat_out):

  def body(a_ref, mp_ref, dis_ref, b_ref, w_ref, o_ref):
    dis = dis_ref[...][:, 0:1]
    x = jnp.maximum(dis * (a_ref[0] + a_ref[1] + mp_ref[...]) + b_ref[...], 0.0)
    m = jnp.dot(x, w_ref[...],
                preferred_element_type=jnp.float32,
                precision=lax.Precision.HIGHEST) * dis
    if feat_out < FEAT:
      m = jnp.concatenate(
          [m, jnp.zeros((TCB, FEAT - feat_out), jnp.float32)], axis=1)
    o_ref[...] = m

  return pl.pallas_call(
      body,
      grid=(TCG,),
      in_specs=[
          pl.BlockSpec((NC, TCB, FEAT), lambda i: (0, i, 0)),
          pl.BlockSpec((TCB, FEAT), lambda i: (i, 0)),
          pl.BlockSpec((TCB, 16), lambda i: (i, 0)),
          pl.BlockSpec((1, FEAT), lambda i: (0, 0)),
          pl.BlockSpec((FEAT, feat_out), lambda i: (0, 0)),
      ],
      out_specs=pl.BlockSpec((TCB, FEAT), lambda i: (i, 0)),
      out_shape=jax.ShapeDtypeStruct((N_PAD, FEAT), jnp.float32),
  )(acc, mp, dis16, b, W)


def _tc_final(acc, mp, dis16, b):

  def body(a_ref, mp_ref, dis_ref, b_ref, x_ref, ls_ref):
    dis = dis_ref[...][:, 0:1]
    x = dis * (a_ref[0] + a_ref[1] + mp_ref[...])[:, :64] + b_ref[...]
    x_ref[...] = x
    mx = jnp.max(x, axis=-1, keepdims=True)
    lse = jnp.log(jnp.sum(jnp.exp(x - mx), axis=-1, keepdims=True)) + mx
    ls_ref[...] = x - lse

  return pl.pallas_call(
      body,
      grid=(TCG,),
      in_specs=[
          pl.BlockSpec((NC, TCB, FEAT), lambda i: (0, i, 0)),
          pl.BlockSpec((TCB, FEAT), lambda i: (i, 0)),
          pl.BlockSpec((TCB, 16), lambda i: (i, 0)),
          pl.BlockSpec((1, 64), lambda i: (0, 0)),
      ],
      out_specs=(pl.BlockSpec((TCB, 64), lambda i: (i, 0)),
                 pl.BlockSpec((TCB, 64), lambda i: (i, 0))),
      out_shape=(jax.ShapeDtypeStruct((N_PAD, 64), jnp.float32),
                 jax.ShapeDtypeStruct((N_PAD, 64), jnp.float32)),
  )(acc, mp, dis16, b)


def kernel(features, edge_index, W1, b1, W2, b2, W3, b3):
  featp = jnp.pad(features, ((0, N_PAD - N_NODES), (0, 0)))
  ei = edge_index.astype(jnp.int32)
  n_fill = E_PAD - N_EDGES
  fill = jnp.arange(n_fill, dtype=jnp.int32)
  src3 = jnp.concatenate([ei[0], fill % N_NODES]).reshape(NW, NCHP, CHUNK)
  dst3 = jnp.concatenate([ei[1], N_NODES + fill % (N_PAD - N_NODES)]
                         ).reshape(NW, NCHP, CHUNK)
  zeros128 = jnp.zeros((RPT, FEAT), jnp.float32)
  ones_nf = jnp.ones((N_PAD, FEAT), jnp.float32)
  b1r = b1.reshape(1, -1)
  b2r = b2.reshape(1, -1)
  b3r = b3.reshape(1, -1)

  dega = _aggregate(ones_nf, src3, dst3, zeros128)
  mp1, dis16 = _tc_first(featp, W1, dega)
  acc1 = _aggregate(mp1, src3, dst3, zeros128)
  mp2 = _tc_mid(acc1, mp1, dis16, b1r, W2, 128)
  acc2 = _aggregate(mp2, src3, dst3, zeros128)
  mp3 = _tc_mid(acc2, mp2, dis16, b2r, W3, 64)
  acc3 = _aggregate(mp3, src3, dst3, zeros128)
  x3, ls = _tc_final(acc3, mp3, dis16, b3r)
  return (x3[:N_NODES], ls[:N_NODES])

# --- scband reference (transcript-rebuilt; emitter-appended) ---
"""Pipeline reference for scband-gcntask-47356309406257 (READ-ONLY COPY).

The authoritative reference and input builder live on the scoring server;
editing this copy changes nothing except your own understanding.
"""

import jax, jax.numpy as jnp
import numpy as np

N_NODES = 10000


def gcn_conv(x, W, b, src, dst, n):
    # GCNConv (Kipf & Welling): add self-loops, symmetric normalization, linear transform, scatter-add
    loop = jnp.arange(n, dtype=src.dtype)
    s = jnp.concatenate([src, loop])
    d = jnp.concatenate([dst, loop])
    deg = jax.ops.segment_sum(jnp.ones_like(s, dtype=x.dtype), d, num_segments=n)
    dis = jnp.where(deg > 0, jax.lax.rsqrt(jnp.maximum(deg, 1e-12)), 0.0)
    norm = dis[s] * dis[d]
    m = x @ W
    out = jax.ops.segment_sum(m[s] * norm[:, None], d, num_segments=n)
    return out + b


def setup_inputs(seed: int = 0) -> dict:
    key = jax.random.key(seed)
    k1, k2, k3, k4, k5 = jax.random.split(key, 5)
    features = jax.random.normal(k1, (N_NODES, 128), dtype=jnp.float32)
    edge_index = jax.random.randint(k2, (2, 320000), 0, N_NODES, dtype=jnp.int64)
    # GCNConv weights (glorot-like scale) and zero biases, per init_kwargs:
    # layers: 128->128, 128->128, 128->64
    W1 = jax.random.normal(k3, (128, 128), dtype=jnp.float32) * (1.0 / np.sqrt(128))
    b1 = jnp.zeros((128,), dtype=jnp.float32)
    W2 = jax.random.normal(k4, (128, 128), dtype=jnp.float32) * (1.0 / np.sqrt(128))
    b2 = jnp.zeros((128,), dtype=jnp.float32)
    W3 = jax.random.normal(k5, (128, 64), dtype=jnp.float32) * (1.0 / np.sqrt(128))
    b3 = jnp.zeros((64,), dtype=jnp.float32)
    return {"features": features, "edge_index": edge_index,
            "W1": W1, "b1": b1, "W2": W2, "b2": b2, "W3": W3, "b3": b3}


def reference(features, edge_index, W1, b1, W2, b2, W3, b3):
    src = edge_index[0]
    dst = edge_index[1]
    n = features.shape[0]
    x = gcn_conv(features, W1, b1, src, dst, n)
    x = jax.nn.relu(x)  # dropout is identity in eval / deterministic reference
    x = gcn_conv(x, W2, b2, src, dst, n)
    x = jax.nn.relu(x)
    x = gcn_conv(x, W3, b3, src, dst, n)
    return (x, jax.nn.log_softmax(x, axis=-1))

if __name__ == "__main__":
    import jax
    _d = setup_inputs()
    print(jax.jit(kernel)(*tuple(_d.values())))

</pallas_src>

<mosaic_0001>
#map = affine_map<(d0, d1) -> (0, 0)>
#map1 = affine_map<(d0, d1) -> (0, 0, 0)>
module attributes {stable_mosaic.version = 14 : i64} {
  func.func @run(%arg0: i32, %arg1: i32, %arg2: memref<10240x128xf32, #tpu.memory_space<hbm>>, %arg3: memref<32x80x128xi32, #tpu.memory_space<hbm>>, %arg4: memref<32x80x128xi32, #tpu.memory_space<hbm>>, %arg5: memref<640x128xf32, #tpu.memory_space<hbm>>, %arg6: memref<2x10240x128xf32, #tpu.memory_space<hbm>>, %arg7: memref<2x128xi32, #tpu.memory_space<vmem>>, %arg8: memref<2x128xi32, #tpu.memory_space<vmem>>, %arg9: memref<128x128xf32, #tpu.memory_space<vmem>>, %arg10: memref<128x128xf32, #tpu.memory_space<vmem>>, %arg11: memref<10240x128xf32, #tpu.memory_space<vmem_shared>>, %arg12: memref<!tpu.dma_semaphore, #tpu.memory_space<semaphore_mem>>, %arg13: memref<!tpu.dma_semaphore, #tpu.memory_space<semaphore_mem>>) attributes {dimension_semantics = [#tpu.dimension_semantics<core_parallel>, #tpu.dimension_semantics<subcore_parallel>], iteration_bounds = array<i64: 2, 16>, scalar_prefetch = 0 : i64, scratch_operands = 7 : i64, tpu.core_type = #tpu.core_type<sc_vector_subcore>, window_params = [{transform_indices = #map}, {transform_indices = #map1}, {transform_indices = #map1}, {transform_indices = #map}, {transform_indices = #map1}]} {
    %mul3A = arith.constant 2 : i32
    %mul3A_0 = arith.muli %arg1, %mul3A : i32
    %add3A = arith.addi %mul3A_0, %arg0 : i32
    %mul3A_1 = arith.constant 640 : i32
    %mul3A_2 = arith.muli %arg1, %mul3A_1 : i32
    "tpu.region"() ({
      %run_scoped3A_62 = tpu.sem_alloc : memref<!tpu.dma_semaphore, #tpu.memory_space<semaphore_mem>>
      %dma_start3A_63 = arith.constant 0 : i32
      %dma_start3A_64 = tpu.memref_slice %arg11[%mul3A_2, %dma_start3A_63] : memref<10240x128xf32, #tpu.memory_space<vmem_shared>> -> memref<640x128xf32, #tpu.memory_space<vmem_shared>>
      tpu.enqueue_dma source(%arg5 : memref<640x128xf32, #tpu.memory_space<hbm>>) target(%dma_start3A_64 : memref<640x128xf32, #tpu.memory_space<vmem_shared>>) target_semaphore(%run_scoped3A_62 : memref<!tpu.dma_semaphore, #tpu.memory_space<semaphore_mem>>)
      %dma_wait3A = arith.constant 0 : i32
      %dma_wait3A_65 = tpu.memref_slice %arg11[%mul3A_2, %dma_wait3A] : memref<10240x128xf32, #tpu.memory_space<vmem_shared>> -> memref<640x128xf32, #tpu.memory_space<vmem_shared>>
      tpu.wait_dma2 semaphore(%run_scoped3A_62 : memref<!tpu.dma_semaphore, #tpu.memory_space<semaphore_mem>>) src(%arg5 : memref<640x128xf32, #tpu.memory_space<hbm>>) dst(%dma_wait3A_65 : memref<640x128xf32, #tpu.memory_space<vmem_shared>>)
      tpu.yield
    }) : () -> ()
    %barrier3A = arith.constant 0 : index
    tpu.barrier barrier_id(%barrier3A)
    %run_scoped3A = arith.constant 0 : i32
    %run_scoped3A_3 = arith.constant 0 : i32
    "tpu.region"() ({
      %run_scoped3A_62 = tpu.sem_alloc : memref<!tpu.dma_semaphore, #tpu.memory_space<semaphore_mem>>
      %dma_start3A_63 = arith.constant 0 : i32
      %dma_start3A_64 = tpu.memref_slice %arg7[%run_scoped3A_3, %dma_start3A_63] : memref<2x128xi32, #tpu.memory_space<vmem>> -> memref<1x128xi32, #tpu.memory_space<vmem>>
      %dma_start3A_65 = tpu.memref_squeeze %dma_start3A_64 : memref<1x128xi32, #tpu.memory_space<vmem>> -> memref<128xi32, #tpu.memory_space<vmem>>
      %dma_start3A_66 = arith.constant 0 : i32
      %dma_start3A_67 = arith.constant 0 : i32
      %dma_start3A_68 = tpu.memref_slice %arg3[%add3A, %dma_start3A_66, %dma_start3A_67] : memref<32x80x128xi32, #tpu.memory_space<hbm>> -> memref<1x80x128xi32, #tpu.memory_space<hbm>>
      %dma_start3A_69 = tpu.memref_squeeze %dma_start3A_68 : memref<1x80x128xi32, #tpu.memory_space<hbm>> -> memref<80x128xi32, #tpu.memory_space<hbm>>
      %dma_start3A_70 = arith.constant 0 : i32
      %dma_start3A_71 = tpu.memref_slice %dma_start3A_69[%run_scoped3A, %dma_start3A_70] : memref<80x128xi32, #tpu.memory_space<hbm>> -> memref<1x128xi32, #tpu.memory_space<hbm>>
      %dma_start3A_72 = tpu.memref_squeeze %dma_start3A_71 : memref<1x128xi32, #tpu.memory_space<hbm>> -> memref<128xi32, #tpu.memory_space<hbm>>
      %dma_start3A_73 = arith.constant 0 : i32
      %dma_start3A_74 = tpu.memref_slice %arg7[%run_scoped3A_3, %dma_start3A_73] : memref<2x128xi32, #tpu.memory_space<vmem>> -> memref<1x128xi32, #tpu.memory_space<vmem>>
      %dma_start3A_75 = tpu.memref_squeeze %dma_start3A_74 : memref<1x128xi32, #tpu.memory_space<vmem>> -> memref<128xi32, #tpu.memory_space<vmem>>
      %dma_start3A_76 = arith.constant 0 : i32
      %dma_start3A_77 = arith.constant 0 : i32
      %dma_start3A_78 = tpu.memref_slice %arg3[%add3A, %dma_start3A_76, %dma_start3A_77] : memref<32x80x128xi32, #tpu.memory_space<hbm>> -> memref<1x80x128xi32, #tpu.memory_space<hbm>>
      %dma_start3A_79 = tpu.memref_squeeze %dma_start3A_78 : memref<1x80x128xi32, #tpu.memory_space<hbm>> -> memref<80x128xi32, #tpu.memory_space<hbm>>
      %dma_start3A_80 = arith.constant 0 : i32
      %dma_start3A_81 = tpu.memref_slice %dma_start3A_79[%run_scoped3A, %dma_start3A_80] : memref<80x128xi32, #tpu.memory_space<hbm>> -> memref<1x128xi32, #tpu.memory_space<hbm>>
      %dma_start3A_82 = tpu.memref_squeeze %dma_start3A_81 : memref<1x128xi32, #tpu.memory_space<hbm>> -> memref<128xi32, #tpu.memory_space<hbm>>
      tpu.enqueue_dma source(%dma_start3A_82 : memref<128xi32, #tpu.memory_space<hbm>>) target(%dma_start3A_75 : memref<128xi32, #tpu.memory_space<vmem>>) target_semaphore(%run_scoped3A_62 : memref<!tpu.dma_semaphore, #tpu.memory_space<semaphore_mem>>)
      %dma_wait3A = arith.constant 0 : i32
      %dma_wait3A_83 = tpu.memref_slice %arg7[%run_scoped3A_3, %dma_wait3A] : memref<2x128xi32, #tpu.memory_space<vmem>> -> memref<1x128xi32, #tpu.memory_space<vmem>>
      %dma_wait3A_84 = tpu.memref_squeeze %dma_wait3A_83 : memref<1x128xi32, #tpu.memory_space<vmem>> -> memref<128xi32, #tpu.memory_space<vmem>>
      %dma_wait3A_85 = arith.constant 0 : i32
      %dma_wait3A_86 = arith.constant 0 : i32
      %dma_wait3A_87 = tpu.memref_slice %arg3[%add3A, %dma_wait3A_85, %dma_wait3A_86] : memref<32x80x128xi32, #tpu.memory_space<hbm>> -> memref<1x80x128xi32, #tpu.memory_space<hbm>>
      %dma_wait3A_88 = tpu.memref_squeeze %dma_wait3A_87 : memref<1x80x128xi32, #tpu.memory_space<hbm>> -> memref<80x128xi32, #tpu.memory_space<hbm>>
      %dma_wait3A_89 = arith.constant 0 : i32
      %dma_wait3A_90 = tpu.memref_slice %dma_wait3A_88[%run_scoped3A, %dma_wait3A_89] : memref<80x128xi32, #tpu.memory_space<hbm>> -> memref<1x128xi32, #tpu.memory_space<hbm>>
      %dma_wait3A_91 = tpu.memref_squeeze %dma_wait3A_90 : memref<1x128xi32, #tpu.memory_space<hbm>> -> memref<128xi32, #tpu.memory_space<hbm>>
      %dma_wait3A_92 = arith.constant 0 : i32
      %dma_wait3A_93 = tpu.memref_slice %arg7[%run_scoped3A_3, %dma_wait3A_92] : memref<2x128xi32, #tpu.memory_space<vmem>> -> memref<1x128xi32, #tpu.memory_space<vmem>>
      %dma_wait3A_94 = tpu.memref_squeeze %dma_wait3A_93 : memref<1x128xi32, #tpu.memory_space<vmem>> -> memref<128xi32, #tpu.memory_space<vmem>>
      %dma_wait3A_95 = arith.constant 0 : i32
      %dma_wait3A_96 = arith.constant 0 : i32
      %dma_wait3A_97 = tpu.memref_slice %arg3[%add3A, %dma_wait3A_95, %dma_wait3A_96] : memref<32x80x128xi32, #tpu.memory_space<hbm>> -> memref<1x80x128xi32, #tpu.memory_space<hbm>>
      %dma_wait3A_98 = tpu.memref_squeeze %dma_wait3A_97 : memref<1x80x128xi32, #tpu.memory_space<hbm>> -> memref<80x128xi32, #tpu.memory_space<hbm>>
      %dma_wait3A_99 = arith.constant 0 : i32
      %dma_wait3A_100 = tpu.memref_slice %dma_wait3A_98[%run_scoped3A, %dma_wait3A_99] : memref<80x128xi32, #tpu.memory_space<hbm>> -> memref<1x128xi32, #tpu.memory_space<hbm>>
      %dma_wait3A_101 = tpu.memref_squeeze %dma_wait3A_100 : memref<1x128xi32, #tpu.memory_space<hbm>> -> memref<128xi32, #tpu.memory_space<hbm>>
      tpu.wait_dma2 semaphore(%run_scoped3A_62 : memref<!tpu.dma_semaphore, #tpu.memory_space<semaphore_mem>>) src(%dma_wait3A_101 : memref<128xi32, #tpu.memory_space<hbm>>) dst(%dma_wait3A_94 : memref<128xi32, #tpu.memory_space<vmem>>)
      tpu.yield
    }) : () -> ()
    %run_scoped3A_4 = arith.constant 0 : i32
    %run_scoped3A_5 = arith.constant 0 : i32
    "tpu.region"() ({
      %run_scoped3A_62 = tpu.sem_alloc : memref<!tpu.dma_semaphore, #tpu.memory_space<semaphore_mem>>
      %dma_start3A_63 = arith.constant 0 : i32
      %dma_start3A_64 = tpu.memref_slice %arg8[%run_scoped3A_5, %dma_start3A_63] : memref<2x128xi32, #tpu.memory_space<vmem>> -> memref<1x128xi32, #tpu.memory_space<vmem>>
      %dma_start3A_65 = tpu.memref_squeeze %dma_start3A_64 : memref<1x128xi32, #tpu.memory_space<vmem>> -> memref<128xi32, #tpu.memory_space<vmem>>
      %dma_start3A_66 = arith.constant 0 : i32
      %dma_start3A_67 = arith.constant 0 : i32
      %dma_start3A_68 = tpu.memref_slice %arg4[%add3A, %dma_start3A_66, %dma_start3A_67] : memref<32x80x128xi32, #tpu.memory_space<hbm>> -> memref<1x80x128xi32, #tpu.memory_space<hbm>>
      %dma_start3A_69 = tpu.memref_squeeze %dma_start3A_68 : memref<1x80x128xi32, #tpu.memory_space<hbm>> -> memref<80x128xi32, #tpu.memory_space<hbm>>
      %dma_start3A_70 = arith.constant 0 : i32
      %dma_start3A_71 = tpu.memref_slice %dma_start3A_69[%run_scoped3A_4, %dma_start3A_70] : memref<80x128xi32, #tpu.memory_space<hbm>> -> memref<1x128xi32, #tpu.memory_space<hbm>>
      %dma_start3A_72 = tpu.memref_squeeze %dma_start3A_71 : memref<1x128xi32, #tpu.memory_space<hbm>> -> memref<128xi32, #tpu.memory_space<hbm>>
      %dma_start3A_73 = arith.constant 0 : i32
      %dma_start3A_74 = tpu.memref_slice %arg8[%run_scoped3A_5, %dma_start3A_73] : memref<2x128xi32, #tpu.memory_space<vmem>> -> memref<1x128xi32, #tpu.memory_space<vmem>>
      %dma_start3A_75 = tpu.memref_squeeze %dma_start3A_74 : memref<1x128xi32, #tpu.memory_space<vmem>> -> memref<128xi32, #tpu.memory_space<vmem>>
      %dma_start3A_76 = arith.constant 0 : i32
      %dma_start3A_77 = arith.constant 0 : i32
      %dma_start3A_78 = tpu.memref_slice %arg4[%add3A, %dma_start3A_76, %dma_start3A_77] : memref<32x80x128xi32, #tpu.memory_space<hbm>> -> memref<1x80x128xi32, #tpu.memory_space<hbm>>
      %dma_start3A_79 = tpu.memref_squeeze %dma_start3A_78 : memref<1x80x128xi32, #tpu.memory_space<hbm>> -> memref<80x128xi32, #tpu.memory_space<hbm>>
      %dma_start3A_80 = arith.constant 0 : i32
      %dma_start3A_81 = tpu.memref_slice %dma_start3A_79[%run_scoped3A_4, %dma_start3A_80] : memref<80x128xi32, #tpu.memory_space<hbm>> -> memref<1x128xi32, #tpu.memory_space<hbm>>
      %dma_start3A_82 = tpu.memref_squeeze %dma_start3A_81 : memref<1x128xi32, #tpu.memory_space<hbm>> -> memref<128xi32, #tpu.memory_space<hbm>>
      tpu.enqueue_dma source(%dma_start3A_82 : memref<128xi32, #tpu.memory_space<hbm>>) target(%dma_start3A_75 : memref<128xi32, #tpu.memory_space<vmem>>) target_semaphore(%run_scoped3A_62 : memref<!tpu.dma_semaphore, #tpu.memory_space<semaphore_mem>>)
      %dma_wait3A = arith.constant 0 : i32
      %dma_wait3A_83 = tpu.memref_slice %arg8[%run_scoped3A_5, %dma_wait3A] : memref<2x128xi32, #tpu.memory_space<vmem>> -> memref<1x128xi32, #tpu.memory_space<vmem>>
      %dma_wait3A_84 = tpu.memref_squeeze %dma_wait3A_83 : memref<1x128xi32, #tpu.memory_space<vmem>> -> memref<128xi32, #tpu.memory_space<vmem>>
      %dma_wait3A_85 = arith.constant 0 : i32
      %dma_wait3A_86 = arith.constant 0 : i32
      %dma_wait3A_87 = tpu.memref_slice %arg4[%add3A, %dma_wait3A_85, %dma_wait3A_86] : memref<32x80x128xi32, #tpu.memory_space<hbm>> -> memref<1x80x128xi32, #tpu.memory_space<hbm>>
      %dma_wait3A_88 = tpu.memref_squeeze %dma_wait3A_87 : memref<1x80x128xi32, #tpu.memory_space<hbm>> -> memref<80x128xi32, #tpu.memory_space<hbm>>
      %dma_wait3A_89 = arith.constant 0 : i32
      %dma_wait3A_90 = tpu.memref_slice %dma_wait3A_88[%run_scoped3A_4, %dma_wait3A_89] : memref<80x128xi32, #tpu.memory_space<hbm>> -> memref<1x128xi32, #tpu.memory_space<hbm>>
      %dma_wait3A_91 = tpu.memref_squeeze %dma_wait3A_90 : memref<1x128xi32, #tpu.memory_space<hbm>> -> memref<128xi32, #tpu.memory_space<hbm>>
      %dma_wait3A_92 = arith.constant 0 : i32
      %dma_wait3A_93 = tpu.memref_slice %arg8[%run_scoped3A_5, %dma_wait3A_92] : memref<2x128xi32, #tpu.memory_space<vmem>> -> memref<1x128xi32, #tpu.memory_space<vmem>>
      %dma_wait3A_94 = tpu.memref_squeeze %dma_wait3A_93 : memref<1x128xi32, #tpu.memory_space<vmem>> -> memref<128xi32, #tpu.memory_space<vmem>>
      %dma_wait3A_95 = arith.constant 0 : i32
      %dma_wait3A_96 = arith.constant 0 : i32
      %dma_wait3A_97 = tpu.memref_slice %arg4[%add3A, %dma_wait3A_95, %dma_wait3A_96] : memref<32x80x128xi32, #tpu.memory_space<hbm>> -> memref<1x80x128xi32, #tpu.memory_space<hbm>>
      %dma_wait3A_98 = tpu.memref_squeeze %dma_wait3A_97 : memref<1x80x128xi32, #tpu.memory_space<hbm>> -> memref<80x128xi32, #tpu.memory_space<hbm>>
      %dma_wait3A_99 = arith.constant 0 : i32
      %dma_wait3A_100 = tpu.memref_slice %dma_wait3A_98[%run_scoped3A_4, %dma_wait3A_99] : memref<80x128xi32, #tpu.memory_space<hbm>> -> memref<1x128xi32, #tpu.memory_space<hbm>>
      %dma_wait3A_101 = tpu.memref_squeeze %dma_wait3A_100 : memref<1x128xi32, #tpu.memory_space<hbm>> -> memref<128xi32, #tpu.memory_space<hbm>>
      tpu.wait_dma2 semaphore(%run_scoped3A_62 : memref<!tpu.dma_semaphore, #tpu.memory_space<semaphore_mem>>) src(%dma_wait3A_101 : memref<128xi32, #tpu.memory_space<hbm>>) dst(%dma_wait3A_94 : memref<128xi32, #tpu.memory_space<vmem>>)
      tpu.yield
    }) : () -> ()
    %dma_start3A = arith.constant 0 : i32
    %dma_start3A_6 = arith.constant 0 : i32
    %dma_start3A_7 = tpu.memref_slice %arg7[%dma_start3A, %dma_start3A_6] : memref<2x128xi32, #tpu.memory_space<vmem>> -> memref<1x128xi32, #tpu.memory_space<vmem>>
    %dma_start3A_8 = tpu.memref_squeeze %dma_start3A_7 : memref<1x128xi32, #tpu.memory_space<vmem>> -> memref<128xi32, #tpu.memory_space<vmem>>
    %dma_start3A_9 = arith.constant 0 : i32
    %dma_start3A_10 = arith.constant 0 : i32
    %dma_start3A_11 = tpu.memref_slice %arg2[%dma_start3A_9, %dma_start3A_10] : memref<10240x128xf32, #tpu.memory_space<hbm>> -> memref<10240x128xf32, #tpu.memory_space<hbm>>
    tpu.enqueue_indirect_dma source(%dma_start3A_11 : memref<10240x128xf32, #tpu.memory_space<hbm>>) target(%arg9 : memref<128x128xf32, #tpu.memory_space<vmem>>) offsets(%dma_start3A_8 : memref<128xi32, #tpu.memory_space<vmem>>) semaphore(%arg12 : memref<!tpu.dma_semaphore, #tpu.memory_space<semaphore_mem>>)
    %dma_start3A_12 = arith.constant 1 : i32
    %dma_start3A_13 = arith.constant 1 : i32
    %dma_start3A_14 = arith.constant 0 : i32
    %dma_start3A_15 = tpu.memref_slice %arg7[%dma_start3A_13, %dma_start3A_14] : memref<2x128xi32, #tpu.memory_space<vmem>> -> memref<1x128xi32, #tpu.memory_space<vmem>>
    %dma_start3A_16 = tpu.memref_squeeze %dma_start3A_15 : memref<1x128xi32, #tpu.memory_space<vmem>> -> memref<128xi32, #tpu.memory_space<vmem>>
    %dma_start3A_17 = arith.constant 0 : i32
    %dma_start3A_18 = arith.constant 0 : i32
    %dma_start3A_19 = tpu.memref_slice %arg3[%add3A, %dma_start3A_17, %dma_start3A_18] : memref<32x80x128xi32, #tpu.memory_space<hbm>> -> memref<1x80x128xi32, #tpu.memory_space<hbm>>
    %dma_start3A_20 = tpu.memref_squeeze %dma_start3A_19 : memref<1x80x128xi32, #tpu.memory_space<hbm>> -> memref<80x128xi32, #tpu.memory_space<hbm>>
    %dma_start3A_21 = arith.constant 0 : i32
    %dma_start3A_22 = tpu.memref_slice %dma_start3A_20[%dma_start3A_12, %dma_start3A_21] : memref<80x128xi32, #tpu.memory_space<hbm>> -> memref<1x128xi32, #tpu.memory_space<hbm>>
    %dma_start3A_23 = tpu.memref_squeeze %dma_start3A_22 : memref<1x128xi32, #tpu.memory_space<hbm>> -> memref<128xi32, #tpu.memory_space<hbm>>
    %dma_start3A_24 = arith.constant 0 : i32
    %dma_start3A_25 = tpu.memref_slice %arg7[%dma_start3A_13, %dma_start3A_24] : memref<2x128xi32, #tpu.memory_space<vmem>> -> memref<1x128xi32, #tpu.memory_space<vmem>>
    %dma_start3A_26 = tpu.memref_squeeze %dma_start3A_25 : memref<1x128xi32, #tpu.memory_space<vmem>> -> memref<128xi32, #tpu.memory_space<vmem>>
    %dma_start3A_27 = arith.constant 0 : i32
    %dma_start3A_28 = arith.constant 0 : i32
    %dma_start3A_29 = tpu.memref_slice %arg3[%add3A, %dma_start3A_27, %dma_start3A_28] : memref<32x80x128xi32, #tpu.memory_space<hbm>> -> memref<1x80x128xi32, #tpu.memory_space<hbm>>
    %dma_start3A_30 = tpu.memref_squeeze %dma_start3A_29 : memref<1x80x128xi32, #tpu.memory_space<hbm>> -> memref<80x128xi32, #tpu.memory_space<hbm>>
    %dma_start3A_31 = arith.constant 0 : i32
    %dma_start3A_32 = tpu.memref_slice %dma_start3A_30[%dma_start3A_12, %dma_start3A_31] : memref<80x128xi32, #tpu.memory_space<hbm>> -> memref<1x128xi32, #tpu.memory_space<hbm>>
    %dma_start3A_33 = tpu.memref_squeeze %dma_start3A_32 : memref<1x128xi32, #tpu.memory_space<hbm>> -> memref<128xi32, #tpu.memory_space<hbm>>
    tpu.enqueue_dma source(%dma_start3A_33 : memref<128xi32, #tpu.memory_space<hbm>>) target(%dma_start3A_26 : memref<128xi32, #tpu.memory_space<vmem>>) target_semaphore(%arg13 : memref<!tpu.dma_semaphore, #tpu.memory_space<semaphore_mem>>)
    %dma_start3A_34 = arith.constant 1 : i32
    %dma_start3A_35 = arith.constant 1 : i32
    %dma_start3A_36 = arith.constant 0 : i32
    %dma_start3A_37 = tpu.memref_slice %arg8[%dma_start3A_35, %dma_start3A_36] : memref<2x128xi32, #tpu.memory_space<vmem>> -> memref<1x128xi32, #tpu.memory_space<vmem>>
    %dma_start3A_38 = tpu.memref_squeeze %dma_start3A_37 : memref<1x128xi32, #tpu.memory_space<vmem>> -> memref<128xi32, #tpu.memory_space<vmem>>
    %dma_start3A_39 = arith.constant 0 : i32
    %dma_start3A_40 = arith.constant 0 : i32
    %dma_start3A_41 = tpu.memref_slice %arg4[%add3A, %dma_start3A_39, %dma_start3A_40] : memref<32x80x128xi32, #tpu.memory_space<hbm>> -> memref<1x80x128xi32, #tpu.memory_space<hbm>>
    %dma_start3A_42 = tpu.memref_squeeze %dma_start3A_41 : memref<1x80x128xi32, #tpu.memory_space<hbm>> -> memref<80x128xi32, #tpu.memory_space<hbm>>
    %dma_start3A_43 = arith.constant 0 : i32
    %dma_start3A_44 = tpu.memref_slice %dma_start3A_42[%dma_start3A_34, %dma_start3A_43] : memref<80x128xi32, #tpu.memory_space<hbm>> -> memref<1x128xi32, #tpu.memory_space<hbm>>
    %dma_start3A_45 = tpu.memref_squeeze %dma_start3A_44 : memref<1x128xi32, #tpu.memory_space<hbm>> -> memref<128xi32, #tpu.memory_space<hbm>>
    %dma_start3A_46 = arith.constant 0 : i32
    %dma_start3A_47 = tpu.memref_slice %arg8[%dma_start3A_35, %dma_start3A_46] : memref<2x128xi32, #tpu.memory_space<vmem>> -> memref<1x128xi32, #tpu.memory_space<vmem>>
    %dma_start3A_48 = tpu.memref_squeeze %dma_start3A_47 : memref<1x128xi32, #tpu.memory_space<vmem>> -> memref<128xi32, #tpu.memory_space<vmem>>
    %dma_start3A_49 = arith.constant 0 : i32
    %dma_start3A_50 = arith.constant 0 : i32
    %dma_start3A_51 = tpu.memref_slice %arg4[%add3A, %dma_start3A_49, %dma_start3A_50] : memref<32x80x128xi32, #tpu.memory_space<hbm>> -> memref<1x80x128xi32, #tpu.memory_space<hbm>>
    %dma_start3A_52 = tpu.memref_squeeze %dma_start3A_51 : memref<1x80x128xi32, #tpu.memory_space<hbm>> -> memref<80x128xi32, #tpu.memory_space<hbm>>
    %dma_start3A_53 = arith.constant 0 : i32
    %dma_start3A_54 = tpu.memref_slice %dma_start3A_52[%dma_start3A_34, %dma_start3A_53] : memref<80x128xi32, #tpu.memory_space<hbm>> -> memref<1x128xi32, #tpu.memory_space<hbm>>
    %dma_start3A_55 = tpu.memref_squeeze %dma_start3A_54 : memref<1x128xi32, #tpu.memory_space<hbm>> -> memref<128xi32, #tpu.memory_space<hbm>>
    tpu.enqueue_dma source(%dma_start3A_55 : memref<128xi32, #tpu.memory_space<hbm>>) target(%dma_start3A_48 : memref<128xi32, #tpu.memory_space<vmem>>) target_semaphore(%arg13 : memref<!tpu.dma_semaphore, #tpu.memory_space<semaphore_mem>>)
    %scan3A = arith.constant 0 : i32
    %scan3A_56 = arith.constant 0 : i32
    %scan3A_57 = arith.constant 40 : i32
    %scan3A_58 = arith.addi %scan3A_56, %scan3A_57 : i32
    %scan3A_59 = arith.constant 1 : i32
    scf.for %scan3A_62 = %scan3A_56 to %scan3A_58 step %scan3A_59  : i32 {
      %mul3A_63 = arith.constant 2 : i32
      %mul3A_64 = arith.muli %scan3A_62, %mul3A_63 : i32
      %add3A_65 = arith.constant 0 : i32
      %add3A_66 = arith.addi %mul3A_64, %add3A_65 : i32
      %add3A_67 = arith.constant 1 : i32
      %add3A_68 = arith.addi %add3A_66, %add3A_67 : i32
      %lt3A = arith.constant 80 : i32
      %lt3A_69 = arith.cmpi slt, %add3A_68, %lt3A : i32
      %convert_element_type3A = arith.extui %lt3A_69 : i1 to i32
      %cond3A = arith.constant 0 : i32
      %cond3A_70 = arith.cmpi ne, %convert_element_type3A, %cond3A : i32
      scf.if %cond3A_70 {
        %add3A_123 = arith.constant 1 : i32
        %add3A_124 = arith.addi %add3A_66, %add3A_123 : i32
        %dma_wait3A_125 = arith.constant 1 : i32
        %dma_wait3A_126 = arith.constant 0 : i32
        %dma_wait3A_127 = tpu.memref_slice %arg7[%dma_wait3A_125, %dma_wait3A_126] : memref<2x128xi32, #tpu.memory_space<vmem>> -> memref<1x128xi32, #tpu.memory_space<vmem>>
        %dma_wait3A_128 = tpu.memref_squeeze %dma_wait3A_127 : memref<1x128xi32, #tpu.memory_space<vmem>> -> memref<128xi32, #tpu.memory_space<vmem>>
        %dma_wait3A_129 = arith.constant 0 : i32
        %dma_wait3A_130 = arith.constant 0 : i32
        %dma_wait3A_131 = tpu.memref_slice %arg3[%add3A, %dma_wait3A_129, %dma_wait3A_130] : memref<32x80x128xi32, #tpu.memory_space<hbm>> -> memref<1x80x128xi32, #tpu.memory_space<hbm>>
        %dma_wait3A_132 = tpu.memref_squeeze %dma_wait3A_131 : memref<1x80x128xi32, #tpu.memory_space<hbm>> -> memref<80x128xi32, #tpu.memory_space<hbm>>
        %dma_wait3A_133 = arith.constant 0 : i32
        %dma_wait3A_134 = tpu.memref_slice %dma_wait3A_132[%add3A_124, %dma_wait3A_133] : memref<80x128xi32, #tpu.memory_space<hbm>> -> memref<1x128xi32, #tpu.memory_space<hbm>>
        %dma_wait3A_135 = tpu.memref_squeeze %dma_wait3A_134 : memref<1x128xi32, #tpu.memory_space<hbm>> -> memref<128xi32, #tpu.memory_space<hbm>>
        %dma_wait3A_136 = arith.constant 0 : i32
        %dma_wait3A_137 = tpu.memref_slice %arg7[%dma_wait3A_125, %dma_wait3A_136] : memref<2x128xi32, #tpu.memory_space<vmem>> -> memref<1x128xi32, #tpu.memory_space<vmem>>
        %dma_wait3A_138 = tpu.memref_squeeze %dma_wait3A_137 : memref<1x128xi32, #tpu.memory_space<vmem>> -> memref<128xi32, #tpu.memory_space<vmem>>
        %dma_wait3A_139 = arith.constant 0 : i32
        %dma_wait3A_140 = arith.constant 0 : i32
        %dma_wait3A_141 = tpu.memref_slice %arg3[%add3A, %dma_wait3A_139, %dma_wait3A_140] : memref<32x80x128xi32, #tpu.memory_space<hbm>> -> memref<1x80x128xi32, #tpu.memory_space<hbm>>
        %dma_wait3A_142 = tpu.memref_squeeze %dma_wait3A_141 : memref<1x80x128xi32, #tpu.memory_space<hbm>> -> memref<80x128xi32, #tpu.memory_space<hbm>>
        %dma_wait3A_143 = arith.constant 0 : i32
        %dma_wait3A_144 = tpu.memref_slice %dma_wait3A_142[%add3A_124, %dma_wait3A_143] : memref<80x128xi32, #tpu.memory_space<hbm>> -> memref<1x128xi32, #tpu.memory_space<hbm>>
        %dma_wait3A_145 = tpu.memref_squeeze %dma_wait3A_144 : memref<1x128xi32, #tpu.memory_space<hbm>> -> memref<128xi32, #tpu.memory_space<hbm>>
        tpu.wait_dma2 semaphore(%arg13 : memref<!tpu.dma_semaphore, #tpu.memory_space<semaphore_mem>>) src(%dma_wait3A_145 : memref<128xi32, #tpu.memory_space<hbm>>) dst(%dma_wait3A_138 : memref<128xi32, #tpu.memory_space<vmem>>)
        %add3A_146 = arith.constant 1 : i32
        %add3A_147 = arith.addi %add3A_66, %add3A_146 : i32
        %dma_wait3A_148 = arith.constant 1 : i32
        %dma_wait3A_149 = arith.constant 0 : i32
        %dma_wait3A_150 = tpu.memref_slice %arg8[%dma_wait3A_148, %dma_wait3A_149] : memref<2x128xi32, #tpu.memory_space<vmem>> -> memref<1x128xi32, #tpu.memory_space<vmem>>
        %dma_wait3A_151 = tpu.memref_squeeze %dma_wait3A_150 : memref<1x128xi32, #tpu.memory_space<vmem>> -> memref<128xi32, #tpu.memory_space<vmem>>
        %dma_wait3A_152 = arith.constant 0 : i32
        %dma_wait3A_153 = arith.constant 0 : i32
        %dma_wait3A_154 = tpu.memref_slice %arg4[%add3A, %dma_wait3A_152, %dma_wait3A_153] : memref<32x80x128xi32, #tpu.memory_space<hbm>> -> memref<1x80x128xi32, #tpu.memory_space<hbm>>
        %dma_wait3A_155 = tpu.memref_squeeze %dma_wait3A_154 : memref<1x80x128xi32, #tpu.memory_space<hbm>> -> memref<80x128xi32, #tpu.memory_space<hbm>>
        %dma_wait3A_156 = arith.constant 0 : i32
        %dma_wait3A_157 = tpu.memref_slice %dma_wait3A_155[%add3A_147, %dma_wait3A_156] : memref<80x128xi32, #tpu.memory_space<hbm>> -> memref<1x128xi32, #tpu.memory_space<hbm>>
        %dma_wait3A_158 = tpu.memref_squeeze %dma_wait3A_157 : memref<1x128xi32, #tpu.memory_space<hbm>> -> memref<128xi32, #tpu.memory_space<hbm>>
        %dma_wait3A_159 = arith.constant 0 : i32
        %dma_wait3A_160 = tpu.memref_slice %arg8[%dma_wait3A_148, %dma_wait3A_159] : memref<2x128xi32, #tpu.memory_space<vmem>> -> memref<1x128xi32, #tpu.memory_space<vmem>>
        %dma_wait3A_161 = tpu.memref_squeeze %dma_wait3A_160 : memref<1x128xi32, #tpu.memory_space<vmem>> -> memref<128xi32, #tpu.memory_space<vmem>>
        %dma_wait3A_162 = arith.constant 0 : i32
        %dma_wait3A_163 = arith.constant 0 : i32
        %dma_wait3A_164 = tpu.memref_slice %arg4[%add3A, %dma_wait3A_162, %dma_wait3A_163] : memref<32x80x128xi32, #tpu.memory_space<hbm>> -> memref<1x80x128xi32, #tpu.memory_space<hbm>>
        %dma_wait3A_165 = tpu.memref_squeeze %dma_wait3A_164 : memref<1x80x128xi32, #tpu.memory_space<hbm>> -> memref<80x128xi32, #tpu.memory_space<hbm>>
        %dma_wait3A_166 = arith.constant 0 : i32
        %dma_wait3A_167 = tpu.memref_slice %dma_wait3A_165[%add3A_147, %dma_wait3A_166] : memref<80x128xi32, #tpu.memory_space<hbm>> -> memref<1x128xi32, #tpu.memory_space<hbm>>
        %dma_wait3A_168 = tpu.memref_squeeze %dma_wait3A_167 : memref<1x128xi32, #tpu.memory_space<hbm>> -> memref<128xi32, #tpu.memory_space<hbm>>
        tpu.wait_dma2 semaphore(%arg13 : memref<!tpu.dma_semaphore, #tpu.memory_space<semaphore_mem>>) src(%dma_wait3A_168 : memref<128xi32, #tpu.memory_space<hbm>>) dst(%dma_wait3A_161 : memref<128xi32, #tpu.memory_space<vmem>>)
      } else {
      }
      %dma_wait3A = arith.constant 0 : i32
      %dma_wait3A_71 = arith.constant 0 : i32
      %dma_wait3A_72 = tpu.memref_slice %arg7[%dma_wait3A, %dma_wait3A_71] : memref<2x128xi32, #tpu.memory_space<vmem>> -> memref<1x128xi32, #tpu.memory_space<vmem>>
      %dma_wait3A_73 = tpu.memref_squeeze %dma_wait3A_72 : memref<1x128xi32, #tpu.memory_space<vmem>> -> memref<128xi32, #tpu.memory_space<vmem>>
      %dma_wait3A_74 = arith.constant 0 : i32
      %dma_wait3A_75 = arith.constant 0 : i32
      %dma_wait3A_76 = tpu.memref_slice %arg2[%dma_wait3A_74, %dma_wait3A_75] : memref<10240x128xf32, #tpu.memory_space<hbm>> -> memref<10240x128xf32, #tpu.memory_space<hbm>>
      tpu.wait_indirect_dma semaphore(%arg12 : memref<!tpu.dma_semaphore, #tpu.memory_space<semaphore_mem>>) src(%dma_wait3A_76 : memref<10240x128xf32, #tpu.memory_space<hbm>>) dst(%arg9 : memref<128x128xf32, #tpu.memory_space<vmem>>)
      %add3A_77 = arith.constant 1 : i32
      %add3A_78 = arith.addi %add3A_66, %add3A_77 : i32
      %lt3A_79 = arith.constant 80 : i32
      %lt3A_80 = arith.cmpi slt, %add3A_78, %lt3A_79 : i32
      %convert_element_type3A_81 = arith.extui %lt3A_80 : i1 to i32
      %cond3A_82 = arith.constant 0 : i32
      %cond3A_83 = arith.cmpi ne, %convert_element_type3A_81, %cond3A_82 : i32
      scf.if %cond3A_83 {
        %dma_start3A_123 = arith.constant 1 : i32
        %dma_start3A_124 = arith.constant 0 : i32
        %dma_start3A_125 = tpu.memref_slice %arg7[%dma_start3A_123, %dma_start3A_124] : memref<2x128xi32, #tpu.memory_space<vmem>> -> memref<1x128xi32, #tpu.memory_space<vmem>>
        %dma_start3A_126 = tpu.memref_squeeze %dma_start3A_125 : memref<1x128xi32, #tpu.memory_space<vmem>> -> memref<128xi32, #tpu.memory_space<vmem>>
        %dma_start3A_127 = arith.constant 0 : i32
        %dma_start3A_128 = arith.constant 0 : i32
        %dma_start3A_129 = tpu.memref_slice %arg2[%dma_start3A_127, %dma_start3A_128] : memref<10240x128xf32, #tpu.memory_space<hbm>> -> memref<10240x128xf32, #tpu.memory_space<hbm>>
        tpu.enqueue_indirect_dma source(%dma_start3A_129 : memref<10240x128xf32, #tpu.memory_space<hbm>>) target(%arg10 : memref<128x128xf32, #tpu.memory_space<vmem>>) offsets(%dma_start3A_126 : memref<128xi32, #tpu.memory_space<vmem>>) semaphore(%arg12 : memref<!tpu.dma_semaphore, #tpu.memory_space<semaphore_mem>>)
      } else {
      }
      %run_scoped3A_84 = arith.constant 0 : i32
      "tpu.region"() ({
        %run_scoped3A_123 = tpu.sem_alloc : memref<!tpu.dma_semaphore, #tpu.memory_space<semaphore_mem>>
        %dma_start3A_124 = arith.constant 0 : i32
        %dma_start3A_125 = tpu.memref_slice %arg8[%run_scoped3A_84, %dma_start3A_124] : memref<2x128xi32, #tpu.memory_space<vmem>> -> memref<1x128xi32, #tpu.memory_space<vmem>>
        %dma_start3A_126 = tpu.memref_squeeze %dma_start3A_125 : memref<1x128xi32, #tpu.memory_space<vmem>> -> memref<128xi32, #tpu.memory_space<vmem>>
        %dma_start3A_127 = arith.constant 0 : i32
        %dma_start3A_128 = arith.constant 0 : i32
        %dma_start3A_129 = tpu.memref_slice %arg11[%dma_start3A_127, %dma_start3A_128] : memref<10240x128xf32, #tpu.memory_space<vmem_shared>> -> memref<10240x128xf32, #tpu.memory_space<vmem_shared>>
        tpu.enqueue_indirect_dma source(%arg9 : memref<128x128xf32, #tpu.memory_space<vmem>>) target(%dma_start3A_129 : memref<10240x128xf32, #tpu.memory_space<vmem_shared>>) offsets(%dma_start3A_126 : memref<128xi32, #tpu.memory_space<vmem>>) semaphore(%run_scoped3A_123 : memref<!tpu.dma_semaphore, #tpu.memory_space<semaphore_mem>>) {add = true}
        %dma_wait3A_130 = arith.constant 0 : i32
        %dma_wait3A_131 = tpu.memref_slice %arg8[%run_scoped3A_84, %dma_wait3A_130] : memref<2x128xi32, #tpu.memory_space<vmem>> -> memref<1x128xi32, #tpu.memory_space<vmem>>
        %dma_wait3A_132 = tpu.memref_squeeze %dma_wait3A_131 : memref<1x128xi32, #tpu.memory_space<vmem>> -> memref<128xi32, #tpu.memory_space<vmem>>
        %dma_wait3A_133 = arith.constant 0 : i32
        %dma_wait3A_134 = arith.constant 0 : i32
        %dma_wait3A_135 = tpu.memref_slice %arg11[%dma_wait3A_133, %dma_wait3A_134] : memref<10240x128xf32, #tpu.memory_space<vmem_shared>> -> memref<10240x128xf32, #tpu.memory_space<vmem_shared>>
        tpu.wait_indirect_dma semaphore(%run_scoped3A_123 : memref<!tpu.dma_semaphore, #tpu.memory_space<semaphore_mem>>) src(%arg9 : memref<128x128xf32, #tpu.memory_space<vmem>>) dst(%dma_wait3A_135 : memref<10240x128xf32, #tpu.memory_space<vmem_shared>>)
        tpu.yield
      }) : () -> ()
      %add3A_85 = arith.constant 2 : i32
      %add3A_86 = arith.addi %add3A_66, %add3A_85 : i32
      %lt3A_87 = arith.constant 80 : i32
      %lt3A_88 = arith.cmpi slt, %add3A_86, %lt3A_87 : i32
      %convert_element_type3A_89 = arith.extui %lt3A_88 : i1 to i32
      %cond3A_90 = arith.constant 0 : i32
      %cond3A_91 = arith.cmpi ne, %convert_element_type3A_89, %cond3A_90 : i32
      scf.if %cond3A_91 {
        %add3A_123 = arith.constant 2 : i32
        %add3A_124 = arith.addi %add3A_66, %add3A_123 : i32
        %dma_start3A_125 = arith.constant 0 : i32
        %dma_start3A_126 = arith.constant 0 : i32
        %dma_start3A_127 = tpu.memref_slice %arg7[%dma_start3A_125, %dma_start3A_126] : memref<2x128xi32, #tpu.memory_space<vmem>> -> memref<1x128xi32, #tpu.memory_space<vmem>>
        %dma_start3A_128 = tpu.memref_squeeze %dma_start3A_127 : memref<1x128xi32, #tpu.memory_space<vmem>> -> memref<128xi32, #tpu.memory_space<vmem>>
        %dma_start3A_129 = arith.constant 0 : i32
        %dma_start3A_130 = arith.constant 0 : i32
        %dma_start3A_131 = tpu.memref_slice %arg3[%add3A, %dma_start3A_129, %dma_start3A_130] : memref<32x80x128xi32, #tpu.memory_space<hbm>> -> memref<1x80x128xi32, #tpu.memory_space<hbm>>
        %dma_start3A_132 = tpu.memref_squeeze %dma_start3A_131 : memref<1x80x128xi32, #tpu.memory_space<hbm>> -> memref<80x128xi32, #tpu.memory_space<hbm>>
        %dma_start3A_133 = arith.constant 0 : i32
        %dma_start3A_134 = tpu.memref_slice %dma_start3A_132[%add3A_124, %dma_start3A_133] : memref<80x128xi32, #tpu.memory_space<hbm>> -> memref<1x128xi32, #tpu.memory_space<hbm>>
        %dma_start3A_135 = tpu.memref_squeeze %dma_start3A_134 : memref<1x128xi32, #tpu.memory_space<hbm>> -> memref<128xi32, #tpu.memory_space<hbm>>
        %dma_start3A_136 = arith.constant 0 : i32
        %dma_start3A_137 = tpu.memref_slice %arg7[%dma_start3A_125, %dma_start3A_136] : memref<2x128xi32, #tpu.memory_space<vmem>> -> memref<1x128xi32, #tpu.memory_space<vmem>>
        %dma_start3A_138 = tpu.memref_squeeze %dma_start3A_137 : memref<1x128xi32, #tpu.memory_space<vmem>> -> memref<128xi32, #tpu.memory_space<vmem>>
        %dma_start3A_139 = arith.constant 0 : i32
        %dma_start3A_140 = arith.constant 0 : i32
        %dma_start3A_141 = tpu.memref_slice %arg3[%add3A, %dma_start3A_139, %dma_start3A_140] : memref<32x80x128xi32, #tpu.memory_space<hbm>> -> memref<1x80x128xi32, #tpu.memory_space<hbm>>
        %dma_start3A_142 = tpu.memref_squeeze %dma_start3A_141 : memref<1x80x128xi32, #tpu.memory_space<hbm>> -> memref<80x128xi32, #tpu.memory_space<hbm>>
        %dma_start3A_143 = arith.constant 0 : i32
        %dma_start3A_144 = tpu.memref_slice %dma_start3A_142[%add3A_124, %dma_start3A_143] : memref<80x128xi32, #tpu.memory_space<hbm>> -> memref<1x128xi32, #tpu.memory_space<hbm>>
        %dma_start3A_145 = tpu.memref_squeeze %dma_start3A_144 : memref<1x128xi32, #tpu.memory_space<hbm>> -> memref<128xi32, #tpu.memory_space<hbm>>
        tpu.enqueue_dma source(%dma_start3A_145 : memref<128xi32, #tpu.memory_space<hbm>>) target(%dma_start3A_138 : memref<128xi32, #tpu.memory_space<vmem>>) target_semaphore(%arg13 : memref<!tpu.dma_semaphore, #tpu.memory_space<semaphore_mem>>)
        %add3A_146 = arith.constant 2 : i32
        %add3A_147 = arith.addi %add3A_66, %add3A_146 : i32
        %dma_start3A_148 = arith.constant 0 : i32
        %dma_start3A_149 = arith.constant 0 : i32
        %dma_start3A_150 = tpu.memref_slice %arg8[%dma_start3A_148, %dma_start3A_149] : memref<2x128xi32, #tpu.memory_space<vmem>> -> memref<1x128xi32, #tpu.memory_space<vmem>>
        %dma_start3A_151 = tpu.memref_squeeze %dma_start3A_150 : memref<1x128xi32, #tpu.memory_space<vmem>> -> memref<128xi32, #tpu.memory_space<vmem>>
        %dma_start3A_152 = arith.constant 0 : i32
        %dma_start3A_153 = arith.constant 0 : i32
        %dma_start3A_154 = tpu.memref_slice %arg4[%add3A, %dma_start3A_152, %dma_start3A_153] : memref<32x80x128xi32, #tpu.memory_space<hbm>> -> memref<1x80x128xi32, #tpu.memory_space<hbm>>
        %dma_start3A_155 = tpu.memref_squeeze %dma_start3A_154 : memref<1x80x128xi32, #tpu.memory_space<hbm>> -> memref<80x128xi32, #tpu.memory_space<hbm>>
        %dma_start3A_156 = arith.constant 0 : i32
        %dma_start3A_157 = tpu.memref_slice %dma_start3A_155[%add3A_147, %dma_start3A_156] : memref<80x128xi32, #tpu.memory_space<hbm>> -> memref<1x128xi32, #tpu.memory_space<hbm>>
        %dma_start3A_158 = tpu.memref_squeeze %dma_start3A_157 : memref<1x128xi32, #tpu.memory_space<hbm>> -> memref<128xi32, #tpu.memory_space<hbm>>
        %dma_start3A_159 = arith.constant 0 : i32
        %dma_start3A_160 = tpu.memref_slice %arg8[%dma_start3A_148, %dma_start3A_159] : memref<2x128xi32, #tpu.memory_space<vmem>> -> memref<1x128xi32, #tpu.memory_space<vmem>>
        %dma_start3A_161 = tpu.memref_squeeze %dma_start3A_160 : memref<1x128xi32, #tpu.memory_space<vmem>> -> memref<128xi32, #tpu.memory_space<vmem>>
        %dma_start3A_162 = arith.constant 0 : i32
        %dma_start3A_163 = arith.constant 0 : i32
        %dma_start3A_164 = tpu.memref_slice %arg4[%add3A, %dma_start3A_162, %dma_start3A_163] : memref<32x80x128xi32, #tpu.memory_space<hbm>> -> memref<1x80x128xi32, #tpu.memory_space<hbm>>
        %dma_start3A_165 = tpu.memref_squeeze %dma_start3A_164 : memref<1x80x128xi32, #tpu.memory_space<hbm>> -> memref<80x128xi32, #tpu.memory_space<hbm>>
        %dma_start3A_166 = arith.constant 0 : i32
        %dma_start3A_167 = tpu.memref_slice %dma_start3A_165[%add3A_147, %dma_start3A_166] : memref<80x128xi32, #tpu.memory_space<hbm>> -> memref<1x128xi32, #tpu.memory_space<hbm>>
        %dma_start3A_168 = tpu.memref_squeeze %dma_start3A_167 : memref<1x128xi32, #tpu.memory_space<hbm>> -> memref<128xi32, #tpu.memory_space<hbm>>
        tpu.enqueue_dma source(%dma_start3A_168 : memref<128xi32, #tpu.memory_space<hbm>>) target(%dma_start3A_161 : memref<128xi32, #tpu.memory_space<vmem>>) target_semaphore(%arg13 : memref<!tpu.dma_semaphore, #tpu.memory_space<semaphore_mem>>)
      } else {
      }
      %add3A_92 = arith.constant 1 : i32
      %add3A_93 = arith.addi %mul3A_64, %add3A_92 : i32
      %add3A_94 = arith.constant 1 : i32
      %add3A_95 = arith.addi %add3A_93, %add3A_94 : i32
      %lt3A_96 = arith.constant 80 : i32
      %lt3A_97 = arith.cmpi slt, %add3A_95, %lt3A_96 : i32
      %convert_element_type3A_98 = arith.extui %lt3A_97 : i1 to i32
      %cond3A_99 = arith.constant 0 : i32
      %cond3A_100 = arith.cmpi ne, %convert_element_type3A_98, %cond3A_99 : i32
      scf.if %cond3A_100 {
        %add3A_123 = arith.constant 1 : i32
        %add3A_124 = arith.addi %add3A_93, %add3A_123 : i32
        %dma_wait3A_125 = arith.constant 0 : i32
        %dma_wait3A_126 = arith.constant 0 : i32
        %dma_wait3A_127 = tpu.memref_slice %arg7[%dma_wait3A_125, %dma_wait3A_126] : memref<2x128xi32, #tpu.memory_space<vmem>> -> memref<1x128xi32, #tpu.memory_space<vmem>>
        %dma_wait3A_128 = tpu.memref_squeeze %dma_wait3A_127 : memref<1x128xi32, #tpu.memory_space<vmem>> -> memref<128xi32, #tpu.memory_space<vmem>>
        %dma_wait3A_129 = arith.constant 0 : i32
        %dma_wait3A_130 = arith.constant 0 : i32
        %dma_wait3A_131 = tpu.memref_slice %arg3[%add3A, %dma_wait3A_129, %dma_wait3A_130] : memref<32x80x128xi32, #tpu.memory_space<hbm>> -> memref<1x80x128xi32, #tpu.memory_space<hbm>>
        %dma_wait3A_132 = tpu.memref_squeeze %dma_wait3A_131 : memref<1x80x128xi32, #tpu.memory_space<hbm>> -> memref<80x128xi32, #tpu.memory_space<hbm>>
        %dma_wait3A_133 = arith.constant 0 : i32
        %dma_wait3A_134 = tpu.memref_slice %dma_wait3A_132[%add3A_124, %dma_wait3A_133] : memref<80x128xi32, #tpu.memory_space<hbm>> -> memref<1x128xi32, #tpu.memory_space<hbm>>
        %dma_wait3A_135 = tpu.memref_squeeze %dma_wait3A_134 : memref<1x128xi32, #tpu.memory_space<hbm>> -> memref<128xi32, #tpu.memory_space<hbm>>
        %dma_wait3A_136 = arith.constant 0 : i32
        %dma_wait3A_137 = tpu.memref_slice %arg7[%dma_wait3A_125, %dma_wait3A_136] : memref<2x128xi32, #tpu.memory_space<vmem>> -> memref<1x128xi32, #tpu.memory_space<vmem>>
        %dma_wait3A_138 = tpu.memref_squeeze %dma_wait3A_137 : memref<1x128xi32, #tpu.memory_space<vmem>> -> memref<128xi32, #tpu.memory_space<vmem>>
        %dma_wait3A_139 = arith.constant 0 : i32
        %dma_wait3A_140 = arith.constant 0 : i32
        %dma_wait3A_141 = tpu.memref_slice %arg3[%add3A, %dma_wait3A_139, %dma_wait3A_140] : memref<32x80x128xi32, #tpu.memory_space<hbm>> -> memref<1x80x128xi32, #tpu.memory_space<hbm>>
        %dma_wait3A_142 = tpu.memref_squeeze %dma_wait3A_141 : memref<1x80x128xi32, #tpu.memory_space<hbm>> -> memref<80x128xi32, #tpu.memory_space<hbm>>
        %dma_wait3A_143 = arith.constant 0 : i32
        %dma_wait3A_144 = tpu.memref_slice %dma_wait3A_142[%add3A_124, %dma_wait3A_143] : memref<80x128xi32, #tpu.memory_space<hbm>> -> memref<1x128xi32, #tpu.memory_space<hbm>>
        %dma_wait3A_145 = tpu.memref_squeeze %dma_wait3A_144 : memref<1x128xi32, #tpu.memory_space<hbm>> -> memref<128xi32, #tpu.memory_space<hbm>>
        tpu.wait_dma2 semaphore(%arg13 : memref<!tpu.dma_semaphore, #tpu.memory_space<semaphore_mem>>) src(%dma_wait3A_145 : memref<128xi32, #tpu.memory_space<hbm>>) dst(%dma_wait3A_138 : memref<128xi32, #tpu.memory_space<vmem>>)
        %add3A_146 = arith.constant 1 : i32
        %add3A_147 = arith.addi %add3A_93, %add3A_146 : i32
        %dma_wait3A_148 = arith.constant 0 : i32
        %dma_wait3A_149 = arith.constant 0 : i32
        %dma_wait3A_150 = tpu.memref_slice %arg8[%dma_wait3A_148, %dma_wait3A_149] : memref<2x128xi32, #tpu.memory_space<vmem>> -> memref<1x128xi32, #tpu.memory_space<vmem>>
        %dma_wait3A_151 = tpu.memref_squeeze %dma_wait3A_150 : memref<1x128xi32, #tpu.memory_space<vmem>> -> memref<128xi32, #tpu.memory_space<vmem>>
        %dma_wait3A_152 = arith.constant 0 : i32
        %dma_wait3A_153 = arith.constant 0 : i32
        %dma_wait3A_154 = tpu.memref_slice %arg4[%add3A, %dma_wait3A_152, %dma_wait3A_153] : memref<32x80x128xi32, #tpu.memory_space<hbm>> -> memref<1x80x128xi32, #tpu.memory_space<hbm>>
        %dma_wait3A_155 = tpu.memref_squeeze %dma_wait3A_154 : memref<1x80x128xi32, #tpu.memory_space<hbm>> -> memref<80x128xi32, #tpu.memory_space<hbm>>
        %dma_wait3A_156 = arith.constant 0 : i32
        %dma_wait3A_157 = tpu.memref_slice %dma_wait3A_155[%add3A_147, %dma_wait3A_156] : memref<80x128xi32, #tpu.memory_space<hbm>> -> memref<1x128xi32, #tpu.memory_space<hbm>>
        %dma_wait3A_158 = tpu.memref_squeeze %dma_wait3A_157 : memref<1x128xi32, #tpu.memory_space<hbm>> -> memref<128xi32, #tpu.memory_space<hbm>>
        %dma_wait3A_159 = arith.constant 0 : i32
        %dma_wait3A_160 = tpu.memref_slice %arg8[%dma_wait3A_148, %dma_wait3A_159] : memref<2x128xi32, #tpu.memory_space<vmem>> -> memref<1x128xi32, #tpu.memory_space<vmem>>
        %dma_wait3A_161 = tpu.memref_squeeze %dma_wait3A_160 : memref<1x128xi32, #tpu.memory_space<vmem>> -> memref<128xi32, #tpu.memory_space<vmem>>
        %dma_wait3A_162 = arith.constant 0 : i32
        %dma_wait3A_163 = arith.constant 0 : i32
        %dma_wait3A_164 = tpu.memref_slice %arg4[%add3A, %dma_wait3A_162, %dma_wait3A_163] : memref<32x80x128xi32, #tpu.memory_space<hbm>> -> memref<1x80x128xi32, #tpu.memory_space<hbm>>
        %dma_wait3A_165 = tpu.memref_squeeze %dma_wait3A_164 : memref<1x80x128xi32, #tpu.memory_space<hbm>> -> memref<80x128xi32, #tpu.memory_space<hbm>>
        %dma_wait3A_166 = arith.constant 0 : i32
        %dma_wait3A_167 = tpu.memref_slice %dma_wait3A_165[%add3A_147, %dma_wait3A_166] : memref<80x128xi32, #tpu.memory_space<hbm>> -> memref<1x128xi32, #tpu.memory_space<hbm>>
        %dma_wait3A_168 = tpu.memref_squeeze %dma_wait3A_167 : memref<1x128xi32, #tpu.memory_space<hbm>> -> memref<128xi32, #tpu.memory_space<hbm>>
        tpu.wait_dma2 semaphore(%arg13 : memref<!tpu.dma_semaphore, #tpu.memory_space<semaphore_mem>>) src(%dma_wait3A_168 : memref<128xi32, #tpu.memory_space<hbm>>) dst(%dma_wait3A_161 : memref<128xi32, #tpu.memory_space<vmem>>)
      } else {
      }
      %dma_wait3A_101 = arith.constant 1 : i32
      %dma_wait3A_102 = arith.constant 0 : i32
      %dma_wait3A_103 = tpu.memref_slice %arg7[%dma_wait3A_101, %dma_wait3A_102] : memref<2x128xi32, #tpu.memory_space<vmem>> -> memref<1x128xi32, #tpu.memory_space<vmem>>
      %dma_wait3A_104 = tpu.memref_squeeze %dma_wait3A_103 : memref<1x128xi32, #tpu.memory_space<vmem>> -> memref<128xi32, #tpu.memory_space<vmem>>
      %dma_wait3A_105 = arith.constant 0 : i32
      %dma_wait3A_106 = arith.constant 0 : i32
      %dma_wait3A_107 = tpu.memref_slice %arg2[%dma_wait3A_105, %dma_wait3A_106] : memref<10240x128xf32, #tpu.memory_space<hbm>> -> memref<10240x128xf32, #tpu.memory_space<hbm>>
      tpu.wait_indirect_dma semaphore(%arg12 : memref<!tpu.dma_semaphore, #tpu.memory_space<semaphore_mem>>) src(%dma_wait3A_107 : memref<10240x128xf32, #tpu.memory_space<hbm>>) dst(%arg10 : memref<128x128xf32, #tpu.memory_space<vmem>>)
      %add3A_108 = arith.constant 1 : i32
      %add3A_109 = arith.addi %add3A_93, %add3A_108 : i32
      %lt3A_110 = arith.constant 80 : i32
      %lt3A_111 = arith.cmpi slt, %add3A_109, %lt3A_110 : i32
      %convert_element_type3A_112 = arith.extui %lt3A_111 : i1 to i32
      %cond3A_113 = arith.constant 0 : i32
      %cond3A_114 = arith.cmpi ne, %convert_element_type3A_112, %cond3A_113 : i32
      scf.if %cond3A_114 {
        %dma_start3A_123 = arith.constant 0 : i32
        %dma_start3A_124 = arith.constant 0 : i32
        %dma_start3A_125 = tpu.memref_slice %arg7[%dma_start3A_123, %dma_start3A_124] : memref<2x128xi32, #tpu.memory_space<vmem>> -> memref<1x128xi32, #tpu.memory_space<vmem>>
        %dma_start3A_126 = tpu.memref_squeeze %dma_start3A_125 : memref<1x128xi32, #tpu.memory_space<vmem>> -> memref<128xi32, #tpu.memory_space<vmem>>
        %dma_start3A_127 = arith.constant 0 : i32
        %dma_start3A_128 = arith.constant 0 : i32
        %dma_start3A_129 = tpu.memref_slice %arg2[%dma_start3A_127, %dma_start3A_128] : memref<10240x128xf32, #tpu.memory_space<hbm>> -> memref<10240x128xf32, #tpu.memory_space<hbm>>
        tpu.enqueue_indirect_dma source(%dma_start3A_129 : memref<10240x128xf32, #tpu.memory_space<hbm>>) target(%arg9 : memref<128x128xf32, #tpu.memory_space<vmem>>) offsets(%dma_start3A_126 : memref<128xi32, #tpu.memory_space<vmem>>) semaphore(%arg12 : memref<!tpu.dma_semaphore, #tpu.memory_space<semaphore_mem>>)
      } else {
      }
      %run_scoped3A_115 = arith.constant 1 : i32
      "tpu.region"() ({
        %run_scoped3A_123 = tpu.sem_alloc : memref<!tpu.dma_semaphore, #tpu.memory_space<semaphore_mem>>
        %dma_start3A_124 = arith.constant 0 : i32
        %dma_start3A_125 = tpu.memref_slice %arg8[%run_scoped3A_115, %dma_start3A_124] : memref<2x128xi32, #tpu.memory_space<vmem>> -> memref<1x128xi32, #tpu.memory_space<vmem>>
        %dma_start3A_126 = tpu.memref_squeeze %dma_start3A_125 : memref<1x128xi32, #tpu.memory_space<vmem>> -> memref<128xi32, #tpu.memory_space<vmem>>
        %dma_start3A_127 = arith.constant 0 : i32
        %dma_start3A_128 = arith.constant 0 : i32
        %dma_start3A_129 = tpu.memref_slice %arg11[%dma_start3A_127, %dma_start3A_128] : memref<10240x128xf32, #tpu.memory_space<vmem_shared>> -> memref<10240x128xf32, #tpu.memory_space<vmem_shared>>
        tpu.enqueue_indirect_dma source(%arg10 : memref<128x128xf32, #tpu.memory_space<vmem>>) target(%dma_start3A_129 : memref<10240x128xf32, #tpu.memory_space<vmem_shared>>) offsets(%dma_start3A_126 : memref<128xi32, #tpu.memory_space<vmem>>) semaphore(%run_scoped3A_123 : memref<!tpu.dma_semaphore, #tpu.memory_space<semaphore_mem>>) {add = true}
        %dma_wait3A_130 = arith.constant 0 : i32
        %dma_wait3A_131 = tpu.memref_slice %arg8[%run_scoped3A_115, %dma_wait3A_130] : memref<2x128xi32, #tpu.memory_space<vmem>> -> memref<1x128xi32, #tpu.memory_space<vmem>>
        %dma_wait3A_132 = tpu.memref_squeeze %dma_wait3A_131 : memref<1x128xi32, #tpu.memory_space<vmem>> -> memref<128xi32, #tpu.memory_space<vmem>>
        %dma_wait3A_133 = arith.constant 0 : i32
        %dma_wait3A_134 = arith.constant 0 : i32
        %dma_wait3A_135 = tpu.memref_slice %arg11[%dma_wait3A_133, %dma_wait3A_134] : memref<10240x128xf32, #tpu.memory_space<vmem_shared>> -> memref<10240x128xf32, #tpu.memory_space<vmem_shared>>
        tpu.wait_indirect_dma semaphore(%run_scoped3A_123 : memref<!tpu.dma_semaphore, #tpu.memory_space<semaphore_mem>>) src(%arg10 : memref<128x128xf32, #tpu.memory_space<vmem>>) dst(%dma_wait3A_135 : memref<10240x128xf32, #tpu.memory_space<vmem_shared>>)
        tpu.yield
      }) : () -> ()
      %add3A_116 = arith.constant 2 : i32
      %add3A_117 = arith.addi %add3A_93, %add3A_116 : i32
      %lt3A_118 = arith.constant 80 : i32
      %lt3A_119 = arith.cmpi slt, %add3A_117, %lt3A_118 : i32
      %convert_element_type3A_120 = arith.extui %lt3A_119 : i1 to i32
      %cond3A_121 = arith.constant 0 : i32
      %cond3A_122 = arith.cmpi ne, %convert_element_type3A_120, %cond3A_121 : i32
      scf.if %cond3A_122 {
        %add3A_123 = arith.constant 2 : i32
        %add3A_124 = arith.addi %add3A_93, %add3A_123 : i32
        %dma_start3A_125 = arith.constant 1 : i32
        %dma_start3A_126 = arith.constant 0 : i32
        %dma_start3A_127 = tpu.memref_slice %arg7[%dma_start3A_125, %dma_start3A_126] : memref<2x128xi32, #tpu.memory_space<vmem>> -> memref<1x128xi32, #tpu.memory_space<vmem>>
        %dma_start3A_128 = tpu.memref_squeeze %dma_start3A_127 : memref<1x128xi32, #tpu.memory_space<vmem>> -> memref<128xi32, #tpu.memory_space<vmem>>
        %dma_start3A_129 = arith.constant 0 : i32
        %dma_start3A_130 = arith.constant 0 : i32
        %dma_start3A_131 = tpu.memref_slice %arg3[%add3A, %dma_start3A_129, %dma_start3A_130] : memref<32x80x128xi32, #tpu.memory_space<hbm>> -> memref<1x80x128xi32, #tpu.memory_space<hbm>>
        %dma_start3A_132 = tpu.memref_squeeze %dma_start3A_131 : memref<1x80x128xi32, #tpu.memory_space<hbm>> -> memref<80x128xi32, #tpu.memory_space<hbm>>
        %dma_start3A_133 = arith.constant 0 : i32
        %dma_start3A_134 = tpu.memref_slice %dma_start3A_132[%add3A_124, %dma_start3A_133] : memref<80x128xi32, #tpu.memory_space<hbm>> -> memref<1x128xi32, #tpu.memory_space<hbm>>
        %dma_start3A_135 = tpu.memref_squeeze %dma_start3A_134 : memref<1x128xi32, #tpu.memory_space<hbm>> -> memref<128xi32, #tpu.memory_space<hbm>>
        %dma_start3A_136 = arith.constant 0 : i32
        %dma_start3A_137 = tpu.memref_slice %arg7[%dma_start3A_125, %dma_start3A_136] : memref<2x128xi32, #tpu.memory_space<vmem>> -> memref<1x128xi32, #tpu.memory_space<vmem>>
        %dma_start3A_138 = tpu.memref_squeeze %dma_start3A_137 : memref<1x128xi32, #tpu.memory_space<vmem>> -> memref<128xi32, #tpu.memory_space<vmem>>
        %dma_start3A_139 = arith.constant 0 : i32
        %dma_start3A_140 = arith.constant 0 : i32
        %dma_start3A_141 = tpu.memref_slice %arg3[%add3A, %dma_start3A_139, %dma_start3A_140] : memref<32x80x128xi32, #tpu.memory_space<hbm>> -> memref<1x80x128xi32, #tpu.memory_space<hbm>>
        %dma_start3A_142 = tpu.memref_squeeze %dma_start3A_141 : memref<1x80x128xi32, #tpu.memory_space<hbm>> -> memref<80x128xi32, #tpu.memory_space<hbm>>
        %dma_start3A_143 = arith.constant 0 : i32
        %dma_start3A_144 = tpu.memref_slice %dma_start3A_142[%add3A_124, %dma_start3A_143] : memref<80x128xi32, #tpu.memory_space<hbm>> -> memref<1x128xi32, #tpu.memory_space<hbm>>
        %dma_start3A_145 = tpu.memref_squeeze %dma_start3A_144 : memref<1x128xi32, #tpu.memory_space<hbm>> -> memref<128xi32, #tpu.memory_space<hbm>>
        tpu.enqueue_dma source(%dma_start3A_145 : memref<128xi32, #tpu.memory_space<hbm>>) target(%dma_start3A_138 : memref<128xi32, #tpu.memory_space<vmem>>) target_semaphore(%arg13 : memref<!tpu.dma_semaphore, #tpu.memory_space<semaphore_mem>>)
        %add3A_146 = arith.constant 2 : i32
        %add3A_147 = arith.addi %add3A_93, %add3A_146 : i32
        %dma_start3A_148 = arith.constant 1 : i32
        %dma_start3A_149 = arith.constant 0 : i32
        %dma_start3A_150 = tpu.memref_slice %arg8[%dma_start3A_148, %dma_start3A_149] : memref<2x128xi32, #tpu.memory_space<vmem>> -> memref<1x128xi32, #tpu.memory_space<vmem>>
        %dma_start3A_151 = tpu.memref_squeeze %dma_start3A_150 : memref<1x128xi32, #tpu.memory_space<vmem>> -> memref<128xi32, #tpu.memory_space<vmem>>
        %dma_start3A_152 = arith.constant 0 : i32
        %dma_start3A_153 = arith.constant 0 : i32
        %dma_start3A_154 = tpu.memref_slice %arg4[%add3A, %dma_start3A_152, %dma_start3A_153] : memref<32x80x128xi32, #tpu.memory_space<hbm>> -> memref<1x80x128xi32, #tpu.memory_space<hbm>>
        %dma_start3A_155 = tpu.memref_squeeze %dma_start3A_154 : memref<1x80x128xi32, #tpu.memory_space<hbm>> -> memref<80x128xi32, #tpu.memory_space<hbm>>
        %dma_start3A_156 = arith.constant 0 : i32
        %dma_start3A_157 = tpu.memref_slice %dma_start3A_155[%add3A_147, %dma_start3A_156] : memref<80x128xi32, #tpu.memory_space<hbm>> -> memref<1x128xi32, #tpu.memory_space<hbm>>
        %dma_start3A_158 = tpu.memref_squeeze %dma_start3A_157 : memref<1x128xi32, #tpu.memory_space<hbm>> -> memref<128xi32, #tpu.memory_space<hbm>>
        %dma_start3A_159 = arith.constant 0 : i32
        %dma_start3A_160 = tpu.memref_slice %arg8[%dma_start3A_148, %dma_start3A_159] : memref<2x128xi32, #tpu.memory_space<vmem>> -> memref<1x128xi32, #tpu.memory_space<vmem>>
        %dma_start3A_161 = tpu.memref_squeeze %dma_start3A_160 : memref<1x128xi32, #tpu.memory_space<vmem>> -> memref<128xi32, #tpu.memory_space<vmem>>
        %dma_start3A_162 = arith.constant 0 : i32
        %dma_start3A_163 = arith.constant 0 : i32
        %dma_start3A_164 = tpu.memref_slice %arg4[%add3A, %dma_start3A_162, %dma_start3A_163] : memref<32x80x128xi32, #tpu.memory_space<hbm>> -> memref<1x80x128xi32, #tpu.memory_space<hbm>>
        %dma_start3A_165 = tpu.memref_squeeze %dma_start3A_164 : memref<1x80x128xi32, #tpu.memory_space<hbm>> -> memref<80x128xi32, #tpu.memory_space<hbm>>
        %dma_start3A_166 = arith.constant 0 : i32
        %dma_start3A_167 = tpu.memref_slice %dma_start3A_165[%add3A_147, %dma_start3A_166] : memref<80x128xi32, #tpu.memory_space<hbm>> -> memref<1x128xi32, #tpu.memory_space<hbm>>
        %dma_start3A_168 = tpu.memref_squeeze %dma_start3A_167 : memref<1x128xi32, #tpu.memory_space<hbm>> -> memref<128xi32, #tpu.memory_space<hbm>>
        tpu.enqueue_dma source(%dma_start3A_168 : memref<128xi32, #tpu.memory_space<hbm>>) target(%dma_start3A_161 : memref<128xi32, #tpu.memory_space<vmem>>) target_semaphore(%arg13 : memref<!tpu.dma_semaphore, #tpu.memory_space<semaphore_mem>>)
      } else {
      }
    }
    %scan3A_60 = arith.constant 40 : i32
    %barrier3A_61 = arith.constant 0 : index
    tpu.barrier barrier_id(%barrier3A_61)
    "tpu.region"() ({
      %run_scoped3A_62 = tpu.sem_alloc : memref<!tpu.dma_semaphore, #tpu.memory_space<semaphore_mem>>
      %dma_start3A_63 = arith.constant 0 : i32
      %dma_start3A_64 = arith.constant 0 : i32
      %dma_start3A_65 = tpu.memref_slice %arg6[%arg0, %dma_start3A_63, %dma_start3A_64] : memref<2x10240x128xf32, #tpu.memory_space<hbm>> -> memref<1x10240x128xf32, #tpu.memory_space<hbm>>
      %dma_start3A_66 = tpu.memref_squeeze %dma_start3A_65 : memref<1x10240x128xf32, #tpu.memory_space<hbm>> -> memref<10240x128xf32, #tpu.memory_space<hbm>>
      %dma_start3A_67 = arith.constant 0 : i32
      %dma_start3A_68 = tpu.memref_slice %dma_start3A_66[%mul3A_2, %dma_start3A_67] : memref<10240x128xf32, #tpu.memory_space<hbm>> -> memref<640x128xf32, #tpu.memory_space<hbm>>
      %dma_start3A_69 = arith.constant 0 : i32
      %dma_start3A_70 = tpu.memref_slice %arg11[%mul3A_2, %dma_start3A_69] : memref<10240x128xf32, #tpu.memory_space<vmem_shared>> -> memref<640x128xf32, #tpu.memory_space<vmem_shared>>
      tpu.enqueue_dma source(%dma_start3A_70 : memref<640x128xf32, #tpu.memory_space<vmem_shared>>) target(%dma_start3A_68 : memref<640x128xf32, #tpu.memory_space<hbm>>) target_semaphore(%run_scoped3A_62 : memref<!tpu.dma_semaphore, #tpu.memory_space<semaphore_mem>>)
      %dma_wait3A = arith.constant 0 : i32
      %dma_wait3A_71 = arith.constant 0 : i32
      %dma_wait3A_72 = tpu.memref_slice %arg6[%arg0, %dma_wait3A, %dma_wait3A_71] : memref<2x10240x128xf32, #tpu.memory_space<hbm>> -> memref<1x10240x128xf32, #tpu.memory_space<hbm>>
      %dma_wait3A_73 = tpu.memref_squeeze %dma_wait3A_72 : memref<1x10240x128xf32, #tpu.memory_space<hbm>> -> memref<10240x128xf32, #tpu.memory_space<hbm>>
      %dma_wait3A_74 = arith.constant 0 : i32
      %dma_wait3A_75 = tpu.memref_slice %dma_wait3A_73[%mul3A_2, %dma_wait3A_74] : memref<10240x128xf32, #tpu.memory_space<hbm>> -> memref<640x128xf32, #tpu.memory_space<hbm>>
      %dma_wait3A_76 = arith.constant 0 : i32
      %dma_wait3A_77 = tpu.memref_slice %arg11[%mul3A_2, %dma_wait3A_76] : memref<10240x128xf32, #tpu.memory_space<vmem_shared>> -> memref<640x128xf32, #tpu.memory_space<vmem_shared>>
      tpu.wait_dma2 semaphore(%run_scoped3A_62 : memref<!tpu.dma_semaphore, #tpu.memory_space<semaphore_mem>>) src(%dma_wait3A_77 : memref<640x128xf32, #tpu.memory_space<vmem_shared>>) dst(%dma_wait3A_75 : memref<640x128xf32, #tpu.memory_space<hbm>>)
      tpu.yield
    }) : () -> ()
    return
  }
}

#map = affine_map<(d0, d1) -> (0, 0)>
#map1 = affine_map<(d0, d1) -> (0, 0, 0)>
module attributes {stable_mosaic.version = 14 : i64} {
  func.func @run(%arg0: i32, %arg1: i32, %arg2: memref<10240x128xf32, #tpu.memory_space<hbm>>, %arg3: memref<32x80x128xi32, #tpu.memory_space<hbm>>, %arg4: memref<32x80x128xi32, #tpu.memory_space<hbm>>, %arg5: memref<640x128xf32, #tpu.memory_space<hbm>>, %arg6: memref<2x10240x128xf32, #tpu.memory_space<hbm>>, %arg7: memref<2x128xi32, #tpu.memory_space<vmem>>, %arg8: memref<2x128xi32, #tpu.memory_space<vmem>>, %arg9: memref<128x128xf32, #tpu.memory_space<vmem>>, %arg10: memref<128x128xf32, #tpu.memory_space<vmem>>, %arg11: memref<10240x128xf32, #tpu.memory_space<vmem_shared>>, %arg12: memref<!tpu.dma_semaphore, #tpu.memory_space<semaphore_mem>>, %arg13: memref<!tpu.dma_semaphore, #tpu.memory_space<semaphore_mem>>) attributes {dimension_semantics = [#tpu.dimension_semantics<core_parallel>, #tpu.dimension_semantics<subcore_parallel>], iteration_bounds = array<i64: 2, 16>, scalar_prefetch = 0 : i64, scratch_operands = 7 : i64, tpu.core_type = #tpu.core_type<sc_vector_subcore>, window_params = [{transform_indices = #map}, {transform_indices = #map1}, {transform_indices = #map1}, {transform_indices = #map}, {transform_indices = #map1}]} {
    %mul3A = arith.constant 2 : i32
    %mul3A_0 = arith.muli %arg1, %mul3A : i32
    %add3A = arith.addi %mul3A_0, %arg0 : i32
    %mul3A_1 = arith.constant 640 : i32
    %mul3A_2 = arith.muli %arg1, %mul3A_1 : i32
    "tpu.region"() ({
      %run_scoped3A_62 = tpu.sem_alloc : memref<!tpu.dma_semaphore, #tpu.memory_space<semaphore_mem>>
      %dma_start3A_63 = arith.constant 0 : i32
      %dma_start3A_64 = tpu.memref_slice %arg11[%mul3A_2, %dma_start3A_63] : memref<10240x128xf32, #tpu.memory_space<vmem_shared>> -> memref<640x128xf32, #tpu.memory_space<vmem_shared>>
      tpu.enqueue_dma source(%arg5 : memref<640x128xf32, #tpu.memory_space<hbm>>) target(%dma_start3A_64 : memref<640x128xf32, #tpu.memory_space<vmem_shared>>) target_semaphore(%run_scoped3A_62 : memref<!tpu.dma_semaphore, #tpu.memory_space<semaphore_mem>>)
      %dma_wait3A = arith.constant 0 : i32
      %dma_wait3A_65 = tpu.memref_slice %arg11[%mul3A_2, %dma_wait3A] : memref<10240x128xf32, #tpu.memory_space<vmem_shared>> -> memref<640x128xf32, #tpu.memory_space<vmem_shared>>
      tpu.wait_dma2 semaphore(%run_scoped3A_62 : memref<!tpu.dma_semaphore, #tpu.memory_space<semaphore_mem>>) src(%arg5 : memref<640x128xf32, #tpu.memory_space<hbm>>) dst(%dma_wait3A_65 : memref<640x128xf32, #tpu.memory_space<vmem_shared>>)
      tpu.yield
    }) : () -> ()
    %barrier3A = arith.constant 0 : index
    tpu.barrier barrier_id(%barrier3A)
    %run_scoped3A = arith.constant 0 : i32
    %run_scoped3A_3 = arith.constant 0 : i32
    "tpu.region"() ({
      %run_scoped3A_62 = tpu.sem_alloc : memref<!tpu.dma_semaphore, #tpu.memory_space<semaphore_mem>>
      %dma_start3A_63 = arith.constant 0 : i32
      %dma_start3A_64 = tpu.memref_slice %arg7[%run_scoped3A_3, %dma_start3A_63] : memref<2x128xi32, #tpu.memory_space<vmem>> -> memref<1x128xi32, #tpu.memory_space<vmem>>
      %dma_start3A_65 = tpu.memref_squeeze %dma_start3A_64 : memref<1x128xi32, #tpu.memory_space<vmem>> -> memref<128xi32, #tpu.memory_space<vmem>>
      %dma_start3A_66 = arith.constant 0 : i32
      %dma_start3A_67 = arith.constant 0 : i32
      %dma_start3A_68 = tpu.memref_slice %arg3[%add3A, %dma_start3A_66, %dma_start3A_67] : memref<32x80x128xi32, #tpu.memory_space<hbm>> -> memref<1x80x128xi32, #tpu.memory_space<hbm>>
      %dma_start3A_69 = tpu.memref_squeeze %dma_start3A_68 : memref<1x80x128xi32, #tpu.memory_space<hbm>> -> memref<80x128xi32, #tpu.memory_space<hbm>>
      %dma_start3A_70 = arith.constant 0 : i32
      %dma_start3A_71 = tpu.memref_slice %dma_start3A_69[%run_scoped3A, %dma_start3A_70] : memref<80x128xi32, #tpu.memory_space<hbm>> -> memref<1x128xi32, #tpu.memory_space<hbm>>
      %dma_start3A_72 = tpu.memref_squeeze %dma_start3A_71 : memref<1x128xi32, #tpu.memory_space<hbm>> -> memref<128xi32, #tpu.memory_space<hbm>>
      %dma_start3A_73 = arith.constant 0 : i32
      %dma_start3A_74 = tpu.memref_slice %arg7[%run_scoped3A_3, %dma_start3A_73] : memref<2x128xi32, #tpu.memory_space<vmem>> -> memref<1x128xi32, #tpu.memory_space<vmem>>
      %dma_start3A_75 = tpu.memref_squeeze %dma_start3A_74 : memref<1x128xi32, #tpu.memory_space<vmem>> -> memref<128xi32, #tpu.memory_space<vmem>>
      %dma_start3A_76 = arith.constant 0 : i32
      %dma_start3A_77 = arith.constant 0 : i32
      %dma_start3A_78 = tpu.memref_slice %arg3[%add3A, %dma_start3A_76, %dma_start3A_77] : memref<32x80x128xi32, #tpu.memory_space<hbm>> -> memref<1x80x128xi32, #tpu.memory_space<hbm>>
      %dma_start3A_79 = tpu.memref_squeeze %dma_start3A_78 : memref<1x80x128xi32, #tpu.memory_space<hbm>> -> memref<80x128xi32, #tpu.memory_space<hbm>>
      %dma_start3A_80 = arith.constant 0 : i32
      %dma_start3A_81 = tpu.memref_slice %dma_start3A_79[%run_scoped3A, %dma_start3A_80] : memref<80x128xi32, #tpu.memory_space<hbm>> -> memref<1x128xi32, #tpu.memory_space<hbm>>
      %dma_start3A_82 = tpu.memref_squeeze %dma_start3A_81 : memref<1x128xi32, #tpu.memory_space<hbm>> -> memref<128xi32, #tpu.memory_space<hbm>>
      tpu.enqueue_dma source(%dma_start3A_82 : memref<128xi32, #tpu.memory_space<hbm>>) target(%dma_start3A_75 : memref<128xi32, #tpu.memory_space<vmem>>) target_semaphore(%run_scoped3A_62 : memref<!tpu.dma_semaphore, #tpu.memory_space<semaphore_mem>>)
      %dma_wait3A = arith.constant 0 : i32
      %dma_wait3A_83 = tpu.memref_slice %arg7[%run_scoped3A_3, %dma_wait3A] : memref<2x128xi32, #tpu.memory_space<vmem>> -> memref<1x128xi32, #tpu.memory_space<vmem>>
      %dma_wait3A_84 = tpu.memref_squeeze %dma_wait3A_83 : memref<1x128xi32, #tpu.memory_space<vmem>> -> memref<128xi32, #tpu.memory_space<vmem>>
      %dma_wait3A_85 = arith.constant 0 : i32
      %dma_wait3A_86 = arith.constant 0 : i32
      %dma_wait3A_87 = tpu.memref_slice %arg3[%add3A, %dma_wait3A_85, %dma_wait3A_86] : memref<32x80x128xi32, #tpu.memory_space<hbm>> -> memref<1x80x128xi32, #tpu.memory_space<hbm>>
      %dma_wait3A_88 = tpu.memref_squeeze %dma_wait3A_87 : memref<1x80x128xi32, #tpu.memory_space<hbm>> -> memref<80x128xi32, #tpu.memory_space<hbm>>
      %dma_wait3A_89 = arith.constant 0 : i32
      %dma_wait3A_90 = tpu.memref_slice %dma_wait3A_88[%run_scoped3A, %dma_wait3A_89] : memref<80x128xi32, #tpu.memory_space<hbm>> -> memref<1x128xi32, #tpu.memory_space<hbm>>
      %dma_wait3A_91 = tpu.memref_squeeze %dma_wait3A_90 : memref<1x128xi32, #tpu.memory_space<hbm>> -> memref<128xi32, #tpu.memory_space<hbm>>
      %dma_wait3A_92 = arith.constant 0 : i32
      %dma_wait3A_93 = tpu.memref_slice %arg7[%run_scoped3A_3, %dma_wait3A_92] : memref<2x128xi32, #tpu.memory_space<vmem>> -> memref<1x128xi32, #tpu.memory_space<vmem>>
      %dma_wait3A_94 = tpu.memref_squeeze %dma_wait3A_93 : memref<1x128xi32, #tpu.memory_space<vmem>> -> memref<128xi32, #tpu.memory_space<vmem>>
      %dma_wait3A_95 = arith.constant 0 : i32
      %dma_wait3A_96 = arith.constant 0 : i32
      %dma_wait3A_97 = tpu.memref_slice %arg3[%add3A, %dma_wait3A_95, %dma_wait3A_96] : memref<32x80x128xi32, #tpu.memory_space<hbm>> -> memref<1x80x128xi32, #tpu.memory_space<hbm>>
      %dma_wait3A_98 = tpu.memref_squeeze %dma_wait3A_97 : memref<1x80x128xi32, #tpu.memory_space<hbm>> -> memref<80x128xi32, #tpu.memory_space<hbm>>
      %dma_wait3A_99 = arith.constant 0 : i32
      %dma_wait3A_100 = tpu.memref_slice %dma_wait3A_98[%run_scoped3A, %dma_wait3A_99] : memref<80x128xi32, #tpu.memory_space<hbm>> -> memref<1x128xi32, #tpu.memory_space<hbm>>
      %dma_wait3A_101 = tpu.memref_squeeze %dma_wait3A_100 : memref<1x128xi32, #tpu.memory_space<hbm>> -> memref<128xi32, #tpu.memory_space<hbm>>
      tpu.wait_dma2 semaphore(%run_scoped3A_62 : memref<!tpu.dma_semaphore, #tpu.memory_space<semaphore_mem>>) src(%dma_wait3A_101 : memref<128xi32, #tpu.memory_space<hbm>>) dst(%dma_wait3A_94 : memref<128xi32, #tpu.memory_space<vmem>>)
      tpu.yield
    }) : () -> ()
    %run_scoped3A_4 = arith.constant 0 : i32
    %run_scoped3A_5 = arith.constant 0 : i32
    "tpu.region"() ({
      %run_scoped3A_62 = tpu.sem_alloc : memref<!tpu.dma_semaphore, #tpu.memory_space<semaphore_mem>>
      %dma_start3A_63 = arith.constant 0 : i32
      %dma_start3A_64 = tpu.memref_slice %arg8[%run_scoped3A_5, %dma_start3A_63] : memref<2x128xi32, #tpu.memory_space<vmem>> -> memref<1x128xi32, #tpu.memory_space<vmem>>
      %dma_start3A_65 = tpu.memref_squeeze %dma_start3A_64 : memref<1x128xi32, #tpu.memory_space<vmem>> -> memref<128xi32, #tpu.memory_space<vmem>>
      %dma_start3A_66 = arith.constant 0 : i32
      %dma_start3A_67 = arith.constant 0 : i32
      %dma_start3A_68 = tpu.memref_slice %arg4[%add3A, %dma_start3A_66, %dma_start3A_67] : memref<32x80x128xi32, #tpu.memory_space<hbm>> -> memref<1x80x128xi32, #tpu.memory_space<hbm>>
      %dma_start3A_69 = tpu.memref_squeeze %dma_start3A_68 : memref<1x80x128xi32, #tpu.memory_space<hbm>> -> memref<80x128xi32, #tpu.memory_space<hbm>>
      %dma_start3A_70 = arith.constant 0 : i32
      %dma_start3A_71 = tpu.memref_slice %dma_start3A_69[%run_scoped3A_4, %dma_start3A_70] : memref<80x128xi32, #tpu.memory_space<hbm>> -> memref<1x128xi32, #tpu.memory_space<hbm>>
      %dma_start3A_72 = tpu.memref_squeeze %dma_start3A_71 : memref<1x128xi32, #tpu.memory_space<hbm>> -> memref<128xi32, #tpu.memory_space<hbm>>
      %dma_start3A_73 = arith.constant 0 : i32
      %dma_start3A_74 = tpu.memref_slice %arg8[%run_scoped3A_5, %dma_start3A_73] : memref<2x128xi32, #tpu.memory_space<vmem>> -> memref<1x128xi32, #tpu.memory_space<vmem>>
      %dma_start3A_75 = tpu.memref_squeeze %dma_start3A_74 : memref<1x128xi32, #tpu.memory_space<vmem>> -> memref<128xi32, #tpu.memory_space<vmem>>
      %dma_start3A_76 = arith.constant 0 : i32
      %dma_start3A_77 = arith.constant 0 : i32
      %dma_start3A_78 = tpu.memref_slice %arg4[%add3A, %dma_start3A_76, %dma_start3A_77] : memref<32x80x128xi32, #tpu.memory_space<hbm>> -> memref<1x80x128xi32, #tpu.memory_space<hbm>>
      %dma_start3A_79 = tpu.memref_squeeze %dma_start3A_78 : memref<1x80x128xi32, #tpu.memory_space<hbm>> -> memref<80x128xi32, #tpu.memory_space<hbm>>
      %dma_start3A_80 = arith.constant 0 : i32
      %dma_start3A_81 = tpu.memref_slice %dma_start3A_79[%run_scoped3A_4, %dma_start3A_80] : memref<80x128xi32, #tpu.memory_space<hbm>> -> memref<1x128xi32, #tpu.memory_space<hbm>>
      %dma_start3A_82 = tpu.memref_squeeze %dma_start3A_81 : memref<1x128xi32, #tpu.memory_space<hbm>> -> memref<128xi32, #tpu.memory_space<hbm>>
      tpu.enqueue_dma source(%dma_start3A_82 : memref<128xi32, #tpu.memory_space<hbm>>) target(%dma_start3A_75 : memref<128xi32, #tpu.memory_space<vmem>>) target_semaphore(%run_scoped3A_62 : memref<!tpu.dma_semaphore, #tpu.memory_space<semaphore_mem>>)
      %dma_wait3A = arith.constant 0 : i32
      %dma_wait3A_83 = tpu.memref_slice %arg8[%run_scoped3A_5, %dma_wait3A] : memref<2x128xi32, #tpu.memory_space<vmem>> -> memref<1x128xi32, #tpu.memory_space<vmem>>
      %dma_wait3A_84 = tpu.memref_squeeze %dma_wait3A_83 : memref<1x128xi32, #tpu.memory_space<vmem>> -> memref<128xi32, #tpu.memory_space<vmem>>
      %dma_wait3A_85 = arith.constant 0 : i32
      %dma_wait3A_86 = arith.constant 0 : i32
      %dma_wait3A_87 = tpu.memref_slice %arg4[%add3A, %dma_wait3A_85, %dma_wait3A_86] : memref<32x80x128xi32, #tpu.memory_space<hbm>> -> memref<1x80x128xi32, #tpu.memory_space<hbm>>
      %dma_wait3A_88 = tpu.memref_squeeze %dma_wait3A_87 : memref<1x80x128xi32, #tpu.memory_space<hbm>> -> memref<80x128xi32, #tpu.memory_space<hbm>>
      %dma_wait3A_89 = arith.constant 0 : i32
      %dma_wait3A_90 = tpu.memref_slice %dma_wait3A_88[%run_scoped3A_4, %dma_wait3A_89] : memref<80x128xi32, #tpu.memory_space<hbm>> -> memref<1x128xi32, #tpu.memory_space<hbm>>
      %dma_wait3A_91 = tpu.memref_squeeze %dma_wait3A_90 : memref<1x128xi32, #tpu.memory_space<hbm>> -> memref<128xi32, #tpu.memory_space<hbm>>
      %dma_wait3A_92 = arith.constant 0 : i32
      %dma_wait3A_93 = tpu.memref_slice %arg8[%run_scoped3A_5, %dma_wait3A_92] : memref<2x128xi32, #tpu.memory_space<vmem>> -> memref<1x128xi32, #tpu.memory_space<vmem>>
      %dma_wait3A_94 = tpu.memref_squeeze %dma_wait3A_93 : memref<1x128xi32, #tpu.memory_space<vmem>> -> memref<128xi32, #tpu.memory_space<vmem>>
      %dma_wait3A_95 = arith.constant 0 : i32
      %dma_wait3A_96 = arith.constant 0 : i32
      %dma_wait3A_97 = tpu.memref_slice %arg4[%add3A, %dma_wait3A_95, %dma_wait3A_96] : memref<32x80x128xi32, #tpu.memory_space<hbm>> -> memref<1x80x128xi32, #tpu.memory_space<hbm>>
      %dma_wait3A_98 = tpu.memref_squeeze %dma_wait3A_97 : memref<1x80x128xi32, #tpu.memory_space<hbm>> -> memref<80x128xi32, #tpu.memory_space<hbm>>
      %dma_wait3A_99 = arith.constant 0 : i32
      %dma_wait3A_100 = tpu.memref_slice %dma_wait3A_98[%run_scoped3A_4, %dma_wait3A_99] : memref<80x128xi32, #tpu.memory_space<hbm>> -> memref<1x128xi32, #tpu.memory_space<hbm>>
      %dma_wait3A_101 = tpu.memref_squeeze %dma_wait3A_100 : memref<1x128xi32, #tpu.memory_space<hbm>> -> memref<128xi32, #tpu.memory_space<hbm>>
      tpu.wait_dma2 semaphore(%run_scoped3A_62 : memref<!tpu.dma_semaphore, #tpu.memory_space<semaphore_mem>>) src(%dma_wait3A_101 : memref<128xi32, #tpu.memory_space<hbm>>) dst(%dma_wait3A_94 : memref<128xi32, #tpu.memory_space<vmem>>)
      tpu.yield
    }) : () -> ()
    %dma_start3A = arith.constant 0 : i32
    %dma_start3A_6 = arith.constant 0 : i32
    %dma_start3A_7 = tpu.memref_slice %arg7[%dma_start3A, %dma_start3A_6] : memref<2x128xi32, #tpu.memory_space<vmem>> -> memref<1x128xi32, #tpu.memory_space<vmem>>
    %dma_start3A_8 = tpu.memref_squeeze %dma_start3A_7 : memref<1x128xi32, #tpu.memory_space<vmem>> -> memref<128xi32, #tpu.memory_space<vmem>>
    %dma_start3A_9 = arith.constant 0 : i32
    %dma_start3A_10 = arith.constant 0 : i32
    %dma_start3A_11 = tpu.memref_slice %arg2[%dma_start3A_9, %dma_start3A_10] : memref<10240x128xf32, #tpu.memory_space<hbm>> -> memref<10240x128xf32, #tpu.memory_space<hbm>>
    tpu.enqueue_indirect_dma source(%dma_start3A_11 : memref<10240x128xf32, #tpu.memory_space<hbm>>) target(%arg9 : memref<128x128xf32, #tpu.memory_space<vmem>>) offsets(%dma_start3A_8 : memref<128xi32, #tpu.memory_space<vmem>>) semaphore(%arg12 : memref<!tpu.dma_semaphore, #tpu.memory_space<semaphore_mem>>)
    %dma_start3A_12 = arith.constant 1 : i32
    %dma_start3A_13 = arith.constant 1 : i32
    %dma_start3A_14 = arith.constant 0 : i32
    %dma_start3A_15 = tpu.memref_slice %arg7[%dma_start3A_13, %dma_start3A_14] : memref<2x128xi32, #tpu.memory_space<vmem>> -> memref<1x128xi32, #tpu.memory_space<vmem>>
    %dma_start3A_16 = tpu.memref_squeeze %dma_start3A_15 : memref<1x128xi32, #tpu.memory_space<vmem>> -> memref<128xi32, #tpu.memory_space<vmem>>
    %dma_start3A_17 = arith.constant 0 : i32
    %dma_start3A_18 = arith.constant 0 : i32
    %dma_start3A_19 = tpu.memref_slice %arg3[%add3A, %dma_start3A_17, %dma_start3A_18] : memref<32x80x128xi32, #tpu.memory_space<hbm>> -> memref<1x80x128xi32, #tpu.memory_space<hbm>>
    %dma_start3A_20 = tpu.memref_squeeze %dma_start3A_19 : memref<1x80x128xi32, #tpu.memory_space<hbm>> -> memref<80x128xi32, #tpu.memory_space<hbm>>
    %dma_start3A_21 = arith.constant 0 : i32
    %dma_start3A_22 = tpu.memref_slice %dma_start3A_20[%dma_start3A_12, %dma_start3A_21] : memref<80x128xi32, #tpu.memory_space<hbm>> -> memref<1x128xi32, #tpu.memory_space<hbm>>
    %dma_start3A_23 = tpu.memref_squeeze %dma_start3A_22 : memref<1x128xi32, #tpu.memory_space<hbm>> -> memref<128xi32, #tpu.memory_space<hbm>>
    %dma_start3A_24 = arith.constant 0 : i32
    %dma_start3A_25 = tpu.memref_slice %arg7[%dma_start3A_13, %dma_start3A_24] : memref<2x128xi32, #tpu.memory_space<vmem>> -> memref<1x128xi32, #tpu.memory_space<vmem>>
    %dma_start3A_26 = tpu.memref_squeeze %dma_start3A_25 : memref<1x128xi32, #tpu.memory_space<vmem>> -> memref<128xi32, #tpu.memory_space<vmem>>
    %dma_start3A_27 = arith.constant 0 : i32
    %dma_start3A_28 = arith.constant 0 : i32
    %dma_start3A_29 = tpu.memref_slice %arg3[%add3A, %dma_start3A_27, %dma_start3A_28] : memref<32x80x128xi32, #tpu.memory_space<hbm>> -> memref<1x80x128xi32, #tpu.memory_space<hbm>>
    %dma_start3A_30 = tpu.memref_squeeze %dma_start3A_29 : memref<1x80x128xi32, #tpu.memory_space<hbm>> -> memref<80x128xi32, #tpu.memory_space<hbm>>
    %dma_start3A_31 = arith.constant 0 : i32
    %dma_start3A_32 = tpu.memref_slice %dma_start3A_30[%dma_start3A_12, %dma_start3A_31] : memref<80x128xi32, #tpu.memory_space<hbm>> -> memref<1x128xi32, #tpu.memory_space<hbm>>
    %dma_start3A_33 = tpu.memref_squeeze %dma_start3A_32 : memref<1x128xi32, #tpu.memory_space<hbm>> -> memref<128xi32, #tpu.memory_space<hbm>>
    tpu.enqueue_dma source(%dma_start3A_33 : memref<128xi32, #tpu.memory_space<hbm>>) target(%dma_start3A_26 : memref<128xi32, #tpu.memory_space<vmem>>) target_semaphore(%arg13 : memref<!tpu.dma_semaphore, #tpu.memory_space<semaphore_mem>>)
    %dma_start3A_34 = arith.constant 1 : i32
    %dma_start3A_35 = arith.constant 1 : i32
    %dma_start3A_36 = arith.constant 0 : i32
    %dma_start3A_37 = tpu.memref_slice %arg8[%dma_start3A_35, %dma_start3A_36] : memref<2x128xi32, #tpu.memory_space<vmem>> -> memref<1x128xi32, #tpu.memory_space<vmem>>
    %dma_start3A_38 = tpu.memref_squeeze %dma_start3A_37 : memref<1x128xi32, #tpu.memory_space<vmem>> -> memref<128xi32, #tpu.memory_space<vmem>>
    %dma_start3A_39 = arith.constant 0 : i32
    %dma_start3A_40 = arith.constant 0 : i32
    %dma_start3A_41 = tpu.memref_slice %arg4[%add3A, %dma_start3A_39, %dma_start3A_40] : memref<32x80x128xi32, #tpu.memory_space<hbm>> -> memref<1x80x128xi32, #tpu.memory_space<hbm>>
    %dma_start3A_42 = tpu.memref_squeeze %dma_start3A_41 : memref<1x80x128xi32, #tpu.memory_space<hbm>> -> memref<80x128xi32, #tpu.memory_space<hbm>>
    %dma_start3A_43 = arith.constant 0 : i32
    %dma_start3A_44 = tpu.memref_slice %dma_start3A_42[%dma_start3A_34, %dma_start3A_43] : memref<80x128xi32, #tpu.memory_space<hbm>> -> memref<1x128xi32, #tpu.memory_space<hbm>>
    %dma_start3A_45 = tpu.memref_squeeze %dma_start3A_44 : memref<1x128xi32, #tpu.memory_space<hbm>> -> memref<128xi32, #tpu.memory_space<hbm>>
    %dma_start3A_46 = arith.constant 0 : i32
    %dma_start3A_47 = tpu.memref_slice %arg8[%dma_start3A_35, %dma_start3A_46] : memref<2x128xi32, #tpu.memory_space<vmem>> -> memref<1x128xi32, #tpu.memory_space<vmem>>
    %dma_start3A_48 = tpu.memref_squeeze %dma_start3A_47 : memref<1x128xi32, #tpu.memory_space<vmem>> -> memref<128xi32, #tpu.memory_space<vmem>>
    %dma_start3A_49 = arith.constant 0 : i32
    %dma_start3A_50 = arith.constant 0 : i32
    %dma_start3A_51 = tpu.memref_slice %arg4[%add3A, %dma_start3A_49, %dma_start3A_50] : memref<32x80x128xi32, #tpu.memory_space<hbm>> -> memref<1x80x128xi32, #tpu.memory_space<hbm>>
    %dma_start3A_52 = tpu.memref_squeeze %dma_start3A_51 : memref<1x80x128xi32, #tpu.memory_space<hbm>> -> memref<80x128xi32, #tpu.memory_space<hbm>>
    %dma_start3A_53 = arith.constant 0 : i32
    %dma_start3A_54 = tpu.memref_slice %dma_start3A_52[%dma_start3A_34, %dma_start3A_53] : memref<80x128xi32, #tpu.memory_space<hbm>> -> memref<1x128xi32, #tpu.memory_space<hbm>>
    %dma_start3A_55 = tpu.memref_squeeze %dma_start3A_54 : memref<1x128xi32, #tpu.memory_space<hbm>> -> memref<128xi32, #tpu.memory_space<hbm>>
    tpu.enqueue_dma source(%dma_start3A_55 : memref<128xi32, #tpu.memory_space<hbm>>) target(%dma_start3A_48 : memref<128xi32, #tpu.memory_space<vmem>>) target_semaphore(%arg13 : memref<!tpu.dma_semaphore, #tpu.memory_space<semaphore_mem>>)
    %scan3A = arith.constant 0 : i32
    %scan3A_56 = arith.constant 0 : i32
    %scan3A_57 = arith.constant 40 : i32
    %scan3A_58 = arith.addi %scan3A_56, %scan3A_57 : i32
    %scan3A_59 = arith.constant 1 : i32
    scf.for %scan3A_62 = %scan3A_56 to %scan3A_58 step %scan3A_59  : i32 {
      %mul3A_63 = arith.constant 2 : i32
      %mul3A_64 = arith.muli %scan3A_62, %mul3A_63 : i32
      %add3A_65 = arith.constant 0 : i32
      %add3A_66 = arith.addi %mul3A_64, %add3A_65 : i32
      %add3A_67 = arith.constant 1 : i32
      %add3A_68 = arith.addi %add3A_66, %add3A_67 : i32
      %lt3A = arith.constant 80 : i32
      %lt3A_69 = arith.cmpi slt, %add3A_68, %lt3A : i32
      %convert_element_type3A = arith.extui %lt3A_69 : i1 to i32
      %cond3A = arith.constant 0 : i32
      %cond3A_70 = arith.cmpi ne, %convert_element_type3A, %cond3A : i32
      scf.if %cond3A_70 {
        %add3A_123 = arith.constant 1 : i32
        %add3A_124 = arith.addi %add3A_66, %add3A_123 : i32
        %dma_wait3A_125 = arith.constant 1 : i32
        %dma_wait3A_126 = arith.constant 0 : i32
        %dma_wait3A_127 = tpu.memref_slice %arg7[%dma_wait3A_125, %dma_wait3A_126] : memref<2x128xi32, #tpu.memory_space<vmem>> -> memref<1x128xi32, #tpu.memory_space<vmem>>
        %dma_wait3A_128 = tpu.memref_squeeze %dma_wait3A_127 : memref<1x128xi32, #tpu.memory_space<vmem>> -> memref<128xi32, #tpu.memory_space<vmem>>
        %dma_wait3A_129 = arith.constant 0 : i32
        %dma_wait3A_130 = arith.constant 0 : i32
        %dma_wait3A_131 = tpu.memref_slice %arg3[%add3A, %dma_wait3A_129, %dma_wait3A_130] : memref<32x80x128xi32, #tpu.memory_space<hbm>> -> memref<1x80x128xi32, #tpu.memory_space<hbm>>
        %dma_wait3A_132 = tpu.memref_squeeze %dma_wait3A_131 : memref<1x80x128xi32, #tpu.memory_space<hbm>> -> memref<80x128xi32, #tpu.memory_space<hbm>>
        %dma_wait3A_133 = arith.constant 0 : i32
        %dma_wait3A_134 = tpu.memref_slice %dma_wait3A_132[%add3A_124, %dma_wait3A_133] : memref<80x128xi32, #tpu.memory_space<hbm>> -> memref<1x128xi32, #tpu.memory_space<hbm>>
        %dma_wait3A_135 = tpu.memref_squeeze %dma_wait3A_134 : memref<1x128xi32, #tpu.memory_space<hbm>> -> memref<128xi32, #tpu.memory_space<hbm>>
        %dma_wait3A_136 = arith.constant 0 : i32
        %dma_wait3A_137 = tpu.memref_slice %arg7[%dma_wait3A_125, %dma_wait3A_136] : memref<2x128xi32, #tpu.memory_space<vmem>> -> memref<1x128xi32, #tpu.memory_space<vmem>>
        %dma_wait3A_138 = tpu.memref_squeeze %dma_wait3A_137 : memref<1x128xi32, #tpu.memory_space<vmem>> -> memref<128xi32, #tpu.memory_space<vmem>>
        %dma_wait3A_139 = arith.constant 0 : i32
        %dma_wait3A_140 = arith.constant 0 : i32
        %dma_wait3A_141 = tpu.memref_slice %arg3[%add3A, %dma_wait3A_139, %dma_wait3A_140] : memref<32x80x128xi32, #tpu.memory_space<hbm>> -> memref<1x80x128xi32, #tpu.memory_space<hbm>>
        %dma_wait3A_142 = tpu.memref_squeeze %dma_wait3A_141 : memref<1x80x128xi32, #tpu.memory_space<hbm>> -> memref<80x128xi32, #tpu.memory_space<hbm>>
        %dma_wait3A_143 = arith.constant 0 : i32
        %dma_wait3A_144 = tpu.memref_slice %dma_wait3A_142[%add3A_124, %dma_wait3A_143] : memref<80x128xi32, #tpu.memory_space<hbm>> -> memref<1x128xi32, #tpu.memory_space<hbm>>
        %dma_wait3A_145 = tpu.memref_squeeze %dma_wait3A_144 : memref<1x128xi32, #tpu.memory_space<hbm>> -> memref<128xi32, #tpu.memory_space<hbm>>
        tpu.wait_dma2 semaphore(%arg13 : memref<!tpu.dma_semaphore, #tpu.memory_space<semaphore_mem>>) src(%dma_wait3A_145 : memref<128xi32, #tpu.memory_space<hbm>>) dst(%dma_wait3A_138 : memref<128xi32, #tpu.memory_space<vmem>>)
        %add3A_146 = arith.constant 1 : i32
        %add3A_147 = arith.addi %add3A_66, %add3A_146 : i32
        %dma_wait3A_148 = arith.constant 1 : i32
        %dma_wait3A_149 = arith.constant 0 : i32
        %dma_wait3A_150 = tpu.memref_slice %arg8[%dma_wait3A_148, %dma_wait3A_149] : memref<2x128xi32, #tpu.memory_space<vmem>> -> memref<1x128xi32, #tpu.memory_space<vmem>>
        %dma_wait3A_151 = tpu.memref_squeeze %dma_wait3A_150 : memref<1x128xi32, #tpu.memory_space<vmem>> -> memref<128xi32, #tpu.memory_space<vmem>>
        %dma_wait3A_152 = arith.constant 0 : i32
        %dma_wait3A_153 = arith.constant 0 : i32
        %dma_wait3A_154 = tpu.memref_slice %arg4[%add3A, %dma_wait3A_152, %dma_wait3A_153] : memref<32x80x128xi32, #tpu.memory_space<hbm>> -> memref<1x80x128xi32, #tpu.memory_space<hbm>>
        %dma_wait3A_155 = tpu.memref_squeeze %dma_wait3A_154 : memref<1x80x128xi32, #tpu.memory_space<hbm>> -> memref<80x128xi32, #tpu.memory_space<hbm>>
        %dma_wait3A_156 = arith.constant 0 : i32
        %dma_wait3A_157 = tpu.memref_slice %dma_wait3A_155[%add3A_147, %dma_wait3A_156] : memref<80x128xi32, #tpu.memory_space<hbm>> -> memref<1x128xi32, #tpu.memory_space<hbm>>
        %dma_wait3A_158 = tpu.memref_squeeze %dma_wait3A_157 : memref<1x128xi32, #tpu.memory_space<hbm>> -> memref<128xi32, #tpu.memory_space<hbm>>
        %dma_wait3A_159 = arith.constant 0 : i32
        %dma_wait3A_160 = tpu.memref_slice %arg8[%dma_wait3A_148, %dma_wait3A_159] : memref<2x128xi32, #tpu.memory_space<vmem>> -> memref<1x128xi32, #tpu.memory_space<vmem>>
        %dma_wait3A_161 = tpu.memref_squeeze %dma_wait3A_160 : memref<1x128xi32, #tpu.memory_space<vmem>> -> memref<128xi32, #tpu.memory_space<vmem>>
        %dma_wait3A_162 = arith.constant 0 : i32
        %dma_wait3A_163 = arith.constant 0 : i32
        %dma_wait3A_164 = tpu.memref_slice %arg4[%add3A, %dma_wait3A_162, %dma_wait3A_163] : memref<32x80x128xi32, #tpu.memory_space<hbm>> -> memref<1x80x128xi32, #tpu.memory_space<hbm>>
        %dma_wait3A_165 = tpu.memref_squeeze %dma_wait3A_164 : memref<1x80x128xi32, #tpu.memory_space<hbm>> -> memref<80x128xi32, #tpu.memory_space<hbm>>
        %dma_wait3A_166 = arith.constant 0 : i32
        %dma_wait3A_167 = tpu.memref_slice %dma_wait3A_165[%add3A_147, %dma_wait3A_166] : memref<80x128xi32, #tpu.memory_space<hbm>> -> memref<1x128xi32, #tpu.memory_space<hbm>>
        %dma_wait3A_168 = tpu.memref_squeeze %dma_wait3A_167 : memref<1x128xi32, #tpu.memory_space<hbm>> -> memref<128xi32, #tpu.memory_space<hbm>>
        tpu.wait_dma2 semaphore(%arg13 : memref<!tpu.dma_semaphore, #tpu.memory_space<semaphore_mem>>) src(%dma_wait3A_168 : memref<128xi32, #tpu.memory_space<hbm>>) dst(%dma_wait3A_161 : memref<128xi32, #tpu.memory_space<vmem>>)
      } else {
      }
      %dma_wait3A = arith.constant 0 : i32
      %dma_wait3A_71 = arith.constant 0 : i32
      %dma_wait3A_72 = tpu.memref_slice %arg7[%dma_wait3A, %dma_wait3A_71] : memref<2x128xi32, #tpu.memory_space<vmem>> -> memref<1x128xi32, #tpu.memory_space<vmem>>
      %dma_wait3A_73 = tpu.memref_squeeze %dma_wait3A_72 : memref<1x128xi32, #tpu.memory_space<vmem>> -> memref<128xi32, #tpu.memory_space<vmem>>
      %dma_wait3A_74 = arith.constant 0 : i32
      %dma_wait3A_75 = arith.constant 0 : i32
      %dma_wait3A_76 = tpu.memref_slice %arg2[%dma_wait3A_74, %dma_wait3A_75] : memref<10240x128xf32, #tpu.memory_space<hbm>> -> memref<10240x128xf32, #tpu.memory_space<hbm>>
      tpu.wait_indirect_dma semaphore(%arg12 : memref<!tpu.dma_semaphore, #tpu.memory_space<semaphore_mem>>) src(%dma_wait3A_76 : memref<10240x128xf32, #tpu.memory_space<hbm>>) dst(%arg9 : memref<128x128xf32, #tpu.memory_space<vmem>>)
      %add3A_77 = arith.constant 1 : i32
      %add3A_78 = arith.addi %add3A_66, %add3A_77 : i32
      %lt3A_79 = arith.constant 80 : i32
      %lt3A_80 = arith.cmpi slt, %add3A_78, %lt3A_79 : i32
      %convert_element_type3A_81 = arith.extui %lt3A_80 : i1 to i32
      %cond3A_82 = arith.constant 0 : i32
      %cond3A_83 = arith.cmpi ne, %convert_element_type3A_81, %cond3A_82 : i32
      scf.if %cond3A_83 {
        %dma_start3A_123 = arith.constant 1 : i32
        %dma_start3A_124 = arith.constant 0 : i32
        %dma_start3A_125 = tpu.memref_slice %arg7[%dma_start3A_123, %dma_start3A_124] : memref<2x128xi32, #tpu.memory_space<vmem>> -> memref<1x128xi32, #tpu.memory_space<vmem>>
        %dma_start3A_126 = tpu.memref_squeeze %dma_start3A_125 : memref<1x128xi32, #tpu.memory_space<vmem>> -> memref<128xi32, #tpu.memory_space<vmem>>
        %dma_start3A_127 = arith.constant 0 : i32
        %dma_start3A_128 = arith.constant 0 : i32
        %dma_start3A_129 = tpu.memref_slice %arg2[%dma_start3A_127, %dma_start3A_128] : memref<10240x128xf32, #tpu.memory_space<hbm>> -> memref<10240x128xf32, #tpu.memory_space<hbm>>
        tpu.enqueue_indirect_dma source(%dma_start3A_129 : memref<10240x128xf32, #tpu.memory_space<hbm>>) target(%arg10 : memref<128x128xf32, #tpu.memory_space<vmem>>) offsets(%dma_start3A_126 : memref<128xi32, #tpu.memory_space<vmem>>) semaphore(%arg12 : memref<!tpu.dma_semaphore, #tpu.memory_space<semaphore_mem>>)
      } else {
      }
      %run_scoped3A_84 = arith.constant 0 : i32
      "tpu.region"() ({
        %run_scoped3A_123 = tpu.sem_alloc : memref<!tpu.dma_semaphore, #tpu.memory_space<semaphore_mem>>
        %dma_start3A_124 = arith.constant 0 : i32
        %dma_start3A_125 = tpu.memref_slice %arg8[%run_scoped3A_84, %dma_start3A_124] : memref<2x128xi32, #tpu.memory_space<vmem>> -> memref<1x128xi32, #tpu.memory_space<vmem>>
        %dma_start3A_126 = tpu.memref_squeeze %dma_start3A_125 : memref<1x128xi32, #tpu.memory_space<vmem>> -> memref<128xi32, #tpu.memory_space<vmem>>
        %dma_start3A_127 = arith.constant 0 : i32
        %dma_start3A_128 = arith.constant 0 : i32
        %dma_start3A_129 = tpu.memref_slice %arg11[%dma_start3A_127, %dma_start3A_128] : memref<10240x128xf32, #tpu.memory_space<vmem_shared>> -> memref<10240x128xf32, #tpu.memory_space<vmem_shared>>
        tpu.enqueue_indirect_dma source(%arg9 : memref<128x128xf32, #tpu.memory_space<vmem>>) target(%dma_start3A_129 : memref<10240x128xf32, #tpu.memory_space<vmem_shared>>) offsets(%dma_start3A_126 : memref<128xi32, #tpu.memory_space<vmem>>) semaphore(%run_scoped3A_123 : memref<!tpu.dma_semaphore, #tpu.memory_space<semaphore_mem>>) {add = true}
        %dma_wait3A_130 = arith.constant 0 : i32
        %dma_wait3A_131 = tpu.memref_slice %arg8[%run_scoped3A_84, %dma_wait3A_130] : memref<2x128xi32, #tpu.memory_space<vmem>> -> memref<1x128xi32, #tpu.memory_space<vmem>>
        %dma_wait3A_132 = tpu.memref_squeeze %dma_wait3A_131 : memref<1x128xi32, #tpu.memory_space<vmem>> -> memref<128xi32, #tpu.memory_space<vmem>>
        %dma_wait3A_133 = arith.constant 0 : i32
        %dma_wait3A_134 = arith.constant 0 : i32
        %dma_wait3A_135 = tpu.memref_slice %arg11[%dma_wait3A_133, %dma_wait3A_134] : memref<10240x128xf32, #tpu.memory_space<vmem_shared>> -> memref<10240x128xf32, #tpu.memory_space<vmem_shared>>
        tpu.wait_indirect_dma semaphore(%run_scoped3A_123 : memref<!tpu.dma_semaphore, #tpu.memory_space<semaphore_mem>>) src(%arg9 : memref<128x128xf32, #tpu.memory_space<vmem>>) dst(%dma_wait3A_135 : memref<10240x128xf32, #tpu.memory_space<vmem_shared>>)
        tpu.yield
      }) : () -> ()
      %add3A_85 = arith.constant 2 : i32
      %add3A_86 = arith.addi %add3A_66, %add3A_85 : i32
      %lt3A_87 = arith.constant 80 : i32
      %lt3A_88 = arith.cmpi slt, %add3A_86, %lt3A_87 : i32
      %convert_element_type3A_89 = arith.extui %lt3A_88 : i1 to i32
      %cond3A_90 = arith.constant 0 : i32
      %cond3A_91 = arith.cmpi ne, %convert_element_type3A_89, %cond3A_90 : i32
      scf.if %cond3A_91 {
        %add3A_123 = arith.constant 2 : i32
        %add3A_124 = arith.addi %add3A_66, %add3A_123 : i32
        %dma_start3A_125 = arith.constant 0 : i32
        %dma_start3A_126 = arith.constant 0 : i32
        %dma_start3A_127 = tpu.memref_slice %arg7[%dma_start3A_125, %dma_start3A_126] : memref<2x128xi32, #tpu.memory_space<vmem>> -> memref<1x128xi32, #tpu.memory_space<vmem>>
        %dma_start3A_128 = tpu.memref_squeeze %dma_start3A_127 : memref<1x128xi32, #tpu.memory_space<vmem>> -> memref<128xi32, #tpu.memory_space<vmem>>
        %dma_start3A_129 = arith.constant 0 : i32
        %dma_start3A_130 = arith.constant 0 : i32
        %dma_start3A_131 = tpu.memref_slice %arg3[%add3A, %dma_start3A_129, %dma_start3A_130] : memref<32x80x128xi32, #tpu.memory_space<hbm>> -> memref<1x80x128xi32, #tpu.memory_space<hbm>>
        %dma_start3A_132 = tpu.memref_squeeze %dma_start3A_131 : memref<1x80x128xi32, #tpu.memory_space<hbm>> -> memref<80x128xi32, #tpu.memory_space<hbm>>
        %dma_start3A_133 = arith.constant 0 : i32
        %dma_start3A_134 = tpu.memref_slice %dma_start3A_132[%add3A_124, %dma_start3A_133] : memref<80x128xi32, #tpu.memory_space<hbm>> -> memref<1x128xi32, #tpu.memory_space<hbm>>
        %dma_start3A_135 = tpu.memref_squeeze %dma_start3A_134 : memref<1x128xi32, #tpu.memory_space<hbm>> -> memref<128xi32, #tpu.memory_space<hbm>>
        %dma_start3A_136 = arith.constant 0 : i32
        %dma_start3A_137 = tpu.memref_slice %arg7[%dma_start3A_125, %dma_start3A_136] : memref<2x128xi32, #tpu.memory_space<vmem>> -> memref<1x128xi32, #tpu.memory_space<vmem>>
        %dma_start3A_138 = tpu.memref_squeeze %dma_start3A_137 : memref<1x128xi32, #tpu.memory_space<vmem>> -> memref<128xi32, #tpu.memory_space<vmem>>
        %dma_start3A_139 = arith.constant 0 : i32
        %dma_start3A_140 = arith.constant 0 : i32
        %dma_start3A_141 = tpu.memref_slice %arg3[%add3A, %dma_start3A_139, %dma_start3A_140] : memref<32x80x128xi32, #tpu.memory_space<hbm>> -> memref<1x80x128xi32, #tpu.memory_space<hbm>>
        %dma_start3A_142 = tpu.memref_squeeze %dma_start3A_141 : memref<1x80x128xi32, #tpu.memory_space<hbm>> -> memref<80x128xi32, #tpu.memory_space<hbm>>
        %dma_start3A_143 = arith.constant 0 : i32
        %dma_start3A_144 = tpu.memref_slice %dma_start3A_142[%add3A_124, %dma_start3A_143] : memref<80x128xi32, #tpu.memory_space<hbm>> -> memref<1x128xi32, #tpu.memory_space<hbm>>
        %dma_start3A_145 = tpu.memref_squeeze %dma_start3A_144 : memref<1x128xi32, #tpu.memory_space<hbm>> -> memref<128xi32, #tpu.memory_space<hbm>>
        tpu.enqueue_dma source(%dma_start3A_145 : memref<128xi32, #tpu.memory_space<hbm>>) target(%dma_start3A_138 : memref<128xi32, #tpu.memory_space<vmem>>) target_semaphore(%arg13 : memref<!tpu.dma_semaphore, #tpu.memory_space<semaphore_mem>>)
        %add3A_146 = arith.constant 2 : i32
        %add3A_147 = arith.addi %add3A_66, %add3A_146 : i32
        %dma_start3A_148 = arith.constant 0 : i32
        %dma_start3A_149 = arith.constant 0 : i32
        %dma_start3A_150 = tpu.memref_slice %arg8[%dma_start3A_148, %dma_start3A_149] : memref<2x128xi32, #tpu.memory_space<vmem>> -> memref<1x128xi32, #tpu.memory_space<vmem>>
        %dma_start3A_151 = tpu.memref_squeeze %dma_start3A_150 : memref<1x128xi32, #tpu.memory_space<vmem>> -> memref<128xi32, #tpu.memory_space<vmem>>
        %dma_start3A_152 = arith.constant 0 : i32
        %dma_start3A_153 = arith.constant 0 : i32
        %dma_start3A_154 = tpu.memref_slice %arg4[%add3A, %dma_start3A_152, %dma_start3A_153] : memref<32x80x128xi32, #tpu.memory_space<hbm>> -> memref<1x80x128xi32, #tpu.memory_space<hbm>>
        %dma_start3A_155 = tpu.memref_squeeze %dma_start3A_154 : memref<1x80x128xi32, #tpu.memory_space<hbm>> -> memref<80x128xi32, #tpu.memory_space<hbm>>
        %dma_start3A_156 = arith.constant 0 : i32
        %dma_start3A_157 = tpu.memref_slice %dma_start3A_155[%add3A_147, %dma_start3A_156] : memref<80x128xi32, #tpu.memory_space<hbm>> -> memref<1x128xi32, #tpu.memory_space<hbm>>
        %dma_start3A_158 = tpu.memref_squeeze %dma_start3A_157 : memref<1x128xi32, #tpu.memory_space<hbm>> -> memref<128xi32, #tpu.memory_space<hbm>>
        %dma_start3A_159 = arith.constant 0 : i32
        %dma_start3A_160 = tpu.memref_slice %arg8[%dma_start3A_148, %dma_start3A_159] : memref<2x128xi32, #tpu.memory_space<vmem>> -> memref<1x128xi32, #tpu.memory_space<vmem>>
        %dma_start3A_161 = tpu.memref_squeeze %dma_start3A_160 : memref<1x128xi32, #tpu.memory_space<vmem>> -> memref<128xi32, #tpu.memory_space<vmem>>
        %dma_start3A_162 = arith.constant 0 : i32
        %dma_start3A_163 = arith.constant 0 : i32
        %dma_start3A_164 = tpu.memref_slice %arg4[%add3A, %dma_start3A_162, %dma_start3A_163] : memref<32x80x128xi32, #tpu.memory_space<hbm>> -> memref<1x80x128xi32, #tpu.memory_space<hbm>>
        %dma_start3A_165 = tpu.memref_squeeze %dma_start3A_164 : memref<1x80x128xi32, #tpu.memory_space<hbm>> -> memref<80x128xi32, #tpu.memory_space<hbm>>
        %dma_start3A_166 = arith.constant 0 : i32
        %dma_start3A_167 = tpu.memref_slice %dma_start3A_165[%add3A_147, %dma_start3A_166] : memref<80x128xi32, #tpu.memory_space<hbm>> -> memref<1x128xi32, #tpu.memory_space<hbm>>
        %dma_start3A_168 = tpu.memref_squeeze %dma_start3A_167 : memref<1x128xi32, #tpu.memory_space<hbm>> -> memref<128xi32, #tpu.memory_space<hbm>>
        tpu.enqueue_dma source(%dma_start3A_168 : memref<128xi32, #tpu.memory_space<hbm>>) target(%dma_start3A_161 : memref<128xi32, #tpu.memory_space<vmem>>) target_semaphore(%arg13 : memref<!tpu.dma_semaphore, #tpu.memory_space<semaphore_mem>>)
      } else {
      }
      %add3A_92 = arith.constant 1 : i32
      %add3A_93 = arith.addi %mul3A_64, %add3A_92 : i32
      %add3A_94 = arith.constant 1 : i32
      %add3A_95 = arith.addi %add3A_93, %add3A_94 : i32
      %lt3A_96 = arith.constant 80 : i32
      %lt3A_97 = arith.cmpi slt, %add3A_95, %lt3A_96 : i32
      %convert_element_type3A_98 = arith.extui %lt3A_97 : i1 to i32
      %cond3A_99 = arith.constant 0 : i32
      %cond3A_100 = arith.cmpi ne, %convert_element_type3A_98, %cond3A_99 : i32
      scf.if %cond3A_100 {
        %add3A_123 = arith.constant 1 : i32
        %add3A_124 = arith.addi %add3A_93, %add3A_123 : i32
        %dma_wait3A_125 = arith.constant 0 : i32
        %dma_wait3A_126 = arith.constant 0 : i32
        %dma_wait3A_127 = tpu.memref_slice %arg7[%dma_wait3A_125, %dma_wait3A_126] : memref<2x128xi32, #tpu.memory_space<vmem>> -> memref<1x128xi32, #tpu.memory_space<vmem>>
        %dma_wait3A_128 = tpu.memref_squeeze %dma_wait3A_127 : memref<1x128xi32, #tpu.memory_space<vmem>> -> memref<128xi32, #tpu.memory_space<vmem>>
        %dma_wait3A_129 = arith.constant 0 : i32
        %dma_wait3A_130 = arith.constant 0 : i32
        %dma_wait3A_131 = tpu.memref_slice %arg3[%add3A, %dma_wait3A_129, %dma_wait3A_130] : memref<32x80x128xi32, #tpu.memory_space<hbm>> -> memref<1x80x128xi32, #tpu.memory_space<hbm>>
        %dma_wait3A_132 = tpu.memref_squeeze %dma_wait3A_131 : memref<1x80x128xi32, #tpu.memory_space<hbm>> -> memref<80x128xi32, #tpu.memory_space<hbm>>
        %dma_wait3A_133 = arith.constant 0 : i32
        %dma_wait3A_134 = tpu.memref_slice %dma_wait3A_132[%add3A_124, %dma_wait3A_133] : memref<80x128xi32, #tpu.memory_space<hbm>> -> memref<1x128xi32, #tpu.memory_space<hbm>>
        %dma_wait3A_135 = tpu.memref_squeeze %dma_wait3A_134 : memref<1x128xi32, #tpu.memory_space<hbm>> -> memref<128xi32, #tpu.memory_space<hbm>>
        %dma_wait3A_136 = arith.constant 0 : i32
        %dma_wait3A_137 = tpu.memref_slice %arg7[%dma_wait3A_125, %dma_wait3A_136] : memref<2x128xi32, #tpu.memory_space<vmem>> -> memref<1x128xi32, #tpu.memory_space<vmem>>
        %dma_wait3A_138 = tpu.memref_squeeze %dma_wait3A_137 : memref<1x128xi32, #tpu.memory_space<vmem>> -> memref<128xi32, #tpu.memory_space<vmem>>
        %dma_wait3A_139 = arith.constant 0 : i32
        %dma_wait3A_140 = arith.constant 0 : i32
        %dma_wait3A_141 = tpu.memref_slice %arg3[%add3A, %dma_wait3A_139, %dma_wait3A_140] : memref<32x80x128xi32, #tpu.memory_space<hbm>> -> memref<1x80x128xi32, #tpu.memory_space<hbm>>
        %dma_wait3A_142 = tpu.memref_squeeze %dma_wait3A_141 : memref<1x80x128xi32, #tpu.memory_space<hbm>> -> memref<80x128xi32, #tpu.memory_space<hbm>>
        %dma_wait3A_143 = arith.constant 0 : i32
        %dma_wait3A_144 = tpu.memref_slice %dma_wait3A_142[%add3A_124, %dma_wait3A_143] : memref<80x128xi32, #tpu.memory_space<hbm>> -> memref<1x128xi32, #tpu.memory_space<hbm>>
        %dma_wait3A_145 = tpu.memref_squeeze %dma_wait3A_144 : memref<1x128xi32, #tpu.memory_space<hbm>> -> memref<128xi32, #tpu.memory_space<hbm>>
        tpu.wait_dma2 semaphore(%arg13 : memref<!tpu.dma_semaphore, #tpu.memory_space<semaphore_mem>>) src(%dma_wait3A_145 : memref<128xi32, #tpu.memory_space<hbm>>) dst(%dma_wait3A_138 : memref<128xi32, #tpu.memory_space<vmem>>)
        %add3A_146 = arith.constant 1 : i32
        %add3A_147 = arith.addi %add3A_93, %add3A_146 : i32
        %dma_wait3A_148 = arith.constant 0 : i32
        %dma_wait3A_149 = arith.constant 0 : i32
        %dma_wait3A_150 = tpu.memref_slice %arg8[%dma_wait3A_148, %dma_wait3A_149] : memref<2x128xi32, #tpu.memory_space<vmem>> -> memref<1x128xi32, #tpu.memory_space<vmem>>
        %dma_wait3A_151 = tpu.memref_squeeze %dma_wait3A_150 : memref<1x128xi32, #tpu.memory_space<vmem>> -> memref<128xi32, #tpu.memory_space<vmem>>
        %dma_wait3A_152 = arith.constant 0 : i32
        %dma_wait3A_153 = arith.constant 0 : i32
        %dma_wait3A_154 = tpu.memref_slice %arg4[%add3A, %dma_wait3A_152, %dma_wait3A_153] : memref<32x80x128xi32, #tpu.memory_space<hbm>> -> memref<1x80x128xi32, #tpu.memory_space<hbm>>
        %dma_wait3A_155 = tpu.memref_squeeze %dma_wait3A_154 : memref<1x80x128xi32, #tpu.memory_space<hbm>> -> memref<80x128xi32, #tpu.memory_space<hbm>>
        %dma_wait3A_156 = arith.constant 0 : i32
        %dma_wait3A_157 = tpu.memref_slice %dma_wait3A_155[%add3A_147, %dma_wait3A_156] : memref<80x128xi32, #tpu.memory_space<hbm>> -> memref<1x128xi32, #tpu.memory_space<hbm>>
        %dma_wait3A_158 = tpu.memref_squeeze %dma_wait3A_157 : memref<1x128xi32, #tpu.memory_space<hbm>> -> memref<128xi32, #tpu.memory_space<hbm>>
        %dma_wait3A_159 = arith.constant 0 : i32
        %dma_wait3A_160 = tpu.memref_slice %arg8[%dma_wait3A_148, %dma_wait3A_159] : memref<2x128xi32, #tpu.memory_space<vmem>> -> memref<1x128xi32, #tpu.memory_space<vmem>>
        %dma_wait3A_161 = tpu.memref_squeeze %dma_wait3A_160 : memref<1x128xi32, #tpu.memory_space<vmem>> -> memref<128xi32, #tpu.memory_space<vmem>>
        %dma_wait3A_162 = arith.constant 0 : i32
        %dma_wait3A_163 = arith.constant 0 : i32
        %dma_wait3A_164 = tpu.memref_slice %arg4[%add3A, %dma_wait3A_162, %dma_wait3A_163] : memref<32x80x128xi32, #tpu.memory_space<hbm>> -> memref<1x80x128xi32, #tpu.memory_space<hbm>>
        %dma_wait3A_165 = tpu.memref_squeeze %dma_wait3A_164 : memref<1x80x128xi32, #tpu.memory_space<hbm>> -> memref<80x128xi32, #tpu.memory_space<hbm>>
        %dma_wait3A_166 = arith.constant 0 : i32
        %dma_wait3A_167 = tpu.memref_slice %dma_wait3A_165[%add3A_147, %dma_wait3A_166] : memref<80x128xi32, #tpu.memory_space<hbm>> -> memref<1x128xi32, #tpu.memory_space<hbm>>
        %dma_wait3A_168 = tpu.memref_squeeze %dma_wait3A_167 : memref<1x128xi32, #tpu.memory_space<hbm>> -> memref<128xi32, #tpu.memory_space<hbm>>
        tpu.wait_dma2 semaphore(%arg13 : memref<!tpu.dma_semaphore, #tpu.memory_space<semaphore_mem>>) src(%dma_wait3A_168 : memref<128xi32, #tpu.memory_space<hbm>>) dst(%dma_wait3A_161 : memref<128xi32, #tpu.memory_space<vmem>>)
      } else {
      }
      %dma_wait3A_101 = arith.constant 1 : i32
      %dma_wait3A_102 = arith.constant 0 : i32
      %dma_wait3A_103 = tpu.memref_slice %arg7[%dma_wait3A_101, %dma_wait3A_102] : memref<2x128xi32, #tpu.memory_space<vmem>> -> memref<1x128xi32, #tpu.memory_space<vmem>>
      %dma_wait3A_104 = tpu.memref_squeeze %dma_wait3A_103 : memref<1x128xi32, #tpu.memory_space<vmem>> -> memref<128xi32, #tpu.memory_space<vmem>>
      %dma_wait3A_105 = arith.constant 0 : i32
      %dma_wait3A_106 = arith.constant 0 : i32
      %dma_wait3A_107 = tpu.memref_slice %arg2[%dma_wait3A_105, %dma_wait3A_106] : memref<10240x128xf32, #tpu.memory_space<hbm>> -> memref<10240x128xf32, #tpu.memory_space<hbm>>
      tpu.wait_indirect_dma semaphore(%arg12 : memref<!tpu.dma_semaphore, #tpu.memory_space<semaphore_mem>>) src(%dma_wait3A_107 : memref<10240x128xf32, #tpu.memory_space<hbm>>) dst(%arg10 : memref<128x128xf32, #tpu.memory_space<vmem>>)
      %add3A_108 = arith.constant 1 : i32
      %add3A_109 = arith.addi %add3A_93, %add3A_108 : i32
      %lt3A_110 = arith.constant 80 : i32
      %lt3A_111 = arith.cmpi slt, %add3A_109, %lt3A_110 : i32
      %convert_element_type3A_112 = arith.extui %lt3A_111 : i1 to i32
      %cond3A_113 = arith.constant 0 : i32
      %cond3A_114 = arith.cmpi ne, %convert_element_type3A_112, %cond3A_113 : i32
      scf.if %cond3A_114 {
        %dma_start3A_123 = arith.constant 0 : i32
        %dma_start3A_124 = arith.constant 0 : i32
        %dma_start3A_125 = tpu.memref_slice %arg7[%dma_start3A_123, %dma_start3A_124] : memref<2x128xi32, #tpu.memory_space<vmem>> -> memref<1x128xi32, #tpu.memory_space<vmem>>
        %dma_start3A_126 = tpu.memref_squeeze %dma_start3A_125 : memref<1x128xi32, #tpu.memory_space<vmem>> -> memref<128xi32, #tpu.memory_space<vmem>>
        %dma_start3A_127 = arith.constant 0 : i32
        %dma_start3A_128 = arith.constant 0 : i32
        %dma_start3A_129 = tpu.memref_slice %arg2[%dma_start3A_127, %dma_start3A_128] : memref<10240x128xf32, #tpu.memory_space<hbm>> -> memref<10240x128xf32, #tpu.memory_space<hbm>>
        tpu.enqueue_indirect_dma source(%dma_start3A_129 : memref<10240x128xf32, #tpu.memory_space<hbm>>) target(%arg9 : memref<128x128xf32, #tpu.memory_space<vmem>>) offsets(%dma_start3A_126 : memref<128xi32, #tpu.memory_space<vmem>>) semaphore(%arg12 : memref<!tpu.dma_semaphore, #tpu.memory_space<semaphore_mem>>)
      } else {
      }
      %run_scoped3A_115 = arith.constant 1 : i32
      "tpu.region"() ({
        %run_scoped3A_123 = tpu.sem_alloc : memref<!tpu.dma_semaphore, #tpu.memory_space<semaphore_mem>>
        %dma_start3A_124 = arith.constant 0 : i32
        %dma_start3A_125 = tpu.memref_slice %arg8[%run_scoped3A_115, %dma_start3A_124] : memref<2x128xi32, #tpu.memory_space<vmem>> -> memref<1x128xi32, #tpu.memory_space<vmem>>
        %dma_start3A_126 = tpu.memref_squeeze %dma_start3A_125 : memref<1x128xi32, #tpu.memory_space<vmem>> -> memref<128xi32, #tpu.memory_space<vmem>>
        %dma_start3A_127 = arith.constant 0 : i32
        %dma_start3A_128 = arith.constant 0 : i32
        %dma_start3A_129 = tpu.memref_slice %arg11[%dma_start3A_127, %dma_start3A_128] : memref<10240x128xf32, #tpu.memory_space<vmem_shared>> -> memref<10240x128xf32, #tpu.memory_space<vmem_shared>>
        tpu.enqueue_indirect_dma source(%arg10 : memref<128x128xf32, #tpu.memory_space<vmem>>) target(%dma_start3A_129 : memref<10240x128xf32, #tpu.memory_space<vmem_shared>>) offsets(%dma_start3A_126 : memref<128xi32, #tpu.memory_space<vmem>>) semaphore(%run_scoped3A_123 : memref<!tpu.dma_semaphore, #tpu.memory_space<semaphore_mem>>) {add = true}
        %dma_wait3A_130 = arith.constant 0 : i32
        %dma_wait3A_131 = tpu.memref_slice %arg8[%run_scoped3A_115, %dma_wait3A_130] : memref<2x128xi32, #tpu.memory_space<vmem>> -> memref<1x128xi32, #tpu.memory_space<vmem>>
        %dma_wait3A_132 = tpu.memref_squeeze %dma_wait3A_131 : memref<1x128xi32, #tpu.memory_space<vmem>> -> memref<128xi32, #tpu.memory_space<vmem>>
        %dma_wait3A_133 = arith.constant 0 : i32
        %dma_wait3A_134 = arith.constant 0 : i32
        %dma_wait3A_135 = tpu.memref_slice %arg11[%dma_wait3A_133, %dma_wait3A_134] : memref<10240x128xf32, #tpu.memory_space<vmem_shared>> -> memref<10240x128xf32, #tpu.memory_space<vmem_shared>>
        tpu.wait_indirect_dma semaphore(%run_scoped3A_123 : memref<!tpu.dma_semaphore, #tpu.memory_space<semaphore_mem>>) src(%arg10 : memref<128x128xf32, #tpu.memory_space<vmem>>) dst(%dma_wait3A_135 : memref<10240x128xf32, #tpu.memory_space<vmem_shared>>)
        tpu.yield
      }) : () -> ()
      %add3A_116 = arith.constant 2 : i32
      %add3A_117 = arith.addi %add3A_93, %add3A_116 : i32
      %lt3A_118 = arith.constant 80 : i32
      %lt3A_119 = arith.cmpi slt, %add3A_117, %lt3A_118 : i32
      %convert_element_type3A_120 = arith.extui %lt3A_119 : i1 to i32
      %cond3A_121 = arith.constant 0 : i32
      %cond3A_122 = arith.cmpi ne, %convert_element_type3A_120, %cond3A_121 : i32
      scf.if %cond3A_122 {
        %add3A_123 = arith.constant 2 : i32
        %add3A_124 = arith.addi %add3A_93, %add3A_123 : i32
        %dma_start3A_125 = arith.constant 1 : i32
        %dma_start3A_126 = arith.constant 0 : i32
        %dma_start3A_127 = tpu.memref_slice %arg7[%dma_start3A_125, %dma_start3A_126] : memref<2x128xi32, #tpu.memory_space<vmem>> -> memref<1x128xi32, #tpu.memory_space<vmem>>
        %dma_start3A_128 = tpu.memref_squeeze %dma_start3A_127 : memref<1x128xi32, #tpu.memory_space<vmem>> -> memref<128xi32, #tpu.memory_space<vmem>>
        %dma_start3A_129 = arith.constant 0 : i32
        %dma_start3A_130 = arith.constant 0 : i32
        %dma_start3A_131 = tpu.memref_slice %arg3[%add3A, %dma_start3A_129, %dma_start3A_130] : memref<32x80x128xi32, #tpu.memory_space<hbm>> -> memref<1x80x128xi32, #tpu.memory_space<hbm>>
        %dma_start3A_132 = tpu.memref_squeeze %dma_start3A_131 : memref<1x80x128xi32, #tpu.memory_space<hbm>> -> memref<80x128xi32, #tpu.memory_space<hbm>>
        %dma_start3A_133 = arith.constant 0 : i32
        %dma_start3A_134 = tpu.memref_slice %dma_start3A_132[%add3A_124, %dma_start3A_133] : memref<80x128xi32, #tpu.memory_space<hbm>> -> memref<1x128xi32, #tpu.memory_space<hbm>>
        %dma_start3A_135 = tpu.memref_squeeze %dma_start3A_134 : memref<1x128xi32, #tpu.memory_space<hbm>> -> memref<128xi32, #tpu.memory_space<hbm>>
        %dma_start3A_136 = arith.constant 0 : i32
        %dma_start3A_137 = tpu.memref_slice %arg7[%dma_start3A_125, %dma_start3A_136] : memref<2x128xi32, #tpu.memory_space<vmem>> -> memref<1x128xi32, #tpu.memory_space<vmem>>
        %dma_start3A_138 = tpu.memref_squeeze %dma_start3A_137 : memref<1x128xi32, #tpu.memory_space<vmem>> -> memref<128xi32, #tpu.memory_space<vmem>>
        %dma_start3A_139 = arith.constant 0 : i32
        %dma_start3A_140 = arith.constant 0 : i32
        %dma_start3A_141 = tpu.memref_slice %arg3[%add3A, %dma_start3A_139, %dma_start3A_140] : memref<32x80x128xi32, #tpu.memory_space<hbm>> -> memref<1x80x128xi32, #tpu.memory_space<hbm>>
        %dma_start3A_142 = tpu.memref_squeeze %dma_start3A_141 : memref<1x80x128xi32, #tpu.memory_space<hbm>> -> memref<80x128xi32, #tpu.memory_space<hbm>>
        %dma_start3A_143 = arith.constant 0 : i32
        %dma_start3A_144 = tpu.memref_slice %dma_start3A_142[%add3A_124, %dma_start3A_143] : memref<80x128xi32, #tpu.memory_space<hbm>> -> memref<1x128xi32, #tpu.memory_space<hbm>>
        %dma_start3A_145 = tpu.memref_squeeze %dma_start3A_144 : memref<1x128xi32, #tpu.memory_space<hbm>> -> memref<128xi32, #tpu.memory_space<hbm>>
        tpu.enqueue_dma source(%dma_start3A_145 : memref<128xi32, #tpu.memory_space<hbm>>) target(%dma_start3A_138 : memref<128xi32, #tpu.memory_space<vmem>>) target_semaphore(%arg13 : memref<!tpu.dma_semaphore, #tpu.memory_space<semaphore_mem>>)
        %add3A_146 = arith.constant 2 : i32
        %add3A_147 = arith.addi %add3A_93, %add3A_146 : i32
        %dma_start3A_148 = arith.constant 1 : i32
        %dma_start3A_149 = arith.constant 0 : i32
        %dma_start3A_150 = tpu.memref_slice %arg8[%dma_start3A_148, %dma_start3A_149] : memref<2x128xi32, #tpu.memory_space<vmem>> -> memref<1x128xi32, #tpu.memory_space<vmem>>
        %dma_start3A_151 = tpu.memref_squeeze %dma_start3A_150 : memref<1x128xi32, #tpu.memory_space<vmem>> -> memref<128xi32, #tpu.memory_space<vmem>>
        %dma_start3A_152 = arith.constant 0 : i32
        %dma_start3A_153 = arith.constant 0 : i32
        %dma_start3A_154 = tpu.memref_slice %arg4[%add3A, %dma_start3A_152, %dma_start3A_153] : memref<32x80x128xi32, #tpu.memory_space<hbm>> -> memref<1x80x128xi32, #tpu.memory_space<hbm>>
        %dma_start3A_155 = tpu.memref_squeeze %dma_start3A_154 : memref<1x80x128xi32, #tpu.memory_space<hbm>> -> memref<80x128xi32, #tpu.memory_space<hbm>>
        %dma_start3A_156 = arith.constant 0 : i32
        %dma_start3A_157 = tpu.memref_slice %dma_start3A_155[%add3A_147, %dma_start3A_156] : memref<80x128xi32, #tpu.memory_space<hbm>> -> memref<1x128xi32, #tpu.memory_space<hbm>>
        %dma_start3A_158 = tpu.memref_squeeze %dma_start3A_157 : memref<1x128xi32, #tpu.memory_space<hbm>> -> memref<128xi32, #tpu.memory_space<hbm>>
        %dma_start3A_159 = arith.constant 0 : i32
        %dma_start3A_160 = tpu.memref_slice %arg8[%dma_start3A_148, %dma_start3A_159] : memref<2x128xi32, #tpu.memory_space<vmem>> -> memref<1x128xi32, #tpu.memory_space<vmem>>
        %dma_start3A_161 = tpu.memref_squeeze %dma_start3A_160 : memref<1x128xi32, #tpu.memory_space<vmem>> -> memref<128xi32, #tpu.memory_space<vmem>>
        %dma_start3A_162 = arith.constant 0 : i32
        %dma_start3A_163 = arith.constant 0 : i32
        %dma_start3A_164 = tpu.memref_slice %arg4[%add3A, %dma_start3A_162, %dma_start3A_163] : memref<32x80x128xi32, #tpu.memory_space<hbm>> -> memref<1x80x128xi32, #tpu.memory_space<hbm>>
        %dma_start3A_165 = tpu.memref_squeeze %dma_start3A_164 : memref<1x80x128xi32, #tpu.memory_space<hbm>> -> memref<80x128xi32, #tpu.memory_space<hbm>>
        %dma_start3A_166 = arith.constant 0 : i32
        %dma_start3A_167 = tpu.memref_slice %dma_start3A_165[%add3A_147, %dma_start3A_166] : memref<80x128xi32, #tpu.memory_space<hbm>> -> memref<1x128xi32, #tpu.memory_space<hbm>>
        %dma_start3A_168 = tpu.memref_squeeze %dma_start3A_167 : memref<1x128xi32, #tpu.memory_space<hbm>> -> memref<128xi32, #tpu.memory_space<hbm>>
        tpu.enqueue_dma source(%dma_start3A_168 : memref<128xi32, #tpu.memory_space<hbm>>) target(%dma_start3A_161 : memref<128xi32, #tpu.memory_space<vmem>>) target_semaphore(%arg13 : memref<!tpu.dma_semaphore, #tpu.memory_space<semaphore_mem>>)
      } else {
      }
    }
    %scan3A_60 = arith.constant 40 : i32
    %barrier3A_61 = arith.constant 0 : index
    tpu.barrier barrier_id(%barrier3A_61)
    "tpu.region"() ({
      %run_scoped3A_62 = tpu.sem_alloc : memref<!tpu.dma_semaphore, #tpu.memory_space<semaphore_mem>>
      %dma_start3A_63 = arith.constant 0 : i32
      %dma_start3A_64 = arith.constant 0 : i32
      %dma_start3A_65 = tpu.memref_slice %arg6[%arg0, %dma_start3A_63, %dma_start3A_64] : memref<2x10240x128xf32, #tpu.memory_space<hbm>> -> memref<1x10240x128xf32, #tpu.memory_space<hbm>>
      %dma_start3A_66 = tpu.memref_squeeze %dma_start3A_65 : memref<1x10240x128xf32, #tpu.memory_space<hbm>> -> memref<10240x128xf32, #tpu.memory_space<hbm>>
      %dma_start3A_67 = arith.constant 0 : i32
      %dma_start3A_68 = tpu.memref_slice %dma_start3A_66[%mul3A_2, %dma_start3A_67] : memref<10240x128xf32, #tpu.memory_space<hbm>> -> memref<640x128xf32, #tpu.memory_space<hbm>>
      %dma_start3A_69 = arith.constant 0 : i32
      %dma_start3A_70 = tpu.memref_slice %arg11[%mul3A_2, %dma_start3A_69] : memref<10240x128xf32, #tpu.memory_space<vmem_shared>> -> memref<640x128xf32, #tpu.memory_space<vmem_shared>>
      tpu.enqueue_dma source(%dma_start3A_70 : memref<640x128xf32, #tpu.memory_space<vmem_shared>>) target(%dma_start3A_68 : memref<640x128xf32, #tpu.memory_space<hbm>>) target_semaphore(%run_scoped3A_62 : memref<!tpu.dma_semaphore, #tpu.memory_space<semaphore_mem>>)
      %dma_wait3A = arith.constant 0 : i32
      %dma_wait3A_71 = arith.constant 0 : i32
      %dma_wait3A_72 = tpu.memref_slice %arg6[%arg0, %dma_wait3A, %dma_wait3A_71] : memref<2x10240x128xf32, #tpu.memory_space<hbm>> -> memref<1x10240x128xf32, #tpu.memory_space<hbm>>
      %dma_wait3A_73 = tpu.memref_squeeze %dma_wait3A_72 : memref<1x10240x128xf32, #tpu.memory_space<hbm>> -> memref<10240x128xf32, #tpu.memory_space<hbm>>
      %dma_wait3A_74 = arith.constant 0 : i32
      %dma_wait3A_75 = tpu.memref_slice %dma_wait3A_73[%mul3A_2, %dma_wait3A_74] : memref<10240x128xf32, #tpu.memory_space<hbm>> -> memref<640x128xf32, #tpu.memory_space<hbm>>
      %dma_wait3A_76 = arith.constant 0 : i32
      %dma_wait3A_77 = tpu.memref_slice %arg11[%mul3A_2, %dma_wait3A_76] : memref<10240x128xf32, #tpu.memory_space<vmem_shared>> -> memref<640x128xf32, #tpu.memory_space<vmem_shared>>
      tpu.wait_dma2 semaphore(%run_scoped3A_62 : memref<!tpu.dma_semaphore, #tpu.memory_space<semaphore_mem>>) src(%dma_wait3A_77 : memref<640x128xf32, #tpu.memory_space<vmem_shared>>) dst(%dma_wait3A_75 : memref<640x128xf32, #tpu.memory_space<hbm>>)
      tpu.yield
    }) : () -> ()
    return
  }
}

#map = affine_map<(d0, d1) -> (0, 0)>
#map1 = affine_map<(d0, d1) -> (0, 0, 0)>
module attributes {stable_mosaic.version = 14 : i64} {
  func.func @run(%arg0: i32, %arg1: i32, %arg2: memref<10240x128xf32, #tpu.memory_space<hbm>>, %arg3: memref<32x80x128xi32, #tpu.memory_space<hbm>>, %arg4: memref<32x80x128xi32, #tpu.memory_space<hbm>>, %arg5: memref<640x128xf32, #tpu.memory_space<hbm>>, %arg6: memref<2x10240x128xf32, #tpu.memory_space<hbm>>, %arg7: memref<2x128xi32, #tpu.memory_space<vmem>>, %arg8: memref<2x128xi32, #tpu.memory_space<vmem>>, %arg9: memref<128x128xf32, #tpu.memory_space<vmem>>, %arg10: memref<128x128xf32, #tpu.memory_space<vmem>>, %arg11: memref<10240x128xf32, #tpu.memory_space<vmem_shared>>, %arg12: memref<!tpu.dma_semaphore, #tpu.memory_space<semaphore_mem>>, %arg13: memref<!tpu.dma_semaphore, #tpu.memory_space<semaphore_mem>>) attributes {dimension_semantics = [#tpu.dimension_semantics<core_parallel>, #tpu.dimension_semantics<subcore_parallel>], iteration_bounds = array<i64: 2, 16>, scalar_prefetch = 0 : i64, scratch_operands = 7 : i64, tpu.core_type = #tpu.core_type<sc_vector_subcore>, window_params = [{transform_indices = #map}, {transform_indices = #map1}, {transform_indices = #map1}, {transform_indices = #map}, {transform_indices = #map1}]} {
    %mul3A = arith.constant 2 : i32
    %mul3A_0 = arith.muli %arg1, %mul3A : i32
    %add3A = arith.addi %mul3A_0, %arg0 : i32
    %mul3A_1 = arith.constant 640 : i32
    %mul3A_2 = arith.muli %arg1, %mul3A_1 : i32
    "tpu.region"() ({
      %run_scoped3A_62 = tpu.sem_alloc : memref<!tpu.dma_semaphore, #tpu.memory_space<semaphore_mem>>
      %dma_start3A_63 = arith.constant 0 : i32
      %dma_start3A_64 = tpu.memref_slice %arg11[%mul3A_2, %dma_start3A_63] : memref<10240x128xf32, #tpu.memory_space<vmem_shared>> -> memref<640x128xf32, #tpu.memory_space<vmem_shared>>
      tpu.enqueue_dma source(%arg5 : memref<640x128xf32, #tpu.memory_space<hbm>>) target(%dma_start3A_64 : memref<640x128xf32, #tpu.memory_space<vmem_shared>>) target_semaphore(%run_scoped3A_62 : memref<!tpu.dma_semaphore, #tpu.memory_space<semaphore_mem>>)
      %dma_wait3A = arith.constant 0 : i32
      %dma_wait3A_65 = tpu.memref_slice %arg11[%mul3A_2, %dma_wait3A] : memref<10240x128xf32, #tpu.memory_space<vmem_shared>> -> memref<640x128xf32, #tpu.memory_space<vmem_shared>>
      tpu.wait_dma2 semaphore(%run_scoped3A_62 : memref<!tpu.dma_semaphore, #tpu.memory_space<semaphore_mem>>) src(%arg5 : memref<640x128xf32, #tpu.memory_space<hbm>>) dst(%dma_wait3A_65 : memref<640x128xf32, #tpu.memory_space<vmem_shared>>)
      tpu.yield
    }) : () -> ()
    %barrier3A = arith.constant 0 : index
    tpu.barrier barrier_id(%barrier3A)
    %run_scoped3A = arith.constant 0 : i32
    %run_scoped3A_3 = arith.constant 0 : i32
    "tpu.region"() ({
      %run_scoped3A_62 = tpu.sem_alloc : memref<!tpu.dma_semaphore, #tpu.memory_space<semaphore_mem>>
      %dma_start3A_63 = arith.constant 0 : i32
      %dma_start3A_64 = tpu.memref_slice %arg7[%run_scoped3A_3, %dma_start3A_63] : memref<2x128xi32, #tpu.memory_space<vmem>> -> memref<1x128xi32, #tpu.memory_space<vmem>>
      %dma_start3A_65 = tpu.memref_squeeze %dma_start3A_64 : memref<1x128xi32, #tpu.memory_space<vmem>> -> memref<128xi32, #tpu.memory_space<vmem>>
      %dma_start3A_66 = arith.constant 0 : i32
      %dma_start3A_67 = arith.constant 0 : i32
      %dma_start3A_68 = tpu.memref_slice %arg3[%add3A, %dma_start3A_66, %dma_start3A_67] : memref<32x80x128xi32, #tpu.memory_space<hbm>> -> memref<1x80x128xi32, #tpu.memory_space<hbm>>
      %dma_start3A_69 = tpu.memref_squeeze %dma_start3A_68 : memref<1x80x128xi32, #tpu.memory_space<hbm>> -> memref<80x128xi32, #tpu.memory_space<hbm>>
      %dma_start3A_70 = arith.constant 0 : i32
      %dma_start3A_71 = tpu.memref_slice %dma_start3A_69[%run_scoped3A, %dma_start3A_70] : memref<80x128xi32, #tpu.memory_space<hbm>> -> memref<1x128xi32, #tpu.memory_space<hbm>>
      %dma_start3A_72 = tpu.memref_squeeze %dma_start3A_71 : memref<1x128xi32, #tpu.memory_space<hbm>> -> memref<128xi32, #tpu.memory_space<hbm>>
      %dma_start3A_73 = arith.constant 0 : i32
      %dma_start3A_74 = tpu.memref_slice %arg7[%run_scoped3A_3, %dma_start3A_73] : memref<2x128xi32, #tpu.memory_space<vmem>> -> memref<1x128xi32, #tpu.memory_space<vmem>>
      %dma_start3A_75 = tpu.memref_squeeze %dma_start3A_74 : memref<1x128xi32, #tpu.memory_space<vmem>> -> memref<128xi32, #tpu.memory_space<vmem>>
      %dma_start3A_76 = arith.constant 0 : i32
      %dma_start3A_77 = arith.constant 0 : i32
      %dma_start3A_78 = tpu.memref_slice %arg3[%add3A, %dma_start3A_76, %dma_start3A_77] : memref<32x80x128xi32, #tpu.memory_space<hbm>> -> memref<1x80x128xi32, #tpu.memory_space<hbm>>
      %dma_start3A_79 = tpu.memref_squeeze %dma_start3A_78 : memref<1x80x128xi32, #tpu.memory_space<hbm>> -> memref<80x128xi32, #tpu.memory_space<hbm>>
      %dma_start3A_80 = arith.constant 0 : i32
      %dma_start3A_81 = tpu.memref_slice %dma_start3A_79[%run_scoped3A, %dma_start3A_80] : memref<80x128xi32, #tpu.memory_space<hbm>> -> memref<1x128xi32, #tpu.memory_space<hbm>>
      %dma_start3A_82 = tpu.memref_squeeze %dma_start3A_81 : memref<1x128xi32, #tpu.memory_space<hbm>> -> memref<128xi32, #tpu.memory_space<hbm>>
      tpu.enqueue_dma source(%dma_start3A_82 : memref<128xi32, #tpu.memory_space<hbm>>) target(%dma_start3A_75 : memref<128xi32, #tpu.memory_space<vmem>>) target_semaphore(%run_scoped3A_62 : memref<!tpu.dma_semaphore, #tpu.memory_space<semaphore_mem>>)
      %dma_wait3A = arith.constant 0 : i32
      %dma_wait3A_83 = tpu.memref_slice %arg7[%run_scoped3A_3, %dma_wait3A] : memref<2x128xi32, #tpu.memory_space<vmem>> -> memref<1x128xi32, #tpu.memory_space<vmem>>
      %dma_wait3A_84 = tpu.memref_squeeze %dma_wait3A_83 : memref<1x128xi32, #tpu.memory_space<vmem>> -> memref<128xi32, #tpu.memory_space<vmem>>
      %dma_wait3A_85 = arith.constant 0 : i32
      %dma_wait3A_86 = arith.constant 0 : i32
      %dma_wait3A_87 = tpu.memref_slice %arg3[%add3A, %dma_wait3A_85, %dma_wait3A_86] : memref<32x80x128xi32, #tpu.memory_space<hbm>> -> memref<1x80x128xi32, #tpu.memory_space<hbm>>
      %dma_wait3A_88 = tpu.memref_squeeze %dma_wait3A_87 : memref<1x80x128xi32, #tpu.memory_space<hbm>> -> memref<80x128xi32, #tpu.memory_space<hbm>>
      %dma_wait3A_89 = arith.constant 0 : i32
      %dma_wait3A_90 = tpu.memref_slice %dma_wait3A_88[%run_scoped3A, %dma_wait3A_89] : memref<80x128xi32, #tpu.memory_space<hbm>> -> memref<1x128xi32, #tpu.memory_space<hbm>>
      %dma_wait3A_91 = tpu.memref_squeeze %dma_wait3A_90 : memref<1x128xi32, #tpu.memory_space<hbm>> -> memref<128xi32, #tpu.memory_space<hbm>>
      %dma_wait3A_92 = arith.constant 0 : i32
      %dma_wait3A_93 = tpu.memref_slice %arg7[%run_scoped3A_3, %dma_wait3A_92] : memref<2x128xi32, #tpu.memory_space<vmem>> -> memref<1x128xi32, #tpu.memory_space<vmem>>
      %dma_wait3A_94 = tpu.memref_squeeze %dma_wait3A_93 : memref<1x128xi32, #tpu.memory_space<vmem>> -> memref<128xi32, #tpu.memory_space<vmem>>
      %dma_wait3A_95 = arith.constant 0 : i32
      %dma_wait3A_96 = arith.constant 0 : i32
      %dma_wait3A_97 = tpu.memref_slice %arg3[%add3A, %dma_wait3A_95, %dma_wait3A_96] : memref<32x80x128xi32, #tpu.memory_space<hbm>> -> memref<1x80x128xi32, #tpu.memory_space<hbm>>
      %dma_wait3A_98 = tpu.memref_squeeze %dma_wait3A_97 : memref<1x80x128xi32, #tpu.memory_space<hbm>> -> memref<80x128xi32, #tpu.memory_space<hbm>>
      %dma_wait3A_99 = arith.constant 0 : i32
      %dma_wait3A_100 = tpu.memref_slice %dma_wait3A_98[%run_scoped3A, %dma_wait3A_99] : memref<80x128xi32, #tpu.memory_space<hbm>> -> memref<1x128xi32, #tpu.memory_space<hbm>>
      %dma_wait3A_101 = tpu.memref_squeeze %dma_wait3A_100 : memref<1x128xi32, #tpu.memory_space<hbm>> -> memref<128xi32, #tpu.memory_space<hbm>>
      tpu.wait_dma2 semaphore(%run_scoped3A_62 : memref<!tpu.dma_semaphore, #tpu.memory_space<semaphore_mem>>) src(%dma_wait3A_101 : memref<128xi32, #tpu.memory_space<hbm>>) dst(%dma_wait3A_94 : memref<128xi32, #tpu.memory_space<vmem>>)
      tpu.yield
    }) : () -> ()
    %run_scoped3A_4 = arith.constant 0 : i32
    %run_scoped3A_5 = arith.constant 0 : i32
    "tpu.region"() ({
      %run_scoped3A_62 = tpu.sem_alloc : memref<!tpu.dma_semaphore, #tpu.memory_space<semaphore_mem>>
      %dma_start3A_63 = arith.constant 0 : i32
      %dma_start3A_64 = tpu.memref_slice %arg8[%run_scoped3A_5, %dma_start3A_63] : memref<2x128xi32, #tpu.memory_space<vmem>> -> memref<1x128xi32, #tpu.memory_space<vmem>>
      %dma_start3A_65 = tpu.memref_squeeze %dma_start3A_64 : memref<1x128xi32, #tpu.memory_space<vmem>> -> memref<128xi32, #tpu.memory_space<vmem>>
      %dma_start3A_66 = arith.constant 0 : i32
      %dma_start3A_67 = arith.constant 0 : i32
      %dma_start3A_68 = tpu.memref_slice %arg4[%add3A, %dma_start3A_66, %dma_start3A_67] : memref<32x80x128xi32, #tpu.memory_space<hbm>> -> memref<1x80x128xi32, #tpu.memory_space<hbm>>
      %dma_start3A_69 = tpu.memref_squeeze %dma_start3A_68 : memref<1x80x128xi32, #tpu.memory_space<hbm>> -> memref<80x128xi32, #tpu.memory_space<hbm>>
      %dma_start3A_70 = arith.constant 0 : i32
      %dma_start3A_71 = tpu.memref_slice %dma_start3A_69[%run_scoped3A_4, %dma_start3A_70] : memref<80x128xi32, #tpu.memory_space<hbm>> -> memref<1x128xi32, #tpu.memory_space<hbm>>
      %dma_start3A_72 = tpu.memref_squeeze %dma_start3A_71 : memref<1x128xi32, #tpu.memory_space<hbm>> -> memref<128xi32, #tpu.memory_space<hbm>>
      %dma_start3A_73 = arith.constant 0 : i32
      %dma_start3A_74 = tpu.memref_slice %arg8[%run_scoped3A_5, %dma_start3A_73] : memref<2x128xi32, #tpu.memory_space<vmem>> -> memref<1x128xi32, #tpu.memory_space<vmem>>
      %dma_start3A_75 = tpu.memref_squeeze %dma_start3A_74 : memref<1x128xi32, #tpu.memory_space<vmem>> -> memref<128xi32, #tpu.memory_space<vmem>>
      %dma_start3A_76 = arith.constant 0 : i32
      %dma_start3A_77 = arith.constant 0 : i32
      %dma_start3A_78 = tpu.memref_slice %arg4[%add3A, %dma_start3A_76, %dma_start3A_77] : memref<32x80x128xi32, #tpu.memory_space<hbm>> -> memref<1x80x128xi32, #tpu.memory_space<hbm>>
      %dma_start3A_79 = tpu.memref_squeeze %dma_start3A_78 : memref<1x80x128xi32, #tpu.memory_space<hbm>> -> memref<80x128xi32, #tpu.memory_space<hbm>>
      %dma_start3A_80 = arith.constant 0 : i32
      %dma_start3A_81 = tpu.memref_slice %dma_start3A_79[%run_scoped3A_4, %dma_start3A_80] : memref<80x128xi32, #tpu.memory_space<hbm>> -> memref<1x128xi32, #tpu.memory_space<hbm>>
      %dma_start3A_82 = tpu.memref_squeeze %dma_start3A_81 : memref<1x128xi32, #tpu.memory_space<hbm>> -> memref<128xi32, #tpu.memory_space<hbm>>
      tpu.enqueue_dma source(%dma_start3A_82 : memref<128xi32, #tpu.memory_space<hbm>>) target(%dma_start3A_75 : memref<128xi32, #tpu.memory_space<vmem>>) target_semaphore(%run_scoped3A_62 : memref<!tpu.dma_semaphore, #tpu.memory_space<semaphore_mem>>)
      %dma_wait3A = arith.constant 0 : i32
      %dma_wait3A_83 = tpu.memref_slice %arg8[%run_scoped3A_5, %dma_wait3A] : memref<2x128xi32, #tpu.memory_space<vmem>> -> memref<1x128xi32, #tpu.memory_space<vmem>>
      %dma_wait3A_84 = tpu.memref_squeeze %dma_wait3A_83 : memref<1x128xi32, #tpu.memory_space<vmem>> -> memref<128xi32, #tpu.memory_space<vmem>>
      %dma_wait3A_85 = arith.constant 0 : i32
      %dma_wait3A_86 = arith.constant 0 : i32
      %dma_wait3A_87 = tpu.memref_slice %arg4[%add3A, %dma_wait3A_85, %dma_wait3A_86] : memref<32x80x128xi32, #tpu.memory_space<hbm>> -> memref<1x80x128xi32, #tpu.memory_space<hbm>>
      %dma_wait3A_88 = tpu.memref_squeeze %dma_wait3A_87 : memref<1x80x128xi32, #tpu.memory_space<hbm>> -> memref<80x128xi32, #tpu.memory_space<hbm>>
      %dma_wait3A_89 = arith.constant 0 : i32
      %dma_wait3A_90 = tpu.memref_slice %dma_wait3A_88[%run_scoped3A_4, %dma_wait3A_89] : memref<80x128xi32, #tpu.memory_space<hbm>> -> memref<1x128xi32, #tpu.memory_space<hbm>>
      %dma_wait3A_91 = tpu.memref_squeeze %dma_wait3A_90 : memref<1x128xi32, #tpu.memory_space<hbm>> -> memref<128xi32, #tpu.memory_space<hbm>>
      %dma_wait3A_92 = arith.constant 0 : i32
      %dma_wait3A_93 = tpu.memref_slice %arg8[%run_scoped3A_5, %dma_wait3A_92] : memref<2x128xi32, #tpu.memory_space<vmem>> -> memref<1x128xi32, #tpu.memory_space<vmem>>
      %dma_wait3A_94 = tpu.memref_squeeze %dma_wait3A_93 : memref<1x128xi32, #tpu.memory_space<vmem>> -> memref<128xi32, #tpu.memory_space<vmem>>
      %dma_wait3A_95 = arith.constant 0 : i32
      %dma_wait3A_96 = arith.constant 0 : i32
      %dma_wait3A_97 = tpu.memref_slice %arg4[%add3A, %dma_wait3A_95, %dma_wait3A_96] : memref<32x80x128xi32, #tpu.memory_space<hbm>> -> memref<1x80x128xi32, #tpu.memory_space<hbm>>
      %dma_wait3A_98 = tpu.memref_squeeze %dma_wait3A_97 : memref<1x80x128xi32, #tpu.memory_space<hbm>> -> memref<80x128xi32, #tpu.memory_space<hbm>>
      %dma_wait3A_99 = arith.constant 0 : i32
      %dma_wait3A_100 = tpu.memref_slice %dma_wait3A_98[%run_scoped3A_4, %dma_wait3A_99] : memref<80x128xi32, #tpu.memory_space<hbm>> -> memref<1x128xi32, #tpu.memory_space<hbm>>
      %dma_wait3A_101 = tpu.memref_squeeze %dma_wait3A_100 : memref<1x128xi32, #tpu.memory_space<hbm>> -> memref<128xi32, #tpu.memory_space<hbm>>
      tpu.wait_dma2 semaphore(%run_scoped3A_62 : memref<!tpu.dma_semaphore, #tpu.memory_space<semaphore_mem>>) src(%dma_wait3A_101 : memref<128xi32, #tpu.memory_space<hbm>>) dst(%dma_wait3A_94 : memref<128xi32, #tpu.memory_space<vmem>>)
      tpu.yield
    }) : () -> ()
    %dma_start3A = arith.constant 0 : i32
    %dma_start3A_6 = arith.constant 0 : i32
    %dma_start3A_7 = tpu.memref_slice %arg7[%dma_start3A, %dma_start3A_6] : memref<2x128xi32, #tpu.memory_space<vmem>> -> memref<1x128xi32, #tpu.memory_space<vmem>>
    %dma_start3A_8 = tpu.memref_squeeze %dma_start3A_7 : memref<1x128xi32, #tpu.memory_space<vmem>> -> memref<128xi32, #tpu.memory_space<vmem>>
    %dma_start3A_9 = arith.constant 0 : i32
    %dma_start3A_10 = arith.constant 0 : i32
    %dma_start3A_11 = tpu.memref_slice %arg2[%dma_start3A_9, %dma_start3A_10] : memref<10240x128xf32, #tpu.memory_space<hbm>> -> memref<10240x128xf32, #tpu.memory_space<hbm>>
    tpu.enqueue_indirect_dma source(%dma_start3A_11 : memref<10240x128xf32, #tpu.memory_space<hbm>>) target(%arg9 : memref<128x128xf32, #tpu.memory_space<vmem>>) offsets(%dma_start3A_8 : memref<128xi32, #tpu.memory_space<vmem>>) semaphore(%arg12 : memref<!tpu.dma_semaphore, #tpu.memory_space<semaphore_mem>>)
    %dma_start3A_12 = arith.constant 1 : i32
    %dma_start3A_13 = arith.constant 1 : i32
    %dma_start3A_14 = arith.constant 0 : i32
    %dma_start3A_15 = tpu.memref_slice %arg7[%dma_start3A_13, %dma_start3A_14] : memref<2x128xi32, #tpu.memory_space<vmem>> -> memref<1x128xi32, #tpu.memory_space<vmem>>
    %dma_start3A_16 = tpu.memref_squeeze %dma_start3A_15 : memref<1x128xi32, #tpu.memory_space<vmem>> -> memref<128xi32, #tpu.memory_space<vmem>>
    %dma_start3A_17 = arith.constant 0 : i32
    %dma_start3A_18 = arith.constant 0 : i32
    %dma_start3A_19 = tpu.memref_slice %arg3[%add3A, %dma_start3A_17, %dma_start3A_18] : memref<32x80x128xi32, #tpu.memory_space<hbm>> -> memref<1x80x128xi32, #tpu.memory_space<hbm>>
    %dma_start3A_20 = tpu.memref_squeeze %dma_start3A_19 : memref<1x80x128xi32, #tpu.memory_space<hbm>> -> memref<80x128xi32, #tpu.memory_space<hbm>>
    %dma_start3A_21 = arith.constant 0 : i32
    %dma_start3A_22 = tpu.memref_slice %dma_start3A_20[%dma_start3A_12, %dma_start3A_21] : memref<80x128xi32, #tpu.memory_space<hbm>> -> memref<1x128xi32, #tpu.memory_space<hbm>>
    %dma_start3A_23 = tpu.memref_squeeze %dma_start3A_22 : memref<1x128xi32, #tpu.memory_space<hbm>> -> memref<128xi32, #tpu.memory_space<hbm>>
    %dma_start3A_24 = arith.constant 0 : i32
    %dma_start3A_25 = tpu.memref_slice %arg7[%dma_start3A_13, %dma_start3A_24] : memref<2x128xi32, #tpu.memory_space<vmem>> -> memref<1x128xi32, #tpu.memory_space<vmem>>
    %dma_start3A_26 = tpu.memref_squeeze %dma_start3A_25 : memref<1x128xi32, #tpu.memory_space<vmem>> -> memref<128xi32, #tpu.memory_space<vmem>>
    %dma_start3A_27 = arith.constant 0 : i32
    %dma_start3A_28 = arith.constant 0 : i32
    %dma_start3A_29 = tpu.memref_slice %arg3[%add3A, %dma_start3A_27, %dma_start3A_28] : memref<32x80x128xi32, #tpu.memory_space<hbm>> -> memref<1x80x128xi32, #tpu.memory_space<hbm>>
    %dma_start3A_30 = tpu.memref_squeeze %dma_start3A_29 : memref<1x80x128xi32, #tpu.memory_space<hbm>> -> memref<80x128xi32, #tpu.memory_space<hbm>>
    %dma_start3A_31 = arith.constant 0 : i32
    %dma_start3A_32 = tpu.memref_slice %dma_start3A_30[%dma_start3A_12, %dma_start3A_31] : memref<80x128xi32, #tpu.memory_space<hbm>> -> memref<1x128xi32, #tpu.memory_space<hbm>>
    %dma_start3A_33 = tpu.memref_squeeze %dma_start3A_32 : memref<1x128xi32, #tpu.memory_space<hbm>> -> memref<128xi32, #tpu.memory_space<hbm>>
    tpu.enqueue_dma source(%dma_start3A_33 : memref<128xi32, #tpu.memory_space<hbm>>) target(%dma_start3A_26 : memref<128xi32, #tpu.memory_space<vmem>>) target_semaphore(%arg13 : memref<!tpu.dma_semaphore, #tpu.memory_space<semaphore_mem>>)
    %dma_start3A_34 = arith.constant 1 : i32
    %dma_start3A_35 = arith.constant 1 : i32
    %dma_start3A_36 = arith.constant 0 : i32
    %dma_start3A_37 = tpu.memref_slice %arg8[%dma_start3A_35, %dma_start3A_36] : memref<2x128xi32, #tpu.memory_space<vmem>> -> memref<1x128xi32, #tpu.memory_space<vmem>>
    %dma_start3A_38 = tpu.memref_squeeze %dma_start3A_37 : memref<1x128xi32, #tpu.memory_space<vmem>> -> memref<128xi32, #tpu.memory_space<vmem>>
    %dma_start3A_39 = arith.constant 0 : i32
    %dma_start3A_40 = arith.constant 0 : i32
    %dma_start3A_41 = tpu.memref_slice %arg4[%add3A, %dma_start3A_39, %dma_start3A_40] : memref<32x80x128xi32, #tpu.memory_space<hbm>> -> memref<1x80x128xi32, #tpu.memory_space<hbm>>
    %dma_start3A_42 = tpu.memref_squeeze %dma_start3A_41 : memref<1x80x128xi32, #tpu.memory_space<hbm>> -> memref<80x128xi32, #tpu.memory_space<hbm>>
    %dma_start3A_43 = arith.constant 0 : i32
    %dma_start3A_44 = tpu.memref_slice %dma_start3A_42[%dma_start3A_34, %dma_start3A_43] : memref<80x128xi32, #tpu.memory_space<hbm>> -> memref<1x128xi32, #tpu.memory_space<hbm>>
    %dma_start3A_45 = tpu.memref_squeeze %dma_start3A_44 : memref<1x128xi32, #tpu.memory_space<hbm>> -> memref<128xi32, #tpu.memory_space<hbm>>
    %dma_start3A_46 = arith.constant 0 : i32
    %dma_start3A_47 = tpu.memref_slice %arg8[%dma_start3A_35, %dma_start3A_46] : memref<2x128xi32, #tpu.memory_space<vmem>> -> memref<1x128xi32, #tpu.memory_space<vmem>>
    %dma_start3A_48 = tpu.memref_squeeze %dma_start3A_47 : memref<1x128xi32, #tpu.memory_space<vmem>> -> memref<128xi32, #tpu.memory_space<vmem>>
    %dma_start3A_49 = arith.constant 0 : i32
    %dma_start3A_50 = arith.constant 0 : i32
    %dma_start3A_51 = tpu.memref_slice %arg4[%add3A, %dma_start3A_49, %dma_start3A_50] : memref<32x80x128xi32, #tpu.memory_space<hbm>> -> memref<1x80x128xi32, #tpu.memory_space<hbm>>
    %dma_start3A_52 = tpu.memref_squeeze %dma_start3A_51 : memref<1x80x128xi32, #tpu.memory_space<hbm>> -> memref<80x128xi32, #tpu.memory_space<hbm>>
    %dma_start3A_53 = arith.constant 0 : i32
    %dma_start3A_54 = tpu.memref_slice %dma_start3A_52[%dma_start3A_34, %dma_start3A_53] : memref<80x128xi32, #tpu.memory_space<hbm>> -> memref<1x128xi32, #tpu.memory_space<hbm>>
    %dma_start3A_55 = tpu.memref_squeeze %dma_start3A_54 : memref<1x128xi32, #tpu.memory_space<hbm>> -> memref<128xi32, #tpu.memory_space<hbm>>
    tpu.enqueue_dma source(%dma_start3A_55 : memref<128xi32, #tpu.memory_space<hbm>>) target(%dma_start3A_48 : memref<128xi32, #tpu.memory_space<vmem>>) target_semaphore(%arg13 : memref<!tpu.dma_semaphore, #tpu.memory_space<semaphore_mem>>)
    %scan3A = arith.constant 0 : i32
    %scan3A_56 = arith.constant 0 : i32
    %scan3A_57 = arith.constant 40 : i32
    %scan3A_58 = arith.addi %scan3A_56, %scan3A_57 : i32
    %scan3A_59 = arith.constant 1 : i32
    scf.for %scan3A_62 = %scan3A_56 to %scan3A_58 step %scan3A_59  : i32 {
      %mul3A_63 = arith.constant 2 : i32
      %mul3A_64 = arith.muli %scan3A_62, %mul3A_63 : i32
      %add3A_65 = arith.constant 0 : i32
      %add3A_66 = arith.addi %mul3A_64, %add3A_65 : i32
      %add3A_67 = arith.constant 1 : i32
      %add3A_68 = arith.addi %add3A_66, %add3A_67 : i32
      %lt3A = arith.constant 80 : i32
      %lt3A_69 = arith.cmpi slt, %add3A_68, %lt3A : i32
      %convert_element_type3A = arith.extui %lt3A_69 : i1 to i32
      %cond3A = arith.constant 0 : i32
      %cond3A_70 = arith.cmpi ne, %convert_element_type3A, %cond3A : i32
      scf.if %cond3A_70 {
        %add3A_123 = arith.constant 1 : i32
        %add3A_124 = arith.addi %add3A_66, %add3A_123 : i32
        %dma_wait3A_125 = arith.constant 1 : i32
        %dma_wait3A_126 = arith.constant 0 : i32
        %dma_wait3A_127 = tpu.memref_slice %arg7[%dma_wait3A_125, %dma_wait3A_126] : memref<2x128xi32, #tpu.memory_space<vmem>> -> memref<1x128xi32, #tpu.memory_space<vmem>>
        %dma_wait3A_128 = tpu.memref_squeeze %dma_wait3A_127 : memref<1x128xi32, #tpu.memory_space<vmem>> -> memref<128xi32, #tpu.memory_space<vmem>>
        %dma_wait3A_129 = arith.constant 0 : i32
        %dma_wait3A_130 = arith.constant 0 : i32
        %dma_wait3A_131 = tpu.memref_slice %arg3[%add3A, %dma_wait3A_129, %dma_wait3A_130] : memref<32x80x128xi32, #tpu.memory_space<hbm>> -> memref<1x80x128xi32, #tpu.memory_space<hbm>>
        %dma_wait3A_132 = tpu.memref_squeeze %dma_wait3A_131 : memref<1x80x128xi32, #tpu.memory_space<hbm>> -> memref<80x128xi32, #tpu.memory_space<hbm>>
        %dma_wait3A_133 = arith.constant 0 : i32
        %dma_wait3A_134 = tpu.memref_slice %dma_wait3A_132[%add3A_124, %dma_wait3A_133] : memref<80x128xi32, #tpu.memory_space<hbm>> -> memref<1x128xi32, #tpu.memory_space<hbm>>
        %dma_wait3A_135 = tpu.memref_squeeze %dma_wait3A_134 : memref<1x128xi32, #tpu.memory_space<hbm>> -> memref<128xi32, #tpu.memory_space<hbm>>
        %dma_wait3A_136 = arith.constant 0 : i32
        %dma_wait3A_137 = tpu.memref_slice %arg7[%dma_wait3A_125, %dma_wait3A_136] : memref<2x128xi32, #tpu.memory_space<vmem>> -> memref<1x128xi32, #tpu.memory_space<vmem>>
        %dma_wait3A_138 = tpu.memref_squeeze %dma_wait3A_137 : memref<1x128xi32, #tpu.memory_space<vmem>> -> memref<128xi32, #tpu.memory_space<vmem>>
        %dma_wait3A_139 = arith.constant 0 : i32
        %dma_wait3A_140 = arith.constant 0 : i32
        %dma_wait3A_141 = tpu.memref_slice %arg3[%add3A, %dma_wait3A_139, %dma_wait3A_140] : memref<32x80x128xi32, #tpu.memory_space<hbm>> -> memref<1x80x128xi32, #tpu.memory_space<hbm>>
        %dma_wait3A_142 = tpu.memref_squeeze %dma_wait3A_141 : memref<1x80x128xi32, #tpu.memory_space<hbm>> -> memref<80x128xi32, #tpu.memory_space<hbm>>
        %dma_wait3A_143 = arith.constant 0 : i32
        %dma_wait3A_144 = tpu.memref_slice %dma_wait3A_142[%add3A_124, %dma_wait3A_143] : memref<80x128xi32, #tpu.memory_space<hbm>> -> memref<1x128xi32, #tpu.memory_space<hbm>>
        %dma_wait3A_145 = tpu.memref_squeeze %dma_wait3A_144 : memref<1x128xi32, #tpu.memory_space<hbm>> -> memref<128xi32, #tpu.memory_space<hbm>>
        tpu.wait_dma2 semaphore(%arg13 : memref<!tpu.dma_semaphore, #tpu.memory_space<semaphore_mem>>) src(%dma_wait3A_145 : memref<128xi32, #tpu.memory_space<hbm>>) dst(%dma_wait3A_138 : memref<128xi32, #tpu.memory_space<vmem>>)
        %add3A_146 = arith.constant 1 : i32
        %add3A_147 = arith.addi %add3A_66, %add3A_146 : i32
        %dma_wait3A_148 = arith.constant 1 : i32
        %dma_wait3A_149 = arith.constant 0 : i32
        %dma_wait3A_150 = tpu.memref_slice %arg8[%dma_wait3A_148, %dma_wait3A_149] : memref<2x128xi32, #tpu.memory_space<vmem>> -> memref<1x128xi32, #tpu.memory_space<vmem>>
        %dma_wait3A_151 = tpu.memref_squeeze %dma_wait3A_150 : memref<1x128xi32, #tpu.memory_space<vmem>> -> memref<128xi32, #tpu.memory_space<vmem>>
        %dma_wait3A_152 = arith.constant 0 : i32
        %dma_wait3A_153 = arith.constant 0 : i32
        %dma_wait3A_154 = tpu.memref_slice %arg4[%add3A, %dma_wait3A_152, %dma_wait3A_153] : memref<32x80x128xi32, #tpu.memory_space<hbm>> -> memref<1x80x128xi32, #tpu.memory_space<hbm>>
        %dma_wait3A_155 = tpu.memref_squeeze %dma_wait3A_154 : memref<1x80x128xi32, #tpu.memory_space<hbm>> -> memref<80x128xi32, #tpu.memory_space<hbm>>
        %dma_wait3A_156 = arith.constant 0 : i32
        %dma_wait3A_157 = tpu.memref_slice %dma_wait3A_155[%add3A_147, %dma_wait3A_156] : memref<80x128xi32, #tpu.memory_space<hbm>> -> memref<1x128xi32, #tpu.memory_space<hbm>>
        %dma_wait3A_158 = tpu.memref_squeeze %dma_wait3A_157 : memref<1x128xi32, #tpu.memory_space<hbm>> -> memref<128xi32, #tpu.memory_space<hbm>>
        %dma_wait3A_159 = arith.constant 0 : i32
        %dma_wait3A_160 = tpu.memref_slice %arg8[%dma_wait3A_148, %dma_wait3A_159] : memref<2x128xi32, #tpu.memory_space<vmem>> -> memref<1x128xi32, #tpu.memory_space<vmem>>
        %dma_wait3A_161 = tpu.memref_squeeze %dma_wait3A_160 : memref<1x128xi32, #tpu.memory_space<vmem>> -> memref<128xi32, #tpu.memory_space<vmem>>
        %dma_wait3A_162 = arith.constant 0 : i32
        %dma_wait3A_163 = arith.constant 0 : i32
        %dma_wait3A_164 = tpu.memref_slice %arg4[%add3A, %dma_wait3A_162, %dma_wait3A_163] : memref<32x80x128xi32, #tpu.memory_space<hbm>> -> memref<1x80x128xi32, #tpu.memory_space<hbm>>
        %dma_wait3A_165 = tpu.memref_squeeze %dma_wait3A_164 : memref<1x80x128xi32, #tpu.memory_space<hbm>> -> memref<80x128xi32, #tpu.memory_space<hbm>>
        %dma_wait3A_166 = arith.constant 0 : i32
        %dma_wait3A_167 = tpu.memref_slice %dma_wait3A_165[%add3A_147, %dma_wait3A_166] : memref<80x128xi32, #tpu.memory_space<hbm>> -> memref<1x128xi32, #tpu.memory_space<hbm>>
        %dma_wait3A_168 = tpu.memref_squeeze %dma_wait3A_167 : memref<1x128xi32, #tpu.memory_space<hbm>> -> memref<128xi32, #tpu.memory_space<hbm>>
        tpu.wait_dma2 semaphore(%arg13 : memref<!tpu.dma_semaphore, #tpu.memory_space<semaphore_mem>>) src(%dma_wait3A_168 : memref<128xi32, #tpu.memory_space<hbm>>) dst(%dma_wait3A_161 : memref<128xi32, #tpu.memory_space<vmem>>)
      } else {
      }
      %dma_wait3A = arith.constant 0 : i32
      %dma_wait3A_71 = arith.constant 0 : i32
      %dma_wait3A_72 = tpu.memref_slice %arg7[%dma_wait3A, %dma_wait3A_71] : memref<2x128xi32, #tpu.memory_space<vmem>> -> memref<1x128xi32, #tpu.memory_space<vmem>>
      %dma_wait3A_73 = tpu.memref_squeeze %dma_wait3A_72 : memref<1x128xi32, #tpu.memory_space<vmem>> -> memref<128xi32, #tpu.memory_space<vmem>>
      %dma_wait3A_74 = arith.constant 0 : i32
      %dma_wait3A_75 = arith.constant 0 : i32
      %dma_wait3A_76 = tpu.memref_slice %arg2[%dma_wait3A_74, %dma_wait3A_75] : memref<10240x128xf32, #tpu.memory_space<hbm>> -> memref<10240x128xf32, #tpu.memory_space<hbm>>
      tpu.wait_indirect_dma semaphore(%arg12 : memref<!tpu.dma_semaphore, #tpu.memory_space<semaphore_mem>>) src(%dma_wait3A_76 : memref<10240x128xf32, #tpu.memory_space<hbm>>) dst(%arg9 : memref<128x128xf32, #tpu.memory_space<vmem>>)
      %add3A_77 = arith.constant 1 : i32
      %add3A_78 = arith.addi %add3A_66, %add3A_77 : i32
      %lt3A_79 = arith.constant 80 : i32
      %lt3A_80 = arith.cmpi slt, %add3A_78, %lt3A_79 : i32
      %convert_element_type3A_81 = arith.extui %lt3A_80 : i1 to i32
      %cond3A_82 = arith.constant 0 : i32
      %cond3A_83 = arith.cmpi ne, %convert_element_type3A_81, %cond3A_82 : i32
      scf.if %cond3A_83 {
        %dma_start3A_123 = arith.constant 1 : i32
        %dma_start3A_124 = arith.constant 0 : i32
        %dma_start3A_125 = tpu.memref_slice %arg7[%dma_start3A_123, %dma_start3A_124] : memref<2x128xi32, #tpu.memory_space<vmem>> -> memref<1x128xi32, #tpu.memory_space<vmem>>
        %dma_start3A_126 = tpu.memref_squeeze %dma_start3A_125 : memref<1x128xi32, #tpu.memory_space<vmem>> -> memref<128xi32, #tpu.memory_space<vmem>>
        %dma_start3A_127 = arith.constant 0 : i32
        %dma_start3A_128 = arith.constant 0 : i32
        %dma_start3A_129 = tpu.memref_slice %arg2[%dma_start3A_127, %dma_start3A_128] : memref<10240x128xf32, #tpu.memory_space<hbm>> -> memref<10240x128xf32, #tpu.memory_space<hbm>>
        tpu.enqueue_indirect_dma source(%dma_start3A_129 : memref<10240x128xf32, #tpu.memory_space<hbm>>) target(%arg10 : memref<128x128xf32, #tpu.memory_space<vmem>>) offsets(%dma_start3A_126 : memref<128xi32, #tpu.memory_space<vmem>>) semaphore(%arg12 : memref<!tpu.dma_semaphore, #tpu.memory_space<semaphore_mem>>)
      } else {
      }
      %run_scoped3A_84 = arith.constant 0 : i32
      "tpu.region"() ({
        %run_scoped3A_123 = tpu.sem_alloc : memref<!tpu.dma_semaphore, #tpu.memory_space<semaphore_mem>>
        %dma_start3A_124 = arith.constant 0 : i32
        %dma_start3A_125 = tpu.memref_slice %arg8[%run_scoped3A_84, %dma_start3A_124] : memref<2x128xi32, #tpu.memory_space<vmem>> -> memref<1x128xi32, #tpu.memory_space<vmem>>
        %dma_start3A_126 = tpu.memref_squeeze %dma_start3A_125 : memref<1x128xi32, #tpu.memory_space<vmem>> -> memref<128xi32, #tpu.memory_space<vmem>>
        %dma_start3A_127 = arith.constant 0 : i32
        %dma_start3A_128 = arith.constant 0 : i32
        %dma_start3A_129 = tpu.memref_slice %arg11[%dma_start3A_127, %dma_start3A_128] : memref<10240x128xf32, #tpu.memory_space<vmem_shared>> -> memref<10240x128xf32, #tpu.memory_space<vmem_shared>>
        tpu.enqueue_indirect_dma source(%arg9 : memref<128x128xf32, #tpu.memory_space<vmem>>) target(%dma_start3A_129 : memref<10240x128xf32, #tpu.memory_space<vmem_shared>>) offsets(%dma_start3A_126 : memref<128xi32, #tpu.memory_space<vmem>>) semaphore(%run_scoped3A_123 : memref<!tpu.dma_semaphore, #tpu.memory_space<semaphore_mem>>) {add = true}
        %dma_wait3A_130 = arith.constant 0 : i32
        %dma_wait3A_131 = tpu.memref_slice %arg8[%run_scoped3A_84, %dma_wait3A_130] : memref<2x128xi32, #tpu.memory_space<vmem>> -> memref<1x128xi32, #tpu.memory_space<vmem>>
        %dma_wait3A_132 = tpu.memref_squeeze %dma_wait3A_131 : memref<1x128xi32, #tpu.memory_space<vmem>> -> memref<128xi32, #tpu.memory_space<vmem>>
        %dma_wait3A_133 = arith.constant 0 : i32
        %dma_wait3A_134 = arith.constant 0 : i32
        %dma_wait3A_135 = tpu.memref_slice %arg11[%dma_wait3A_133, %dma_wait3A_134] : memref<10240x128xf32, #tpu.memory_space<vmem_shared>> -> memref<10240x128xf32, #tpu.memory_space<vmem_shared>>
        tpu.wait_indirect_dma semaphore(%run_scoped3A_123 : memref<!tpu.dma_semaphore, #tpu.memory_space<semaphore_mem>>) src(%arg9 : memref<128x128xf32, #tpu.memory_space<vmem>>) dst(%dma_wait3A_135 : memref<10240x128xf32, #tpu.memory_space<vmem_shared>>)
        tpu.yield
      }) : () -> ()
      %add3A_85 = arith.constant 2 : i32
      %add3A_86 = arith.addi %add3A_66, %add3A_85 : i32
      %lt3A_87 = arith.constant 80 : i32
      %lt3A_88 = arith.cmpi slt, %add3A_86, %lt3A_87 : i32
      %convert_element_type3A_89 = arith.extui %lt3A_88 : i1 to i32
      %cond3A_90 = arith.constant 0 : i32
      %cond3A_91 = arith.cmpi ne, %convert_element_type3A_89, %cond3A_90 : i32
      scf.if %cond3A_91 {
        %add3A_123 = arith.constant 2 : i32
        %add3A_124 = arith.addi %add3A_66, %add3A_123 : i32
        %dma_start3A_125 = arith.constant 0 : i32
        %dma_start3A_126 = arith.constant 0 : i32
        %dma_start3A_127 = tpu.memref_slice %arg7[%dma_start3A_125, %dma_start3A_126] : memref<2x128xi32, #tpu.memory_space<vmem>> -> memref<1x128xi32, #tpu.memory_space<vmem>>
        %dma_start3A_128 = tpu.memref_squeeze %dma_start3A_127 : memref<1x128xi32, #tpu.memory_space<vmem>> -> memref<128xi32, #tpu.memory_space<vmem>>
        %dma_start3A_129 = arith.constant 0 : i32
        %dma_start3A_130 = arith.constant 0 : i32
        %dma_start3A_131 = tpu.memref_slice %arg3[%add3A, %dma_start3A_129, %dma_start3A_130] : memref<32x80x128xi32, #tpu.memory_space<hbm>> -> memref<1x80x128xi32, #tpu.memory_space<hbm>>
        %dma_start3A_132 = tpu.memref_squeeze %dma_start3A_131 : memref<1x80x128xi32, #tpu.memory_space<hbm>> -> memref<80x128xi32, #tpu.memory_space<hbm>>
        %dma_start3A_133 = arith.constant 0 : i32
        %dma_start3A_134 = tpu.memref_slice %dma_start3A_132[%add3A_124, %dma_start3A_133] : memref<80x128xi32, #tpu.memory_space<hbm>> -> memref<1x128xi32, #tpu.memory_space<hbm>>
        %dma_start3A_135 = tpu.memref_squeeze %dma_start3A_134 : memref<1x128xi32, #tpu.memory_space<hbm>> -> memref<128xi32, #tpu.memory_space<hbm>>
        %dma_start3A_136 = arith.constant 0 : i32
        %dma_start3A_137 = tpu.memref_slice %arg7[%dma_start3A_125, %dma_start3A_136] : memref<2x128xi32, #tpu.memory_space<vmem>> -> memref<1x128xi32, #tpu.memory_space<vmem>>
        %dma_start3A_138 = tpu.memref_squeeze %dma_start3A_137 : memref<1x128xi32, #tpu.memory_space<vmem>> -> memref<128xi32, #tpu.memory_space<vmem>>
        %dma_start3A_139 = arith.constant 0 : i32
        %dma_start3A_140 = arith.constant 0 : i32
        %dma_start3A_141 = tpu.memref_slice %arg3[%add3A, %dma_start3A_139, %dma_start3A_140] : memref<32x80x128xi32, #tpu.memory_space<hbm>> -> memref<1x80x128xi32, #tpu.memory_space<hbm>>
        %dma_start3A_142 = tpu.memref_squeeze %dma_start3A_141 : memref<1x80x128xi32, #tpu.memory_space<hbm>> -> memref<80x128xi32, #tpu.memory_space<hbm>>
        %dma_start3A_143 = arith.constant 0 : i32
        %dma_start3A_144 = tpu.memref_slice %dma_start3A_142[%add3A_124, %dma_start3A_143] : memref<80x128xi32, #tpu.memory_space<hbm>> -> memref<1x128xi32, #tpu.memory_space<hbm>>
        %dma_start3A_145 = tpu.memref_squeeze %dma_start3A_144 : memref<1x128xi32, #tpu.memory_space<hbm>> -> memref<128xi32, #tpu.memory_space<hbm>>
        tpu.enqueue_dma source(%dma_start3A_145 : memref<128xi32, #tpu.memory_space<hbm>>) target(%dma_start3A_138 : memref<128xi32, #tpu.memory_space<vmem>>) target_semaphore(%arg13 : memref<!tpu.dma_semaphore, #tpu.memory_space<semaphore_mem>>)
        %add3A_146 = arith.constant 2 : i32
        %add3A_147 = arith.addi %add3A_66, %add3A_146 : i32
        %dma_start3A_148 = arith.constant 0 : i32
        %dma_start3A_149 = arith.constant 0 : i32
        %dma_start3A_150 = tpu.memref_slice %arg8[%dma_start3A_148, %dma_start3A_149] : memref<2x128xi32, #tpu.memory_space<vmem>> -> memref<1x128xi32, #tpu.memory_space<vmem>>
        %dma_start3A_151 = tpu.memref_squeeze %dma_start3A_150 : memref<1x128xi32, #tpu.memory_space<vmem>> -> memref<128xi32, #tpu.memory_space<vmem>>
        %dma_start3A_152 = arith.constant 0 : i32
        %dma_start3A_153 = arith.constant 0 : i32
        %dma_start3A_154 = tpu.memref_slice %arg4[%add3A, %dma_start3A_152, %dma_start3A_153] : memref<32x80x128xi32, #tpu.memory_space<hbm>> -> memref<1x80x128xi32, #tpu.memory_space<hbm>>
        %dma_start3A_155 = tpu.memref_squeeze %dma_start3A_154 : memref<1x80x128xi32, #tpu.memory_space<hbm>> -> memref<80x128xi32, #tpu.memory_space<hbm>>
        %dma_start3A_156 = arith.constant 0 : i32
        %dma_start3A_157 = tpu.memref_slice %dma_start3A_155[%add3A_147, %dma_start3A_156] : memref<80x128xi32, #tpu.memory_space<hbm>> -> memref<1x128xi32, #tpu.memory_space<hbm>>
        %dma_start3A_158 = tpu.memref_squeeze %dma_start3A_157 : memref<1x128xi32, #tpu.memory_space<hbm>> -> memref<128xi32, #tpu.memory_space<hbm>>
        %dma_start3A_159 = arith.constant 0 : i32
        %dma_start3A_160 = tpu.memref_slice %arg8[%dma_start3A_148, %dma_start3A_159] : memref<2x128xi32, #tpu.memory_space<vmem>> -> memref<1x128xi32, #tpu.memory_space<vmem>>
        %dma_start3A_161 = tpu.memref_squeeze %dma_start3A_160 : memref<1x128xi32, #tpu.memory_space<vmem>> -> memref<128xi32, #tpu.memory_space<vmem>>
        %dma_start3A_162 = arith.constant 0 : i32
        %dma_start3A_163 = arith.constant 0 : i32
        %dma_start3A_164 = tpu.memref_slice %arg4[%add3A, %dma_start3A_162, %dma_start3A_163] : memref<32x80x128xi32, #tpu.memory_space<hbm>> -> memref<1x80x128xi32, #tpu.memory_space<hbm>>
        %dma_start3A_165 = tpu.memref_squeeze %dma_start3A_164 : memref<1x80x128xi32, #tpu.memory_space<hbm>> -> memref<80x128xi32, #tpu.memory_space<hbm>>
        %dma_start3A_166 = arith.constant 0 : i32
        %dma_start3A_167 = tpu.memref_slice %dma_start3A_165[%add3A_147, %dma_start3A_166] : memref<80x128xi32, #tpu.memory_space<hbm>> -> memref<1x128xi32, #tpu.memory_space<hbm>>
        %dma_start3A_168 = tpu.memref_squeeze %dma_start3A_167 : memref<1x128xi32, #tpu.memory_space<hbm>> -> memref<128xi32, #tpu.memory_space<hbm>>
        tpu.enqueue_dma source(%dma_start3A_168 : memref<128xi32, #tpu.memory_space<hbm>>) target(%dma_start3A_161 : memref<128xi32, #tpu.memory_space<vmem>>) target_semaphore(%arg13 : memref<!tpu.dma_semaphore, #tpu.memory_space<semaphore_mem>>)
      } else {
      }
      %add3A_92 = arith.constant 1 : i32
      %add3A_93 = arith.addi %mul3A_64, %add3A_92 : i32
      %add3A_94 = arith.constant 1 : i32
      %add3A_95 = arith.addi %add3A_93, %add3A_94 : i32
      %lt3A_96 = arith.constant 80 : i32
      %lt3A_97 = arith.cmpi slt, %add3A_95, %lt3A_96 : i32
      %convert_element_type3A_98 = arith.extui %lt3A_97 : i1 to i32
      %cond3A_99 = arith.constant 0 : i32
      %cond3A_100 = arith.cmpi ne, %convert_element_type3A_98, %cond3A_99 : i32
      scf.if %cond3A_100 {
        %add3A_123 = arith.constant 1 : i32
        %add3A_124 = arith.addi %add3A_93, %add3A_123 : i32
        %dma_wait3A_125 = arith.constant 0 : i32
        %dma_wait3A_126 = arith.constant 0 : i32
        %dma_wait3A_127 = tpu.memref_slice %arg7[%dma_wait3A_125, %dma_wait3A_126] : memref<2x128xi32, #tpu.memory_space<vmem>> -> memref<1x128xi32, #tpu.memory_space<vmem>>
        %dma_wait3A_128 = tpu.memref_squeeze %dma_wait3A_127 : memref<1x128xi32, #tpu.memory_space<vmem>> -> memref<128xi32, #tpu.memory_space<vmem>>
        %dma_wait3A_129 = arith.constant 0 : i32
        %dma_wait3A_130 = arith.constant 0 : i32
        %dma_wait3A_131 = tpu.memref_slice %arg3[%add3A, %dma_wait3A_129, %dma_wait3A_130] : memref<32x80x128xi32, #tpu.memory_space<hbm>> -> memref<1x80x128xi32, #tpu.memory_space<hbm>>
        %dma_wait3A_132 = tpu.memref_squeeze %dma_wait3A_131 : memref<1x80x128xi32, #tpu.memory_space<hbm>> -> memref<80x128xi32, #tpu.memory_space<hbm>>
        %dma_wait3A_133 = arith.constant 0 : i32
        %dma_wait3A_134 = tpu.memref_slice %dma_wait3A_132[%add3A_124, %dma_wait3A_133] : memref<80x128xi32, #tpu.memory_space<hbm>> -> memref<1x128xi32, #tpu.memory_space<hbm>>
        %dma_wait3A_135 = tpu.memref_squeeze %dma_wait3A_134 : memref<1x128xi32, #tpu.memory_space<hbm>> -> memref<128xi32, #tpu.memory_space<hbm>>
        %dma_wait3A_136 = arith.constant 0 : i32
        %dma_wait3A_137 = tpu.memref_slice %arg7[%dma_wait3A_125, %dma_wait3A_136] : memref<2x128xi32, #tpu.memory_space<vmem>> -> memref<1x128xi32, #tpu.memory_space<vmem>>
        %dma_wait3A_138 = tpu.memref_squeeze %dma_wait3A_137 : memref<1x128xi32, #tpu.memory_space<vmem>> -> memref<128xi32, #tpu.memory_space<vmem>>
        %dma_wait3A_139 = arith.constant 0 : i32
        %dma_wait3A_140 = arith.constant 0 : i32
        %dma_wait3A_141 = tpu.memref_slice %arg3[%add3A, %dma_wait3A_139, %dma_wait3A_140] : memref<32x80x128xi32, #tpu.memory_space<hbm>> -> memref<1x80x128xi32, #tpu.memory_space<hbm>>
        %dma_wait3A_142 = tpu.memref_squeeze %dma_wait3A_141 : memref<1x80x128xi32, #tpu.memory_space<hbm>> -> memref<80x128xi32, #tpu.memory_space<hbm>>
        %dma_wait3A_143 = arith.constant 0 : i32
        %dma_wait3A_144 = tpu.memref_slice %dma_wait3A_142[%add3A_124, %dma_wait3A_143] : memref<80x128xi32, #tpu.memory_space<hbm>> -> memref<1x128xi32, #tpu.memory_space<hbm>>
        %dma_wait3A_145 = tpu.memref_squeeze %dma_wait3A_144 : memref<1x128xi32, #tpu.memory_space<hbm>> -> memref<128xi32, #tpu.memory_space<hbm>>
        tpu.wait_dma2 semaphore(%arg13 : memref<!tpu.dma_semaphore, #tpu.memory_space<semaphore_mem>>) src(%dma_wait3A_145 : memref<128xi32, #tpu.memory_space<hbm>>) dst(%dma_wait3A_138 : memref<128xi32, #tpu.memory_space<vmem>>)
        %add3A_146 = arith.constant 1 : i32
        %add3A_147 = arith.addi %add3A_93, %add3A_146 : i32
        %dma_wait3A_148 = arith.constant 0 : i32
        %dma_wait3A_149 = arith.constant 0 : i32
        %dma_wait3A_150 = tpu.memref_slice %arg8[%dma_wait3A_148, %dma_wait3A_149] : memref<2x128xi32, #tpu.memory_space<vmem>> -> memref<1x128xi32, #tpu.memory_space<vmem>>
        %dma_wait3A_151 = tpu.memref_squeeze %dma_wait3A_150 : memref<1x128xi32, #tpu.memory_space<vmem>> -> memref<128xi32, #tpu.memory_space<vmem>>
        %dma_wait3A_152 = arith.constant 0 : i32
        %dma_wait3A_153 = arith.constant 0 : i32
        %dma_wait3A_154 = tpu.memref_slice %arg4[%add3A, %dma_wait3A_152, %dma_wait3A_153] : memref<32x80x128xi32, #tpu.memory_space<hbm>> -> memref<1x80x128xi32, #tpu.memory_space<hbm>>
        %dma_wait3A_155 = tpu.memref_squeeze %dma_wait3A_154 : memref<1x80x128xi32, #tpu.memory_space<hbm>> -> memref<80x128xi32, #tpu.memory_space<hbm>>
        %dma_wait3A_156 = arith.constant 0 : i32
        %dma_wait3A_157 = tpu.memref_slice %dma_wait3A_155[%add3A_147, %dma_wait3A_156] : memref<80x128xi32, #tpu.memory_space<hbm>> -> memref<1x128xi32, #tpu.memory_space<hbm>>
        %dma_wait3A_158 = tpu.memref_squeeze %dma_wait3A_157 : memref<1x128xi32, #tpu.memory_space<hbm>> -> memref<128xi32, #tpu.memory_space<hbm>>
        %dma_wait3A_159 = arith.constant 0 : i32
        %dma_wait3A_160 = tpu.memref_slice %arg8[%dma_wait3A_148, %dma_wait3A_159] : memref<2x128xi32, #tpu.memory_space<vmem>> -> memref<1x128xi32, #tpu.memory_space<vmem>>
        %dma_wait3A_161 = tpu.memref_squeeze %dma_wait3A_160 : memref<1x128xi32, #tpu.memory_space<vmem>> -> memref<128xi32, #tpu.memory_space<vmem>>
        %dma_wait3A_162 = arith.constant 0 : i32
        %dma_wait3A_163 = arith.constant 0 : i32
        %dma_wait3A_164 = tpu.memref_slice %arg4[%add3A, %dma_wait3A_162, %dma_wait3A_163] : memref<32x80x128xi32, #tpu.memory_space<hbm>> -> memref<1x80x128xi32, #tpu.memory_space<hbm>>
        %dma_wait3A_165 = tpu.memref_squeeze %dma_wait3A_164 : memref<1x80x128xi32, #tpu.memory_space<hbm>> -> memref<80x128xi32, #tpu.memory_space<hbm>>
        %dma_wait3A_166 = arith.constant 0 : i32
        %dma_wait3A_167 = tpu.memref_slice %dma_wait3A_165[%add3A_147, %dma_wait3A_166] : memref<80x128xi32, #tpu.memory_space<hbm>> -> memref<1x128xi32, #tpu.memory_space<hbm>>
        %dma_wait3A_168 = tpu.memref_squeeze %dma_wait3A_167 : memref<1x128xi32, #tpu.memory_space<hbm>> -> memref<128xi32, #tpu.memory_space<hbm>>
        tpu.wait_dma2 semaphore(%arg13 : memref<!tpu.dma_semaphore, #tpu.memory_space<semaphore_mem>>) src(%dma_wait3A_168 : memref<128xi32, #tpu.memory_space<hbm>>) dst(%dma_wait3A_161 : memref<128xi32, #tpu.memory_space<vmem>>)
      } else {
      }
      %dma_wait3A_101 = arith.constant 1 : i32
      %dma_wait3A_102 = arith.constant 0 : i32
      %dma_wait3A_103 = tpu.memref_slice %arg7[%dma_wait3A_101, %dma_wait3A_102] : memref<2x128xi32, #tpu.memory_space<vmem>> -> memref<1x128xi32, #tpu.memory_space<vmem>>
      %dma_wait3A_104 = tpu.memref_squeeze %dma_wait3A_103 : memref<1x128xi32, #tpu.memory_space<vmem>> -> memref<128xi32, #tpu.memory_space<vmem>>
      %dma_wait3A_105 = arith.constant 0 : i32
      %dma_wait3A_106 = arith.constant 0 : i32
      %dma_wait3A_107 = tpu.memref_slice %arg2[%dma_wait3A_105, %dma_wait3A_106] : memref<10240x128xf32, #tpu.memory_space<hbm>> -> memref<10240x128xf32, #tpu.memory_space<hbm>>
      tpu.wait_indirect_dma semaphore(%arg12 : memref<!tpu.dma_semaphore, #tpu.memory_space<semaphore_mem>>) src(%dma_wait3A_107 : memref<10240x128xf32, #tpu.memory_space<hbm>>) dst(%arg10 : memref<128x128xf32, #tpu.memory_space<vmem>>)
      %add3A_108 = arith.constant 1 : i32
      %add3A_109 = arith.addi %add3A_93, %add3A_108 : i32
      %lt3A_110 = arith.constant 80 : i32
      %lt3A_111 = arith.cmpi slt, %add3A_109, %lt3A_110 : i32
      %convert_element_type3A_112 = arith.extui %lt3A_111 : i1 to i32
      %cond3A_113 = arith.constant 0 : i32
      %cond3A_114 = arith.cmpi ne, %convert_element_type3A_112, %cond3A_113 : i32
      scf.if %cond3A_114 {
        %dma_start3A_123 = arith.constant 0 : i32
        %dma_start3A_124 = arith.constant 0 : i32
        %dma_start3A_125 = tpu.memref_slice %arg7[%dma_start3A_123, %dma_start3A_124] : memref<2x128xi32, #tpu.memory_space<vmem>> -> memref<1x128xi32, #tpu.memory_space<vmem>>
        %dma_start3A_126 = tpu.memref_squeeze %dma_start3A_125 : memref<1x128xi32, #tpu.memory_space<vmem>> -> memref<128xi32, #tpu.memory_space<vmem>>
        %dma_start3A_127 = arith.constant 0 : i32
        %dma_start3A_128 = arith.constant 0 : i32
        %dma_start3A_129 = tpu.memref_slice %arg2[%dma_start3A_127, %dma_start3A_128] : memref<10240x128xf32, #tpu.memory_space<hbm>> -> memref<10240x128xf32, #tpu.memory_space<hbm>>
        tpu.enqueue_indirect_dma source(%dma_start3A_129 : memref<10240x128xf32, #tpu.memory_space<hbm>>) target(%arg9 : memref<128x128xf32, #tpu.memory_space<vmem>>) offsets(%dma_start3A_126 : memref<128xi32, #tpu.memory_space<vmem>>) semaphore(%arg12 : memref<!tpu.dma_semaphore, #tpu.memory_space<semaphore_mem>>)
      } else {
      }
      %run_scoped3A_115 = arith.constant 1 : i32
      "tpu.region"() ({
        %run_scoped3A_123 = tpu.sem_alloc : memref<!tpu.dma_semaphore, #tpu.memory_space<semaphore_mem>>
        %dma_start3A_124 = arith.constant 0 : i32
        %dma_start3A_125 = tpu.memref_slice %arg8[%run_scoped3A_115, %dma_start3A_124] : memref<2x128xi32, #tpu.memory_space<vmem>> -> memref<1x128xi32, #tpu.memory_space<vmem>>
        %dma_start3A_126 = tpu.memref_squeeze %dma_start3A_125 : memref<1x128xi32, #tpu.memory_space<vmem>> -> memref<128xi32, #tpu.memory_space<vmem>>
        %dma_start3A_127 = arith.constant 0 : i32
        %dma_start3A_128 = arith.constant 0 : i32
        %dma_start3A_129 = tpu.memref_slice %arg11[%dma_start3A_127, %dma_start3A_128] : memref<10240x128xf32, #tpu.memory_space<vmem_shared>> -> memref<10240x128xf32, #tpu.memory_space<vmem_shared>>
        tpu.enqueue_indirect_dma source(%arg10 : memref<128x128xf32, #tpu.memory_space<vmem>>) target(%dma_start3A_129 : memref<10240x128xf32, #tpu.memory_space<vmem_shared>>) offsets(%dma_start3A_126 : memref<128xi32, #tpu.memory_space<vmem>>) semaphore(%run_scoped3A_123 : memref<!tpu.dma_semaphore, #tpu.memory_space<semaphore_mem>>) {add = true}
        %dma_wait3A_130 = arith.constant 0 : i32
        %dma_wait3A_131 = tpu.memref_slice %arg8[%run_scoped3A_115, %dma_wait3A_130] : memref<2x128xi32, #tpu.memory_space<vmem>> -> memref<1x128xi32, #tpu.memory_space<vmem>>
        %dma_wait3A_132 = tpu.memref_squeeze %dma_wait3A_131 : memref<1x128xi32, #tpu.memory_space<vmem>> -> memref<128xi32, #tpu.memory_space<vmem>>
        %dma_wait3A_133 = arith.constant 0 : i32
        %dma_wait3A_134 = arith.constant 0 : i32
        %dma_wait3A_135 = tpu.memref_slice %arg11[%dma_wait3A_133, %dma_wait3A_134] : memref<10240x128xf32, #tpu.memory_space<vmem_shared>> -> memref<10240x128xf32, #tpu.memory_space<vmem_shared>>
        tpu.wait_indirect_dma semaphore(%run_scoped3A_123 : memref<!tpu.dma_semaphore, #tpu.memory_space<semaphore_mem>>) src(%arg10 : memref<128x128xf32, #tpu.memory_space<vmem>>) dst(%dma_wait3A_135 : memref<10240x128xf32, #tpu.memory_space<vmem_shared>>)
        tpu.yield
      }) : () -> ()
      %add3A_116 = arith.constant 2 : i32
      %add3A_117 = arith.addi %add3A_93, %add3A_116 : i32
      %lt3A_118 = arith.constant 80 : i32
      %lt3A_119 = arith.cmpi slt, %add3A_117, %lt3A_118 : i32
      %convert_element_type3A_120 = arith.extui %lt3A_119 : i1 to i32
      %cond3A_121 = arith.constant 0 : i32
      %cond3A_122 = arith.cmpi ne, %convert_element_type3A_120, %cond3A_121 : i32
      scf.if %cond3A_122 {
        %add3A_123 = arith.constant 2 : i32
        %add3A_124 = arith.addi %add3A_93, %add3A_123 : i32
        %dma_start3A_125 = arith.constant 1 : i32
        %dma_start3A_126 = arith.constant 0 : i32
        %dma_start3A_127 = tpu.memref_slice %arg7[%dma_start3A_125, %dma_start3A_126] : memref<2x128xi32, #tpu.memory_space<vmem>> -> memref<1x128xi32, #tpu.memory_space<vmem>>
        %dma_start3A_128 = tpu.memref_squeeze %dma_start3A_127 : memref<1x128xi32, #tpu.memory_space<vmem>> -> memref<128xi32, #tpu.memory_space<vmem>>
        %dma_start3A_129 = arith.constant 0 : i32
        %dma_start3A_130 = arith.constant 0 : i32
        %dma_start3A_131 = tpu.memref_slice %arg3[%add3A, %dma_start3A_129, %dma_start3A_130] : memref<32x80x128xi32, #tpu.memory_space<hbm>> -> memref<1x80x128xi32, #tpu.memory_space<hbm>>
        %dma_start3A_132 = tpu.memref_squeeze %dma_start3A_131 : memref<1x80x128xi32, #tpu.memory_space<hbm>> -> memref<80x128xi32, #tpu.memory_space<hbm>>
        %dma_start3A_133 = arith.constant 0 : i32
        %dma_start3A_134 = tpu.memref_slice %dma_start3A_132[%add3A_124, %dma_start3A_133] : memref<80x128xi32, #tpu.memory_space<hbm>> -> memref<1x128xi32, #tpu.memory_space<hbm>>
        %dma_start3A_135 = tpu.memref_squeeze %dma_start3A_134 : memref<1x128xi32, #tpu.memory_space<hbm>> -> memref<128xi32, #tpu.memory_space<hbm>>
        %dma_start3A_136 = arith.constant 0 : i32
        %dma_start3A_137 = tpu.memref_slice %arg7[%dma_start3A_125, %dma_start3A_136] : memref<2x128xi32, #tpu.memory_space<vmem>> -> memref<1x128xi32, #tpu.memory_space<vmem>>
        %dma_start3A_138 = tpu.memref_squeeze %dma_start3A_137 : memref<1x128xi32, #tpu.memory_space<vmem>> -> memref<128xi32, #tpu.memory_space<vmem>>
        %dma_start3A_139 = arith.constant 0 : i32
        %dma_start3A_140 = arith.constant 0 : i32
        %dma_start3A_141 = tpu.memref_slice %arg3[%add3A, %dma_start3A_139, %dma_start3A_140] : memref<32x80x128xi32, #tpu.memory_space<hbm>> -> memref<1x80x128xi32, #tpu.memory_space<hbm>>
        %dma_start3A_142 = tpu.memref_squeeze %dma_start3A_141 : memref<1x80x128xi32, #tpu.memory_space<hbm>> -> memref<80x128xi32, #tpu.memory_space<hbm>>
        %dma_start3A_143 = arith.constant 0 : i32
        %dma_start3A_144 = tpu.memref_slice %dma_start3A_142[%add3A_124, %dma_start3A_143] : memref<80x128xi32, #tpu.memory_space<hbm>> -> memref<1x128xi32, #tpu.memory_space<hbm>>
        %dma_start3A_145 = tpu.memref_squeeze %dma_start3A_144 : memref<1x128xi32, #tpu.memory_space<hbm>> -> memref<128xi32, #tpu.memory_space<hbm>>
        tpu.enqueue_dma source(%dma_start3A_145 : memref<128xi32, #tpu.memory_space<hbm>>) target(%dma_start3A_138 : memref<128xi32, #tpu.memory_space<vmem>>) target_semaphore(%arg13 : memref<!tpu.dma_semaphore, #tpu.memory_space<semaphore_mem>>)
        %add3A_146 = arith.constant 2 : i32
        %add3A_147 = arith.addi %add3A_93, %add3A_146 : i32
        %dma_start3A_148 = arith.constant 1 : i32
        %dma_start3A_149 = arith.constant 0 : i32
        %dma_start3A_150 = tpu.memref_slice %arg8[%dma_start3A_148, %dma_start3A_149] : memref<2x128xi32, #tpu.memory_space<vmem>> -> memref<1x128xi32, #tpu.memory_space<vmem>>
        %dma_start3A_151 = tpu.memref_squeeze %dma_start3A_150 : memref<1x128xi32, #tpu.memory_space<vmem>> -> memref<128xi32, #tpu.memory_space<vmem>>
        %dma_start3A_152 = arith.constant 0 : i32
        %dma_start3A_153 = arith.constant 0 : i32
        %dma_start3A_154 = tpu.memref_slice %arg4[%add3A, %dma_start3A_152, %dma_start3A_153] : memref<32x80x128xi32, #tpu.memory_space<hbm>> -> memref<1x80x128xi32, #tpu.memory_space<hbm>>
        %dma_start3A_155 = tpu.memref_squeeze %dma_start3A_154 : memref<1x80x128xi32, #tpu.memory_space<hbm>> -> memref<80x128xi32, #tpu.memory_space<hbm>>
        %dma_start3A_156 = arith.constant 0 : i32
        %dma_start3A_157 = tpu.memref_slice %dma_start3A_155[%add3A_147, %dma_start3A_156] : memref<80x128xi32, #tpu.memory_space<hbm>> -> memref<1x128xi32, #tpu.memory_space<hbm>>
        %dma_start3A_158 = tpu.memref_squeeze %dma_start3A_157 : memref<1x128xi32, #tpu.memory_space<hbm>> -> memref<128xi32, #tpu.memory_space<hbm>>
        %dma_start3A_159 = arith.constant 0 : i32
        %dma_start3A_160 = tpu.memref_slice %arg8[%dma_start3A_148, %dma_start3A_159] : memref<2x128xi32, #tpu.memory_space<vmem>> -> memref<1x128xi32, #tpu.memory_space<vmem>>
        %dma_start3A_161 = tpu.memref_squeeze %dma_start3A_160 : memref<1x128xi32, #tpu.memory_space<vmem>> -> memref<128xi32, #tpu.memory_space<vmem>>
        %dma_start3A_162 = arith.constant 0 : i32
        %dma_start3A_163 = arith.constant 0 : i32
        %dma_start3A_164 = tpu.memref_slice %arg4[%add3A, %dma_start3A_162, %dma_start3A_163] : memref<32x80x128xi32, #tpu.memory_space<hbm>> -> memref<1x80x128xi32, #tpu.memory_space<hbm>>
        %dma_start3A_165 = tpu.memref_squeeze %dma_start3A_164 : memref<1x80x128xi32, #tpu.memory_space<hbm>> -> memref<80x128xi32, #tpu.memory_space<hbm>>
        %dma_start3A_166 = arith.constant 0 : i32
        %dma_start3A_167 = tpu.memref_slice %dma_start3A_165[%add3A_147, %dma_start3A_166] : memref<80x128xi32, #tpu.memory_space<hbm>> -> memref<1x128xi32, #tpu.memory_space<hbm>>
        %dma_start3A_168 = tpu.memref_squeeze %dma_start3A_167 : memref<1x128xi32, #tpu.memory_space<hbm>> -> memref<128xi32, #tpu.memory_space<hbm>>
        tpu.enqueue_dma source(%dma_start3A_168 : memref<128xi32, #tpu.memory_space<hbm>>) target(%dma_start3A_161 : memref<128xi32, #tpu.memory_space<vmem>>) target_semaphore(%arg13 : memref<!tpu.dma_semaphore, #tpu.memory_space<semaphore_mem>>)
      } else {
      }
    }
    %scan3A_60 = arith.constant 40 : i32
    %barrier3A_61 = arith.constant 0 : index
    tpu.barrier barrier_id(%barrier3A_61)
    "tpu.region"() ({
      %run_scoped3A_62 = tpu.sem_alloc : memref<!tpu.dma_semaphore, #tpu.memory_space<semaphore_mem>>
      %dma_start3A_63 = arith.constant 0 : i32
      %dma_start3A_64 = arith.constant 0 : i32
      %dma_start3A_65 = tpu.memref_slice %arg6[%arg0, %dma_start3A_63, %dma_start3A_64] : memref<2x10240x128xf32, #tpu.memory_space<hbm>> -> memref<1x10240x128xf32, #tpu.memory_space<hbm>>
      %dma_start3A_66 = tpu.memref_squeeze %dma_start3A_65 : memref<1x10240x128xf32, #tpu.memory_space<hbm>> -> memref<10240x128xf32, #tpu.memory_space<hbm>>
      %dma_start3A_67 = arith.constant 0 : i32
      %dma_start3A_68 = tpu.memref_slice %dma_start3A_66[%mul3A_2, %dma_start3A_67] : memref<10240x128xf32, #tpu.memory_space<hbm>> -> memref<640x128xf32, #tpu.memory_space<hbm>>
      %dma_start3A_69 = arith.constant 0 : i32
      %dma_start3A_70 = tpu.memref_slice %arg11[%mul3A_2, %dma_start3A_69] : memref<10240x128xf32, #tpu.memory_space<vmem_shared>> -> memref<640x128xf32, #tpu.memory_space<vmem_shared>>
      tpu.enqueue_dma source(%dma_start3A_70 : memref<640x128xf32, #tpu.memory_space<vmem_shared>>) target(%dma_start3A_68 : memref<640x128xf32, #tpu.memory_space<hbm>>) target_semaphore(%run_scoped3A_62 : memref<!tpu.dma_semaphore, #tpu.memory_space<semaphore_mem>>)
      %dma_wait3A = arith.constant 0 : i32
      %dma_wait3A_71 = arith.constant 0 : i32
      %dma_wait3A_72 = tpu.memref_slice %arg6[%arg0, %dma_wait3A, %dma_wait3A_71] : memref<2x10240x128xf32, #tpu.memory_space<hbm>> -> memref<1x10240x128xf32, #tpu.memory_space<hbm>>
      %dma_wait3A_73 = tpu.memref_squeeze %dma_wait3A_72 : memref<1x10240x128xf32, #tpu.memory_space<hbm>> -> memref<10240x128xf32, #tpu.memory_space<hbm>>
      %dma_wait3A_74 = arith.constant 0 : i32
      %dma_wait3A_75 = tpu.memref_slice %dma_wait3A_73[%mul3A_2, %dma_wait3A_74] : memref<10240x128xf32, #tpu.memory_space<hbm>> -> memref<640x128xf32, #tpu.memory_space<hbm>>
      %dma_wait3A_76 = arith.constant 0 : i32
      %dma_wait3A_77 = tpu.memref_slice %arg11[%mul3A_2, %dma_wait3A_76] : memref<10240x128xf32, #tpu.memory_space<vmem_shared>> -> memref<640x128xf32, #tpu.memory_space<vmem_shared>>
      tpu.wait_dma2 semaphore(%run_scoped3A_62 : memref<!tpu.dma_semaphore, #tpu.memory_space<semaphore_mem>>) src(%dma_wait3A_77 : memref<640x128xf32, #tpu.memory_space<vmem_shared>>) dst(%dma_wait3A_75 : memref<640x128xf32, #tpu.memory_space<hbm>>)
      tpu.yield
    }) : () -> ()
    return
  }
}

#map = affine_map<(d0, d1) -> (0, 0)>
#map1 = affine_map<(d0, d1) -> (0, 0, 0)>
module attributes {stable_mosaic.version = 14 : i64} {
  func.func @run(%arg0: i32, %arg1: i32, %arg2: memref<10240x128xf32, #tpu.memory_space<hbm>>, %arg3: memref<32x80x128xi32, #tpu.memory_space<hbm>>, %arg4: memref<32x80x128xi32, #tpu.memory_space<hbm>>, %arg5: memref<640x128xf32, #tpu.memory_space<hbm>>, %arg6: memref<2x10240x128xf32, #tpu.memory_space<hbm>>, %arg7: memref<2x128xi32, #tpu.memory_space<vmem>>, %arg8: memref<2x128xi32, #tpu.memory_space<vmem>>, %arg9: memref<128x128xf32, #tpu.memory_space<vmem>>, %arg10: memref<128x128xf32, #tpu.memory_space<vmem>>, %arg11: memref<10240x128xf32, #tpu.memory_space<vmem_shared>>, %arg12: memref<!tpu.dma_semaphore, #tpu.memory_space<semaphore_mem>>, %arg13: memref<!tpu.dma_semaphore, #tpu.memory_space<semaphore_mem>>) attributes {dimension_semantics = [#tpu.dimension_semantics<core_parallel>, #tpu.dimension_semantics<subcore_parallel>], iteration_bounds = array<i64: 2, 16>, scalar_prefetch = 0 : i64, scratch_operands = 7 : i64, tpu.core_type = #tpu.core_type<sc_vector_subcore>, window_params = [{transform_indices = #map}, {transform_indices = #map1}, {transform_indices = #map1}, {transform_indices = #map}, {transform_indices = #map1}]} {
    %mul3A = arith.constant 2 : i32
    %mul3A_0 = arith.muli %arg1, %mul3A : i32
    %add3A = arith.addi %mul3A_0, %arg0 : i32
    %mul3A_1 = arith.constant 640 : i32
    %mul3A_2 = arith.muli %arg1, %mul3A_1 : i32
    "tpu.region"() ({
      %run_scoped3A_62 = tpu.sem_alloc : memref<!tpu.dma_semaphore, #tpu.memory_space<semaphore_mem>>
      %dma_start3A_63 = arith.constant 0 : i32
      %dma_start3A_64 = tpu.memref_slice %arg11[%mul3A_2, %dma_start3A_63] : memref<10240x128xf32, #tpu.memory_space<vmem_shared>> -> memref<640x128xf32, #tpu.memory_space<vmem_shared>>
      tpu.enqueue_dma source(%arg5 : memref<640x128xf32, #tpu.memory_space<hbm>>) target(%dma_start3A_64 : memref<640x128xf32, #tpu.memory_space<vmem_shared>>) target_semaphore(%run_scoped3A_62 : memref<!tpu.dma_semaphore, #tpu.memory_space<semaphore_mem>>)
      %dma_wait3A = arith.constant 0 : i32
      %dma_wait3A_65 = tpu.memref_slice %arg11[%mul3A_2, %dma_wait3A] : memref<10240x128xf32, #tpu.memory_space<vmem_shared>> -> memref<640x128xf32, #tpu.memory_space<vmem_shared>>
      tpu.wait_dma2 semaphore(%run_scoped3A_62 : memref<!tpu.dma_semaphore, #tpu.memory_space<semaphore_mem>>) src(%arg5 : memref<640x128xf32, #tpu.memory_space<hbm>>) dst(%dma_wait3A_65 : memref<640x128xf32, #tpu.memory_space<vmem_shared>>)
      tpu.yield
    }) : () -> ()
    %barrier3A = arith.constant 0 : index
    tpu.barrier barrier_id(%barrier3A)
    %run_scoped3A = arith.constant 0 : i32
    %run_scoped3A_3 = arith.constant 0 : i32
    "tpu.region"() ({
      %run_scoped3A_62 = tpu.sem_alloc : memref<!tpu.dma_semaphore, #tpu.memory_space<semaphore_mem>>
      %dma_start3A_63 = arith.constant 0 : i32
      %dma_start3A_64 = tpu.memref_slice %arg7[%run_scoped3A_3, %dma_start3A_63] : memref<2x128xi32, #tpu.memory_space<vmem>> -> memref<1x128xi32, #tpu.memory_space<vmem>>
      %dma_start3A_65 = tpu.memref_squeeze %dma_start3A_64 : memref<1x128xi32, #tpu.memory_space<vmem>> -> memref<128xi32, #tpu.memory_space<vmem>>
      %dma_start3A_66 = arith.constant 0 : i32
      %dma_start3A_67 = arith.constant 0 : i32
      %dma_start3A_68 = tpu.memref_slice %arg3[%add3A, %dma_start3A_66, %dma_start3A_67] : memref<32x80x128xi32, #tpu.memory_space<hbm>> -> memref<1x80x128xi32, #tpu.memory_space<hbm>>
      %dma_start3A_69 = tpu.memref_squeeze %dma_start3A_68 : memref<1x80x128xi32, #tpu.memory_space<hbm>> -> memref<80x128xi32, #tpu.memory_space<hbm>>
      %dma_start3A_70 = arith.constant 0 : i32
      %dma_start3A_71 = tpu.memref_slice %dma_start3A_69[%run_scoped3A, %dma_start3A_70] : memref<80x128xi32, #tpu.memory_space<hbm>> -> memref<1x128xi32, #tpu.memory_space<hbm>>
      %dma_start3A_72 = tpu.memref_squeeze %dma_start3A_71 : memref<1x128xi32, #tpu.memory_space<hbm>> -> memref<128xi32, #tpu.memory_space<hbm>>
      %dma_start3A_73 = arith.constant 0 : i32
      %dma_start3A_74 = tpu.memref_slice %arg7[%run_scoped3A_3, %dma_start3A_73] : memref<2x128xi32, #tpu.memory_space<vmem>> -> memref<1x128xi32, #tpu.memory_space<vmem>>
      %dma_start3A_75 = tpu.memref_squeeze %dma_start3A_74 : memref<1x128xi32, #tpu.memory_space<vmem>> -> memref<128xi32, #tpu.memory_space<vmem>>
      %dma_start3A_76 = arith.constant 0 : i32
      %dma_start3A_77 = arith.constant 0 : i32
      %dma_start3A_78 = tpu.memref_slice %arg3[%add3A, %dma_start3A_76, %dma_start3A_77] : memref<32x80x128xi32, #tpu.memory_space<hbm>> -> memref<1x80x128xi32, #tpu.memory_space<hbm>>
      %dma_start3A_79 = tpu.memref_squeeze %dma_start3A_78 : memref<1x80x128xi32, #tpu.memory_space<hbm>> -> memref<80x128xi32, #tpu.memory_space<hbm>>
      %dma_start3A_80 = arith.constant 0 : i32
      %dma_start3A_81 = tpu.memref_slice %dma_start3A_79[%run_scoped3A, %dma_start3A_80] : memref<80x128xi32, #tpu.memory_space<hbm>> -> memref<1x128xi32, #tpu.memory_space<hbm>>
      %dma_start3A_82 = tpu.memref_squeeze %dma_start3A_81 : memref<1x128xi32, #tpu.memory_space<hbm>> -> memref<128xi32, #tpu.memory_space<hbm>>
      tpu.enqueue_dma source(%dma_start3A_82 : memref<128xi32, #tpu.memory_space<hbm>>) target(%dma_start3A_75 : memref<128xi32, #tpu.memory_space<vmem>>) target_semaphore(%run_scoped3A_62 : memref<!tpu.dma_semaphore, #tpu.memory_space<semaphore_mem>>)
      %dma_wait3A = arith.constant 0 : i32
      %dma_wait3A_83 = tpu.memref_slice %arg7[%run_scoped3A_3, %dma_wait3A] : memref<2x128xi32, #tpu.memory_space<vmem>> -> memref<1x128xi32, #tpu.memory_space<vmem>>
      %dma_wait3A_84 = tpu.memref_squeeze %dma_wait3A_83 : memref<1x128xi32, #tpu.memory_space<vmem>> -> memref<128xi32, #tpu.memory_space<vmem>>
      %dma_wait3A_85 = arith.constant 0 : i32
      %dma_wait3A_86 = arith.constant 0 : i32
      %dma_wait3A_87 = tpu.memref_slice %arg3[%add3A, %dma_wait3A_85, %dma_wait3A_86] : memref<32x80x128xi32, #tpu.memory_space<hbm>> -> memref<1x80x128xi32, #tpu.memory_space<hbm>>
      %dma_wait3A_88 = tpu.memref_squeeze %dma_wait3A_87 : memref<1x80x128xi32, #tpu.memory_space<hbm>> -> memref<80x128xi32, #tpu.memory_space<hbm>>
      %dma_wait3A_89 = arith.constant 0 : i32
      %dma_wait3A_90 = tpu.memref_slice %dma_wait3A_88[%run_scoped3A, %dma_wait3A_89] : memref<80x128xi32, #tpu.memory_space<hbm>> -> memref<1x128xi32, #tpu.memory_space<hbm>>
      %dma_wait3A_91 = tpu.memref_squeeze %dma_wait3A_90 : memref<1x128xi32, #tpu.memory_space<hbm>> -> memref<128xi32, #tpu.memory_space<hbm>>
      %dma_wait3A_92 = arith.constant 0 : i32
      %dma_wait3A_93 = tpu.memref_slice %arg7[%run_scoped3A_3, %dma_wait3A_92] : memref<2x128xi32, #tpu.memory_space<vmem>> -> memref<1x128xi32, #tpu.memory_space<vmem>>
      %dma_wait3A_94 = tpu.memref_squeeze %dma_wait3A_93 : memref<1x128xi32, #tpu.memory_space<vmem>> -> memref<128xi32, #tpu.memory_space<vmem>>
      %dma_wait3A_95 = arith.constant 0 : i32
      %dma_wait3A_96 = arith.constant 0 : i32
      %dma_wait3A_97 = tpu.memref_slice %arg3[%add3A, %dma_wait3A_95, %dma_wait3A_96] : memref<32x80x128xi32, #tpu.memory_space<hbm>> -> memref<1x80x128xi32, #tpu.memory_space<hbm>>
      %dma_wait3A_98 = tpu.memref_squeeze %dma_wait3A_97 : memref<1x80x128xi32, #tpu.memory_space<hbm>> -> memref<80x128xi32, #tpu.memory_space<hbm>>
      %dma_wait3A_99 = arith.constant 0 : i32
      %dma_wait3A_100 = tpu.memref_slice %dma_wait3A_98[%run_scoped3A, %dma_wait3A_99] : memref<80x128xi32, #tpu.memory_space<hbm>> -> memref<1x128xi32, #tpu.memory_space<hbm>>
      %dma_wait3A_101 = tpu.memref_squeeze %dma_wait3A_100 : memref<1x128xi32, #tpu.memory_space<hbm>> -> memref<128xi32, #tpu.memory_space<hbm>>
      tpu.wait_dma2 semaphore(%run_scoped3A_62 : memref<!tpu.dma_semaphore, #tpu.memory_space<semaphore_mem>>) src(%dma_wait3A_101 : memref<128xi32, #tpu.memory_space<hbm>>) dst(%dma_wait3A_94 : memref<128xi32, #tpu.memory_space<vmem>>)
      tpu.yield
    }) : () -> ()
    %run_scoped3A_4 = arith.constant 0 : i32
    %run_scoped3A_5 = arith.constant 0 : i32
    "tpu.region"() ({
      %run_scoped3A_62 = tpu.sem_alloc : memref<!tpu.dma_semaphore, #tpu.memory_space<semaphore_mem>>
      %dma_start3A_63 = arith.constant 0 : i32
      %dma_start3A_64 = tpu.memref_slice %arg8[%run_scoped3A_5, %dma_start3A_63] : memref<2x128xi32, #tpu.memory_space<vmem>> -> memref<1x128xi32, #tpu.memory_space<vmem>>
      %dma_start3A_65 = tpu.memref_squeeze %dma_start3A_64 : memref<1x128xi32, #tpu.memory_space<vmem>> -> memref<128xi32, #tpu.memory_space<vmem>>
      %dma_start3A_66 = arith.constant 0 : i32
      %dma_start3A_67 = arith.constant 0 : i32
      %dma_start3A_68 = tpu.memref_slice %arg4[%add3A, %dma_start3A_66, %dma_start3A_67] : memref<32x80x128xi32, #tpu.memory_space<hbm>> -> memref<1x80x128xi32, #tpu.memory_space<hbm>>
      %dma_start3A_69 = tpu.memref_squeeze %dma_start3A_68 : memref<1x80x128xi32, #tpu.memory_space<hbm>> -> memref<80x128xi32, #tpu.memory_space<hbm>>
      %dma_start3A_70 = arith.constant 0 : i32
      %dma_start3A_71 = tpu.memref_slice %dma_start3A_69[%run_scoped3A_4, %dma_start3A_70] : memref<80x128xi32, #tpu.memory_space<hbm>> -> memref<1x128xi32, #tpu.memory_space<hbm>>
      %dma_start3A_72 = tpu.memref_squeeze %dma_start3A_71 : memref<1x128xi32, #tpu.memory_space<hbm>> -> memref<128xi32, #tpu.memory_space<hbm>>
      %dma_start3A_73 = arith.constant 0 : i32
      %dma_start3A_74 = tpu.memref_slice %arg8[%run_scoped3A_5, %dma_start3A_73] : memref<2x128xi32, #tpu.memory_space<vmem>> -> memref<1x128xi32, #tpu.memory_space<vmem>>
      %dma_start3A_75 = tpu.memref_squeeze %dma_start3A_74 : memref<1x128xi32, #tpu.memory_space<vmem>> -> memref<128xi32, #tpu.memory_space<vmem>>
      %dma_start3A_76 = arith.constant 0 : i32
      %dma_start3A_77 = arith.constant 0 : i32
      %dma_start3A_78 = tpu.memref_slice %arg4[%add3A, %dma_start3A_76, %dma_start3A_77] : memref<32x80x128xi32, #tpu.memory_space<hbm>> -> memref<1x80x128xi32, #tpu.memory_space<hbm>>
      %dma_start3A_79 = tpu.memref_squeeze %dma_start3A_78 : memref<1x80x128xi32, #tpu.memory_space<hbm>> -> memref<80x128xi32, #tpu.memory_space<hbm>>
      %dma_start3A_80 = arith.constant 0 : i32
      %dma_start3A_81 = tpu.memref_slice %dma_start3A_79[%run_scoped3A_4, %dma_start3A_80] : memref<80x128xi32, #tpu.memory_space<hbm>> -> memref<1x128xi32, #tpu.memory_space<hbm>>
      %dma_start3A_82 = tpu.memref_squeeze %dma_start3A_81 : memref<1x128xi32, #tpu.memory_space<hbm>> -> memref<128xi32, #tpu.memory_space<hbm>>
      tpu.enqueue_dma source(%dma_start3A_82 : memref<128xi32, #tpu.memory_space<hbm>>) target(%dma_start3A_75 : memref<128xi32, #tpu.memory_space<vmem>>) target_semaphore(%run_scoped3A_62 : memref<!tpu.dma_semaphore, #tpu.memory_space<semaphore_mem>>)
      %dma_wait3A = arith.constant 0 : i32
      %dma_wait3A_83 = tpu.memref_slice %arg8[%run_scoped3A_5, %dma_wait3A] : memref<2x128xi32, #tpu.memory_space<vmem>> -> memref<1x128xi32, #tpu.memory_space<vmem>>
      %dma_wait3A_84 = tpu.memref_squeeze %dma_wait3A_83 : memref<1x128xi32, #tpu.memory_space<vmem>> -> memref<128xi32, #tpu.memory_space<vmem>>
      %dma_wait3A_85 = arith.constant 0 : i32
      %dma_wait3A_86 = arith.constant 0 : i32
      %dma_wait3A_87 = tpu.memref_slice %arg4[%add3A, %dma_wait3A_85, %dma_wait3A_86] : memref<32x80x128xi32, #tpu.memory_space<hbm>> -> memref<1x80x128xi32, #tpu.memory_space<hbm>>
      %dma_wait3A_88 = tpu.memref_squeeze %dma_wait3A_87 : memref<1x80x128xi32, #tpu.memory_space<hbm>> -> memref<80x128xi32, #tpu.memory_space<hbm>>
      %dma_wait3A_89 = arith.constant 0 : i32
      %dma_wait3A_90 = tpu.memref_slice %dma_wait3A_88[%run_scoped3A_4, %dma_wait3A_89] : memref<80x128xi32, #tpu.memory_space<hbm>> -> memref<1x128xi32, #tpu.memory_space<hbm>>
      %dma_wait3A_91 = tpu.memref_squeeze %dma_wait3A_90 : memref<1x128xi32, #tpu.memory_space<hbm>> -> memref<128xi32, #tpu.memory_space<hbm>>
      %dma_wait3A_92 = arith.constant 0 : i32
      %dma_wait3A_93 = tpu.memref_slice %arg8[%run_scoped3A_5, %dma_wait3A_92] : memref<2x128xi32, #tpu.memory_space<vmem>> -> memref<1x128xi32, #tpu.memory_space<vmem>>
      %dma_wait3A_94 = tpu.memref_squeeze %dma_wait3A_93 : memref<1x128xi32, #tpu.memory_space<vmem>> -> memref<128xi32, #tpu.memory_space<vmem>>
      %dma_wait3A_95 = arith.constant 0 : i32
      %dma_wait3A_96 = arith.constant 0 : i32
      %dma_wait3A_97 = tpu.memref_slice %arg4[%add3A, %dma_wait3A_95, %dma_wait3A_96] : memref<32x80x128xi32, #tpu.memory_space<hbm>> -> memref<1x80x128xi32, #tpu.memory_space<hbm>>
      %dma_wait3A_98 = tpu.memref_squeeze %dma_wait3A_97 : memref<1x80x128xi32, #tpu.memory_space<hbm>> -> memref<80x128xi32, #tpu.memory_space<hbm>>
      %dma_wait3A_99 = arith.constant 0 : i32
      %dma_wait3A_100 = tpu.memref_slice %dma_wait3A_98[%run_scoped3A_4, %dma_wait3A_99] : memref<80x128xi32, #tpu.memory_space<hbm>> -> memref<1x128xi32, #tpu.memory_space<hbm>>
      %dma_wait3A_101 = tpu.memref_squeeze %dma_wait3A_100 : memref<1x128xi32, #tpu.memory_space<hbm>> -> memref<128xi32, #tpu.memory_space<hbm>>
      tpu.wait_dma2 semaphore(%run_scoped3A_62 : memref<!tpu.dma_semaphore, #tpu.memory_space<semaphore_mem>>) src(%dma_wait3A_101 : memref<128xi32, #tpu.memory_space<hbm>>) dst(%dma_wait3A_94 : memref<128xi32, #tpu.memory_space<vmem>>)
      tpu.yield
    }) : () -> ()
    %dma_start3A = arith.constant 0 : i32
    %dma_start3A_6 = arith.constant 0 : i32
    %dma_start3A_7 = tpu.memref_slice %arg7[%dma_start3A, %dma_start3A_6] : memref<2x128xi32, #tpu.memory_space<vmem>> -> memref<1x128xi32, #tpu.memory_space<vmem>>
    %dma_start3A_8 = tpu.memref_squeeze %dma_start3A_7 : memref<1x128xi32, #tpu.memory_space<vmem>> -> memref<128xi32, #tpu.memory_space<vmem>>
    %dma_start3A_9 = arith.constant 0 : i32
    %dma_start3A_10 = arith.constant 0 : i32
    %dma_start3A_11 = tpu.memref_slice %arg2[%dma_start3A_9, %dma_start3A_10] : memref<10240x128xf32, #tpu.memory_space<hbm>> -> memref<10240x128xf32, #tpu.memory_space<hbm>>
    tpu.enqueue_indirect_dma source(%dma_start3A_11 : memref<10240x128xf32, #tpu.memory_space<hbm>>) target(%arg9 : memref<128x128xf32, #tpu.memory_space<vmem>>) offsets(%dma_start3A_8 : memref<128xi32, #tpu.memory_space<vmem>>) semaphore(%arg12 : memref<!tpu.dma_semaphore, #tpu.memory_space<semaphore_mem>>)
    %dma_start3A_12 = arith.constant 1 : i32
    %dma_start3A_13 = arith.constant 1 : i32
    %dma_start3A_14 = arith.constant 0 : i32
    %dma_start3A_15 = tpu.memref_slice %arg7[%dma_start3A_13, %dma_start3A_14] : memref<2x128xi32, #tpu.memory_space<vmem>> -> memref<1x128xi32, #tpu.memory_space<vmem>>
    %dma_start3A_16 = tpu.memref_squeeze %dma_start3A_15 : memref<1x128xi32, #tpu.memory_space<vmem>> -> memref<128xi32, #tpu.memory_space<vmem>>
    %dma_start3A_17 = arith.constant 0 : i32
    %dma_start3A_18 = arith.constant 0 : i32
    %dma_start3A_19 = tpu.memref_slice %arg3[%add3A, %dma_start3A_17, %dma_start3A_18] : memref<32x80x128xi32, #tpu.memory_space<hbm>> -> memref<1x80x128xi32, #tpu.memory_space<hbm>>
    %dma_start3A_20 = tpu.memref_squeeze %dma_start3A_19 : memref<1x80x128xi32, #tpu.memory_space<hbm>> -> memref<80x128xi32, #tpu.memory_space<hbm>>
    %dma_start3A_21 = arith.constant 0 : i32
    %dma_start3A_22 = tpu.memref_slice %dma_start3A_20[%dma_start3A_12, %dma_start3A_21] : memref<80x128xi32, #tpu.memory_space<hbm>> -> memref<1x128xi32, #tpu.memory_space<hbm>>
    %dma_start3A_23 = tpu.memref_squeeze %dma_start3A_22 : memref<1x128xi32, #tpu.memory_space<hbm>> -> memref<128xi32, #tpu.memory_space<hbm>>
    %dma_start3A_24 = arith.constant 0 : i32
    %dma_start3A_25 = tpu.memref_slice %arg7[%dma_start3A_13, %dma_start3A_24] : memref<2x128xi32, #tpu.memory_space<vmem>> -> memref<1x128xi32, #tpu.memory_space<vmem>>
    %dma_start3A_26 = tpu.memref_squeeze %dma_start3A_25 : memref<1x128xi32, #tpu.memory_space<vmem>> -> memref<128xi32, #tpu.memory_space<vmem>>
    %dma_start3A_27 = arith.constant 0 : i32
    %dma_start3A_28 = arith.constant 0 : i32
    %dma_start3A_29 = tpu.memref_slice %arg3[%add3A, %dma_start3A_27, %dma_start3A_28] : memref<32x80x128xi32, #tpu.memory_space<hbm>> -> memref<1x80x128xi32, #tpu.memory_space<hbm>>
    %dma_start3A_30 = tpu.memref_squeeze %dma_start3A_29 : memref<1x80x128xi32, #tpu.memory_space<hbm>> -> memref<80x128xi32, #tpu.memory_space<hbm>>
    %dma_start3A_31 = arith.constant 0 : i32
    %dma_start3A_32 = tpu.memref_slice %dma_start3A_30[%dma_start3A_12, %dma_start3A_31] : memref<80x128xi32, #tpu.memory_space<hbm>> -> memref<1x128xi32, #tpu.memory_space<hbm>>
    %dma_start3A_33 = tpu.memref_squeeze %dma_start3A_32 : memref<1x128xi32, #tpu.memory_space<hbm>> -> memref<128xi32, #tpu.memory_space<hbm>>
    tpu.enqueue_dma source(%dma_start3A_33 : memref<128xi32, #tpu.memory_space<hbm>>) target(%dma_start3A_26 : memref<128xi32, #tpu.memory_space<vmem>>) target_semaphore(%arg13 : memref<!tpu.dma_semaphore, #tpu.memory_space<semaphore_mem>>)
    %dma_start3A_34 = arith.constant 1 : i32
    %dma_start3A_35 = arith.constant 1 : i32
    %dma_start3A_36 = arith.constant 0 : i32
    %dma_start3A_37 = tpu.memref_slice %arg8[%dma_start3A_35, %dma_start3A_36] : memref<2x128xi32, #tpu.memory_space<vmem>> -> memref<1x128xi32, #tpu.memory_space<vmem>>
    %dma_start3A_38 = tpu.memref_squeeze %dma_start3A_37 : memref<1x128xi32, #tpu.memory_space<vmem>> -> memref<128xi32, #tpu.memory_space<vmem>>
    %dma_start3A_39 = arith.constant 0 : i32
    %dma_start3A_40 = arith.constant 0 : i32
    %dma_start3A_41 = tpu.memref_slice %arg4[%add3A, %dma_start3A_39, %dma_start3A_40] : memref<32x80x128xi32, #tpu.memory_space<hbm>> -> memref<1x80x128xi32, #tpu.memory_space<hbm>>
    %dma_start3A_42 = tpu.memref_squeeze %dma_start3A_41 : memref<1x80x128xi32, #tpu.memory_space<hbm>> -> memref<80x128xi32, #tpu.memory_space<hbm>>
    %dma_start3A_43 = arith.constant 0 : i32
    %dma_start3A_44 = tpu.memref_slice %dma_start3A_42[%dma_start3A_34, %dma_start3A_43] : memref<80x128xi32, #tpu.memory_space<hbm>> -> memref<1x128xi32, #tpu.memory_space<hbm>>
    %dma_start3A_45 = tpu.memref_squeeze %dma_start3A_44 : memref<1x128xi32, #tpu.memory_space<hbm>> -> memref<128xi32, #tpu.memory_space<hbm>>
    %dma_start3A_46 = arith.constant 0 : i32
    %dma_start3A_47 = tpu.memref_slice %arg8[%dma_start3A_35, %dma_start3A_46] : memref<2x128xi32, #tpu.memory_space<vmem>> -> memref<1x128xi32, #tpu.memory_space<vmem>>
    %dma_start3A_48 = tpu.memref_squeeze %dma_start3A_47 : memref<1x128xi32, #tpu.memory_space<vmem>> -> memref<128xi32, #tpu.memory_space<vmem>>
    %dma_start3A_49 = arith.constant 0 : i32
    %dma_start3A_50 = arith.constant 0 : i32
    %dma_start3A_51 = tpu.memref_slice %arg4[%add3A, %dma_start3A_49, %dma_start3A_50] : memref<32x80x128xi32, #tpu.memory_space<hbm>> -> memref<1x80x128xi32, #tpu.memory_space<hbm>>
    %dma_start3A_52 = tpu.memref_squeeze %dma_start3A_51 : memref<1x80x128xi32, #tpu.memory_space<hbm>> -> memref<80x128xi32, #tpu.memory_space<hbm>>
    %dma_start3A_53 = arith.constant 0 : i32
    %dma_start3A_54 = tpu.memref_slice %dma_start3A_52[%dma_start3A_34, %dma_start3A_53] : memref<80x128xi32, #tpu.memory_space<hbm>> -> memref<1x128xi32, #tpu.memory_space<hbm>>
    %dma_start3A_55 = tpu.memref_squeeze %dma_start3A_54 : memref<1x128xi32, #tpu.memory_space<hbm>> -> memref<128xi32, #tpu.memory_space<hbm>>
    tpu.enqueue_dma source(%dma_start3A_55 : memref<128xi32, #tpu.memory_space<hbm>>) target(%dma_start3A_48 : memref<128xi32, #tpu.memory_space<vmem>>) target_semaphore(%arg13 : memref<!tpu.dma_semaphore, #tpu.memory_space<semaphore_mem>>)
    %scan3A = arith.constant 0 : i32
    %scan3A_56 = arith.constant 0 : i32
    %scan3A_57 = arith.constant 40 : i32
    %scan3A_58 = arith.addi %scan3A_56, %scan3A_57 : i32
    %scan3A_59 = arith.constant 1 : i32
    scf.for %scan3A_62 = %scan3A_56 to %scan3A_58 step %scan3A_59  : i32 {
      %mul3A_63 = arith.constant 2 : i32
      %mul3A_64 = arith.muli %scan3A_62, %mul3A_63 : i32
      %add3A_65 = arith.constant 0 : i32
      %add3A_66 = arith.addi %mul3A_64, %add3A_65 : i32
      %add3A_67 = arith.constant 1 : i32
      %add3A_68 = arith.addi %add3A_66, %add3A_67 : i32
      %lt3A = arith.constant 80 : i32
      %lt3A_69 = arith.cmpi slt, %add3A_68, %lt3A : i32
      %convert_element_type3A = arith.extui %lt3A_69 : i1 to i32
      %cond3A = arith.constant 0 : i32
      %cond3A_70 = arith.cmpi ne, %convert_element_type3A, %cond3A : i32
      scf.if %cond3A_70 {
        %add3A_123 = arith.constant 1 : i32
        %add3A_124 = arith.addi %add3A_66, %add3A_123 : i32
        %dma_wait3A_125 = arith.constant 1 : i32
        %dma_wait3A_126 = arith.constant 0 : i32
        %dma_wait3A_127 = tpu.memref_slice %arg7[%dma_wait3A_125, %dma_wait3A_126] : memref<2x128xi32, #tpu.memory_space<vmem>> -> memref<1x128xi32, #tpu.memory_space<vmem>>
        %dma_wait3A_128 = tpu.memref_squeeze %dma_wait3A_127 : memref<1x128xi32, #tpu.memory_space<vmem>> -> memref<128xi32, #tpu.memory_space<vmem>>
        %dma_wait3A_129 = arith.constant 0 : i32
        %dma_wait3A_130 = arith.constant 0 : i32
        %dma_wait3A_131 = tpu.memref_slice %arg3[%add3A, %dma_wait3A_129, %dma_wait3A_130] : memref<32x80x128xi32, #tpu.memory_space<hbm>> -> memref<1x80x128xi32, #tpu.memory_space<hbm>>
        %dma_wait3A_132 = tpu.memref_squeeze %dma_wait3A_131 : memref<1x80x128xi32, #tpu.memory_space<hbm>> -> memref<80x128xi32, #tpu.memory_space<hbm>>
        %dma_wait3A_133 = arith.constant 0 : i32
        %dma_wait3A_134 = tpu.memref_slice %dma_wait3A_132[%add3A_124, %dma_wait3A_133] : memref<80x128xi32, #tpu.memory_space<hbm>> -> memref<1x128xi32, #tpu.memory_space<hbm>>
        %dma_wait3A_135 = tpu.memref_squeeze %dma_wait3A_134 : memref<1x128xi32, #tpu.memory_space<hbm>> -> memref<128xi32, #tpu.memory_space<hbm>>
        %dma_wait3A_136 = arith.constant 0 : i32
        %dma_wait3A_137 = tpu.memref_slice %arg7[%dma_wait3A_125, %dma_wait3A_136] : memref<2x128xi32, #tpu.memory_space<vmem>> -> memref<1x128xi32, #tpu.memory_space<vmem>>
        %dma_wait3A_138 = tpu.memref_squeeze %dma_wait3A_137 : memref<1x128xi32, #tpu.memory_space<vmem>> -> memref<128xi32, #tpu.memory_space<vmem>>
        %dma_wait3A_139 = arith.constant 0 : i32
        %dma_wait3A_140 = arith.constant 0 : i32
        %dma_wait3A_141 = tpu.memref_slice %arg3[%add3A, %dma_wait3A_139, %dma_wait3A_140] : memref<32x80x128xi32, #tpu.memory_space<hbm>> -> memref<1x80x128xi32, #tpu.memory_space<hbm>>
        %dma_wait3A_142 = tpu.memref_squeeze %dma_wait3A_141 : memref<1x80x128xi32, #tpu.memory_space<hbm>> -> memref<80x128xi32, #tpu.memory_space<hbm>>
        %dma_wait3A_143 = arith.constant 0 : i32
        %dma_wait3A_144 = tpu.memref_slice %dma_wait3A_142[%add3A_124, %dma_wait3A_143] : memref<80x128xi32, #tpu.memory_space<hbm>> -> memref<1x128xi32, #tpu.memory_space<hbm>>
        %dma_wait3A_145 = tpu.memref_squeeze %dma_wait3A_144 : memref<1x128xi32, #tpu.memory_space<hbm>> -> memref<128xi32, #tpu.memory_space<hbm>>
        tpu.wait_dma2 semaphore(%arg13 : memref<!tpu.dma_semaphore, #tpu.memory_space<semaphore_mem>>) src(%dma_wait3A_145 : memref<128xi32, #tpu.memory_space<hbm>>) dst(%dma_wait3A_138 : memref<128xi32, #tpu.memory_space<vmem>>)
        %add3A_146 = arith.constant 1 : i32
        %add3A_147 = arith.addi %add3A_66, %add3A_146 : i32
        %dma_wait3A_148 = arith.constant 1 : i32
        %dma_wait3A_149 = arith.constant 0 : i32
        %dma_wait3A_150 = tpu.memref_slice %arg8[%dma_wait3A_148, %dma_wait3A_149] : memref<2x128xi32, #tpu.memory_space<vmem>> -> memref<1x128xi32, #tpu.memory_space<vmem>>
        %dma_wait3A_151 = tpu.memref_squeeze %dma_wait3A_150 : memref<1x128xi32, #tpu.memory_space<vmem>> -> memref<128xi32, #tpu.memory_space<vmem>>
        %dma_wait3A_152 = arith.constant 0 : i32
        %dma_wait3A_153 = arith.constant 0 : i32
        %dma_wait3A_154 = tpu.memref_slice %arg4[%add3A, %dma_wait3A_152, %dma_wait3A_153] : memref<32x80x128xi32, #tpu.memory_space<hbm>> -> memref<1x80x128xi32, #tpu.memory_space<hbm>>
        %dma_wait3A_155 = tpu.memref_squeeze %dma_wait3A_154 : memref<1x80x128xi32, #tpu.memory_space<hbm>> -> memref<80x128xi32, #tpu.memory_space<hbm>>
        %dma_wait3A_156 = arith.constant 0 : i32
        %dma_wait3A_157 = tpu.memref_slice %dma_wait3A_155[%add3A_147, %dma_wait3A_156] : memref<80x128xi32, #tpu.memory_space<hbm>> -> memref<1x128xi32, #tpu.memory_space<hbm>>
        %dma_wait3A_158 = tpu.memref_squeeze %dma_wait3A_157 : memref<1x128xi32, #tpu.memory_space<hbm>> -> memref<128xi32, #tpu.memory_space<hbm>>
        %dma_wait3A_159 = arith.constant 0 : i32
        %dma_wait3A_160 = tpu.memref_slice %arg8[%dma_wait3A_148, %dma_wait3A_159] : memref<2x128xi32, #tpu.memory_space<vmem>> -> memref<1x128xi32, #tpu.memory_space<vmem>>
        %dma_wait3A_161 = tpu.memref_squeeze %dma_wait3A_160 : memref<1x128xi32, #tpu.memory_space<vmem>> -> memref<128xi32, #tpu.memory_space<vmem>>
        %dma_wait3A_162 = arith.constant 0 : i32
        %dma_wait3A_163 = arith.constant 0 : i32
        %dma_wait3A_164 = tpu.memref_slice %arg4[%add3A, %dma_wait3A_162, %dma_wait3A_163] : memref<32x80x128xi32, #tpu.memory_space<hbm>> -> memref<1x80x128xi32, #tpu.memory_space<hbm>>
        %dma_wait3A_165 = tpu.memref_squeeze %dma_wait3A_164 : memref<1x80x128xi32, #tpu.memory_space<hbm>> -> memref<80x128xi32, #tpu.memory_space<hbm>>
        %dma_wait3A_166 = arith.constant 0 : i32
        %dma_wait3A_167 = tpu.memref_slice %dma_wait3A_165[%add3A_147, %dma_wait3A_166] : memref<80x128xi32, #tpu.memory_space<hbm>> -> memref<1x128xi32, #tpu.memory_space<hbm>>
        %dma_wait3A_168 = tpu.memref_squeeze %dma_wait3A_167 : memref<1x128xi32, #tpu.memory_space<hbm>> -> memref<128xi32, #tpu.memory_space<hbm>>
        tpu.wait_dma2 semaphore(%arg13 : memref<!tpu.dma_semaphore, #tpu.memory_space<semaphore_mem>>) src(%dma_wait3A_168 : memref<128xi32, #tpu.memory_space<hbm>>) dst(%dma_wait3A_161 : memref<128xi32, #tpu.memory_space<vmem>>)
      } else {
      }
      %dma_wait3A = arith.constant 0 : i32
      %dma_wait3A_71 = arith.constant 0 : i32
      %dma_wait3A_72 = tpu.memref_slice %arg7[%dma_wait3A, %dma_wait3A_71] : memref<2x128xi32, #tpu.memory_space<vmem>> -> memref<1x128xi32, #tpu.memory_space<vmem>>
      %dma_wait3A_73 = tpu.memref_squeeze %dma_wait3A_72 : memref<1x128xi32, #tpu.memory_space<vmem>> -> memref<128xi32, #tpu.memory_space<vmem>>
      %dma_wait3A_74 = arith.constant 0 : i32
      %dma_wait3A_75 = arith.constant 0 : i32
      %dma_wait3A_76 = tpu.memref_slice %arg2[%dma_wait3A_74, %dma_wait3A_75] : memref<10240x128xf32, #tpu.memory_space<hbm>> -> memref<10240x128xf32, #tpu.memory_space<hbm>>
      tpu.wait_indirect_dma semaphore(%arg12 : memref<!tpu.dma_semaphore, #tpu.memory_space<semaphore_mem>>) src(%dma_wait3A_76 : memref<10240x128xf32, #tpu.memory_space<hbm>>) dst(%arg9 : memref<128x128xf32, #tpu.memory_space<vmem>>)
      %add3A_77 = arith.constant 1 : i32
      %add3A_78 = arith.addi %add3A_66, %add3A_77 : i32
      %lt3A_79 = arith.constant 80 : i32
      %lt3A_80 = arith.cmpi slt, %add3A_78, %lt3A_79 : i32
      %convert_element_type3A_81 = arith.extui %lt3A_80 : i1 to i32
      %cond3A_82 = arith.constant 0 : i32
      %cond3A_83 = arith.cmpi ne, %convert_element_type3A_81, %cond3A_82 : i32
      scf.if %cond3A_83 {
        %dma_start3A_123 = arith.constant 1 : i32
        %dma_start3A_124 = arith.constant 0 : i32
        %dma_start3A_125 = tpu.memref_slice %arg7[%dma_start3A_123, %dma_start3A_124] : memref<2x128xi32, #tpu.memory_space<vmem>> -> memref<1x128xi32, #tpu.memory_space<vmem>>
        %dma_start3A_126 = tpu.memref_squeeze %dma_start3A_125 : memref<1x128xi32, #tpu.memory_space<vmem>> -> memref<128xi32, #tpu.memory_space<vmem>>
        %dma_start3A_127 = arith.constant 0 : i32
        %dma_start3A_128 = arith.constant 0 : i32
        %dma_start3A_129 = tpu.memref_slice %arg2[%dma_start3A_127, %dma_start3A_128] : memref<10240x128xf32, #tpu.memory_space<hbm>> -> memref<10240x128xf32, #tpu.memory_space<hbm>>
        tpu.enqueue_indirect_dma source(%dma_start3A_129 : memref<10240x128xf32, #tpu.memory_space<hbm>>) target(%arg10 : memref<128x128xf32, #tpu.memory_space<vmem>>) offsets(%dma_start3A_126 : memref<128xi32, #tpu.memory_space<vmem>>) semaphore(%arg12 : memref<!tpu.dma_semaphore, #tpu.memory_space<semaphore_mem>>)
      } else {
      }
      %run_scoped3A_84 = arith.constant 0 : i32
      "tpu.region"() ({
        %run_scoped3A_123 = tpu.sem_alloc : memref<!tpu.dma_semaphore, #tpu.memory_space<semaphore_mem>>
        %dma_start3A_124 = arith.constant 0 : i32
        %dma_start3A_125 = tpu.memref_slice %arg8[%run_scoped3A_84, %dma_start3A_124] : memref<2x128xi32, #tpu.memory_space<vmem>> -> memref<1x128xi32, #tpu.memory_space<vmem>>
        %dma_start3A_126 = tpu.memref_squeeze %dma_start3A_125 : memref<1x128xi32, #tpu.memory_space<vmem>> -> memref<128xi32, #tpu.memory_space<vmem>>
        %dma_start3A_127 = arith.constant 0 : i32
        %dma_start3A_128 = arith.constant 0 : i32
        %dma_start3A_129 = tpu.memref_slice %arg11[%dma_start3A_127, %dma_start3A_128] : memref<10240x128xf32, #tpu.memory_space<vmem_shared>> -> memref<10240x128xf32, #tpu.memory_space<vmem_shared>>
        tpu.enqueue_indirect_dma source(%arg9 : memref<128x128xf32, #tpu.memory_space<vmem>>) target(%dma_start3A_129 : memref<10240x128xf32, #tpu.memory_space<vmem_shared>>) offsets(%dma_start3A_126 : memref<128xi32, #tpu.memory_space<vmem>>) semaphore(%run_scoped3A_123 : memref<!tpu.dma_semaphore, #tpu.memory_space<semaphore_mem>>) {add = true}
        %dma_wait3A_130 = arith.constant 0 : i32
        %dma_wait3A_131 = tpu.memref_slice %arg8[%run_scoped3A_84, %dma_wait3A_130] : memref<2x128xi32, #tpu.memory_space<vmem>> -> memref<1x128xi32, #tpu.memory_space<vmem>>
        %dma_wait3A_132 = tpu.memref_squeeze %dma_wait3A_131 : memref<1x128xi32, #tpu.memory_space<vmem>> -> memref<128xi32, #tpu.memory_space<vmem>>
        %dma_wait3A_133 = arith.constant 0 : i32
        %dma_wait3A_134 = arith.constant 0 : i32
        %dma_wait3A_135 = tpu.memref_slice %arg11[%dma_wait3A_133, %dma_wait3A_134] : memref<10240x128xf32, #tpu.memory_space<vmem_shared>> -> memref<10240x128xf32, #tpu.memory_space<vmem_shared>>
        tpu.wait_indirect_dma semaphore(%run_scoped3A_123 : memref<!tpu.dma_semaphore, #tpu.memory_space<semaphore_mem>>) src(%arg9 : memref<128x128xf32, #tpu.memory_space<vmem>>) dst(%dma_wait3A_135 : memref<10240x128xf32, #tpu.memory_space<vmem_shared>>)
        tpu.yield
      }) : () -> ()
      %add3A_85 = arith.constant 2 : i32
      %add3A_86 = arith.addi %add3A_66, %add3A_85 : i32
      %lt3A_87 = arith.constant 80 : i32
      %lt3A_88 = arith.cmpi slt, %add3A_86, %lt3A_87 : i32
      %convert_element_type3A_89 = arith.extui %lt3A_88 : i1 to i32
      %cond3A_90 = arith.constant 0 : i32
      %cond3A_91 = arith.cmpi ne, %convert_element_type3A_89, %cond3A_90 : i32
      scf.if %cond3A_91 {
        %add3A_123 = arith.constant 2 : i32
        %add3A_124 = arith.addi %add3A_66, %add3A_123 : i32
        %dma_start3A_125 = arith.constant 0 : i32
        %dma_start3A_126 = arith.constant 0 : i32
        %dma_start3A_127 = tpu.memref_slice %arg7[%dma_start3A_125, %dma_start3A_126] : memref<2x128xi32, #tpu.memory_space<vmem>> -> memref<1x128xi32, #tpu.memory_space<vmem>>
        %dma_start3A_128 = tpu.memref_squeeze %dma_start3A_127 : memref<1x128xi32, #tpu.memory_space<vmem>> -> memref<128xi32, #tpu.memory_space<vmem>>
        %dma_start3A_129 = arith.constant 0 : i32
        %dma_start3A_130 = arith.constant 0 : i32
        %dma_start3A_131 = tpu.memref_slice %arg3[%add3A, %dma_start3A_129, %dma_start3A_130] : memref<32x80x128xi32, #tpu.memory_space<hbm>> -> memref<1x80x128xi32, #tpu.memory_space<hbm>>
        %dma_start3A_132 = tpu.memref_squeeze %dma_start3A_131 : memref<1x80x128xi32, #tpu.memory_space<hbm>> -> memref<80x128xi32, #tpu.memory_space<hbm>>
        %dma_start3A_133 = arith.constant 0 : i32
        %dma_start3A_134 = tpu.memref_slice %dma_start3A_132[%add3A_124, %dma_start3A_133] : memref<80x128xi32, #tpu.memory_space<hbm>> -> memref<1x128xi32, #tpu.memory_space<hbm>>
        %dma_start3A_135 = tpu.memref_squeeze %dma_start3A_134 : memref<1x128xi32, #tpu.memory_space<hbm>> -> memref<128xi32, #tpu.memory_space<hbm>>
        %dma_start3A_136 = arith.constant 0 : i32
        %dma_start3A_137 = tpu.memref_slice %arg7[%dma_start3A_125, %dma_start3A_136] : memref<2x128xi32, #tpu.memory_space<vmem>> -> memref<1x128xi32, #tpu.memory_space<vmem>>
        %dma_start3A_138 = tpu.memref_squeeze %dma_start3A_137 : memref<1x128xi32, #tpu.memory_space<vmem>> -> memref<128xi32, #tpu.memory_space<vmem>>
        %dma_start3A_139 = arith.constant 0 : i32
        %dma_start3A_140 = arith.constant 0 : i32
        %dma_start3A_141 = tpu.memref_slice %arg3[%add3A, %dma_start3A_139, %dma_start3A_140] : memref<32x80x128xi32, #tpu.memory_space<hbm>> -> memref<1x80x128xi32, #tpu.memory_space<hbm>>
        %dma_start3A_142 = tpu.memref_squeeze %dma_start3A_141 : memref<1x80x128xi32, #tpu.memory_space<hbm>> -> memref<80x128xi32, #tpu.memory_space<hbm>>
        %dma_start3A_143 = arith.constant 0 : i32
        %dma_start3A_144 = tpu.memref_slice %dma_start3A_142[%add3A_124, %dma_start3A_143] : memref<80x128xi32, #tpu.memory_space<hbm>> -> memref<1x128xi32, #tpu.memory_space<hbm>>
        %dma_start3A_145 = tpu.memref_squeeze %dma_start3A_144 : memref<1x128xi32, #tpu.memory_space<hbm>> -> memref<128xi32, #tpu.memory_space<hbm>>
        tpu.enqueue_dma source(%dma_start3A_145 : memref<128xi32, #tpu.memory_space<hbm>>) target(%dma_start3A_138 : memref<128xi32, #tpu.memory_space<vmem>>) target_semaphore(%arg13 : memref<!tpu.dma_semaphore, #tpu.memory_space<semaphore_mem>>)
        %add3A_146 = arith.constant 2 : i32
        %add3A_147 = arith.addi %add3A_66, %add3A_146 : i32
        %dma_start3A_148 = arith.constant 0 : i32
        %dma_start3A_149 = arith.constant 0 : i32
        %dma_start3A_150 = tpu.memref_slice %arg8[%dma_start3A_148, %dma_start3A_149] : memref<2x128xi32, #tpu.memory_space<vmem>> -> memref<1x128xi32, #tpu.memory_space<vmem>>
        %dma_start3A_151 = tpu.memref_squeeze %dma_start3A_150 : memref<1x128xi32, #tpu.memory_space<vmem>> -> memref<128xi32, #tpu.memory_space<vmem>>
        %dma_start3A_152 = arith.constant 0 : i32
        %dma_start3A_153 = arith.constant 0 : i32
        %dma_start3A_154 = tpu.memref_slice %arg4[%add3A, %dma_start3A_152, %dma_start3A_153] : memref<32x80x128xi32, #tpu.memory_space<hbm>> -> memref<1x80x128xi32, #tpu.memory_space<hbm>>
        %dma_start3A_155 = tpu.memref_squeeze %dma_start3A_154 : memref<1x80x128xi32, #tpu.memory_space<hbm>> -> memref<80x128xi32, #tpu.memory_space<hbm>>
        %dma_start3A_156 = arith.constant 0 : i32
        %dma_start3A_157 = tpu.memref_slice %dma_start3A_155[%add3A_147, %dma_start3A_156] : memref<80x128xi32, #tpu.memory_space<hbm>> -> memref<1x128xi32, #tpu.memory_space<hbm>>
        %dma_start3A_158 = tpu.memref_squeeze %dma_start3A_157 : memref<1x128xi32, #tpu.memory_space<hbm>> -> memref<128xi32, #tpu.memory_space<hbm>>
        %dma_start3A_159 = arith.constant 0 : i32
        %dma_start3A_160 = tpu.memref_slice %arg8[%dma_start3A_148, %dma_start3A_159] : memref<2x128xi32, #tpu.memory_space<vmem>> -> memref<1x128xi32, #tpu.memory_space<vmem>>
        %dma_start3A_161 = tpu.memref_squeeze %dma_start3A_160 : memref<1x128xi32, #tpu.memory_space<vmem>> -> memref<128xi32, #tpu.memory_space<vmem>>
        %dma_start3A_162 = arith.constant 0 : i32
        %dma_start3A_163 = arith.constant 0 : i32
        %dma_start3A_164 = tpu.memref_slice %arg4[%add3A, %dma_start3A_162, %dma_start3A_163] : memref<32x80x128xi32, #tpu.memory_space<hbm>> -> memref<1x80x128xi32, #tpu.memory_space<hbm>>
        %dma_start3A_165 = tpu.memref_squeeze %dma_start3A_164 : memref<1x80x128xi32, #tpu.memory_space<hbm>> -> memref<80x128xi32, #tpu.memory_space<hbm>>
        %dma_start3A_166 = arith.constant 0 : i32
        %dma_start3A_167 = tpu.memref_slice %dma_start3A_165[%add3A_147, %dma_start3A_166] : memref<80x128xi32, #tpu.memory_space<hbm>> -> memref<1x128xi32, #tpu.memory_space<hbm>>
        %dma_start3A_168 = tpu.memref_squeeze %dma_start3A_167 : memref<1x128xi32, #tpu.memory_space<hbm>> -> memref<128xi32, #tpu.memory_space<hbm>>
        tpu.enqueue_dma source(%dma_start3A_168 : memref<128xi32, #tpu.memory_space<hbm>>) target(%dma_start3A_161 : memref<128xi32, #tpu.memory_space<vmem>>) target_semaphore(%arg13 : memref<!tpu.dma_semaphore, #tpu.memory_space<semaphore_mem>>)
      } else {
      }
      %add3A_92 = arith.constant 1 : i32
      %add3A_93 = arith.addi %mul3A_64, %add3A_92 : i32
      %add3A_94 = arith.constant 1 : i32
      %add3A_95 = arith.addi %add3A_93, %add3A_94 : i32
      %lt3A_96 = arith.constant 80 : i32
      %lt3A_97 = arith.cmpi slt, %add3A_95, %lt3A_96 : i32
      %convert_element_type3A_98 = arith.extui %lt3A_97 : i1 to i32
      %cond3A_99 = arith.constant 0 : i32
      %cond3A_100 = arith.cmpi ne, %convert_element_type3A_98, %cond3A_99 : i32
      scf.if %cond3A_100 {
        %add3A_123 = arith.constant 1 : i32
        %add3A_124 = arith.addi %add3A_93, %add3A_123 : i32
        %dma_wait3A_125 = arith.constant 0 : i32
        %dma_wait3A_126 = arith.constant 0 : i32
        %dma_wait3A_127 = tpu.memref_slice %arg7[%dma_wait3A_125, %dma_wait3A_126] : memref<2x128xi32, #tpu.memory_space<vmem>> -> memref<1x128xi32, #tpu.memory_space<vmem>>
        %dma_wait3A_128 = tpu.memref_squeeze %dma_wait3A_127 : memref<1x128xi32, #tpu.memory_space<vmem>> -> memref<128xi32, #tpu.memory_space<vmem>>
        %dma_wait3A_129 = arith.constant 0 : i32
        %dma_wait3A_130 = arith.constant 0 : i32
        %dma_wait3A_131 = tpu.memref_slice %arg3[%add3A, %dma_wait3A_129, %dma_wait3A_130] : memref<32x80x128xi32, #tpu.memory_space<hbm>> -> memref<1x80x128xi32, #tpu.memory_space<hbm>>
        %dma_wait3A_132 = tpu.memref_squeeze %dma_wait3A_131 : memref<1x80x128xi32, #tpu.memory_space<hbm>> -> memref<80x128xi32, #tpu.memory_space<hbm>>
        %dma_wait3A_133 = arith.constant 0 : i32
        %dma_wait3A_134 = tpu.memref_slice %dma_wait3A_132[%add3A_124, %dma_wait3A_133] : memref<80x128xi32, #tpu.memory_space<hbm>> -> memref<1x128xi32, #tpu.memory_space<hbm>>
        %dma_wait3A_135 = tpu.memref_squeeze %dma_wait3A_134 : memref<1x128xi32, #tpu.memory_space<hbm>> -> memref<128xi32, #tpu.memory_space<hbm>>
        %dma_wait3A_136 = arith.constant 0 : i32
        %dma_wait3A_137 = tpu.memref_slice %arg7[%dma_wait3A_125, %dma_wait3A_136] : memref<2x128xi32, #tpu.memory_space<vmem>> -> memref<1x128xi32, #tpu.memory_space<vmem>>
        %dma_wait3A_138 = tpu.memref_squeeze %dma_wait3A_137 : memref<1x128xi32, #tpu.memory_space<vmem>> -> memref<128xi32, #tpu.memory_space<vmem>>
        %dma_wait3A_139 = arith.constant 0 : i32
        %dma_wait3A_140 = arith.constant 0 : i32
        %dma_wait3A_141 = tpu.memref_slice %arg3[%add3A, %dma_wait3A_139, %dma_wait3A_140] : memref<32x80x128xi32, #tpu.memory_space<hbm>> -> memref<1x80x128xi32, #tpu.memory_space<hbm>>
        %dma_wait3A_142 = tpu.memref_squeeze %dma_wait3A_141 : memref<1x80x128xi32, #tpu.memory_space<hbm>> -> memref<80x128xi32, #tpu.memory_space<hbm>>
        %dma_wait3A_143 = arith.constant 0 : i32
        %dma_wait3A_144 = tpu.memref_slice %dma_wait3A_142[%add3A_124, %dma_wait3A_143] : memref<80x128xi32, #tpu.memory_space<hbm>> -> memref<1x128xi32, #tpu.memory_space<hbm>>
        %dma_wait3A_145 = tpu.memref_squeeze %dma_wait3A_144 : memref<1x128xi32, #tpu.memory_space<hbm>> -> memref<128xi32, #tpu.memory_space<hbm>>
        tpu.wait_dma2 semaphore(%arg13 : memref<!tpu.dma_semaphore, #tpu.memory_space<semaphore_mem>>) src(%dma_wait3A_145 : memref<128xi32, #tpu.memory_space<hbm>>) dst(%dma_wait3A_138 : memref<128xi32, #tpu.memory_space<vmem>>)
        %add3A_146 = arith.constant 1 : i32
        %add3A_147 = arith.addi %add3A_93, %add3A_146 : i32
        %dma_wait3A_148 = arith.constant 0 : i32
        %dma_wait3A_149 = arith.constant 0 : i32
        %dma_wait3A_150 = tpu.memref_slice %arg8[%dma_wait3A_148, %dma_wait3A_149] : memref<2x128xi32, #tpu.memory_space<vmem>> -> memref<1x128xi32, #tpu.memory_space<vmem>>
        %dma_wait3A_151 = tpu.memref_squeeze %dma_wait3A_150 : memref<1x128xi32, #tpu.memory_space<vmem>> -> memref<128xi32, #tpu.memory_space<vmem>>
        %dma_wait3A_152 = arith.constant 0 : i32
        %dma_wait3A_153 = arith.constant 0 : i32
        %dma_wait3A_154 = tpu.memref_slice %arg4[%add3A, %dma_wait3A_152, %dma_wait3A_153] : memref<32x80x128xi32, #tpu.memory_space<hbm>> -> memref<1x80x128xi32, #tpu.memory_space<hbm>>
        %dma_wait3A_155 = tpu.memref_squeeze %dma_wait3A_154 : memref<1x80x128xi32, #tpu.memory_space<hbm>> -> memref<80x128xi32, #tpu.memory_space<hbm>>
        %dma_wait3A_156 = arith.constant 0 : i32
        %dma_wait3A_157 = tpu.memref_slice %dma_wait3A_155[%add3A_147, %dma_wait3A_156] : memref<80x128xi32, #tpu.memory_space<hbm>> -> memref<1x128xi32, #tpu.memory_space<hbm>>
        %dma_wait3A_158 = tpu.memref_squeeze %dma_wait3A_157 : memref<1x128xi32, #tpu.memory_space<hbm>> -> memref<128xi32, #tpu.memory_space<hbm>>
        %dma_wait3A_159 = arith.constant 0 : i32
        %dma_wait3A_160 = tpu.memref_slice %arg8[%dma_wait3A_148, %dma_wait3A_159] : memref<2x128xi32, #tpu.memory_space<vmem>> -> memref<1x128xi32, #tpu.memory_space<vmem>>
        %dma_wait3A_161 = tpu.memref_squeeze %dma_wait3A_160 : memref<1x128xi32, #tpu.memory_space<vmem>> -> memref<128xi32, #tpu.memory_space<vmem>>
        %dma_wait3A_162 = arith.constant 0 : i32
        %dma_wait3A_163 = arith.constant 0 : i32
        %dma_wait3A_164 = tpu.memref_slice %arg4[%add3A, %dma_wait3A_162, %dma_wait3A_163] : memref<32x80x128xi32, #tpu.memory_space<hbm>> -> memref<1x80x128xi32, #tpu.memory_space<hbm>>
        %dma_wait3A_165 = tpu.memref_squeeze %dma_wait3A_164 : memref<1x80x128xi32, #tpu.memory_space<hbm>> -> memref<80x128xi32, #tpu.memory_space<hbm>>
        %dma_wait3A_166 = arith.constant 0 : i32
        %dma_wait3A_167 = tpu.memref_slice %dma_wait3A_165[%add3A_147, %dma_wait3A_166] : memref<80x128xi32, #tpu.memory_space<hbm>> -> memref<1x128xi32, #tpu.memory_space<hbm>>
        %dma_wait3A_168 = tpu.memref_squeeze %dma_wait3A_167 : memref<1x128xi32, #tpu.memory_space<hbm>> -> memref<128xi32, #tpu.memory_space<hbm>>
        tpu.wait_dma2 semaphore(%arg13 : memref<!tpu.dma_semaphore, #tpu.memory_space<semaphore_mem>>) src(%dma_wait3A_168 : memref<128xi32, #tpu.memory_space<hbm>>) dst(%dma_wait3A_161 : memref<128xi32, #tpu.memory_space<vmem>>)
      } else {
      }
      %dma_wait3A_101 = arith.constant 1 : i32
      %dma_wait3A_102 = arith.constant 0 : i32
      %dma_wait3A_103 = tpu.memref_slice %arg7[%dma_wait3A_101, %dma_wait3A_102] : memref<2x128xi32, #tpu.memory_space<vmem>> -> memref<1x128xi32, #tpu.memory_space<vmem>>
      %dma_wait3A_104 = tpu.memref_squeeze %dma_wait3A_103 : memref<1x128xi32, #tpu.memory_space<vmem>> -> memref<128xi32, #tpu.memory_space<vmem>>
      %dma_wait3A_105 = arith.constant 0 : i32
      %dma_wait3A_106 = arith.constant 0 : i32
      %dma_wait3A_107 = tpu.memref_slice %arg2[%dma_wait3A_105, %dma_wait3A_106] : memref<10240x128xf32, #tpu.memory_space<hbm>> -> memref<10240x128xf32, #tpu.memory_space<hbm>>
      tpu.wait_indirect_dma semaphore(%arg12 : memref<!tpu.dma_semaphore, #tpu.memory_space<semaphore_mem>>) src(%dma_wait3A_107 : memref<10240x128xf32, #tpu.memory_space<hbm>>) dst(%arg10 : memref<128x128xf32, #tpu.memory_space<vmem>>)
      %add3A_108 = arith.constant 1 : i32
      %add3A_109 = arith.addi %add3A_93, %add3A_108 : i32
      %lt3A_110 = arith.constant 80 : i32
      %lt3A_111 = arith.cmpi slt, %add3A_109, %lt3A_110 : i32
      %convert_element_type3A_112 = arith.extui %lt3A_111 : i1 to i32
      %cond3A_113 = arith.constant 0 : i32
      %cond3A_114 = arith.cmpi ne, %convert_element_type3A_112, %cond3A_113 : i32
      scf.if %cond3A_114 {
        %dma_start3A_123 = arith.constant 0 : i32
        %dma_start3A_124 = arith.constant 0 : i32
        %dma_start3A_125 = tpu.memref_slice %arg7[%dma_start3A_123, %dma_start3A_124] : memref<2x128xi32, #tpu.memory_space<vmem>> -> memref<1x128xi32, #tpu.memory_space<vmem>>
        %dma_start3A_126 = tpu.memref_squeeze %dma_start3A_125 : memref<1x128xi32, #tpu.memory_space<vmem>> -> memref<128xi32, #tpu.memory_space<vmem>>
        %dma_start3A_127 = arith.constant 0 : i32
        %dma_start3A_128 = arith.constant 0 : i32
        %dma_start3A_129 = tpu.memref_slice %arg2[%dma_start3A_127, %dma_start3A_128] : memref<10240x128xf32, #tpu.memory_space<hbm>> -> memref<10240x128xf32, #tpu.memory_space<hbm>>
        tpu.enqueue_indirect_dma source(%dma_start3A_129 : memref<10240x128xf32, #tpu.memory_space<hbm>>) target(%arg9 : memref<128x128xf32, #tpu.memory_space<vmem>>) offsets(%dma_start3A_126 : memref<128xi32, #tpu.memory_space<vmem>>) semaphore(%arg12 : memref<!tpu.dma_semaphore, #tpu.memory_space<semaphore_mem>>)
      } else {
      }
      %run_scoped3A_115 = arith.constant 1 : i32
      "tpu.region"() ({
        %run_scoped3A_123 = tpu.sem_alloc : memref<!tpu.dma_semaphore, #tpu.memory_space<semaphore_mem>>
        %dma_start3A_124 = arith.constant 0 : i32
        %dma_start3A_125 = tpu.memref_slice %arg8[%run_scoped3A_115, %dma_start3A_124] : memref<2x128xi32, #tpu.memory_space<vmem>> -> memref<1x128xi32, #tpu.memory_space<vmem>>
        %dma_start3A_126 = tpu.memref_squeeze %dma_start3A_125 : memref<1x128xi32, #tpu.memory_space<vmem>> -> memref<128xi32, #tpu.memory_space<vmem>>
        %dma_start3A_127 = arith.constant 0 : i32
        %dma_start3A_128 = arith.constant 0 : i32
        %dma_start3A_129 = tpu.memref_slice %arg11[%dma_start3A_127, %dma_start3A_128] : memref<10240x128xf32, #tpu.memory_space<vmem_shared>> -> memref<10240x128xf32, #tpu.memory_space<vmem_shared>>
        tpu.enqueue_indirect_dma source(%arg10 : memref<128x128xf32, #tpu.memory_space<vmem>>) target(%dma_start3A_129 : memref<10240x128xf32, #tpu.memory_space<vmem_shared>>) offsets(%dma_start3A_126 : memref<128xi32, #tpu.memory_space<vmem>>) semaphore(%run_scoped3A_123 : memref<!tpu.dma_semaphore, #tpu.memory_space<semaphore_mem>>) {add = true}
        %dma_wait3A_130 = arith.constant 0 : i32
        %dma_wait3A_131 = tpu.memref_slice %arg8[%run_scoped3A_115, %dma_wait3A_130] : memref<2x128xi32, #tpu.memory_space<vmem>> -> memref<1x128xi32, #tpu.memory_space<vmem>>
        %dma_wait3A_132 = tpu.memref_squeeze %dma_wait3A_131 : memref<1x128xi32, #tpu.memory_space<vmem>> -> memref<128xi32, #tpu.memory_space<vmem>>
        %dma_wait3A_133 = arith.constant 0 : i32
        %dma_wait3A_134 = arith.constant 0 : i32
        %dma_wait3A_135 = tpu.memref_slice %arg11[%dma_wait3A_133, %dma_wait3A_134] : memref<10240x128xf32, #tpu.memory_space<vmem_shared>> -> memref<10240x128xf32, #tpu.memory_space<vmem_shared>>
        tpu.wait_indirect_dma semaphore(%run_scoped3A_123 : memref<!tpu.dma_semaphore, #tpu.memory_space<semaphore_mem>>) src(%arg10 : memref<128x128xf32, #tpu.memory_space<vmem>>) dst(%dma_wait3A_135 : memref<10240x128xf32, #tpu.memory_space<vmem_shared>>)
        tpu.yield
      }) : () -> ()
      %add3A_116 = arith.constant 2 : i32
      %add3A_117 = arith.addi %add3A_93, %add3A_116 : i32
      %lt3A_118 = arith.constant 80 : i32
      %lt3A_119 = arith.cmpi slt, %add3A_117, %lt3A_118 : i32
      %convert_element_type3A_120 = arith.extui %lt3A_119 : i1 to i32
      %cond3A_121 = arith.constant 0 : i32
      %cond3A_122 = arith.cmpi ne, %convert_element_type3A_120, %cond3A_121 : i32
      scf.if %cond3A_122 {
        %add3A_123 = arith.constant 2 : i32
        %add3A_124 = arith.addi %add3A_93, %add3A_123 : i32
        %dma_start3A_125 = arith.constant 1 : i32
        %dma_start3A_126 = arith.constant 0 : i32
        %dma_start3A_127 = tpu.memref_slice %arg7[%dma_start3A_125, %dma_start3A_126] : memref<2x128xi32, #tpu.memory_space<vmem>> -> memref<1x128xi32, #tpu.memory_space<vmem>>
        %dma_start3A_128 = tpu.memref_squeeze %dma_start3A_127 : memref<1x128xi32, #tpu.memory_space<vmem>> -> memref<128xi32, #tpu.memory_space<vmem>>
        %dma_start3A_129 = arith.constant 0 : i32
        %dma_start3A_130 = arith.constant 0 : i32
        %dma_start3A_131 = tpu.memref_slice %arg3[%add3A, %dma_start3A_129, %dma_start3A_130] : memref<32x80x128xi32, #tpu.memory_space<hbm>> -> memref<1x80x128xi32, #tpu.memory_space<hbm>>
        %dma_start3A_132 = tpu.memref_squeeze %dma_start3A_131 : memref<1x80x128xi32, #tpu.memory_space<hbm>> -> memref<80x128xi32, #tpu.memory_space<hbm>>
        %dma_start3A_133 = arith.constant 0 : i32
        %dma_start3A_134 = tpu.memref_slice %dma_start3A_132[%add3A_124, %dma_start3A_133] : memref<80x128xi32, #tpu.memory_space<hbm>> -> memref<1x128xi32, #tpu.memory_space<hbm>>
        %dma_start3A_135 = tpu.memref_squeeze %dma_start3A_134 : memref<1x128xi32, #tpu.memory_space<hbm>> -> memref<128xi32, #tpu.memory_space<hbm>>
        %dma_start3A_136 = arith.constant 0 : i32
        %dma_start3A_137 = tpu.memref_slice %arg7[%dma_start3A_125, %dma_start3A_136] : memref<2x128xi32, #tpu.memory_space<vmem>> -> memref<1x128xi32, #tpu.memory_space<vmem>>
        %dma_start3A_138 = tpu.memref_squeeze %dma_start3A_137 : memref<1x128xi32, #tpu.memory_space<vmem>> -> memref<128xi32, #tpu.memory_space<vmem>>
        %dma_start3A_139 = arith.constant 0 : i32
        %dma_start3A_140 = arith.constant 0 : i32
        %dma_start3A_141 = tpu.memref_slice %arg3[%add3A, %dma_start3A_139, %dma_start3A_140] : memref<32x80x128xi32, #tpu.memory_space<hbm>> -> memref<1x80x128xi32, #tpu.memory_space<hbm>>
        %dma_start3A_142 = tpu.memref_squeeze %dma_start3A_141 : memref<1x80x128xi32, #tpu.memory_space<hbm>> -> memref<80x128xi32, #tpu.memory_space<hbm>>
        %dma_start3A_143 = arith.constant 0 : i32
        %dma_start3A_144 = tpu.memref_slice %dma_start3A_142[%add3A_124, %dma_start3A_143] : memref<80x128xi32, #tpu.memory_space<hbm>> -> memref<1x128xi32, #tpu.memory_space<hbm>>
        %dma_start3A_145 = tpu.memref_squeeze %dma_start3A_144 : memref<1x128xi32, #tpu.memory_space<hbm>> -> memref<128xi32, #tpu.memory_space<hbm>>
        tpu.enqueue_dma source(%dma_start3A_145 : memref<128xi32, #tpu.memory_space<hbm>>) target(%dma_start3A_138 : memref<128xi32, #tpu.memory_space<vmem>>) target_semaphore(%arg13 : memref<!tpu.dma_semaphore, #tpu.memory_space<semaphore_mem>>)
        %add3A_146 = arith.constant 2 : i32
        %add3A_147 = arith.addi %add3A_93, %add3A_146 : i32
        %dma_start3A_148 = arith.constant 1 : i32
        %dma_start3A_149 = arith.constant 0 : i32
        %dma_start3A_150 = tpu.memref_slice %arg8[%dma_start3A_148, %dma_start3A_149] : memref<2x128xi32, #tpu.memory_space<vmem>> -> memref<1x128xi32, #tpu.memory_space<vmem>>
        %dma_start3A_151 = tpu.memref_squeeze %dma_start3A_150 : memref<1x128xi32, #tpu.memory_space<vmem>> -> memref<128xi32, #tpu.memory_space<vmem>>
        %dma_start3A_152 = arith.constant 0 : i32
        %dma_start3A_153 = arith.constant 0 : i32
        %dma_start3A_154 = tpu.memref_slice %arg4[%add3A, %dma_start3A_152, %dma_start3A_153] : memref<32x80x128xi32, #tpu.memory_space<hbm>> -> memref<1x80x128xi32, #tpu.memory_space<hbm>>
        %dma_start3A_155 = tpu.memref_squeeze %dma_start3A_154 : memref<1x80x128xi32, #tpu.memory_space<hbm>> -> memref<80x128xi32, #tpu.memory_space<hbm>>
        %dma_start3A_156 = arith.constant 0 : i32
        %dma_start3A_157 = tpu.memref_slice %dma_start3A_155[%add3A_147, %dma_start3A_156] : memref<80x128xi32, #tpu.memory_space<hbm>> -> memref<1x128xi32, #tpu.memory_space<hbm>>
        %dma_start3A_158 = tpu.memref_squeeze %dma_start3A_157 : memref<1x128xi32, #tpu.memory_space<hbm>> -> memref<128xi32, #tpu.memory_space<hbm>>
        %dma_start3A_159 = arith.constant 0 : i32
        %dma_start3A_160 = tpu.memref_slice %arg8[%dma_start3A_148, %dma_start3A_159] : memref<2x128xi32, #tpu.memory_space<vmem>> -> memref<1x128xi32, #tpu.memory_space<vmem>>
        %dma_start3A_161 = tpu.memref_squeeze %dma_start3A_160 : memref<1x128xi32, #tpu.memory_space<vmem>> -> memref<128xi32, #tpu.memory_space<vmem>>
        %dma_start3A_162 = arith.constant 0 : i32
        %dma_start3A_163 = arith.constant 0 : i32
        %dma_start3A_164 = tpu.memref_slice %arg4[%add3A, %dma_start3A_162, %dma_start3A_163] : memref<32x80x128xi32, #tpu.memory_space<hbm>> -> memref<1x80x128xi32, #tpu.memory_space<hbm>>
        %dma_start3A_165 = tpu.memref_squeeze %dma_start3A_164 : memref<1x80x128xi32, #tpu.memory_space<hbm>> -> memref<80x128xi32, #tpu.memory_space<hbm>>
        %dma_start3A_166 = arith.constant 0 : i32
        %dma_start3A_167 = tpu.memref_slice %dma_start3A_165[%add3A_147, %dma_start3A_166] : memref<80x128xi32, #tpu.memory_space<hbm>> -> memref<1x128xi32, #tpu.memory_space<hbm>>
        %dma_start3A_168 = tpu.memref_squeeze %dma_start3A_167 : memref<1x128xi32, #tpu.memory_space<hbm>> -> memref<128xi32, #tpu.memory_space<hbm>>
        tpu.enqueue_dma source(%dma_start3A_168 : memref<128xi32, #tpu.memory_space<hbm>>) target(%dma_start3A_161 : memref<128xi32, #tpu.memory_space<vmem>>) target_semaphore(%arg13 : memref<!tpu.dma_semaphore, #tpu.memory_space<semaphore_mem>>)
      } else {
      }
    }
    %scan3A_60 = arith.constant 40 : i32
    %barrier3A_61 = arith.constant 0 : index
    tpu.barrier barrier_id(%barrier3A_61)
    "tpu.region"() ({
      %run_scoped3A_62 = tpu.sem_alloc : memref<!tpu.dma_semaphore, #tpu.memory_space<semaphore_mem>>
      %dma_start3A_63 = arith.constant 0 : i32
      %dma_start3A_64 = arith.constant 0 : i32
      %dma_start3A_65 = tpu.memref_slice %arg6[%arg0, %dma_start3A_63, %dma_start3A_64] : memref<2x10240x128xf32, #tpu.memory_space<hbm>> -> memref<1x10240x128xf32, #tpu.memory_space<hbm>>
      %dma_start3A_66 = tpu.memref_squeeze %dma_start3A_65 : memref<1x10240x128xf32, #tpu.memory_space<hbm>> -> memref<10240x128xf32, #tpu.memory_space<hbm>>
      %dma_start3A_67 = arith.constant 0 : i32
      %dma_start3A_68 = tpu.memref_slice %dma_start3A_66[%mul3A_2, %dma_start3A_67] : memref<10240x128xf32, #tpu.memory_space<hbm>> -> memref<640x128xf32, #tpu.memory_space<hbm>>
      %dma_start3A_69 = arith.constant 0 : i32
      %dma_start3A_70 = tpu.memref_slice %arg11[%mul3A_2, %dma_start3A_69] : memref<10240x128xf32, #tpu.memory_space<vmem_shared>> -> memref<640x128xf32, #tpu.memory_space<vmem_shared>>
      tpu.enqueue_dma source(%dma_start3A_70 : memref<640x128xf32, #tpu.memory_space<vmem_shared>>) target(%dma_start3A_68 : memref<640x128xf32, #tpu.memory_space<hbm>>) target_semaphore(%run_scoped3A_62 : memref<!tpu.dma_semaphore, #tpu.memory_space<semaphore_mem>>)
      %dma_wait3A = arith.constant 0 : i32
      %dma_wait3A_71 = arith.constant 0 : i32
      %dma_wait3A_72 = tpu.memref_slice %arg6[%arg0, %dma_wait3A, %dma_wait3A_71] : memref<2x10240x128xf32, #tpu.memory_space<hbm>> -> memref<1x10240x128xf32, #tpu.memory_space<hbm>>
      %dma_wait3A_73 = tpu.memref_squeeze %dma_wait3A_72 : memref<1x10240x128xf32, #tpu.memory_space<hbm>> -> memref<10240x128xf32, #tpu.memory_space<hbm>>
      %dma_wait3A_74 = arith.constant 0 : i32
      %dma_wait3A_75 = tpu.memref_slice %dma_wait3A_73[%mul3A_2, %dma_wait3A_74] : memref<10240x128xf32, #tpu.memory_space<hbm>> -> memref<640x128xf32, #tpu.memory_space<hbm>>
      %dma_wait3A_76 = arith.constant 0 : i32
      %dma_wait3A_77 = tpu.memref_slice %arg11[%mul3A_2, %dma_wait3A_76] : memref<10240x128xf32, #tpu.memory_space<vmem_shared>> -> memref<640x128xf32, #tpu.memory_space<vmem_shared>>
      tpu.wait_dma2 semaphore(%run_scoped3A_62 : memref<!tpu.dma_semaphore, #tpu.memory_space<semaphore_mem>>) src(%dma_wait3A_77 : memref<640x128xf32, #tpu.memory_space<vmem_shared>>) dst(%dma_wait3A_75 : memref<640x128xf32, #tpu.memory_space<hbm>>)
      tpu.yield
    }) : () -> ()
    return
  }
}

module attributes {stable_mosaic.version = 14 : i64} {
  func.func @body(%arg0: i32, %arg1: memref<1280x128xf32, #tpu.memory_space<vmem>>, %arg2: memref<128x128xf32, #tpu.memory_space<vmem>>, %arg3: memref<2x1280x128xf32, #tpu.memory_space<vmem>>, %arg4: memref<1280x128xf32, #tpu.memory_space<vmem>>, %arg5: memref<1280x16xf32, #tpu.memory_space<vmem>>) attributes {dimension_semantics = [#tpu.dimension_semantics<arbitrary>], iteration_bounds = array<i64: 8>, scalar_prefetch = 0 : i64, scratch_operands = 0 : i64, tpu.core_type = #tpu.core_type<tc>, window_params = [{transform_indices = @transform_0, window_bounds = array<i64: 1280, 128>}, {pipeline_mode = #tpu.pipeline_mode<synchronous>, transform_indices = @transform_1, window_bounds = array<i64: 128, 128>}, {transform_indices = @transform_2, window_bounds = array<i64: 2, 1280, 128>}, {transform_indices = @transform_3, window_bounds = array<i64: 1280, 128>}, {transform_indices = @transform_4, window_bounds = array<i64: 1280, 16>}]} {
    %get3A = arith.constant 0 : index
    %get3A_0 = arith.constant 0 : index
    %get3A_1 = arith.constant 0 : index
    %get3A_2 = vector.load %arg3[%get3A, %get3A_0, %get3A_1] : memref<2x1280x128xf32, #tpu.memory_space<vmem>>, vector<1x1280x128xf32>
    %get3A_3 = vector.shape_cast %get3A_2 : vector<1x1280x128xf32> to vector<1280x128xf32>
    %slice3A = vector.extract_strided_slice %get3A_3 {offsets = [0, 0], sizes = [1280, 16], strides = [1, 1]} : vector<1280x128xf32> to vector<1280x16xf32>
    %get3A_4 = arith.constant 1 : index
    %get3A_5 = arith.constant 0 : index
    %get3A_6 = arith.constant 0 : index
    %get3A_7 = vector.load %arg3[%get3A_4, %get3A_5, %get3A_6] : memref<2x1280x128xf32, #tpu.memory_space<vmem>>, vector<1x1280x128xf32>
    %get3A_8 = vector.shape_cast %get3A_7 : vector<1x1280x128xf32> to vector<1280x128xf32>
    %slice3A_9 = vector.extract_strided_slice %get3A_8 {offsets = [0, 0], sizes = [1280, 16], strides = [1, 1]} : vector<1280x128xf32> to vector<1280x16xf32>
    %add3A = arith.addf %slice3A, %slice3A_9 : vector<1280x16xf32>
    %add3A_10 = arith.constant 1.000000e+00 : f32
    %add3A_11 = vector.broadcast %add3A_10 : f32 to vector<1280x16xf32>
    %add3A_12 = arith.addf %add3A, %add3A_11 : vector<1280x16xf32>
    %rsqrt3A = math.rsqrt %add3A_12 : vector<1280x16xf32>
    %swap3A = arith.constant 0 : index
    %swap3A_13 = arith.constant 0 : index
    %swap3A_14 = vector.load %arg5[%swap3A, %swap3A_13] : memref<1280x16xf32, #tpu.memory_space<vmem>>, vector<1280x16xf32>
    tpu.vector_store %arg5[%swap3A, %swap3A_13], %rsqrt3A {strides = array<i32>} : memref<1280x16xf32, #tpu.memory_space<vmem>>, vector<1280x16xf32>,
    %get3A_15 = arith.constant 0 : index
    %get3A_16 = arith.constant 0 : index
    %get3A_17 = vector.load %arg1[%get3A_15, %get3A_16] : memref<1280x128xf32, #tpu.memory_space<vmem>>, vector<1280x128xf32>
    %get3A_18 = arith.constant 0 : index
    %get3A_19 = arith.constant 0 : index
    %get3A_20 = vector.load %arg2[%get3A_18, %get3A_19] : memref<128x128xf32, #tpu.memory_space<vmem>>, vector<128x128xf32>
    %dot_general3A = arith.constant dense<0.000000e+00> : vector<1280x128xf32>
    %dot_general3A_21 = tpu.matmul %get3A_17, %get3A_20, %dot_general3A {dimension_numbers = #tpu.dot_dimension_numbers<[1], [0], [0], [1], [0, 0, 1, 1], [], []>, precision = #tpu.contract_precision<fp32>, transpose_lhs_hint = false} : vector<1280x128xf32>, vector<128x128xf32>, vector<1280x128xf32> -> vector<1280x128xf32>
    %slice3A_22 = vector.extract_strided_slice %rsqrt3A {offsets = [0, 0], sizes = [1280, 1], strides = [1, 1]} : vector<1280x16xf32> to vector<1280x1xf32>
    %mul3A = vector.broadcast %slice3A_22 : vector<1280x1xf32> to vector<1280x128xf32>
    %mul3A_23 = arith.mulf %dot_general3A_21, %mul3A : vector<1280x128xf32>
    %swap3A_24 = arith.constant 0 : index
    %swap3A_25 = arith.constant 0 : index
    %swap3A_26 = vector.load %arg4[%swap3A_24, %swap3A_25] : memref<1280x128xf32, #tpu.memory_space<vmem>>, vector<1280x128xf32>
    tpu.vector_store %arg4[%swap3A_24, %swap3A_25], %mul3A_23 {strides = array<i32>} : memref<1280x128xf32, #tpu.memory_space<vmem>>, vector<1280x128xf32>,
    return
  }
  func.func @transform_0(%arg0: i32) -> (i32, i32) {
    %c0_i32 = arith.constant 0 : i32
    %c0_i32_0 = arith.constant 0 : i32
    return %arg0, %c0_i32 : i32, i32
  }
  func.func @transform_1(%arg0: i32) -> (i32, i32) {
    %c0_i32 = arith.constant 0 : i32
    %c0_i32_0 = arith.constant 0 : i32
    %c0_i32_1 = arith.constant 0 : i32
    return %c0_i32, %c0_i32_0 : i32, i32
  }
  func.func @transform_2(%arg0: i32) -> (i32, i32, i32) {
    %c0_i32 = arith.constant 0 : i32
    %c0_i32_0 = arith.constant 0 : i32
    %c0_i32_1 = arith.constant 0 : i32
    return %c0_i32, %arg0, %c0_i32_0 : i32, i32, i32
  }
  func.func @transform_3(%arg0: i32) -> (i32, i32) {
    %c0_i32 = arith.constant 0 : i32
    %c0_i32_0 = arith.constant 0 : i32
    return %arg0, %c0_i32 : i32, i32
  }
  func.func @transform_4(%arg0: i32) -> (i32, i32) {
    %c0_i32 = arith.constant 0 : i32
    %c0_i32_0 = arith.constant 0 : i32
    return %arg0, %c0_i32 : i32, i32
  }
}

module attributes {stable_mosaic.version = 14 : i64} {
  func.func @body(%arg0: i32, %arg1: memref<2x1280x128xf32, #tpu.memory_space<vmem>>, %arg2: memref<1280x128xf32, #tpu.memory_space<vmem>>, %arg3: memref<1280x16xf32, #tpu.memory_space<vmem>>, %arg4: memref<1x128xf32, #tpu.memory_space<vmem>>, %arg5: memref<128x128xf32, #tpu.memory_space<vmem>>, %arg6: memref<1280x128xf32, #tpu.memory_space<vmem>>) attributes {dimension_semantics = [#tpu.dimension_semantics<arbitrary>], iteration_bounds = array<i64: 8>, scalar_prefetch = 0 : i64, scratch_operands = 0 : i64, tpu.core_type = #tpu.core_type<tc>, window_params = [{transform_indices = @transform_0, window_bounds = array<i64: 2, 1280, 128>}, {transform_indices = @transform_1, window_bounds = array<i64: 1280, 128>}, {transform_indices = @transform_2, window_bounds = array<i64: 1280, 16>}, {pipeline_mode = #tpu.pipeline_mode<synchronous>, transform_indices = @transform_3, window_bounds = array<i64: 1, 128>}, {pipeline_mode = #tpu.pipeline_mode<synchronous>, transform_indices = @transform_4, window_bounds = array<i64: 128, 128>}, {transform_indices = @transform_5, window_bounds = array<i64: 1280, 128>}]} {
    %get3A = arith.constant 0 : index
    %get3A_0 = arith.constant 0 : index
    %get3A_1 = vector.load %arg3[%get3A, %get3A_0] : memref<1280x16xf32, #tpu.memory_space<vmem>>, vector<1280x16xf32>
    %slice3A = vector.extract_strided_slice %get3A_1 {offsets = [0, 0], sizes = [1280, 1], strides = [1, 1]} : vector<1280x16xf32> to vector<1280x1xf32>
    %get3A_2 = arith.constant 0 : index
    %get3A_3 = arith.constant 0 : index
    %get3A_4 = arith.constant 0 : index
    %get3A_5 = vector.load %arg1[%get3A_2, %get3A_3, %get3A_4] : memref<2x1280x128xf32, #tpu.memory_space<vmem>>, vector<1x1280x128xf32>
    %get3A_6 = vector.shape_cast %get3A_5 : vector<1x1280x128xf32> to vector<1280x128xf32>
    %get3A_7 = arith.constant 1 : index
    %get3A_8 = arith.constant 0 : index
    %get3A_9 = arith.constant 0 : index
    %get3A_10 = vector.load %arg1[%get3A_7, %get3A_8, %get3A_9] : memref<2x1280x128xf32, #tpu.memory_space<vmem>>, vector<1x1280x128xf32>
    %get3A_11 = vector.shape_cast %get3A_10 : vector<1x1280x128xf32> to vector<1280x128xf32>
    %add3A = arith.addf %get3A_6, %get3A_11 : vector<1280x128xf32>
    %get3A_12 = arith.constant 0 : index
    %get3A_13 = arith.constant 0 : index
    %get3A_14 = vector.load %arg2[%get3A_12, %get3A_13] : memref<1280x128xf32, #tpu.memory_space<vmem>>, vector<1280x128xf32>
    %add3A_15 = arith.addf %add3A, %get3A_14 : vector<1280x128xf32>
    %mul3A = vector.broadcast %slice3A : vector<1280x1xf32> to vector<1280x128xf32>
    %mul3A_16 = arith.mulf %mul3A, %add3A_15 : vector<1280x128xf32>
    %get3A_17 = arith.constant 0 : index
    %get3A_18 = arith.constant 0 : index
    %get3A_19 = vector.load %arg4[%get3A_17, %get3A_18] : memref<1x128xf32, #tpu.memory_space<vmem>>, vector<1x128xf32>
    %add3A_20 = vector.broadcast %get3A_19 : vector<1x128xf32> to vector<1280x128xf32>
    %add3A_21 = arith.addf %mul3A_16, %add3A_20 : vector<1280x128xf32>
    %max3A = arith.constant 0.000000e+00 : f32
    %max3A_22 = vector.broadcast %max3A : f32 to vector<1280x128xf32>
    %max3A_23 = arith.maximumf %add3A_21, %max3A_22 : vector<1280x128xf32>
    %get3A_24 = arith.constant 0 : index
    %get3A_25 = arith.constant 0 : index
    %get3A_26 = vector.load %arg5[%get3A_24, %get3A_25] : memref<128x128xf32, #tpu.memory_space<vmem>>, vector<128x128xf32>
    %dot_general3A = arith.constant dense<0.000000e+00> : vector<1280x128xf32>
    %dot_general3A_27 = tpu.matmul %max3A_23, %get3A_26, %dot_general3A {dimension_numbers = #tpu.dot_dimension_numbers<[1], [0], [0], [1], [0, 0, 1, 1], [], []>, precision = #tpu.contract_precision<fp32>, transpose_lhs_hint = false} : vector<1280x128xf32>, vector<128x128xf32>, vector<1280x128xf32> -> vector<1280x128xf32>
    %mul3A_28 = vector.broadcast %slice3A : vector<1280x1xf32> to vector<1280x128xf32>
    %mul3A_29 = arith.mulf %dot_general3A_27, %mul3A_28 : vector<1280x128xf32>
    %swap3A = arith.constant 0 : index
    %swap3A_30 = arith.constant 0 : index
    %swap3A_31 = vector.load %arg6[%swap3A, %swap3A_30] : memref<1280x128xf32, #tpu.memory_space<vmem>>, vector<1280x128xf32>
    tpu.vector_store %arg6[%swap3A, %swap3A_30], %mul3A_29 {strides = array<i32>} : memref<1280x128xf32, #tpu.memory_space<vmem>>, vector<1280x128xf32>,
    return
  }
  func.func @transform_0(%arg0: i32) -> (i32, i32, i32) {
    %c0_i32 = arith.constant 0 : i32
    %c0_i32_0 = arith.constant 0 : i32
    %c0_i32_1 = arith.constant 0 : i32
    return %c0_i32, %arg0, %c0_i32_0 : i32, i32, i32
  }
  func.func @transform_1(%arg0: i32) -> (i32, i32) {
    %c0_i32 = arith.constant 0 : i32
    %c0_i32_0 = arith.constant 0 : i32
    return %arg0, %c0_i32 : i32, i32
  }
  func.func @transform_2(%arg0: i32) -> (i32, i32) {
    %c0_i32 = arith.constant 0 : i32
    %c0_i32_0 = arith.constant 0 : i32
    return %arg0, %c0_i32 : i32, i32
  }
  func.func @transform_3(%arg0: i32) -> (i32, i32) {
    %c0_i32 = arith.constant 0 : i32
    %c0_i32_0 = arith.constant 0 : i32
    %c0_i32_1 = arith.constant 0 : i32
    return %c0_i32, %c0_i32_0 : i32, i32
  }
  func.func @transform_4(%arg0: i32) -> (i32, i32) {
    %c0_i32 = arith.constant 0 : i32
    %c0_i32_0 = arith.constant 0 : i32
    %c0_i32_1 = arith.constant 0 : i32
    return %c0_i32, %c0_i32_0 : i32, i32
  }
  func.func @transform_5(%arg0: i32) -> (i32, i32) {
    %c0_i32 = arith.constant 0 : i32
    %c0_i32_0 = arith.constant 0 : i32
    return %arg0, %c0_i32 : i32, i32
  }
}

module attributes {stable_mosaic.version = 14 : i64} {
  func.func @body(%arg0: i32, %arg1: memref<2x1280x128xf32, #tpu.memory_space<vmem>>, %arg2: memref<1280x128xf32, #tpu.memory_space<vmem>>, %arg3: memref<1280x16xf32, #tpu.memory_space<vmem>>, %arg4: memref<1x128xf32, #tpu.memory_space<vmem>>, %arg5: memref<128x64xf32, #tpu.memory_space<vmem>>, %arg6: memref<1280x128xf32, #tpu.memory_space<vmem>>) attributes {dimension_semantics = [#tpu.dimension_semantics<arbitrary>], iteration_bounds = array<i64: 8>, scalar_prefetch = 0 : i64, scratch_operands = 0 : i64, tpu.core_type = #tpu.core_type<tc>, window_params = [{transform_indices = @transform_0, window_bounds = array<i64: 2, 1280, 128>}, {transform_indices = @transform_1, window_bounds = array<i64: 1280, 128>}, {transform_indices = @transform_2, window_bounds = array<i64: 1280, 16>}, {pipeline_mode = #tpu.pipeline_mode<synchronous>, transform_indices = @transform_3, window_bounds = array<i64: 1, 128>}, {pipeline_mode = #tpu.pipeline_mode<synchronous>, transform_indices = @transform_4, window_bounds = array<i64: 128, 64>}, {transform_indices = @transform_5, window_bounds = array<i64: 1280, 128>}]} {
    %get3A = arith.constant 0 : index
    %get3A_0 = arith.constant 0 : index
    %get3A_1 = vector.load %arg3[%get3A, %get3A_0] : memref<1280x16xf32, #tpu.memory_space<vmem>>, vector<1280x16xf32>
    %slice3A = vector.extract_strided_slice %get3A_1 {offsets = [0, 0], sizes = [1280, 1], strides = [1, 1]} : vector<1280x16xf32> to vector<1280x1xf32>
    %get3A_2 = arith.constant 0 : index
    %get3A_3 = arith.constant 0 : index
    %get3A_4 = arith.constant 0 : index
    %get3A_5 = vector.load %arg1[%get3A_2, %get3A_3, %get3A_4] : memref<2x1280x128xf32, #tpu.memory_space<vmem>>, vector<1x1280x128xf32>
    %get3A_6 = vector.shape_cast %get3A_5 : vector<1x1280x128xf32> to vector<1280x128xf32>
    %get3A_7 = arith.constant 1 : index
    %get3A_8 = arith.constant 0 : index
    %get3A_9 = arith.constant 0 : index
    %get3A_10 = vector.load %arg1[%get3A_7, %get3A_8, %get3A_9] : memref<2x1280x128xf32, #tpu.memory_space<vmem>>, vector<1x1280x128xf32>
    %get3A_11 = vector.shape_cast %get3A_10 : vector<1x1280x128xf32> to vector<1280x128xf32>
    %add3A = arith.addf %get3A_6, %get3A_11 : vector<1280x128xf32>
    %get3A_12 = arith.constant 0 : index
    %get3A_13 = arith.constant 0 : index
    %get3A_14 = vector.load %arg2[%get3A_12, %get3A_13] : memref<1280x128xf32, #tpu.memory_space<vmem>>, vector<1280x128xf32>
    %add3A_15 = arith.addf %add3A, %get3A_14 : vector<1280x128xf32>
    %mul3A = vector.broadcast %slice3A : vector<1280x1xf32> to vector<1280x128xf32>
    %mul3A_16 = arith.mulf %mul3A, %add3A_15 : vector<1280x128xf32>
    %get3A_17 = arith.constant 0 : index
    %get3A_18 = arith.constant 0 : index
    %get3A_19 = vector.load %arg4[%get3A_17, %get3A_18] : memref<1x128xf32, #tpu.memory_space<vmem>>, vector<1x128xf32>
    %add3A_20 = vector.broadcast %get3A_19 : vector<1x128xf32> to vector<1280x128xf32>
    %add3A_21 = arith.addf %mul3A_16, %add3A_20 : vector<1280x128xf32>
    %max3A = arith.constant 0.000000e+00 : f32
    %max3A_22 = vector.broadcast %max3A : f32 to vector<1280x128xf32>
    %max3A_23 = arith.maximumf %add3A_21, %max3A_22 : vector<1280x128xf32>
    %get3A_24 = arith.constant 0 : index
    %get3A_25 = arith.constant 0 : index
    %get3A_26 = vector.load %arg5[%get3A_24, %get3A_25] : memref<128x64xf32, #tpu.memory_space<vmem>>, vector<128x64xf32>
    %dot_general3A = arith.constant dense<0.000000e+00> : vector<1280x64xf32>
    %dot_general3A_27 = tpu.matmul %max3A_23, %get3A_26, %dot_general3A {dimension_numbers = #tpu.dot_dimension_numbers<[1], [0], [0], [1], [0, 0, 1, 1], [], []>, precision = #tpu.contract_precision<fp32>, transpose_lhs_hint = false} : vector<1280x128xf32>, vector<128x64xf32>, vector<1280x64xf32> -> vector<1280x64xf32>
    %mul3A_28 = vector.broadcast %slice3A : vector<1280x1xf32> to vector<1280x64xf32>
    %mul3A_29 = arith.mulf %dot_general3A_27, %mul3A_28 : vector<1280x64xf32>
    %broadcast_in_dim3A = arith.constant 0.000000e+00 : f32
    %broadcast_in_dim3A_30 = vector.broadcast %broadcast_in_dim3A : f32 to vector<1280x64xf32>
    %concatenate3A = tpu.concatenate %mul3A_29, %broadcast_in_dim3A_30 in 1 : vector<1280x64xf32>, vector<1280x64xf32> -> vector<1280x128xf32>
    %swap3A = arith.constant 0 : index
    %swap3A_31 = arith.constant 0 : index
    %swap3A_32 = vector.load %arg6[%swap3A, %swap3A_31] : memref<1280x128xf32, #tpu.memory_space<vmem>>, vector<1280x128xf32>
    tpu.vector_store %arg6[%swap3A, %swap3A_31], %concatenate3A {strides = array<i32>} : memref<1280x128xf32, #tpu.memory_space<vmem>>, vector<1280x128xf32>,
    return
  }
  func.func @transform_0(%arg0: i32) -> (i32, i32, i32) {
    %c0_i32 = arith.constant 0 : i32
    %c0_i32_0 = arith.constant 0 : i32
    %c0_i32_1 = arith.constant 0 : i32
    return %c0_i32, %arg0, %c0_i32_0 : i32, i32, i32
  }
  func.func @transform_1(%arg0: i32) -> (i32, i32) {
    %c0_i32 = arith.constant 0 : i32
    %c0_i32_0 = arith.constant 0 : i32
    return %arg0, %c0_i32 : i32, i32
  }
  func.func @transform_2(%arg0: i32) -> (i32, i32) {
    %c0_i32 = arith.constant 0 : i32
    %c0_i32_0 = arith.constant 0 : i32
    return %arg0, %c0_i32 : i32, i32
  }
  func.func @transform_3(%arg0: i32) -> (i32, i32) {
    %c0_i32 = arith.constant 0 : i32
    %c0_i32_0 = arith.constant 0 : i32
    %c0_i32_1 = arith.constant 0 : i32
    return %c0_i32, %c0_i32_0 : i32, i32
  }
  func.func @transform_4(%arg0: i32) -> (i32, i32) {
    %c0_i32 = arith.constant 0 : i32
    %c0_i32_0 = arith.constant 0 : i32
    %c0_i32_1 = arith.constant 0 : i32
    return %c0_i32, %c0_i32_0 : i32, i32
  }
  func.func @transform_5(%arg0: i32) -> (i32, i32) {
    %c0_i32 = arith.constant 0 : i32
    %c0_i32_0 = arith.constant 0 : i32
    return %arg0, %c0_i32 : i32, i32
  }
}

module attributes {stable_mosaic.version = 14 : i64} {
  func.func @body(%arg0: i32, %arg1: memref<2x1280x128xf32, #tpu.memory_space<vmem>>, %arg2: memref<1280x128xf32, #tpu.memory_space<vmem>>, %arg3: memref<1280x16xf32, #tpu.memory_space<vmem>>, %arg4: memref<1x64xf32, #tpu.memory_space<vmem>>, %arg5: memref<1280x64xf32, #tpu.memory_space<vmem>>, %arg6: memref<1280x64xf32, #tpu.memory_space<vmem>>) attributes {dimension_semantics = [#tpu.dimension_semantics<arbitrary>], iteration_bounds = array<i64: 8>, scalar_prefetch = 0 : i64, scratch_operands = 0 : i64, tpu.core_type = #tpu.core_type<tc>, window_params = [{transform_indices = @transform_0, window_bounds = array<i64: 2, 1280, 128>}, {transform_indices = @transform_1, window_bounds = array<i64: 1280, 128>}, {transform_indices = @transform_2, window_bounds = array<i64: 1280, 16>}, {pipeline_mode = #tpu.pipeline_mode<synchronous>, transform_indices = @transform_3, window_bounds = array<i64: 1, 64>}, {transform_indices = @transform_4, window_bounds = array<i64: 1280, 64>}, {transform_indices = @transform_5, window_bounds = array<i64: 1280, 64>}]} {
    %get3A = arith.constant 0 : index
    %get3A_0 = arith.constant 0 : index
    %get3A_1 = vector.load %arg3[%get3A, %get3A_0] : memref<1280x16xf32, #tpu.memory_space<vmem>>, vector<1280x16xf32>
    %slice3A = vector.extract_strided_slice %get3A_1 {offsets = [0, 0], sizes = [1280, 1], strides = [1, 1]} : vector<1280x16xf32> to vector<1280x1xf32>
    %get3A_2 = arith.constant 0 : index
    %get3A_3 = arith.constant 0 : index
    %get3A_4 = arith.constant 0 : index
    %get3A_5 = vector.load %arg1[%get3A_2, %get3A_3, %get3A_4] : memref<2x1280x128xf32, #tpu.memory_space<vmem>>, vector<1x1280x128xf32>
    %get3A_6 = vector.shape_cast %get3A_5 : vector<1x1280x128xf32> to vector<1280x128xf32>
    %get3A_7 = arith.constant 1 : index
    %get3A_8 = arith.constant 0 : index
    %get3A_9 = arith.constant 0 : index
    %get3A_10 = vector.load %arg1[%get3A_7, %get3A_8, %get3A_9] : memref<2x1280x128xf32, #tpu.memory_space<vmem>>, vector<1x1280x128xf32>
    %get3A_11 = vector.shape_cast %get3A_10 : vector<1x1280x128xf32> to vector<1280x128xf32>
    %add3A = arith.addf %get3A_6, %get3A_11 : vector<1280x128xf32>
    %get3A_12 = arith.constant 0 : index
    %get3A_13 = arith.constant 0 : index
    %get3A_14 = vector.load %arg2[%get3A_12, %get3A_13] : memref<1280x128xf32, #tpu.memory_space<vmem>>, vector<1280x128xf32>
    %add3A_15 = arith.addf %add3A, %get3A_14 : vector<1280x128xf32>
    %slice3A_16 = vector.extract_strided_slice %add3A_15 {offsets = [0, 0], sizes = [1280, 64], strides = [1, 1]} : vector<1280x128xf32> to vector<1280x64xf32>
    %mul3A = vector.broadcast %slice3A : vector<1280x1xf32> to vector<1280x64xf32>
    %mul3A_17 = arith.mulf %mul3A, %slice3A_16 : vector<1280x64xf32>
    %get3A_18 = arith.constant 0 : index
    %get3A_19 = arith.constant 0 : index
    %get3A_20 = vector.load %arg4[%get3A_18, %get3A_19] : memref<1x64xf32, #tpu.memory_space<vmem>>, vector<1x64xf32>
    %add3A_21 = vector.broadcast %get3A_20 : vector<1x64xf32> to vector<1280x64xf32>
    %add3A_22 = arith.addf %mul3A_17, %add3A_21 : vector<1280x64xf32>
    %swap3A = arith.constant 0 : index
    %swap3A_23 = arith.constant 0 : index
    %swap3A_24 = vector.load %arg5[%swap3A, %swap3A_23] : memref<1280x64xf32, #tpu.memory_space<vmem>>, vector<1280x64xf32>
    tpu.vector_store %arg5[%swap3A, %swap3A_23], %add3A_22 {strides = array<i32>} : memref<1280x64xf32, #tpu.memory_space<vmem>>, vector<1280x64xf32>,
    %reduce_max3A = arith.constant dense<0xFF800000> : vector<1280xf32>
    %reduce_max3A_25 = vector.multi_reduction <maximumf>, %add3A_22, %reduce_max3A [1] : vector<1280x64xf32> to vector<1280xf32>
    %broadcast_in_dim3A = vector.shape_cast %reduce_max3A_25 : vector<1280xf32> to vector<1280x1xf32>
    %sub3A = vector.broadcast %broadcast_in_dim3A : vector<1280x1xf32> to vector<1280x64xf32>
    %sub3A_26 = arith.subf %add3A_22, %sub3A : vector<1280x64xf32>
    %exp3A = math.exp %sub3A_26 : vector<1280x64xf32>
    %reduce_sum3A = arith.constant dense<0.000000e+00> : vector<1280xf32>
    %reduce_sum3A_27 = vector.multi_reduction <add>, %exp3A, %reduce_sum3A [1] : vector<1280x64xf32> to vector<1280xf32>
    %broadcast_in_dim3A_28 = vector.shape_cast %reduce_sum3A_27 : vector<1280xf32> to vector<1280x1xf32>
    %log3A = math.log %broadcast_in_dim3A_28 : vector<1280x1xf32>
    %add3A_29 = arith.addf %log3A, %broadcast_in_dim3A : vector<1280x1xf32>
    %sub3A_30 = vector.broadcast %add3A_29 : vector<1280x1xf32> to vector<1280x64xf32>
    %sub3A_31 = arith.subf %add3A_22, %sub3A_30 : vector<1280x64xf32>
    %swap3A_32 = arith.constant 0 : index
    %swap3A_33 = arith.constant 0 : index
    %swap3A_34 = vector.load %arg6[%swap3A_32, %swap3A_33] : memref<1280x64xf32, #tpu.memory_space<vmem>>, vector<1280x64xf32>
    tpu.vector_store %arg6[%swap3A_32, %swap3A_33], %sub3A_31 {strides = array<i32>} : memref<1280x64xf32, #tpu.memory_space<vmem>>, vector<1280x64xf32>,
    return
  }
  func.func @transform_0(%arg0: i32) -> (i32, i32, i32) {
    %c0_i32 = arith.constant 0 : i32
    %c0_i32_0 = arith.constant 0 : i32
    %c0_i32_1 = arith.constant 0 : i32
    return %c0_i32, %arg0, %c0_i32_0 : i32, i32, i32
  }
  func.func @transform_1(%arg0: i32) -> (i32, i32) {
    %c0_i32 = arith.constant 0 : i32
    %c0_i32_0 = arith.constant 0 : i32
    return %arg0, %c0_i32 : i32, i32
  }
  func.func @transform_2(%arg0: i32) -> (i32, i32) {
    %c0_i32 = arith.constant 0 : i32
    %c0_i32_0 = arith.constant 0 : i32
    return %arg0, %c0_i32 : i32, i32
  }
  func.func @transform_3(%arg0: i32) -> (i32, i32) {
    %c0_i32 = arith.constant 0 : i32
    %c0_i32_0 = arith.constant 0 : i32
    %c0_i32_1 = arith.constant 0 : i32
    return %c0_i32, %c0_i32_0 : i32, i32
  }
  func.func @transform_4(%arg0: i32) -> (i32, i32) {
    %c0_i32 = arith.constant 0 : i32
    %c0_i32_0 = arith.constant 0 : i32
    return %arg0, %c0_i32 : i32, i32
  }
  func.func @transform_5(%arg0: i32) -> (i32, i32) {
    %c0_i32 = arith.constant 0 : i32
    %c0_i32_0 = arith.constant 0 : i32
    return %arg0, %c0_i32 : i32, i32
  }
}

</mosaic_0001>

<sc_bundles>
// kernel: kernel.10.cloned.1.call-start
scs
__scs_entry_jumppad:
0x0: {  	(pc) =	sbr.rel $0x88, $3  }
0x1: {  	(tag) =	ssettag $0x0;
	lr =	simm.s32 $0x1  }
0x2: {  	[smem:$0x3F99] =	sst lr;
	_ =	strace $0xD0000000  }
0x3: {  	_ = 	snop  }
0x4: {  	_ = 	snop  }
0x5: {  	_ = 	snop  }
0x6: {  	_ = 	snop  }
0x7: {  	_ = 	snop  }
__scs_overlays_trampoline_lowered:
0x8: {  	[smem:$0x3FA8] =	sst s0  }
0x9: {  	[smem:$0x3FA9] =	sst s1  }
0xa: {  	[smem:$0x3FAA] =	sst s2  }
0xb: {  	[smem:$0x3FAB] =	sst s3  }
0xc: {  	[smem:$0x3FAC] =	sst s4  }
0xd: {  	[smem:$0x3FAD] =	sst s5  }
0xe: {  	[smem:$0x3FAE] =	sst s6  }
0xf: {  	[smem:$0x3FAF] =	sst s7  }
0x10: {  	[smem:$0x3FB0] =	sst s8  }
0x11: {  	[smem:$0x3FB1] =	sst s9;
	s0 =	simm.s32 @!p0 $0x0  }
0x12: {  	s1 =	sld [smem:$0x3F97];
	s0 =	simm.s32 @p0 $0x1  }
0x13: {  	[smem:$0x3FB2] =	sst s0;
	s0 =	simm.s32 @!p1 $0x0  }
0x14: {  	s2 =	sld [smem:$0x3F96];
	s0 =	simm.s32 @p1 $0x1  }
0x15: {  	[smem:$0x3FB3] =	sst s0;
	s0 =	simm.s32 @!p2 $0x0  }
0x16: {  	s3 =	sld [smem:$0x3FDB];
	s0 =	simm.s32 @p2 $0x1  }
0x17: {  	s4 =	simm.s32 $0x1BF5;
	[smem:$0x3FB5] =	sst s0  }
0x18: {  	s0 =	sld [smem:$0x3F98];
	_ =	swait.ge [sflag:s4], $0x0  }
0x19: {  	s7 =	sld [smem:$0x3F99]  }
0x1a: {  	s8 =	sadd.s32 $0xFFFFE003, lr  }
0x1b: {  	s9 =	sadd.s32 $0xFFFFFEF7, lr;
	s5 =	simm.s32 $0xFFFFFFFF;
	p2 =	slt.u32 s8, $0xFFFFF086  }
0x1c: {  	p1 =	slt.u32 s9, $0xF7A;
	s5 =	simm.s32 @!p2 $0x0  }
0x1d: {  	s5 =	simm.s32 @p1 $0x1;
	p0 =	seq.s32 s7, s2  }
0x1e: {  	s7 =	smul.u32 @!p0 $0xF7A, s2;
	p2 =	seq.s32 @!p0 s5, $0x0  }
0x1f: {  	s9 =	smul.u32 $0xF7A, s1;
	s8 =	simm.s32 @!p0 $0x1BF5;
	p2 =	por !p2, p0  }
0x20: {  	[sflag:s8] =	ssyncset.s32 @!p0 $0xFFFFF086;
	s6 =	sadd.s32 @!p0 s3, s7;
	s7 =	simm.s32 @!p0 $0x108  }
0x21: {  	s3 =	sadd.s32 s3, s9;
	s6 =	sadd.s32 @!p0 $0x88, s6;
	s7 =	simm.s32 @p2 $0x1082  }
0x22: {  	[simem:s7], [sflag:s8] =	dma.local @!p0 [hbm:s6], $0xF7A  }
0x23: {  	s9 =	sor.u32 $0xD0000000, s2;
	s6 =	simm.s32 $0x108;
	_ =	swait.ge @!p0 [sflag:s8], $0x0  }
0x24: {  	s3 =	sadd.s32 $0x88, s3;
	s6 =	simm.s32 @!p1 $0x1082;
	[sflag:s4] =	ssyncset.s32 $0xFFFFF086  }
0x25: {  	[simem:s6], [sflag:s4] =	dma.local [hbm:s3], $0xF7A  }
0x26: {  	[smem:$0x3F99] =	sst s1;
	(tag) =	ssettag s2;
	_ =	strace s9  }
0x27: {  	s1 =	sld [smem:$0x3FA9]  }
0x28: {  	s2 =	sld [smem:$0x3FAA]  }
0x29: {  	s4 =	sld [smem:$0x3FAC]  }
0x2a: {  	p0 =	seq.s32 s5, $0x0;
	s5 =	sld [smem:$0x3FAD]  }
0x2b: {  	s6 =	sld [smem:$0x3FAE]  }
0x2c: {  	s7 =	sld [smem:$0x3FAF]  }
0x2d: {  	s3 =	simm.s32 $0x108;
	s8 =	sld [smem:$0x3FB0]  }
0x2e: {  	s3 =	simm.s32 @!p0 $0x1082;
	s9 =	sld [smem:$0x3FB1]  }
0x2f: {  	lr =	sadd.s32 s0, s3;
	s0 =	sld [smem:$0x3FA8]  }
0x30: {  	s3 =	sld [smem:$0x3FAB]  }
0x31: {  	[smem:$0x3FB4] =	sst s10  }
0x32: {  	s10 =	sld [smem:$0x3FB2];
	_ =	sdelay $0x3  }
0x33: {  	p0 =	seq.s32 s10, $0x1;
	s10 =	sld [smem:$0x3FB4];
	_ =	sdelay $0x3  }
0x34: {  	[smem:$0x3FB4] =	sst s10  }
0x35: {  	s10 =	sld [smem:$0x3FB3];
	_ =	sdelay $0x3  }
0x36: {  	p1 =	seq.s32 s10, $0x1;
	s10 =	sld [smem:$0x3FB4];
	_ =	sdelay $0x3  }
0x37: {  	[smem:$0x3FB4] =	sst s10  }
0x38: {  	s10 =	sld [smem:$0x3FB5]  }
0x39: {  	_ = 	snop;
	(pc) =	sbr.ind lr, $3  }
0x3a: {  	_ = 	snop  }
0x3b: {  	_ = 	snop  }
0x3c: {  	p2 =	seq.s32 s10, $0x1;
	s10 =	sld [smem:$0x3FB4]  }
0x3d: {  	_ =	shalt  }
0x3e: {  	_ =	shalt  }
0x3f: {  	_ =	shalt  }
0x40: {  	_ =	shalt  }
0x41: {  	_ =	shalt  }
0x42: {  	_ =	shalt  }
0x43: {  	_ =	shalt  }
0x44: {  	_ =	shalt  }
0x45: {  	_ =	shalt  }
0x46: {  	_ =	shalt  }
0x47: {  	_ =	shalt  }
0x48: {  	_ =	shalt  }
0x49: {  	_ =	shalt  }
0x4a: {  	_ =	shalt  }
0x4b: {  	_ =	shalt  }
0x4c: {  	_ =	shalt  }
0x4d: {  	_ =	shalt  }
0x4e: {  	_ =	shalt  }
0x4f: {  	_ =	shalt  }
0x50: {  	_ =	shalt  }
0x51: {  	_ =	shalt  }
0x52: {  	_ =	shalt  }
0x53: {  	_ =	shalt  }
0x54: {  	_ =	shalt  }
0x55: {  	_ =	shalt  }
0x56: {  	_ =	shalt  }
0x57: {  	_ =	shalt  }
0x58: {  	_ =	shalt  }
0x59: {  	_ =	shalt  }
0x5a: {  	_ =	shalt  }
0x5b: {  	_ =	shalt  }
0x5c: {  	_ =	shalt  }
0x5d: {  	_ =	shalt  }
0x5e: {  	_ =	shalt  }
0x5f: {  	_ =	shalt  }
0x60: {  	_ =	shalt  }
0x61: {  	_ =	shalt  }
0x62: {  	_ =	shalt  }
0x63: {  	_ =	shalt  }
0x64: {  	_ =	shalt  }
0x65: {  	_ =	shalt  }
0x66: {  	_ =	shalt  }
0x67: {  	_ =	shalt  }
0x68: {  	_ =	shalt  }
0x69: {  	_ =	shalt  }
0x6a: {  	_ =	shalt  }
0x6b: {  	_ =	shalt  }
0x6c: {  	_ =	shalt  }
0x6d: {  	_ =	shalt  }
0x6e: {  	_ =	shalt  }
0x6f: {  	_ =	shalt  }
0x70: {  	_ =	shalt  }
0x71: {  	_ =	shalt  }
0x72: {  	_ =	shalt  }
0x73: {  	_ =	shalt  }
0x74: {  	_ =	shalt  }
0x75: {  	_ =	shalt  }
0x76: {  	_ =	shalt  }
0x77: {  	_ =	shalt  }
0x78: {  	_ =	shalt  }
0x79: {  	_ =	shalt  }
0x7a: {  	_ =	shalt  }
0x7b: {  	_ =	shalt  }
0x7c: {  	_ =	shalt  }
0x7d: {  	_ =	shalt  }
0x7e: {  	_ =	shalt  }
0x7f: {  	_ =	shalt  }
0x80: {  	_ =	shalt  }
0x81: {  	_ =	shalt  }
0x82: {  	_ =	shalt  }
0x83: {  	_ =	shalt  }
0x84: {  	_ =	shalt  }
0x85: {  	_ =	shalt  }
0x86: {  	_ =	shalt  }
0x87: {  	_ =	shalt  }
.Lfunc_end0:
.L_simem_size_0:
called_computation_lowered:
.L_overlay_start_0:
0x88: {  	s2 =	sld [smem:$0x3FD9]  }
0x89: {  	s3 =	sld [smem:$0x3FFE];
	_ =	sdelay $0x1  }
0x8a: {  	s1 =	srdreg.scid  }
0x8b: {  	s0 =	sand.u32 $0x1, s1  }
0x8c: {  	s14 =	sshll.u32 s0, $0xA;
	s2 =	sadd.s32 s3, s2  }
0x8d: {  	s2 =	sadd.s32 s2, s14  }
0x8e: {  	[smem:$0x3FC0] =	sst s2  }
0x8f: {  	_ = 	snop  }
0x90: {  	s2 =	sld [smem:$0x3FD0];
	_ =	sdelay $0x2  }
0x91: {  	s15 =	simm.s32 $0xA;
	s4 =	simm.s32 $0x10  }
0x92: {  	[smem:s4], [sflag:s15] =	dma.local [hbm:s2], $0x1  }
0x93: {  	_ =	swait.eq [sflag:s15], $0x1  }
0x94: {  	[sflag:s15] =	ssyncset.done $0x0  }
0x95: {  	s16 =	sld [smem:$0x10];
	[sflag:s15] =	ssyncadd.s32 $0xFFFFFFFF  }
0x96: {  	s17 =	sld [smem:$0x11];
	(tm) =	ssettm $0x1  }
0x97: {  	s18 =	sld [smem:$0x3FFB];
	_ =	sdelay $0x3  }
0x98: {  	_ =	strace s18  }
0x99: {  	s4 =	sld [smem:$0x3FFC];
	_ =	sdelay $0x3  }
0x9a: {  	_ =	strace s4  }
0x9b: {  	s4 =	sld [smem:$0x3FFD];
	_ =	sdelay $0x3  }
0x9c: {  	_ =	strace s4  }
0x9d: {  	_ =	strace $0x8FFFFFFF  }
0x9e: {  	s19 =	sld [smem:$0x3FDB];
	_ =	sdelay $0x1  }
0x9f: {  	s5 =	simm.s32 $_scs_section_size  }
0xa0: {  	s6 =	simm.s32 $_size__tile_overlayer_lowered;
	s7 =	simm.s32 $_tile_overlayer_lowered  }
0xa1: {  	s22 =	simm.s32 $0x1BFF;
	s21 =	sshll.u32 s7, $0x1;
	s4 =	sadd.s32 s5, s19  }
0xa2: {  	s8 =	simm.s32 $0x0;
	s20 =	sshll.u32 s6, $0x1;
	s6 =	sadd.s32 s21, s4  }
0xa3: {  	[timem:s8], [sflag:s22] =	dma.local [hbm:s6], s20  }
0xa4: {  	_ =	swait.ge [sflag:s22], s20  }
0xa5: {  	s5 =	ssub.s32 $0x0, s20;
	[sflag:s22] =	ssyncset.done $0x0  }
0xa6: {  	[sflag:s22] =	ssyncadd.s32 s5;
	_ =	sdelay $0x1  }
0xa7: {  	s23 =	simm.s32 $0x1B8B  }
0xa8: {  	_ =	swait.ge [sflag:s23], $0x1  }
0xa9: {  	[sflag:s23] =	ssyncset.done $0x0  }
0xaa: {  	s25 =	simm.s32 $0x1B8E;
	s24 =	sld [smem:$0x3FFE];
	[sflag:s23] =	ssyncadd.s32 $0xFFFFFFFF  }
0xab: {  	s26 =	simm.s32 $execute0_lowered;
	[smem:$0x3FD2] =	sst s25  }
0xac: {  	s6 =	sshll.u32 s26, $0x1;
	_ =	strace $0x80000046;
	[dreg:$0x1] =	wrdreg $0xFFFFFFFF  }
0xad: {  	s28 =	simm.s32 $_size_execute0_lowered;
	s4 =	sadd.s32 s4, s6;
	[dreg:$0x0] =	wrdreg $0x0  }
0xae: {  	s6 =	sshll.u32 s28, $0x1;
	[dreg:$0x2] =	wrdreg s4  }
0xaf: {  	[dreg:$0x3] =	wrdreg s6  }
0xb0: {  	[dreg:$0x4] =	wrdreg $0xC0  }
0xb1: {  	_ =	task [dreg:s8], $0x5FFFF  }
0xb2: {  	[dreg:$0x1] =	wrdreg $0xFFFFFFFF  }
0xb3: {  	[dreg:$0x0] =	wrdreg $0x60  }
0xb4: {  	[dreg:$0x2] =	wrdreg s24  }
0xb5: {  	[dreg:$0x3] =	wrdreg s17  }
0xb6: {  	[dreg:$0x4] =	wrdreg s16  }
0xb7: {  	[dreg:$0x5] =	wrdreg $0x82000  }
0xb8: {  	[dreg:$0x6] =	wrdreg $0x9  }
0xb9: {  	_ =	task.clear_ibuf [dreg:s8], $0x7FFFF;
	_ =	strace $0x90000046  }
0xba: {  	s29 =	simm.s32 $0x9;
	_ =	strace $0x80000048  }
0xbb: {  	_ =	swait.ge [sflag:s29], $0x1  }
0xbc: {  	[sflag:s29] =	ssyncadd.s32 $0xFFFFFFFF  }
0xbd: {  	_ =	strace $0x90000048  }
0xbe: {  	_ =	sfence  }
0xbf: {  	s30 =	sld [smem:$0x0];
	_ =	sdelay $0x2  }
0xc0: {  	s31 =	sshll.u32 s1, $0xD;
	s1 =	sshrl.u32 s1, $0x2  }
0xc1: {  	s3 =	sand.u32 $0x4000, s31;
	s1 =	sadd.s32 s1, s30  }
0xc2: {  	s0 =	sor.u32 s3, s0;
	s1 =	sshll.u32 s1, $0x11  }
0xc3: {  	s0 =	sor.u32 s1, s0  }
0xc4: {  	s0 =	sadd.s32 $0x8F2B, s0  }
0xc5: {  	[sflag:s0] =	ssyncadd.remote.s32 $0x1  }
0xc6: {  	_ =	sfence.sel $0xFFFF  }
0xc7: {  	[dreg:$0x0] =	wrdreg $0xFFFFFFFF;
	(pc) =	sbr.abs _section_cstart, $3  }
0xc8: {  	[dreg:$0x1] =	wrdreg $0xFFFFFFFF  }
0xc9: {  	_ =	task.clear_ibuf [dreg:s8], $0x2FFFF;
	_ =	strace $0x9FFFFFFF  }
0xca: {  	(tm) =	ssettm $0x7FFFFFFF  }
0xcb: {  	_ =	shalt  }
tec
execute0_lowered:
.L_overlay_start_1:
0x0: {  	(tag) =	ssettag $0x1  }
0x1: {  	s6 =	rddreg [dreg:$0x0]  }
0x2: {  	s7 =	rddreg [dreg:$0x1]  }
0x3: {  	s8 =	rddreg [dreg:$0x2]  }
0x4: {  	s1 =	rddreg [dreg:$0x3]  }
0x5: {  	s0 =	rddreg [dreg:$0x4]  }
0x6: {  	s2 =	simm.s32 $0x0;
	s3 =	srdreg.scid;
	s14 =	simm.s32 $0x200  }
0x7: {  	s17 =	simm.s32 $0x180;
	s18 =	simm.s32 $0x2;
	s19 =	simm.s32 $0x1  }
0x8: {  	s20 =	simm.s32 $0x4200;
	[smem:$0x7FF] =	sst s2;
	s4 =	sadd.s32 $0x5C00, s6  }
0x9: {  	s9 =	sand.u32 $0x1, s3;
	s5 =	sadd.s32 $0x3400, s6;
	s3 =	stileid.u32  }
0xa: {  	_ =	strace $0x80000047;
	s10 =	smul.u32 $0x28000, s9;
	s11 =	ssub.s32 $0x2, s9  }
0xb: {  	s12 =	smul.u32 $0x50000, s3;
	s13 =	sshll.u32 s3, $0x1;
	s31 =	sshll.u32 s3, $0x6  }
0xc: {  	s22 =	smul.u32 $0x2800, s3;
	s30 =	sshrl.u32 s11, $0x1;
	s9 =	sor.u32 s9, s13  }
0xd: {  	s13 =	simm.s32 $0x80;
	s10 =	sadd.s32 s10, s6;
	s9 =	smul.u32 $0x500, s9  }
0xe: {  	s12 =	sshrl.u32 s12, $0x2;
	s11 =	ssub.s32 s11, s30;
	s6 =	sor.u32 $0x1C03, s31  }
0xf: {  	s12 =	sadd.s32 s12, s1;
	s21 =	sadd.s32 $0x2DC00, s10;
	s7 =	sadd.s32 s7, s9  }
0x10: {  	s8 =	sadd.s32 s8, s9;
	s9 =	smax.u32 s11, $0x1;
	s10 =	sshrl.u32 s12, $0x3  }
0x11: {  	s11 =	simm.s32 $0x3;
	s12 =	simm.s32 $0x100;
	s21 =	sadd.s32 s22, s21  }
0x12: {  	s22 =	simm.s32 $0x0;
	s15 =	sadd.s32 $0x10, s7;
	s16 =	sadd.s32 $0x10, s8  }
.LBB2_1:
0x13: {  	[spmem:s10], [sflag:s6] =	dma.local [hbm:s5], $0x2800  }
0x14: {  	_ =	swait.ge [sflag:s11], $0x2800  }
0x15: {  	[sflag:s11] =	ssyncset.done $0x0  }
0x16: {  	[sflag:s11] =	ssyncadd.s32 $0xFFFFD800  }
0x17: {  	[bflag:$0x0] =	sbarrier.arrive $0xFFFF  }
0x18: {  	[tilespmem:s2], [sflag:$0x3] =	stream.linear.gather [hbm4b:s7+s2], $0x80, $0x38;
	[tilespmem:$0x1C200] =	vst v63  }
0x19: {  	_ =	swait.ge [sflag:s11], $0x80  }
0x1a: {  	[sflag:s11] =	ssyncset.done $0x0  }
0x1b: {  	[sflag:s11] =	ssyncadd.s32 $0xFFFFFF80  }
0x1c: {  	[tilespmem:s12], [sflag:$0x3] =	stream.linear.gather [hbm4b:s8+s2], $0x80, $0x38;
	[tilespmem:$0x1C200] =	vst v63  }
0x1d: {  	_ =	swait.ge [sflag:s11], $0x80  }
0x1e: {  	[sflag:s11] =	ssyncset.done $0x0  }
0x1f: {  	[sflag:s11] =	ssyncadd.s32 $0xFFFFFF80  }
0x20: {  	[tilespmem:s14], [sflag:$0x1] =	stream.indirect.gather [hbm4b:s4+s13], $0x80, s2, s13, $0xb8;
	[tilespmem:$0x1C200] =	vst v63  }
0x21: {  	_ = 	snop  }
0x22: {  	[tilespmem:s13], [sflag:$0x2] =	stream.linear.gather [hbm4b:s15+s2], $0x80, $0x38;
	[tilespmem:$0x1C200] =	vst v63  }
0x23: {  	_ = 	snop  }
0x24: {  	[tilespmem:s17], [sflag:$0x2] =	stream.linear.gather [hbm4b:s16+s2], $0x80, $0x38;
	[tilespmem:$0x1C200] =	vst v63  }
0x25: {  	_ =	swait.ge [sflag:s18], $0x80  }
0x26: {  	[sflag:s18] =	ssyncset.done $0x0  }
0x27: {  	[sflag:s18] =	ssyncadd.s32 $0xFFFFFF80  }
0x28: {  	_ =	swait.ge [sflag:s18], $0x80  }
0x29: {  	[sflag:s18] =	ssyncset.done $0x0  }
0x2a: {  	[sflag:s18] =	ssyncadd.s32 $0xFFFFFF80  }
0x2b: {  	_ =	swait.ge [sflag:s19], $0x4000  }
0x2c: {  	[sflag:s19] =	ssyncset.done $0x0  }
0x2d: {  	[sflag:s19] =	ssyncadd.s32 $0xFFFFC000  }
0x2e: {  	[tilespmem:s20], [sflag:$0x1] =	stream.indirect.gather [hbm4b:s4+s13], $0x80, s13, s13, $0xb8;
	[tilespmem:$0x1C200] =	vst v63  }
0x2f: {  	_ = 	snop  }
0x30: {  	[spmem:s1] =	stream.indirect.scatter.add.f32 [tilespmem:s14], [sflag:$0x3], $0x80, s12, s13, $0xb8;
	[tilespmem:$0x1C200] =	vst v63  }
0x31: {  	_ =	swait.ge [sflag:s11], $0x4000  }
0x32: {  	s23 =	sadd.s32 $0xFFFFFB20, s7;
	[sflag:s11] =	ssyncset.done $0x0  }
0x33: {  	s25 =	sadd.s32 $0xFFFFFB20, s8;
	s24 =	sadd.s32 $0x500, s23;
	[sflag:s11] =	ssyncadd.s32 $0xFFFFC000  }
0x34: {  	[tilespmem:s2], [sflag:$0x2] =	stream.linear.gather [hbm4b:s24+s2], $0x80, $0x38;
	[tilespmem:$0x1C200] =	vst v63  }
0x35: {  	s31 =	sadd.s32 $0x500, s25  }
0x36: {  	[tilespmem:s12], [sflag:$0x2] =	stream.linear.gather [hbm4b:s31+s2], $0x80, $0x38;
	[tilespmem:$0x1C200] =	vst v63  }
0x37: {  	_ =	swait.ge [sflag:s18], $0x80  }
0x38: {  	[sflag:s18] =	ssyncset.done $0x0  }
0x39: {  	[sflag:s18] =	ssyncadd.s32 $0xFFFFFF80  }
0x3a: {  	_ =	swait.ge [sflag:s18], $0x80  }
0x3b: {  	[sflag:s18] =	ssyncset.done $0x0  }
0x3c: {  	[sflag:s18] =	ssyncadd.s32 $0xFFFFFF80  }
0x3d: {  	_ =	swait.ge [sflag:s19], $0x4000  }
0x3e: {  	[sflag:s19] =	ssyncset.done $0x0  }
0x3f: {  	[sflag:s19] =	ssyncadd.s32 $0xFFFFC000  }
0x40: {  	[tilespmem:s14], [sflag:$0x1] =	stream.indirect.gather [hbm4b:s4+s13], $0x80, s2, s13, $0xb8;
	[tilespmem:$0x1C200] =	vst v63  }
0x41: {  	_ = 	snop  }
0x42: {  	[spmem:s1] =	stream.indirect.scatter.add.f32 [tilespmem:s20], [sflag:$0x3], $0x80, s17, s13, $0xb8;
	[tilespmem:$0x1C200] =	vst v63  }
0x43: {  	_ =	swait.ge [sflag:s11], $0x4000  }
0x44: {  	[sflag:s11] =	ssyncset.done $0x0  }
0x45: {  	s23 =	sadd.s32 $0x510, s23;
	[sflag:s11] =	ssyncadd.s32 $0xFFFFC000  }
0x46: {  	[tilespmem:s13], [sflag:$0x2] =	stream.linear.gather [hbm4b:s23+s2], $0x80, $0x38;
	[tilespmem:$0x1C200] =	vst v63  }
0x47: {  	s24 =	sadd.s32 $0x510, s25;
	s23 =	simm.s32 $0xFFFFFB40  }
.LBB2_2:
0x48: {  	[tilespmem:s17], [sflag:$0x2] =	stream.linear.gather [hbm4b:s24+s2], $0x80, $0x38;
	[tilespmem:$0x1C200] =	vst v63  }
0x49: {  	s24 =	smov.u32 s23  }
0x4a: {  	p0 =	sne.s32 s23, $0xFFFFFFE0;
	s23 =	sadd.s32 $0x20, s23;
	_ =	swait.ge [sflag:s18], $0x80  }
0x4b: {  	[sflag:s18] =	ssyncset.done $0x0  }
0x4c: {  	[sflag:s18] =	ssyncadd.s32 $0xFFFFFF80  }
0x4d: {  	_ =	swait.ge [sflag:s18], $0x80  }
0x4e: {  	[sflag:s18] =	ssyncset.done $0x0  }
0x4f: {  	[sflag:s18] =	ssyncadd.s32 $0xFFFFFF80  }
0x50: {  	_ =	swait.ge [sflag:s19], $0x4000  }
0x51: {  	[sflag:s19] =	ssyncset.done $0x0  }
0x52: {  	[sflag:s19] =	ssyncadd.s32 $0xFFFFC000  }
0x53: {  	[tilespmem:s20], [sflag:$0x1] =	stream.indirect.gather [hbm4b:s4+s13], $0x80, s13, s13, $0xb8;
	[tilespmem:$0x1C200] =	vst v63  }
0x54: {  	_ = 	snop  }
0x55: {  	[spmem:s1] =	stream.indirect.scatter.add.f32 [tilespmem:s14], [sflag:$0x3], $0x80, s12, s13, $0xb8;
	[tilespmem:$0x1C200] =	vst v63  }
0x56: {  	_ =	swait.ge [sflag:s11], $0x4000  }
0x57: {  	s25 =	sadd.s32 s24, s7;
	[sflag:s11] =	ssyncset.done $0x0  }
0x58: {  	s24 =	sadd.s32 s24, s8;
	s26 =	sadd.s32 $0x500, s25;
	[sflag:s11] =	ssyncadd.s32 $0xFFFFC000  }
0x59: {  	[tilespmem:s2], [sflag:$0x2] =	stream.linear.gather [hbm4b:s26+s2], $0x80, $0x38;
	[tilespmem:$0x1C200] =	vst v63  }
0x5a: {  	s26 =	sadd.s32 $0x500, s24  }
0x5b: {  	[tilespmem:s12], [sflag:$0x2] =	stream.linear.gather [hbm4b:s26+s2], $0x80, $0x38;
	[tilespmem:$0x1C200] =	vst v63  }
0x5c: {  	_ =	swait.ge [sflag:s18], $0x80  }
0x5d: {  	[sflag:s18] =	ssyncset.done $0x0  }
0x5e: {  	[sflag:s18] =	ssyncadd.s32 $0xFFFFFF80  }
0x5f: {  	_ =	swait.ge [sflag:s18], $0x80  }
0x60: {  	[sflag:s18] =	ssyncset.done $0x0  }
0x61: {  	[sflag:s18] =	ssyncadd.s32 $0xFFFFFF80  }
0x62: {  	_ =	swait.ge [sflag:s19], $0x4000  }
0x63: {  	[sflag:s19] =	ssyncset.done $0x0  }
0x64: {  	[sflag:s19] =	ssyncadd.s32 $0xFFFFC000  }
0x65: {  	[tilespmem:s14], [sflag:$0x1] =	stream.indirect.gather [hbm4b:s4+s13], $0x80, s2, s13, $0xb8;
	[tilespmem:$0x1C200] =	vst v63  }
0x66: {  	_ = 	snop  }
0x67: {  	[spmem:s1] =	stream.indirect.scatter.add.f32 [tilespmem:s20], [sflag:$0x3], $0x80, s17, s13, $0xb8;
	[tilespmem:$0x1C200] =	vst v63  }
.Ltmp0:
0x68: {  	_ =	swait.ge [sflag:s11], $0x4000;
	(pc) =	sbr.rel @p0 .LBB2_2-.Ltmp0, $4  }
0x69: {  	[sflag:s11] =	ssyncset.done $0x0  }
0x6a: {  	s25 =	sadd.s32 $0x510, s25;
	[sflag:s11] =	ssyncadd.s32 $0xFFFFC000  }
0x6b: {  	[tilespmem:s13], [sflag:$0x2] =	stream.linear.gather [hbm4b:s25+s2], $0x80, $0x38;
	[tilespmem:$0x1C200] =	vst v63  }
0x6c: {  	s24 =	sadd.s32 $0x510, s24  }
0x6d: {  	[tilespmem:s17], [sflag:$0x2] =	stream.linear.gather [hbm4b:s24+s2], $0x80, $0x38;
	[tilespmem:$0x1C200] =	vst v63  }
0x6e: {  	_ =	swait.ge [sflag:s18], $0x80  }
0x6f: {  	[sflag:s18] =	ssyncset.done $0x0  }
0x70: {  	[sflag:s18] =	ssyncadd.s32 $0xFFFFFF80  }
0x71: {  	_ =	swait.ge [sflag:s18], $0x80  }
0x72: {  	[sflag:s18] =	ssyncset.done $0x0  }
0x73: {  	[sflag:s18] =	ssyncadd.s32 $0xFFFFFF80  }
0x74: {  	_ =	swait.ge [sflag:s19], $0x4000  }
0x75: {  	[sflag:s19] =	ssyncset.done $0x0  }
0x76: {  	[sflag:s19] =	ssyncadd.s32 $0xFFFFC000  }
0x77: {  	[tilespmem:s20], [sflag:$0x1] =	stream.indirect.gather [hbm4b:s4+s13], $0x80, s13, s13, $0xb8;
	[tilespmem:$0x1C200] =	vst v63  }
0x78: {  	_ = 	snop  }
0x79: {  	[spmem:s1] =	stream.indirect.scatter.add.f32 [tilespmem:s14], [sflag:$0x3], $0x80, s12, s13, $0xb8;
	[tilespmem:$0x1C200] =	vst v63  }
0x7a: {  	_ =	swait.ge [sflag:s11], $0x4000  }
0x7b: {  	[sflag:s11] =	ssyncset.done $0x0  }
0x7c: {  	[sflag:s11] =	ssyncadd.s32 $0xFFFFC000  }
0x7d: {  	_ =	swait.ge [sflag:s19], $0x4000  }
0x7e: {  	[sflag:s19] =	ssyncset.done $0x0  }
0x7f: {  	[sflag:s19] =	ssyncadd.s32 $0xFFFFC000  }
0x80: {  	[spmem:s1] =	stream.indirect.scatter.add.f32 [tilespmem:s20], [sflag:$0x3], $0x80, s17, s13, $0xb8;
	[tilespmem:$0x1C200] =	vst v63  }
0x81: {  	_ =	swait.ge [sflag:s11], $0x4000  }
0x82: {  	s22 =	sadd.s32 $0x1, s22;
	[sflag:s11] =	ssyncset.done $0x0  }
0x83: {  	p0 =	sne.s32 s22, s9;
	[sflag:s11] =	ssyncadd.s32 $0xFFFFC000  }
.Ltmp1:
0x84: {  	[bflag:$0x0] =	sbarrier.arrive $0xFFFF;
	(pc) =	sbr.rel @p0 .LBB2_1-.Ltmp1, $4  }
0x85: {  	[hbm:s21], [sflag:s6] =	dma.local [spmem:s10], $0x2800  }
0x86: {  	_ =	swait.ge [sflag:s11], $0x2800  }
0x87: {  	[sflag:s11] =	ssyncset.done $0x0  }
0x88: {  	[sflag:s11] =	ssyncadd.s32 $0xFFFFD800  }
0x89: {  	_ =	sfence.sel $0x180000  }
0x8a: {  	[bflag:$0x0] =	sbarrier.arrive $0xFFFF  }
0x8b: {  	p0 =	sne.s32 s3, $0x0;
	_ =	strace $0x90000047  }
0x8c: {  	s0 =	sadd.s32 @!p0 $0x100000, s0;
	[bflag:$0x2] =	sbarrier.arrive $0xFFFF  }
0x8d: {  	[sflag:s0] =	ssyncadd.tile.s32 @!p0 $0x1;
	_ =	shalt  }
.Lfunc_end2:
_tile_overlayer_lowered:
.L_overlay_start_2:
0x8e: {  	(tag) =	ssettag $0x2  }
0x8f: {  	s0 =	rddreg [dreg:$0x0];
	s2 =	stileid.u32  }
0x90: {  	s1 =	rddreg [dreg:$0x1];
	p0 =	sne.s32 s2, $0x0  }
0x91: {  	s3 =	rddreg [dreg:$0x2];
	[bflag:$0x3] =	sbarrier.arrive $0xFFFF;
	s2 =	simm.s32 @!p0 $0x1C03  }
0x92: {  	[timem:s3], [sflag:s2] =	dma.local @!p0 [hbm:s0], s1  }
0x93: {  	s0 =	simm.s32 @!p0 $0x3  }
0x94: {  	_ =	swait.ge @!p0 [sflag:s0], s1  }
0x95: {  	s1 =	ssub.s32 @!p0 $0x0, s1;
	[sflag:s0] =	ssyncset.done @!p0 $0x0  }
0x96: {  	[sflag:s0] =	ssyncadd.s32 @!p0 s1  }
0x97: {  	[bflag:$0x3] =	sbarrier.arrive $0xFFFF  }
0x98: {  	_ =	shalt  }

// kernel: kernel.13.cloned.1.call-start
scs
__scs_entry_jumppad:
0x0: {  	(pc) =	sbr.rel $0x88, $3  }
0x1: {  	(tag) =	ssettag $0x0;
	lr =	simm.s32 $0x1  }
0x2: {  	[smem:$0x3F99] =	sst lr;
	_ =	strace $0xD0000000  }
0x3: {  	_ = 	snop  }
0x4: {  	_ = 	snop  }
0x5: {  	_ = 	snop  }
0x6: {  	_ = 	snop  }
0x7: {  	_ = 	snop  }
__scs_overlays_trampoline_lowered:
0x8: {  	[smem:$0x3FA8] =	sst s0  }
0x9: {  	[smem:$0x3FA9] =	sst s1  }
0xa: {  	[smem:$0x3FAA] =	sst s2  }
0xb: {  	[smem:$0x3FAB] =	sst s3  }
0xc: {  	[smem:$0x3FAC] =	sst s4  }
0xd: {  	[smem:$0x3FAD] =	sst s5  }
0xe: {  	[smem:$0x3FAE] =	sst s6  }
0xf: {  	[smem:$0x3FAF] =	sst s7  }
0x10: {  	[smem:$0x3FB0] =	sst s8  }
0x11: {  	[smem:$0x3FB1] =	sst s9;
	s0 =	simm.s32 @!p0 $0x0  }
0x12: {  	s1 =	sld [smem:$0x3F97];
	s0 =	simm.s32 @p0 $0x1  }
0x13: {  	[smem:$0x3FB2] =	sst s0;
	s0 =	simm.s32 @!p1 $0x0  }
0x14: {  	s2 =	sld [smem:$0x3F96];
	s0 =	simm.s32 @p1 $0x1  }
0x15: {  	[smem:$0x3FB3] =	sst s0;
	s0 =	simm.s32 @!p2 $0x0  }
0x16: {  	s3 =	sld [smem:$0x3FDB];
	s0 =	simm.s32 @p2 $0x1  }
0x17: {  	s4 =	simm.s32 $0x1BF5;
	[smem:$0x3FB5] =	sst s0  }
0x18: {  	s0 =	sld [smem:$0x3F98];
	_ =	swait.ge [sflag:s4], $0x0  }
0x19: {  	s7 =	sld [smem:$0x3F99]  }
0x1a: {  	s8 =	sadd.s32 $0xFFFFE003, lr  }
0x1b: {  	s9 =	sadd.s32 $0xFFFFFEF7, lr;
	s5 =	simm.s32 $0xFFFFFFFF;
	p2 =	slt.u32 s8, $0xFFFFF086  }
0x1c: {  	p1 =	slt.u32 s9, $0xF7A;
	s5 =	simm.s32 @!p2 $0x0  }
0x1d: {  	s5 =	simm.s32 @p1 $0x1;
	p0 =	seq.s32 s7, s2  }
0x1e: {  	s7 =	smul.u32 @!p0 $0xF7A, s2;
	p2 =	seq.s32 @!p0 s5, $0x0  }
0x1f: {  	s9 =	smul.u32 $0xF7A, s1;
	s8 =	simm.s32 @!p0 $0x1BF5;
	p2 =	por !p2, p0  }
0x20: {  	[sflag:s8] =	ssyncset.s32 @!p0 $0xFFFFF086;
	s6 =	sadd.s32 @!p0 s3, s7;
	s7 =	simm.s32 @!p0 $0x108  }
0x21: {  	s3 =	sadd.s32 s3, s9;
	s6 =	sadd.s32 @!p0 $0x88, s6;
	s7 =	simm.s32 @p2 $0x1082  }
0x22: {  	[simem:s7], [sflag:s8] =	dma.local @!p0 [hbm:s6], $0xF7A  }
0x23: {  	s9 =	sor.u32 $0xD0000000, s2;
	s6 =	simm.s32 $0x108;
	_ =	swait.ge @!p0 [sflag:s8], $0x0  }
0x24: {  	s3 =	sadd.s32 $0x88, s3;
	s6 =	simm.s32 @!p1 $0x1082;
	[sflag:s4] =	ssyncset.s32 $0xFFFFF086  }
0x25: {  	[simem:s6], [sflag:s4] =	dma.local [hbm:s3], $0xF7A  }
0x26: {  	[smem:$0x3F99] =	sst s1;
	(tag) =	ssettag s2;
	_ =	strace s9  }
0x27: {  	s1 =	sld [smem:$0x3FA9]  }
0x28: {  	s2 =	sld [smem:$0x3FAA]  }
0x29: {  	s4 =	sld [smem:$0x3FAC]  }
0x2a: {  	p0 =	seq.s32 s5, $0x0;
	s5 =	sld [smem:$0x3FAD]  }
0x2b: {  	s6 =	sld [smem:$0x3FAE]  }
0x2c: {  	s7 =	sld [smem:$0x3FAF]  }
0x2d: {  	s3 =	simm.s32 $0x108;
	s8 =	sld [smem:$0x3FB0]  }
0x2e: {  	s3 =	simm.s32 @!p0 $0x1082;
	s9 =	sld [smem:$0x3FB1]  }
0x2f: {  	lr =	sadd.s32 s0, s3;
	s0 =	sld [smem:$0x3FA8]  }
0x30: {  	s3 =	sld [smem:$0x3FAB]  }
0x31: {  	[smem:$0x3FB4] =	sst s10  }
0x32: {  	s10 =	sld [smem:$0x3FB2];
	_ =	sdelay $0x3  }
0x33: {  	p0 =	seq.s32 s10, $0x1;
	s10 =	sld [smem:$0x3FB4];
	_ =	sdelay $0x3  }
0x34: {  	[smem:$0x3FB4] =	sst s10  }
0x35: {  	s10 =	sld [smem:$0x3FB3];
	_ =	sdelay $0x3  }
0x36: {  	p1 =	seq.s32 s10, $0x1;
	s10 =	sld [smem:$0x3FB4];
	_ =	sdelay $0x3  }
0x37: {  	[smem:$0x3FB4] =	sst s10  }
0x38: {  	s10 =	sld [smem:$0x3FB5]  }
0x39: {  	_ = 	snop;
	(pc) =	sbr.ind lr, $3  }
0x3a: {  	_ = 	snop  }
0x3b: {  	_ = 	snop  }
0x3c: {  	p2 =	seq.s32 s10, $0x1;
	s10 =	sld [smem:$0x3FB4]  }
0x3d: {  	_ =	shalt  }
0x3e: {  	_ =	shalt  }
0x3f: {  	_ =	shalt  }
0x40: {  	_ =	shalt  }
0x41: {  	_ =	shalt  }
0x42: {  	_ =	shalt  }
0x43: {  	_ =	shalt  }
0x44: {  	_ =	shalt  }
0x45: {  	_ =	shalt  }
0x46: {  	_ =	shalt  }
0x47: {  	_ =	shalt  }
0x48: {  	_ =	shalt  }
0x49: {  	_ =	shalt  }
0x4a: {  	_ =	shalt  }
0x4b: {  	_ =	shalt  }
0x4c: {  	_ =	shalt  }
0x4d: {  	_ =	shalt  }
0x4e: {  	_ =	shalt  }
0x4f: {  	_ =	shalt  }
0x50: {  	_ =	shalt  }
0x51: {  	_ =	shalt  }
0x52: {  	_ =	shalt  }
0x53: {  	_ =	shalt  }
0x54: {  	_ =	shalt  }
0x55: {  	_ =	shalt  }
0x56: {  	_ =	shalt  }
0x57: {  	_ =	shalt  }
0x58: {  	_ =	shalt  }
0x59: {  	_ =	shalt  }
0x5a: {  	_ =	shalt  }
0x5b: {  	_ =	shalt  }
0x5c: {  	_ =	shalt  }
0x5d: {  	_ =	shalt  }
0x5e: {  	_ =	shalt  }
0x5f: {  	_ =	shalt  }
0x60: {  	_ =	shalt  }
0x61: {  	_ =	shalt  }
0x62: {  	_ =	shalt  }
0x63: {  	_ =	shalt  }
0x64: {  	_ =	shalt  }
0x65: {  	_ =	shalt  }
0x66: {  	_ =	shalt  }
0x67: {  	_ =	shalt  }
0x68: {  	_ =	shalt  }
0x69: {  	_ =	shalt  }
0x6a: {  	_ =	shalt  }
0x6b: {  	_ =	shalt  }
0x6c: {  	_ =	shalt  }
0x6d: {  	_ =	shalt  }
0x6e: {  	_ =	shalt  }
0x6f: {  	_ =	shalt  }
0x70: {  	_ =	shalt  }
0x71: {  	_ =	shalt  }
0x72: {  	_ =	shalt  }
0x73: {  	_ =	shalt  }
0x74: {  	_ =	shalt  }
0x75: {  	_ =	shalt  }
0x76: {  	_ =	shalt  }
0x77: {  	_ =	shalt  }
0x78: {  	_ =	shalt  }
0x79: {  	_ =	shalt  }
0x7a: {  	_ =	shalt  }
0x7b: {  	_ =	shalt  }
0x7c: {  	_ =	shalt  }
0x7d: {  	_ =	shalt  }
0x7e: {  	_ =	shalt  }
0x7f: {  	_ =	shalt  }
0x80: {  	_ =	shalt  }
0x81: {  	_ =	shalt  }
0x82: {  	_ =	shalt  }
0x83: {  	_ =	shalt  }
0x84: {  	_ =	shalt  }
0x85: {  	_ =	shalt  }
0x86: {  	_ =	shalt  }
0x87: {  	_ =	shalt  }
.Lfunc_end0:
.L_simem_size_0:
called_computation.1_lowered:
.L_overlay_start_0:
0x88: {  	s2 =	sld [smem:$0x3FD9]  }
0x89: {  	s3 =	sld [smem:$0x3FFE];
	_ =	sdelay $0x1  }
0x8a: {  	s1 =	srdreg.scid  }
0x8b: {  	s0 =	sand.u32 $0x1, s1  }
0x8c: {  	s14 =	sshll.u32 s0, $0xA;
	s2 =	sadd.s32 s3, s2  }
0x8d: {  	s2 =	sadd.s32 s2, s14  }
0x8e: {  	[smem:$0x3FC0] =	sst s2  }
0x8f: {  	_ = 	snop  }
0x90: {  	s2 =	sld [smem:$0x3FD0];
	_ =	sdelay $0x2  }
0x91: {  	s15 =	simm.s32 $0xA;
	s4 =	simm.s32 $0x10  }
0x92: {  	[smem:s4], [sflag:s15] =	dma.local [hbm:s2], $0x1  }
0x93: {  	_ =	swait.eq [sflag:s15], $0x1  }
0x94: {  	[sflag:s15] =	ssyncset.done $0x0  }
0x95: {  	s16 =	sld [smem:$0x10];
	[sflag:s15] =	ssyncadd.s32 $0xFFFFFFFF  }
0x96: {  	s17 =	sld [smem:$0x11];
	(tm) =	ssettm $0x1  }
0x97: {  	s18 =	sld [smem:$0x3FFB];
	_ =	sdelay $0x3  }
0x98: {  	_ =	strace s18  }
0x99: {  	s4 =	sld [smem:$0x3FFC];
	_ =	sdelay $0x3  }
0x9a: {  	_ =	strace s4  }
0x9b: {  	s4 =	sld [smem:$0x3FFD];
	_ =	sdelay $0x3  }
0x9c: {  	_ =	strace s4  }
0x9d: {  	_ =	strace $0x8FFFFFFF  }
0x9e: {  	s19 =	sld [smem:$0x3FDB];
	_ =	sdelay $0x1  }
0x9f: {  	s5 =	simm.s32 $_scs_section_size  }
0xa0: {  	s6 =	simm.s32 $_size__tile_overlayer_lowered;
	s7 =	simm.s32 $_tile_overlayer_lowered  }
0xa1: {  	s22 =	simm.s32 $0x1BFF;
	s21 =	sshll.u32 s7, $0x1;
	s4 =	sadd.s32 s5, s19  }
0xa2: {  	s8 =	simm.s32 $0x0;
	s20 =	sshll.u32 s6, $0x1;
	s6 =	sadd.s32 s21, s4  }
0xa3: {  	[timem:s8], [sflag:s22] =	dma.local [hbm:s6], s20  }
0xa4: {  	_ =	swait.ge [sflag:s22], s20  }
0xa5: {  	s5 =	ssub.s32 $0x0, s20;
	[sflag:s22] =	ssyncset.done $0x0  }
0xa6: {  	[sflag:s22] =	ssyncadd.s32 s5;
	_ =	sdelay $0x1  }
0xa7: {  	s23 =	simm.s32 $0x1B8B  }
0xa8: {  	_ =	swait.ge [sflag:s23], $0x1  }
0xa9: {  	[sflag:s23] =	ssyncset.done $0x0  }
0xaa: {  	s25 =	simm.s32 $0x1B8E;
	s24 =	sld [smem:$0x3FFE];
	[sflag:s23] =	ssyncadd.s32 $0xFFFFFFFF  }
0xab: {  	s26 =	simm.s32 $execute0_lowered;
	[smem:$0x3FD2] =	sst s25  }
0xac: {  	s6 =	sshll.u32 s26, $0x1;
	_ =	strace $0x80000049;
	[dreg:$0x1] =	wrdreg $0xFFFFFFFF  }
0xad: {  	s28 =	simm.s32 $_size_execute0_lowered;
	s4 =	sadd.s32 s4, s6;
	[dreg:$0x0] =	wrdreg $0x0  }
0xae: {  	s6 =	sshll.u32 s28, $0x1;
	[dreg:$0x2] =	wrdreg s4  }
0xaf: {  	[dreg:$0x3] =	wrdreg s6  }
0xb0: {  	[dreg:$0x4] =	wrdreg $0xC0  }
0xb1: {  	_ =	task [dreg:s8], $0x5FFFF  }
0xb2: {  	[dreg:$0x1] =	wrdreg $0xFFFFFFFF  }
0xb3: {  	[dreg:$0x0] =	wrdreg $0x60  }
0xb4: {  	[dreg:$0x2] =	wrdreg s24  }
0xb5: {  	[dreg:$0x3] =	wrdreg s17  }
0xb6: {  	[dreg:$0x4] =	wrdreg s16  }
0xb7: {  	[dreg:$0x5] =	wrdreg $0x82000  }
0xb8: {  	[dreg:$0x6] =	wrdreg $0x9  }
0xb9: {  	_ =	task.clear_ibuf [dreg:s8], $0x7FFFF;
	_ =	strace $0x90000049  }
0xba: {  	s29 =	simm.s32 $0x9;
	_ =	strace $0x8000004B  }
0xbb: {  	_ =	swait.ge [sflag:s29], $0x1  }
0xbc: {  	[sflag:s29] =	ssyncadd.s32 $0xFFFFFFFF  }
0xbd: {  	_ =	strace $0x9000004B  }
0xbe: {  	_ =	sfence  }
0xbf: {  	s30 =	sld [smem:$0x0];
	_ =	sdelay $0x2  }
0xc0: {  	s31 =	sshll.u32 s1, $0xD;
	s1 =	sshrl.u32 s1, $0x2  }
0xc1: {  	s3 =	sand.u32 $0x4000, s31;
	s1 =	sadd.s32 s1, s30  }
0xc2: {  	s0 =	sor.u32 s3, s0;
	s1 =	sshll.u32 s1, $0x11  }
0xc3: {  	s0 =	sor.u32 s1, s0  }
0xc4: {  	s0 =	sadd.s32 $0x8F2B, s0  }
0xc5: {  	[sflag:s0] =	ssyncadd.remote.s32 $0x1  }
0xc6: {  	_ =	sfence.sel $0xFFFF  }
0xc7: {  	[dreg:$0x0] =	wrdreg $0xFFFFFFFF;
	(pc) =	sbr.abs _section_cstart, $3  }
0xc8: {  	[dreg:$0x1] =	wrdreg $0xFFFFFFFF  }
0xc9: {  	_ =	task.clear_ibuf [dreg:s8], $0x2FFFF;
	_ =	strace $0x9FFFFFFF  }
0xca: {  	(tm) =	ssettm $0x7FFFFFFF  }
0xcb: {  	_ =	shalt  }
tec
execute0_lowered:
.L_overlay_start_1:
0x0: {  	(tag) =	ssettag $0x1  }
0x1: {  	s6 =	rddreg [dreg:$0x0]  }
0x2: {  	s7 =	rddreg [dreg:$0x1]  }
0x3: {  	s8 =	rddreg [dreg:$0x2]  }
0x4: {  	s1 =	rddreg [dreg:$0x3]  }
0x5: {  	s0 =	rddreg [dreg:$0x4]  }
0x6: {  	s2 =	simm.s32 $0x0;
	s3 =	srdreg.scid;
	s14 =	simm.s32 $0x200  }
0x7: {  	s17 =	simm.s32 $0x180;
	s18 =	simm.s32 $0x2;
	s19 =	simm.s32 $0x1  }
0x8: {  	s20 =	simm.s32 $0x4200;
	[smem:$0x7FF] =	sst s2;
	s4 =	sadd.s32 $0x5C00, s6  }
0x9: {  	s9 =	sand.u32 $0x1, s3;
	s5 =	sadd.s32 $0x3400, s6;
	s3 =	stileid.u32  }
0xa: {  	_ =	strace $0x8000004A;
	s10 =	smul.u32 $0x28000, s9;
	s11 =	ssub.s32 $0x2, s9  }
0xb: {  	s12 =	smul.u32 $0x50000, s3;
	s13 =	sshll.u32 s3, $0x1;
	s31 =	sshll.u32 s3, $0x6  }
0xc: {  	s22 =	smul.u32 $0x2800, s3;
	s30 =	sshrl.u32 s11, $0x1;
	s9 =	sor.u32 s9, s13  }
0xd: {  	s13 =	simm.s32 $0x80;
	s10 =	sadd.s32 s10, s6;
	s9 =	smul.u32 $0x500, s9  }
0xe: {  	s12 =	sshrl.u32 s12, $0x2;
	s11 =	ssub.s32 s11, s30;
	s6 =	sor.u32 $0x1C03, s31  }
0xf: {  	s12 =	sadd.s32 s12, s1;
	s21 =	sadd.s32 $0x2DC00, s10;
	s7 =	sadd.s32 s7, s9  }
0x10: {  	s8 =	sadd.s32 s8, s9;
	s9 =	smax.u32 s11, $0x1;
	s10 =	sshrl.u32 s12, $0x3  }
0x11: {  	s11 =	simm.s32 $0x3;
	s12 =	simm.s32 $0x100;
	s21 =	sadd.s32 s22, s21  }
0x12: {  	s22 =	simm.s32 $0x0;
	s15 =	sadd.s32 $0x10, s7;
	s16 =	sadd.s32 $0x10, s8  }
.LBB2_1:
0x13: {  	[spmem:s10], [sflag:s6] =	dma.local [hbm:s5], $0x2800  }
0x14: {  	_ =	swait.ge [sflag:s11], $0x2800  }
0x15: {  	[sflag:s11] =	ssyncset.done $0x0  }
0x16: {  	[sflag:s11] =	ssyncadd.s32 $0xFFFFD800  }
0x17: {  	[bflag:$0x0] =	sbarrier.arrive $0xFFFF  }
0x18: {  	[tilespmem:s2], [sflag:$0x3] =	stream.linear.gather [hbm4b:s7+s2], $0x80, $0x38;
	[tilespmem:$0x1C200] =	vst v63  }
0x19: {  	_ =	swait.ge [sflag:s11], $0x80  }
0x1a: {  	[sflag:s11] =	ssyncset.done $0x0  }
0x1b: {  	[sflag:s11] =	ssyncadd.s32 $0xFFFFFF80  }
0x1c: {  	[tilespmem:s12], [sflag:$0x3] =	stream.linear.gather [hbm4b:s8+s2], $0x80, $0x38;
	[tilespmem:$0x1C200] =	vst v63  }
0x1d: {  	_ =	swait.ge [sflag:s11], $0x80  }
0x1e: {  	[sflag:s11] =	ssyncset.done $0x0  }
0x1f: {  	[sflag:s11] =	ssyncadd.s32 $0xFFFFFF80  }
0x20: {  	[tilespmem:s14], [sflag:$0x1] =	stream.indirect.gather [hbm4b:s4+s13], $0x80, s2, s13, $0xb8;
	[tilespmem:$0x1C200] =	vst v63  }
0x21: {  	_ = 	snop  }
0x22: {  	[tilespmem:s13], [sflag:$0x2] =	stream.linear.gather [hbm4b:s15+s2], $0x80, $0x38;
	[tilespmem:$0x1C200] =	vst v63  }
0x23: {  	_ = 	snop  }
0x24: {  	[tilespmem:s17], [sflag:$0x2] =	stream.linear.gather [hbm4b:s16+s2], $0x80, $0x38;
	[tilespmem:$0x1C200] =	vst v63  }
0x25: {  	_ =	swait.ge [sflag:s18], $0x80  }
0x26: {  	[sflag:s18] =	ssyncset.done $0x0  }
0x27: {  	[sflag:s18] =	ssyncadd.s32 $0xFFFFFF80  }
0x28: {  	_ =	swait.ge [sflag:s18], $0x80  }
0x29: {  	[sflag:s18] =	ssyncset.done $0x0  }
0x2a: {  	[sflag:s18] =	ssyncadd.s32 $0xFFFFFF80  }
0x2b: {  	_ =	swait.ge [sflag:s19], $0x4000  }
0x2c: {  	[sflag:s19] =	ssyncset.done $0x0  }
0x2d: {  	[sflag:s19] =	ssyncadd.s32 $0xFFFFC000  }
0x2e: {  	[tilespmem:s20], [sflag:$0x1] =	stream.indirect.gather [hbm4b:s4+s13], $0x80, s13, s13, $0xb8;
	[tilespmem:$0x1C200] =	vst v63  }
0x2f: {  	_ = 	snop  }
0x30: {  	[spmem:s1] =	stream.indirect.scatter.add.f32 [tilespmem:s14], [sflag:$0x3], $0x80, s12, s13, $0xb8;
	[tilespmem:$0x1C200] =	vst v63  }
0x31: {  	_ =	swait.ge [sflag:s11], $0x4000  }
0x32: {  	s23 =	sadd.s32 $0xFFFFFB20, s7;
	[sflag:s11] =	ssyncset.done $0x0  }
0x33: {  	s25 =	sadd.s32 $0xFFFFFB20, s8;
	s24 =	sadd.s32 $0x500, s23;
	[sflag:s11] =	ssyncadd.s32 $0xFFFFC000  }
0x34: {  	[tilespmem:s2], [sflag:$0x2] =	stream.linear.gather [hbm4b:s24+s2], $0x80, $0x38;
	[tilespmem:$0x1C200] =	vst v63  }
0x35: {  	s31 =	sadd.s32 $0x500, s25  }
0x36: {  	[tilespmem:s12], [sflag:$0x2] =	stream.linear.gather [hbm4b:s31+s2], $0x80, $0x38;
	[tilespmem:$0x1C200] =	vst v63  }
0x37: {  	_ =	swait.ge [sflag:s18], $0x80  }
0x38: {  	[sflag:s18] =	ssyncset.done $0x0  }
0x39: {  	[sflag:s18] =	ssyncadd.s32 $0xFFFFFF80  }
0x3a: {  	_ =	swait.ge [sflag:s18], $0x80  }
0x3b: {  	[sflag:s18] =	ssyncset.done $0x0  }
0x3c: {  	[sflag:s18] =	ssyncadd.s32 $0xFFFFFF80  }
0x3d: {  	_ =	swait.ge [sflag:s19], $0x4000  }
0x3e: {  	[sflag:s19] =	ssyncset.done $0x0  }
0x3f: {  	[sflag:s19] =	ssyncadd.s32 $0xFFFFC000  }
0x40: {  	[tilespmem:s14], [sflag:$0x1] =	stream.indirect.gather [hbm4b:s4+s13], $0x80, s2, s13, $0xb8;
	[tilespmem:$0x1C200] =	vst v63  }
0x41: {  	_ = 	snop  }
0x42: {  	[spmem:s1] =	stream.indirect.scatter.add.f32 [tilespmem:s20], [sflag:$0x3], $0x80, s17, s13, $0xb8;
	[tilespmem:$0x1C200] =	vst v63  }
0x43: {  	_ =	swait.ge [sflag:s11], $0x4000  }
0x44: {  	[sflag:s11] =	ssyncset.done $0x0  }
0x45: {  	s23 =	sadd.s32 $0x510, s23;
	[sflag:s11] =	ssyncadd.s32 $0xFFFFC000  }
0x46: {  	[tilespmem:s13], [sflag:$0x2] =	stream.linear.gather [hbm4b:s23+s2], $0x80, $0x38;
	[tilespmem:$0x1C200] =	vst v63  }
0x47: {  	s24 =	sadd.s32 $0x510, s25;
	s23 =	simm.s32 $0xFFFFFB40  }
.LBB2_2:
0x48: {  	[tilespmem:s17], [sflag:$0x2] =	stream.linear.gather [hbm4b:s24+s2], $0x80, $0x38;
	[tilespmem:$0x1C200] =	vst v63  }
0x49: {  	s24 =	smov.u32 s23  }
0x4a: {  	p0 =	sne.s32 s23, $0xFFFFFFE0;
	s23 =	sadd.s32 $0x20, s23;
	_ =	swait.ge [sflag:s18], $0x80  }
0x4b: {  	[sflag:s18] =	ssyncset.done $0x0  }
0x4c: {  	[sflag:s18] =	ssyncadd.s32 $0xFFFFFF80  }
0x4d: {  	_ =	swait.ge [sflag:s18], $0x80  }
0x4e: {  	[sflag:s18] =	ssyncset.done $0x0  }
0x4f: {  	[sflag:s18] =	ssyncadd.s32 $0xFFFFFF80  }
0x50: {  	_ =	swait.ge [sflag:s19], $0x4000  }
0x51: {  	[sflag:s19] =	ssyncset.done $0x0  }
0x52: {  	[sflag:s19] =	ssyncadd.s32 $0xFFFFC000  }
0x53: {  	[tilespmem:s20], [sflag:$0x1] =	stream.indirect.gather [hbm4b:s4+s13], $0x80, s13, s13, $0xb8;
	[tilespmem:$0x1C200] =	vst v63  }
0x54: {  	_ = 	snop  }
0x55: {  	[spmem:s1] =	stream.indirect.scatter.add.f32 [tilespmem:s14], [sflag:$0x3], $0x80, s12, s13, $0xb8;
	[tilespmem:$0x1C200] =	vst v63  }
0x56: {  	_ =	swait.ge [sflag:s11], $0x4000  }
0x57: {  	s25 =	sadd.s32 s24, s7;
	[sflag:s11] =	ssyncset.done $0x0  }
0x58: {  	s24 =	sadd.s32 s24, s8;
	s26 =	sadd.s32 $0x500, s25;
	[sflag:s11] =	ssyncadd.s32 $0xFFFFC000  }
0x59: {  	[tilespmem:s2], [sflag:$0x2] =	stream.linear.gather [hbm4b:s26+s2], $0x80, $0x38;
	[tilespmem:$0x1C200] =	vst v63  }
0x5a: {  	s26 =	sadd.s32 $0x500, s24  }
0x5b: {  	[tilespmem:s12], [sflag:$0x2] =	stream.linear.gather [hbm4b:s26+s2], $0x80, $0x38;
	[tilespmem:$0x1C200] =	vst v63  }
0x5c: {  	_ =	swait.ge [sflag:s18], $0x80  }
0x5d: {  	[sflag:s18] =	ssyncset.done $0x0  }
0x5e: {  	[sflag:s18] =	ssyncadd.s32 $0xFFFFFF80  }
0x5f: {  	_ =	swait.ge [sflag:s18], $0x80  }
0x60: {  	[sflag:s18] =	ssyncset.done $0x0  }
0x61: {  	[sflag:s18] =	ssyncadd.s32 $0xFFFFFF80  }
0x62: {  	_ =	swait.ge [sflag:s19], $0x4000  }
0x63: {  	[sflag:s19] =	ssyncset.done $0x0  }
0x64: {  	[sflag:s19] =	ssyncadd.s32 $0xFFFFC000  }
0x65: {  	[tilespmem:s14], [sflag:$0x1] =	stream.indirect.gather [hbm4b:s4+s13], $0x80, s2, s13, $0xb8;
	[tilespmem:$0x1C200] =	vst v63  }
0x66: {  	_ = 	snop  }
0x67: {  	[spmem:s1] =	stream.indirect.scatter.add.f32 [tilespmem:s20], [sflag:$0x3], $0x80, s17, s13, $0xb8;
	[tilespmem:$0x1C200] =	vst v63  }
.Ltmp0:
0x68: {  	_ =	swait.ge [sflag:s11], $0x4000;
	(pc) =	sbr.rel @p0 .LBB2_2-.Ltmp0, $4  }
0x69: {  	[sflag:s11] =	ssyncset.done $0x0  }
0x6a: {  	s25 =	sadd.s32 $0x510, s25;
	[sflag:s11] =	ssyncadd.s32 $0xFFFFC000  }
0x6b: {  	[tilespmem:s13], [sflag:$0x2] =	stream.linear.gather [hbm4b:s25+s2], $0x80, $0x38;
	[tilespmem:$0x1C200] =	vst v63  }
0x6c: {  	s24 =	sadd.s32 $0x510, s24  }
0x6d: {  	[tilespmem:s17], [sflag:$0x2] =	stream.linear.gather [hbm4b:s24+s2], $0x80, $0x38;
	[tilespmem:$0x1C200] =	vst v63  }
0x6e: {  	_ =	swait.ge [sflag:s18], $0x80  }
0x6f: {  	[sflag:s18] =	ssyncset.done $0x0  }
0x70: {  	[sflag:s18] =	ssyncadd.s32 $0xFFFFFF80  }
0x71: {  	_ =	swait.ge [sflag:s18], $0x80  }
0x72: {  	[sflag:s18] =	ssyncset.done $0x0  }
0x73: {  	[sflag:s18] =	ssyncadd.s32 $0xFFFFFF80  }
0x74: {  	_ =	swait.ge [sflag:s19], $0x4000  }
0x75: {  	[sflag:s19] =	ssyncset.done $0x0  }
0x76: {  	[sflag:s19] =	ssyncadd.s32 $0xFFFFC000  }
0x77: {  	[tilespmem:s20], [sflag:$0x1] =	stream.indirect.gather [hbm4b:s4+s13], $0x80, s13, s13, $0xb8;
	[tilespmem:$0x1C200] =	vst v63  }
0x78: {  	_ = 	snop  }
0x79: {  	[spmem:s1] =	stream.indirect.scatter.add.f32 [tilespmem:s14], [sflag:$0x3], $0x80, s12, s13, $0xb8;
	[tilespmem:$0x1C200] =	vst v63  }
0x7a: {  	_ =	swait.ge [sflag:s11], $0x4000  }
0x7b: {  	[sflag:s11] =	ssyncset.done $0x0  }
0x7c: {  	[sflag:s11] =	ssyncadd.s32 $0xFFFFC000  }
0x7d: {  	_ =	swait.ge [sflag:s19], $0x4000  }
0x7e: {  	[sflag:s19] =	ssyncset.done $0x0  }
0x7f: {  	[sflag:s19] =	ssyncadd.s32 $0xFFFFC000  }
0x80: {  	[spmem:s1] =	stream.indirect.scatter.add.f32 [tilespmem:s20], [sflag:$0x3], $0x80, s17, s13, $0xb8;
	[tilespmem:$0x1C200] =	vst v63  }
0x81: {  	_ =	swait.ge [sflag:s11], $0x4000  }
0x82: {  	s22 =	sadd.s32 $0x1, s22;
	[sflag:s11] =	ssyncset.done $0x0  }
0x83: {  	p0 =	sne.s32 s22, s9;
	[sflag:s11] =	ssyncadd.s32 $0xFFFFC000  }
.Ltmp1:
0x84: {  	[bflag:$0x0] =	sbarrier.arrive $0xFFFF;
	(pc) =	sbr.rel @p0 .LBB2_1-.Ltmp1, $4  }
0x85: {  	[hbm:s21], [sflag:s6] =	dma.local [spmem:s10], $0x2800  }
0x86: {  	_ =	swait.ge [sflag:s11], $0x2800  }
0x87: {  	[sflag:s11] =	ssyncset.done $0x0  }
0x88: {  	[sflag:s11] =	ssyncadd.s32 $0xFFFFD800  }
0x89: {  	_ =	sfence.sel $0x180000  }
0x8a: {  	[bflag:$0x0] =	sbarrier.arrive $0xFFFF  }
0x8b: {  	p0 =	sne.s32 s3, $0x0;
	_ =	strace $0x9000004A  }
0x8c: {  	s0 =	sadd.s32 @!p0 $0x100000, s0;
	[bflag:$0x2] =	sbarrier.arrive $0xFFFF  }
0x8d: {  	[sflag:s0] =	ssyncadd.tile.s32 @!p0 $0x1;
	_ =	shalt  }
.Lfunc_end2:
_tile_overlayer_lowered:
.L_overlay_start_2:
0x8e: {  	(tag) =	ssettag $0x2  }
0x8f: {  	s0 =	rddreg [dreg:$0x0];
	s2 =	stileid.u32  }
0x90: {  	s1 =	rddreg [dreg:$0x1];
	p0 =	sne.s32 s2, $0x0  }
0x91: {  	s3 =	rddreg [dreg:$0x2];
	[bflag:$0x3] =	sbarrier.arrive $0xFFFF;
	s2 =	simm.s32 @!p0 $0x1C03  }
0x92: {  	[timem:s3], [sflag:s2] =	dma.local @!p0 [hbm:s0], s1  }
0x93: {  	s0 =	simm.s32 @!p0 $0x3  }
0x94: {  	_ =	swait.ge @!p0 [sflag:s0], s1  }
0x95: {  	s1 =	ssub.s32 @!p0 $0x0, s1;
	[sflag:s0] =	ssyncset.done @!p0 $0x0  }
0x96: {  	[sflag:s0] =	ssyncadd.s32 @!p0 s1  }
0x97: {  	[bflag:$0x3] =	sbarrier.arrive $0xFFFF  }
0x98: {  	_ =	shalt  }

// kernel: kernel.16.cloned.1.call-start
scs
__scs_entry_jumppad:
0x0: {  	(pc) =	sbr.rel $0x88, $3  }
0x1: {  	(tag) =	ssettag $0x0;
	lr =	simm.s32 $0x1  }
0x2: {  	[smem:$0x3F99] =	sst lr;
	_ =	strace $0xD0000000  }
0x3: {  	_ = 	snop  }
0x4: {  	_ = 	snop  }
0x5: {  	_ = 	snop  }
0x6: {  	_ = 	snop  }
0x7: {  	_ = 	snop  }
__scs_overlays_trampoline_lowered:
0x8: {  	[smem:$0x3FA8] =	sst s0  }
0x9: {  	[smem:$0x3FA9] =	sst s1  }
0xa: {  	[smem:$0x3FAA] =	sst s2  }
0xb: {  	[smem:$0x3FAB] =	sst s3  }
0xc: {  	[smem:$0x3FAC] =	sst s4  }
0xd: {  	[smem:$0x3FAD] =	sst s5  }
0xe: {  	[smem:$0x3FAE] =	sst s6  }
0xf: {  	[smem:$0x3FAF] =	sst s7  }
0x10: {  	[smem:$0x3FB0] =	sst s8  }
0x11: {  	[smem:$0x3FB1] =	sst s9;
	s0 =	simm.s32 @!p0 $0x0  }
0x12: {  	s1 =	sld [smem:$0x3F97];
	s0 =	simm.s32 @p0 $0x1  }
0x13: {  	[smem:$0x3FB2] =	sst s0;
	s0 =	simm.s32 @!p1 $0x0  }
0x14: {  	s2 =	sld [smem:$0x3F96];
	s0 =	simm.s32 @p1 $0x1  }
0x15: {  	[smem:$0x3FB3] =	sst s0;
	s0 =	simm.s32 @!p2 $0x0  }
0x16: {  	s3 =	sld [smem:$0x3FDB];
	s0 =	simm.s32 @p2 $0x1  }
0x17: {  	s4 =	simm.s32 $0x1BF5;
	[smem:$0x3FB5] =	sst s0  }
0x18: {  	s0 =	sld [smem:$0x3F98];
	_ =	swait.ge [sflag:s4], $0x0  }
0x19: {  	s7 =	sld [smem:$0x3F99]  }
0x1a: {  	s8 =	sadd.s32 $0xFFFFE003, lr  }
0x1b: {  	s9 =	sadd.s32 $0xFFFFFEF7, lr;
	s5 =	simm.s32 $0xFFFFFFFF;
	p2 =	slt.u32 s8, $0xFFFFF086  }
0x1c: {  	p1 =	slt.u32 s9, $0xF7A;
	s5 =	simm.s32 @!p2 $0x0  }
0x1d: {  	s5 =	simm.s32 @p1 $0x1;
	p0 =	seq.s32 s7, s2  }
0x1e: {  	s7 =	smul.u32 @!p0 $0xF7A, s2;
	p2 =	seq.s32 @!p0 s5, $0x0  }
0x1f: {  	s9 =	smul.u32 $0xF7A, s1;
	s8 =	simm.s32 @!p0 $0x1BF5;
	p2 =	por !p2, p0  }
0x20: {  	[sflag:s8] =	ssyncset.s32 @!p0 $0xFFFFF086;
	s6 =	sadd.s32 @!p0 s3, s7;
	s7 =	simm.s32 @!p0 $0x108  }
0x21: {  	s3 =	sadd.s32 s3, s9;
	s6 =	sadd.s32 @!p0 $0x88, s6;
	s7 =	simm.s32 @p2 $0x1082  }
0x22: {  	[simem:s7], [sflag:s8] =	dma.local @!p0 [hbm:s6], $0xF7A  }
0x23: {  	s9 =	sor.u32 $0xD0000000, s2;
	s6 =	simm.s32 $0x108;
	_ =	swait.ge @!p0 [sflag:s8], $0x0  }
0x24: {  	s3 =	sadd.s32 $0x88, s3;
	s6 =	simm.s32 @!p1 $0x1082;
	[sflag:s4] =	ssyncset.s32 $0xFFFFF086  }
0x25: {  	[simem:s6], [sflag:s4] =	dma.local [hbm:s3], $0xF7A  }
0x26: {  	[smem:$0x3F99] =	sst s1;
	(tag) =	ssettag s2;
	_ =	strace s9  }
0x27: {  	s1 =	sld [smem:$0x3FA9]  }
0x28: {  	s2 =	sld [smem:$0x3FAA]  }
0x29: {  	s4 =	sld [smem:$0x3FAC]  }
0x2a: {  	p0 =	seq.s32 s5, $0x0;
	s5 =	sld [smem:$0x3FAD]  }
0x2b: {  	s6 =	sld [smem:$0x3FAE]  }
0x2c: {  	s7 =	sld [smem:$0x3FAF]  }
0x2d: {  	s3 =	simm.s32 $0x108;
	s8 =	sld [smem:$0x3FB0]  }
0x2e: {  	s3 =	simm.s32 @!p0 $0x1082;
	s9 =	sld [smem:$0x3FB1]  }
0x2f: {  	lr =	sadd.s32 s0, s3;
	s0 =	sld [smem:$0x3FA8]  }
0x30: {  	s3 =	sld [smem:$0x3FAB]  }
0x31: {  	[smem:$0x3FB4] =	sst s10  }
0x32: {  	s10 =	sld [smem:$0x3FB2];
	_ =	sdelay $0x3  }
0x33: {  	p0 =	seq.s32 s10, $0x1;
	s10 =	sld [smem:$0x3FB4];
	_ =	sdelay $0x3  }
0x34: {  	[smem:$0x3FB4] =	sst s10  }
0x35: {  	s10 =	sld [smem:$0x3FB3];
	_ =	sdelay $0x3  }
0x36: {  	p1 =	seq.s32 s10, $0x1;
	s10 =	sld [smem:$0x3FB4];
	_ =	sdelay $0x3  }
0x37: {  	[smem:$0x3FB4] =	sst s10  }
0x38: {  	s10 =	sld [smem:$0x3FB5]  }
0x39: {  	_ = 	snop;
	(pc) =	sbr.ind lr, $3  }
0x3a: {  	_ = 	snop  }
0x3b: {  	_ = 	snop  }
0x3c: {  	p2 =	seq.s32 s10, $0x1;
	s10 =	sld [smem:$0x3FB4]  }
0x3d: {  	_ =	shalt  }
0x3e: {  	_ =	shalt  }
0x3f: {  	_ =	shalt  }
0x40: {  	_ =	shalt  }
0x41: {  	_ =	shalt  }
0x42: {  	_ =	shalt  }
0x43: {  	_ =	shalt  }
0x44: {  	_ =	shalt  }
0x45: {  	_ =	shalt  }
0x46: {  	_ =	shalt  }
0x47: {  	_ =	shalt  }
0x48: {  	_ =	shalt  }
0x49: {  	_ =	shalt  }
0x4a: {  	_ =	shalt  }
0x4b: {  	_ =	shalt  }
0x4c: {  	_ =	shalt  }
0x4d: {  	_ =	shalt  }
0x4e: {  	_ =	shalt  }
0x4f: {  	_ =	shalt  }
0x50: {  	_ =	shalt  }
0x51: {  	_ =	shalt  }
0x52: {  	_ =	shalt  }
0x53: {  	_ =	shalt  }
0x54: {  	_ =	shalt  }
0x55: {  	_ =	shalt  }
0x56: {  	_ =	shalt  }
0x57: {  	_ =	shalt  }
0x58: {  	_ =	shalt  }
0x59: {  	_ =	shalt  }
0x5a: {  	_ =	shalt  }
0x5b: {  	_ =	shalt  }
0x5c: {  	_ =	shalt  }
0x5d: {  	_ =	shalt  }
0x5e: {  	_ =	shalt  }
0x5f: {  	_ =	shalt  }
0x60: {  	_ =	shalt  }
0x61: {  	_ =	shalt  }
0x62: {  	_ =	shalt  }
0x63: {  	_ =	shalt  }
0x64: {  	_ =	shalt  }
0x65: {  	_ =	shalt  }
0x66: {  	_ =	shalt  }
0x67: {  	_ =	shalt  }
0x68: {  	_ =	shalt  }
0x69: {  	_ =	shalt  }
0x6a: {  	_ =	shalt  }
0x6b: {  	_ =	shalt  }
0x6c: {  	_ =	shalt  }
0x6d: {  	_ =	shalt  }
0x6e: {  	_ =	shalt  }
0x6f: {  	_ =	shalt  }
0x70: {  	_ =	shalt  }
0x71: {  	_ =	shalt  }
0x72: {  	_ =	shalt  }
0x73: {  	_ =	shalt  }
0x74: {  	_ =	shalt  }
0x75: {  	_ =	shalt  }
0x76: {  	_ =	shalt  }
0x77: {  	_ =	shalt  }
0x78: {  	_ =	shalt  }
0x79: {  	_ =	shalt  }
0x7a: {  	_ =	shalt  }
0x7b: {  	_ =	shalt  }
0x7c: {  	_ =	shalt  }
0x7d: {  	_ =	shalt  }
0x7e: {  	_ =	shalt  }
0x7f: {  	_ =	shalt  }
0x80: {  	_ =	shalt  }
0x81: {  	_ =	shalt  }
0x82: {  	_ =	shalt  }
0x83: {  	_ =	shalt  }
0x84: {  	_ =	shalt  }
0x85: {  	_ =	shalt  }
0x86: {  	_ =	shalt  }
0x87: {  	_ =	shalt  }
.Lfunc_end0:
.L_simem_size_0:
called_computation.2_lowered:
.L_overlay_start_0:
0x88: {  	s2 =	sld [smem:$0x3FD9]  }
0x89: {  	s3 =	sld [smem:$0x3FFE];
	_ =	sdelay $0x1  }
0x8a: {  	s1 =	srdreg.scid  }
0x8b: {  	s0 =	sand.u32 $0x1, s1  }
0x8c: {  	s14 =	sshll.u32 s0, $0xA;
	s2 =	sadd.s32 s3, s2  }
0x8d: {  	s2 =	sadd.s32 s2, s14  }
0x8e: {  	[smem:$0x3FC0] =	sst s2  }
0x8f: {  	_ = 	snop  }
0x90: {  	s2 =	sld [smem:$0x3FD0];
	_ =	sdelay $0x2  }
0x91: {  	s15 =	simm.s32 $0xA;
	s4 =	simm.s32 $0x10  }
0x92: {  	[smem:s4], [sflag:s15] =	dma.local [hbm:s2], $0x1  }
0x93: {  	_ =	swait.eq [sflag:s15], $0x1  }
0x94: {  	[sflag:s15] =	ssyncset.done $0x0  }
0x95: {  	s16 =	sld [smem:$0x10];
	[sflag:s15] =	ssyncadd.s32 $0xFFFFFFFF  }
0x96: {  	s17 =	sld [smem:$0x11];
	(tm) =	ssettm $0x1  }
0x97: {  	s18 =	sld [smem:$0x3FFB];
	_ =	sdelay $0x3  }
0x98: {  	_ =	strace s18  }
0x99: {  	s4 =	sld [smem:$0x3FFC];
	_ =	sdelay $0x3  }
0x9a: {  	_ =	strace s4  }
0x9b: {  	s4 =	sld [smem:$0x3FFD];
	_ =	sdelay $0x3  }
0x9c: {  	_ =	strace s4  }
0x9d: {  	_ =	strace $0x8FFFFFFF  }
0x9e: {  	s19 =	sld [smem:$0x3FDB];
	_ =	sdelay $0x1  }
0x9f: {  	s5 =	simm.s32 $_scs_section_size  }
0xa0: {  	s6 =	simm.s32 $_size__tile_overlayer_lowered;
	s7 =	simm.s32 $_tile_overlayer_lowered  }
0xa1: {  	s22 =	simm.s32 $0x1BFF;
	s21 =	sshll.u32 s7, $0x1;
	s4 =	sadd.s32 s5, s19  }
0xa2: {  	s8 =	simm.s32 $0x0;
	s20 =	sshll.u32 s6, $0x1;
	s6 =	sadd.s32 s21, s4  }
0xa3: {  	[timem:s8], [sflag:s22] =	dma.local [hbm:s6], s20  }
0xa4: {  	_ =	swait.ge [sflag:s22], s20  }
0xa5: {  	s5 =	ssub.s32 $0x0, s20;
	[sflag:s22] =	ssyncset.done $0x0  }
0xa6: {  	[sflag:s22] =	ssyncadd.s32 s5;
	_ =	sdelay $0x1  }
0xa7: {  	s23 =	simm.s32 $0x1B8B  }
0xa8: {  	_ =	swait.ge [sflag:s23], $0x1  }
0xa9: {  	[sflag:s23] =	ssyncset.done $0x0  }
0xaa: {  	s25 =	simm.s32 $0x1B8E;
	s24 =	sld [smem:$0x3FFE];
	[sflag:s23] =	ssyncadd.s32 $0xFFFFFFFF  }
0xab: {  	s26 =	simm.s32 $execute0_lowered;
	[smem:$0x3FD2] =	sst s25  }
0xac: {  	s6 =	sshll.u32 s26, $0x1;
	_ =	strace $0x8000004C;
	[dreg:$0x1] =	wrdreg $0xFFFFFFFF  }
0xad: {  	s28 =	simm.s32 $_size_execute0_lowered;
	s4 =	sadd.s32 s4, s6;
	[dreg:$0x0] =	wrdreg $0x0  }
0xae: {  	s6 =	sshll.u32 s28, $0x1;
	[dreg:$0x2] =	wrdreg s4  }
0xaf: {  	[dreg:$0x3] =	wrdreg s6  }
0xb0: {  	[dreg:$0x4] =	wrdreg $0xC0  }
0xb1: {  	_ =	task [dreg:s8], $0x5FFFF  }
0xb2: {  	[dreg:$0x1] =	wrdreg $0xFFFFFFFF  }
0xb3: {  	[dreg:$0x0] =	wrdreg $0x60  }
0xb4: {  	[dreg:$0x2] =	wrdreg s24  }
0xb5: {  	[dreg:$0x3] =	wrdreg s17  }
0xb6: {  	[dreg:$0x4] =	wrdreg s16  }
0xb7: {  	[dreg:$0x5] =	wrdreg $0x82000  }
0xb8: {  	[dreg:$0x6] =	wrdreg $0x9  }
0xb9: {  	_ =	task.clear_ibuf [dreg:s8], $0x7FFFF;
	_ =	strace $0x9000004C  }
0xba: {  	s29 =	simm.s32 $0x9;
	_ =	strace $0x8000004E  }
0xbb: {  	_ =	swait.ge [sflag:s29], $0x1  }
0xbc: {  	[sflag:s29] =	ssyncadd.s32 $0xFFFFFFFF  }
0xbd: {  	_ =	strace $0x9000004E  }
0xbe: {  	_ =	sfence  }
0xbf: {  	s30 =	sld [smem:$0x0];
	_ =	sdelay $0x2  }
0xc0: {  	s31 =	sshll.u32 s1, $0xD;
	s1 =	sshrl.u32 s1, $0x2  }
0xc1: {  	s3 =	sand.u32 $0x4000, s31;
	s1 =	sadd.s32 s1, s30  }
0xc2: {  	s0 =	sor.u32 s3, s0;
	s1 =	sshll.u32 s1, $0x11  }
0xc3: {  	s0 =	sor.u32 s1, s0  }
0xc4: {  	s0 =	sadd.s32 $0x8F2B, s0  }
0xc5: {  	[sflag:s0] =	ssyncadd.remote.s32 $0x1  }
0xc6: {  	_ =	sfence.sel $0xFFFF  }
0xc7: {  	[dreg:$0x0] =	wrdreg $0xFFFFFFFF;
	(pc) =	sbr.abs _section_cstart, $3  }
0xc8: {  	[dreg:$0x1] =	wrdreg $0xFFFFFFFF  }
0xc9: {  	_ =	task.clear_ibuf [dreg:s8], $0x2FFFF;
	_ =	strace $0x9FFFFFFF  }
0xca: {  	(tm) =	ssettm $0x7FFFFFFF  }
0xcb: {  	_ =	shalt  }
tec
execute0_lowered:
.L_overlay_start_1:
0x0: {  	(tag) =	ssettag $0x1  }
0x1: {  	s6 =	rddreg [dreg:$0x0]  }
0x2: {  	s7 =	rddreg [dreg:$0x1]  }
0x3: {  	s8 =	rddreg [dreg:$0x2]  }
0x4: {  	s1 =	rddreg [dreg:$0x3]  }
0x5: {  	s0 =	rddreg [dreg:$0x4]  }
0x6: {  	s2 =	simm.s32 $0x0;
	s3 =	srdreg.scid;
	s14 =	simm.s32 $0x200  }
0x7: {  	s17 =	simm.s32 $0x180;
	s18 =	simm.s32 $0x2;
	s19 =	simm.s32 $0x1  }
0x8: {  	s20 =	simm.s32 $0x4200;
	[smem:$0x7FF] =	sst s2;
	s4 =	sadd.s32 $0x5C00, s6  }
0x9: {  	s9 =	sand.u32 $0x1, s3;
	s5 =	sadd.s32 $0x3400, s6;
	s3 =	stileid.u32  }
0xa: {  	_ =	strace $0x8000004D;
	s10 =	smul.u32 $0x28000, s9;
	s11 =	ssub.s32 $0x2, s9  }
0xb: {  	s12 =	smul.u32 $0x50000, s3;
	s13 =	sshll.u32 s3, $0x1;
	s31 =	sshll.u32 s3, $0x6  }
0xc: {  	s22 =	smul.u32 $0x2800, s3;
	s30 =	sshrl.u32 s11, $0x1;
	s9 =	sor.u32 s9, s13  }
0xd: {  	s13 =	simm.s32 $0x80;
	s10 =	sadd.s32 s10, s6;
	s9 =	smul.u32 $0x500, s9  }
0xe: {  	s12 =	sshrl.u32 s12, $0x2;
	s11 =	ssub.s32 s11, s30;
	s6 =	sor.u32 $0x1C03, s31  }
0xf: {  	s12 =	sadd.s32 s12, s1;
	s21 =	sadd.s32 $0x2DC00, s10;
	s7 =	sadd.s32 s7, s9  }
0x10: {  	s8 =	sadd.s32 s8, s9;
	s9 =	smax.u32 s11, $0x1;
	s10 =	sshrl.u32 s12, $0x3  }
0x11: {  	s11 =	simm.s32 $0x3;
	s12 =	simm.s32 $0x100;
	s21 =	sadd.s32 s22, s21  }
0x12: {  	s22 =	simm.s32 $0x0;
	s15 =	sadd.s32 $0x10, s7;
	s16 =	sadd.s32 $0x10, s8  }
.LBB2_1:
0x13: {  	[spmem:s10], [sflag:s6] =	dma.local [hbm:s5], $0x2800  }
0x14: {  	_ =	swait.ge [sflag:s11], $0x2800  }
0x15: {  	[sflag:s11] =	ssyncset.done $0x0  }
0x16: {  	[sflag:s11] =	ssyncadd.s32 $0xFFFFD800  }
0x17: {  	[bflag:$0x0] =	sbarrier.arrive $0xFFFF  }
0x18: {  	[tilespmem:s2], [sflag:$0x3] =	stream.linear.gather [hbm4b:s7+s2], $0x80, $0x38;
	[tilespmem:$0x1C200] =	vst v63  }
0x19: {  	_ =	swait.ge [sflag:s11], $0x80  }
0x1a: {  	[sflag:s11] =	ssyncset.done $0x0  }
0x1b: {  	[sflag:s11] =	ssyncadd.s32 $0xFFFFFF80  }
0x1c: {  	[tilespmem:s12], [sflag:$0x3] =	stream.linear.gather [hbm4b:s8+s2], $0x80, $0x38;
	[tilespmem:$0x1C200] =	vst v63  }
0x1d: {  	_ =	swait.ge [sflag:s11], $0x80  }
0x1e: {  	[sflag:s11] =	ssyncset.done $0x0  }
0x1f: {  	[sflag:s11] =	ssyncadd.s32 $0xFFFFFF80  }
0x20: {  	[tilespmem:s14], [sflag:$0x1] =	stream.indirect.gather [hbm4b:s4+s13], $0x80, s2, s13, $0xb8;
	[tilespmem:$0x1C200] =	vst v63  }
0x21: {  	_ = 	snop  }
0x22: {  	[tilespmem:s13], [sflag:$0x2] =	stream.linear.gather [hbm4b:s15+s2], $0x80, $0x38;
	[tilespmem:$0x1C200] =	vst v63  }
0x23: {  	_ = 	snop  }
0x24: {  	[tilespmem:s17], [sflag:$0x2] =	stream.linear.gather [hbm4b:s16+s2], $0x80, $0x38;
	[tilespmem:$0x1C200] =	vst v63  }
0x25: {  	_ =	swait.ge [sflag:s18], $0x80  }
0x26: {  	[sflag:s18] =	ssyncset.done $0x0  }
0x27: {  	[sflag:s18] =	ssyncadd.s32 $0xFFFFFF80  }
0x28: {  	_ =	swait.ge [sflag:s18], $0x80  }
0x29: {  	[sflag:s18] =	ssyncset.done $0x0  }
0x2a: {  	[sflag:s18] =	ssyncadd.s32 $0xFFFFFF80  }
0x2b: {  	_ =	swait.ge [sflag:s19], $0x4000  }
0x2c: {  	[sflag:s19] =	ssyncset.done $0x0  }
0x2d: {  	[sflag:s19] =	ssyncadd.s32 $0xFFFFC000  }
0x2e: {  	[tilespmem:s20], [sflag:$0x1] =	stream.indirect.gather [hbm4b:s4+s13], $0x80, s13, s13, $0xb8;
	[tilespmem:$0x1C200] =	vst v63  }
0x2f: {  	_ = 	snop  }
0x30: {  	[spmem:s1] =	stream.indirect.scatter.add.f32 [tilespmem:s14], [sflag:$0x3], $0x80, s12, s13, $0xb8;
	[tilespmem:$0x1C200] =	vst v63  }
0x31: {  	_ =	swait.ge [sflag:s11], $0x4000  }
0x32: {  	s23 =	sadd.s32 $0xFFFFFB20, s7;
	[sflag:s11] =	ssyncset.done $0x0  }
0x33: {  	s25 =	sadd.s32 $0xFFFFFB20, s8;
	s24 =	sadd.s32 $0x500, s23;
	[sflag:s11] =	ssyncadd.s32 $0xFFFFC000  }
0x34: {  	[tilespmem:s2], [sflag:$0x2] =	stream.linear.gather [hbm4b:s24+s2], $0x80, $0x38;
	[tilespmem:$0x1C200] =	vst v63  }
0x35: {  	s31 =	sadd.s32 $0x500, s25  }
0x36: {  	[tilespmem:s12], [sflag:$0x2] =	stream.linear.gather [hbm4b:s31+s2], $0x80, $0x38;
	[tilespmem:$0x1C200] =	vst v63  }
0x37: {  	_ =	swait.ge [sflag:s18], $0x80  }
0x38: {  	[sflag:s18] =	ssyncset.done $0x0  }
0x39: {  	[sflag:s18] =	ssyncadd.s32 $0xFFFFFF80  }
0x3a: {  	_ =	swait.ge [sflag:s18], $0x80  }
0x3b: {  	[sflag:s18] =	ssyncset.done $0x0  }
0x3c: {  	[sflag:s18] =	ssyncadd.s32 $0xFFFFFF80  }
0x3d: {  	_ =	swait.ge [sflag:s19], $0x4000  }
0x3e: {  	[sflag:s19] =	ssyncset.done $0x0  }
0x3f: {  	[sflag:s19] =	ssyncadd.s32 $0xFFFFC000  }
0x40: {  	[tilespmem:s14], [sflag:$0x1] =	stream.indirect.gather [hbm4b:s4+s13], $0x80, s2, s13, $0xb8;
	[tilespmem:$0x1C200] =	vst v63  }
0x41: {  	_ = 	snop  }
0x42: {  	[spmem:s1] =	stream.indirect.scatter.add.f32 [tilespmem:s20], [sflag:$0x3], $0x80, s17, s13, $0xb8;
	[tilespmem:$0x1C200] =	vst v63  }
0x43: {  	_ =	swait.ge [sflag:s11], $0x4000  }
0x44: {  	[sflag:s11] =	ssyncset.done $0x0  }
0x45: {  	s23 =	sadd.s32 $0x510, s23;
	[sflag:s11] =	ssyncadd.s32 $0xFFFFC000  }
0x46: {  	[tilespmem:s13], [sflag:$0x2] =	stream.linear.gather [hbm4b:s23+s2], $0x80, $0x38;
	[tilespmem:$0x1C200] =	vst v63  }
0x47: {  	s24 =	sadd.s32 $0x510, s25;
	s23 =	simm.s32 $0xFFFFFB40  }
.LBB2_2:
0x48: {  	[tilespmem:s17], [sflag:$0x2] =	stream.linear.gather [hbm4b:s24+s2], $0x80, $0x38;
	[tilespmem:$0x1C200] =	vst v63  }
0x49: {  	s24 =	smov.u32 s23  }
0x4a: {  	p0 =	sne.s32 s23, $0xFFFFFFE0;
	s23 =	sadd.s32 $0x20, s23;
	_ =	swait.ge [sflag:s18], $0x80  }
0x4b: {  	[sflag:s18] =	ssyncset.done $0x0  }
0x4c: {  	[sflag:s18] =	ssyncadd.s32 $0xFFFFFF80  }
0x4d: {  	_ =	swait.ge [sflag:s18], $0x80  }
0x4e: {  	[sflag:s18] =	ssyncset.done $0x0  }
0x4f: {  	[sflag:s18] =	ssyncadd.s32 $0xFFFFFF80  }
0x50: {  	_ =	swait.ge [sflag:s19], $0x4000  }
0x51: {  	[sflag:s19] =	ssyncset.done $0x0  }
0x52: {  	[sflag:s19] =	ssyncadd.s32 $0xFFFFC000  }
0x53: {  	[tilespmem:s20], [sflag:$0x1] =	stream.indirect.gather [hbm4b:s4+s13], $0x80, s13, s13, $0xb8;
	[tilespmem:$0x1C200] =	vst v63  }
0x54: {  	_ = 	snop  }
0x55: {  	[spmem:s1] =	stream.indirect.scatter.add.f32 [tilespmem:s14], [sflag:$0x3], $0x80, s12, s13, $0xb8;
	[tilespmem:$0x1C200] =	vst v63  }
0x56: {  	_ =	swait.ge [sflag:s11], $0x4000  }
0x57: {  	s25 =	sadd.s32 s24, s7;
	[sflag:s11] =	ssyncset.done $0x0  }
0x58: {  	s24 =	sadd.s32 s24, s8;
	s26 =	sadd.s32 $0x500, s25;
	[sflag:s11] =	ssyncadd.s32 $0xFFFFC000  }
0x59: {  	[tilespmem:s2], [sflag:$0x2] =	stream.linear.gather [hbm4b:s26+s2], $0x80, $0x38;
	[tilespmem:$0x1C200] =	vst v63  }
0x5a: {  	s26 =	sadd.s32 $0x500, s24  }
0x5b: {  	[tilespmem:s12], [sflag:$0x2] =	stream.linear.gather [hbm4b:s26+s2], $0x80, $0x38;
	[tilespmem:$0x1C200] =	vst v63  }
0x5c: {  	_ =	swait.ge [sflag:s18], $0x80  }
0x5d: {  	[sflag:s18] =	ssyncset.done $0x0  }
0x5e: {  	[sflag:s18] =	ssyncadd.s32 $0xFFFFFF80  }
0x5f: {  	_ =	swait.ge [sflag:s18], $0x80  }
0x60: {  	[sflag:s18] =	ssyncset.done $0x0  }
0x61: {  	[sflag:s18] =	ssyncadd.s32 $0xFFFFFF80  }
0x62: {  	_ =	swait.ge [sflag:s19], $0x4000  }
0x63: {  	[sflag:s19] =	ssyncset.done $0x0  }
0x64: {  	[sflag:s19] =	ssyncadd.s32 $0xFFFFC000  }
0x65: {  	[tilespmem:s14], [sflag:$0x1] =	stream.indirect.gather [hbm4b:s4+s13], $0x80, s2, s13, $0xb8;
	[tilespmem:$0x1C200] =	vst v63  }
0x66: {  	_ = 	snop  }
0x67: {  	[spmem:s1] =	stream.indirect.scatter.add.f32 [tilespmem:s20], [sflag:$0x3], $0x80, s17, s13, $0xb8;
	[tilespmem:$0x1C200] =	vst v63  }
.Ltmp0:
0x68: {  	_ =	swait.ge [sflag:s11], $0x4000;
	(pc) =	sbr.rel @p0 .LBB2_2-.Ltmp0, $4  }
0x69: {  	[sflag:s11] =	ssyncset.done $0x0  }
0x6a: {  	s25 =	sadd.s32 $0x510, s25;
	[sflag:s11] =	ssyncadd.s32 $0xFFFFC000  }
0x6b: {  	[tilespmem:s13], [sflag:$0x2] =	stream.linear.gather [hbm4b:s25+s2], $0x80, $0x38;
	[tilespmem:$0x1C200] =	vst v63  }
0x6c: {  	s24 =	sadd.s32 $0x510, s24  }
0x6d: {  	[tilespmem:s17], [sflag:$0x2] =	stream.linear.gather [hbm4b:s24+s2], $0x80, $0x38;
	[tilespmem:$0x1C200] =	vst v63  }
0x6e: {  	_ =	swait.ge [sflag:s18], $0x80  }
0x6f: {  	[sflag:s18] =	ssyncset.done $0x0  }
0x70: {  	[sflag:s18] =	ssyncadd.s32 $0xFFFFFF80  }
0x71: {  	_ =	swait.ge [sflag:s18], $0x80  }
0x72: {  	[sflag:s18] =	ssyncset.done $0x0  }
0x73: {  	[sflag:s18] =	ssyncadd.s32 $0xFFFFFF80  }
0x74: {  	_ =	swait.ge [sflag:s19], $0x4000  }
0x75: {  	[sflag:s19] =	ssyncset.done $0x0  }
0x76: {  	[sflag:s19] =	ssyncadd.s32 $0xFFFFC000  }
0x77: {  	[tilespmem:s20], [sflag:$0x1] =	stream.indirect.gather [hbm4b:s4+s13], $0x80, s13, s13, $0xb8;
	[tilespmem:$0x1C200] =	vst v63  }
0x78: {  	_ = 	snop  }
0x79: {  	[spmem:s1] =	stream.indirect.scatter.add.f32 [tilespmem:s14], [sflag:$0x3], $0x80, s12, s13, $0xb8;
	[tilespmem:$0x1C200] =	vst v63  }
0x7a: {  	_ =	swait.ge [sflag:s11], $0x4000  }
0x7b: {  	[sflag:s11] =	ssyncset.done $0x0  }
0x7c: {  	[sflag:s11] =	ssyncadd.s32 $0xFFFFC000  }
0x7d: {  	_ =	swait.ge [sflag:s19], $0x4000  }
0x7e: {  	[sflag:s19] =	ssyncset.done $0x0  }
0x7f: {  	[sflag:s19] =	ssyncadd.s32 $0xFFFFC000  }
0x80: {  	[spmem:s1] =	stream.indirect.scatter.add.f32 [tilespmem:s20], [sflag:$0x3], $0x80, s17, s13, $0xb8;
	[tilespmem:$0x1C200] =	vst v63  }
0x81: {  	_ =	swait.ge [sflag:s11], $0x4000  }
0x82: {  	s22 =	sadd.s32 $0x1, s22;
	[sflag:s11] =	ssyncset.done $0x0  }
0x83: {  	p0 =	sne.s32 s22, s9;
	[sflag:s11] =	ssyncadd.s32 $0xFFFFC000  }
.Ltmp1:
0x84: {  	[bflag:$0x0] =	sbarrier.arrive $0xFFFF;
	(pc) =	sbr.rel @p0 .LBB2_1-.Ltmp1, $4  }
0x85: {  	[hbm:s21], [sflag:s6] =	dma.local [spmem:s10], $0x2800  }
0x86: {  	_ =	swait.ge [sflag:s11], $0x2800  }
0x87: {  	[sflag:s11] =	ssyncset.done $0x0  }
0x88: {  	[sflag:s11] =	ssyncadd.s32 $0xFFFFD800  }
0x89: {  	_ =	sfence.sel $0x180000  }
0x8a: {  	[bflag:$0x0] =	sbarrier.arrive $0xFFFF  }
0x8b: {  	p0 =	sne.s32 s3, $0x0;
	_ =	strace $0x9000004D  }
0x8c: {  	s0 =	sadd.s32 @!p0 $0x100000, s0;
	[bflag:$0x2] =	sbarrier.arrive $0xFFFF  }
0x8d: {  	[sflag:s0] =	ssyncadd.tile.s32 @!p0 $0x1;
	_ =	shalt  }
.Lfunc_end2:
_tile_overlayer_lowered:
.L_overlay_start_2:
0x8e: {  	(tag) =	ssettag $0x2  }
0x8f: {  	s0 =	rddreg [dreg:$0x0];
	s2 =	stileid.u32  }
0x90: {  	s1 =	rddreg [dreg:$0x1];
	p0 =	sne.s32 s2, $0x0  }
0x91: {  	s3 =	rddreg [dreg:$0x2];
	[bflag:$0x3] =	sbarrier.arrive $0xFFFF;
	s2 =	simm.s32 @!p0 $0x1C03  }
0x92: {  	[timem:s3], [sflag:s2] =	dma.local @!p0 [hbm:s0], s1  }
0x93: {  	s0 =	simm.s32 @!p0 $0x3  }
0x94: {  	_ =	swait.ge @!p0 [sflag:s0], s1  }
0x95: {  	s1 =	ssub.s32 @!p0 $0x0, s1;
	[sflag:s0] =	ssyncset.done @!p0 $0x0  }
0x96: {  	[sflag:s0] =	ssyncadd.s32 @!p0 s1  }
0x97: {  	[bflag:$0x3] =	sbarrier.arrive $0xFFFF  }
0x98: {  	_ =	shalt  }

// kernel: kernel.19.cloned.1.call-start
scs
__scs_entry_jumppad:
0x0: {  	(pc) =	sbr.rel $0x88, $3  }
0x1: {  	(tag) =	ssettag $0x0;
	lr =	simm.s32 $0x1  }
0x2: {  	[smem:$0x3F99] =	sst lr;
	_ =	strace $0xD0000000  }
0x3: {  	_ = 	snop  }
0x4: {  	_ = 	snop  }
0x5: {  	_ = 	snop  }
0x6: {  	_ = 	snop  }
0x7: {  	_ = 	snop  }
__scs_overlays_trampoline_lowered:
0x8: {  	[smem:$0x3FA8] =	sst s0  }
0x9: {  	[smem:$0x3FA9] =	sst s1  }
0xa: {  	[smem:$0x3FAA] =	sst s2  }
0xb: {  	[smem:$0x3FAB] =	sst s3  }
0xc: {  	[smem:$0x3FAC] =	sst s4  }
0xd: {  	[smem:$0x3FAD] =	sst s5  }
0xe: {  	[smem:$0x3FAE] =	sst s6  }
0xf: {  	[smem:$0x3FAF] =	sst s7  }
0x10: {  	[smem:$0x3FB0] =	sst s8  }
0x11: {  	[smem:$0x3FB1] =	sst s9;
	s0 =	simm.s32 @!p0 $0x0  }
0x12: {  	s1 =	sld [smem:$0x3F97];
	s0 =	simm.s32 @p0 $0x1  }
0x13: {  	[smem:$0x3FB2] =	sst s0;
	s0 =	simm.s32 @!p1 $0x0  }
0x14: {  	s2 =	sld [smem:$0x3F96];
	s0 =	simm.s32 @p1 $0x1  }
0x15: {  	[smem:$0x3FB3] =	sst s0;
	s0 =	simm.s32 @!p2 $0x0  }
0x16: {  	s3 =	sld [smem:$0x3FDB];
	s0 =	simm.s32 @p2 $0x1  }
0x17: {  	s4 =	simm.s32 $0x1BF5;
	[smem:$0x3FB5] =	sst s0  }
0x18: {  	s0 =	sld [smem:$0x3F98];
	_ =	swait.ge [sflag:s4], $0x0  }
0x19: {  	s7 =	sld [smem:$0x3F99]  }
0x1a: {  	s8 =	sadd.s32 $0xFFFFE003, lr  }
0x1b: {  	s9 =	sadd.s32 $0xFFFFFEF7, lr;
	s5 =	simm.s32 $0xFFFFFFFF;
	p2 =	slt.u32 s8, $0xFFFFF086  }
0x1c: {  	p1 =	slt.u32 s9, $0xF7A;
	s5 =	simm.s32 @!p2 $0x0  }
0x1d: {  	s5 =	simm.s32 @p1 $0x1;
	p0 =	seq.s32 s7, s2  }
0x1e: {  	s7 =	smul.u32 @!p0 $0xF7A, s2;
	p2 =	seq.s32 @!p0 s5, $0x0  }
0x1f: {  	s9 =	smul.u32 $0xF7A, s1;
	s8 =	simm.s32 @!p0 $0x1BF5;
	p2 =	por !p2, p0  }
0x20: {  	[sflag:s8] =	ssyncset.s32 @!p0 $0xFFFFF086;
	s6 =	sadd.s32 @!p0 s3, s7;
	s7 =	simm.s32 @!p0 $0x108  }
0x21: {  	s3 =	sadd.s32 s3, s9;
	s6 =	sadd.s32 @!p0 $0x88, s6;
	s7 =	simm.s32 @p2 $0x1082  }
0x22: {  	[simem:s7], [sflag:s8] =	dma.local @!p0 [hbm:s6], $0xF7A  }
0x23: {  	s9 =	sor.u32 $0xD0000000, s2;
	s6 =	simm.s32 $0x108;
	_ =	swait.ge @!p0 [sflag:s8], $0x0  }
0x24: {  	s3 =	sadd.s32 $0x88, s3;
	s6 =	simm.s32 @!p1 $0x1082;
	[sflag:s4] =	ssyncset.s32 $0xFFFFF086  }
0x25: {  	[simem:s6], [sflag:s4] =	dma.local [hbm:s3], $0xF7A  }
0x26: {  	[smem:$0x3F99] =	sst s1;
	(tag) =	ssettag s2;
	_ =	strace s9  }
0x27: {  	s1 =	sld [smem:$0x3FA9]  }
0x28: {  	s2 =	sld [smem:$0x3FAA]  }
0x29: {  	s4 =	sld [smem:$0x3FAC]  }
0x2a: {  	p0 =	seq.s32 s5, $0x0;
	s5 =	sld [smem:$0x3FAD]  }
0x2b: {  	s6 =	sld [smem:$0x3FAE]  }
0x2c: {  	s7 =	sld [smem:$0x3FAF]  }
0x2d: {  	s3 =	simm.s32 $0x108;
	s8 =	sld [smem:$0x3FB0]  }
0x2e: {  	s3 =	simm.s32 @!p0 $0x1082;
	s9 =	sld [smem:$0x3FB1]  }
0x2f: {  	lr =	sadd.s32 s0, s3;
	s0 =	sld [smem:$0x3FA8]  }
0x30: {  	s3 =	sld [smem:$0x3FAB]  }
0x31: {  	[smem:$0x3FB4] =	sst s10  }
0x32: {  	s10 =	sld [smem:$0x3FB2];
	_ =	sdelay $0x3  }
0x33: {  	p0 =	seq.s32 s10, $0x1;
	s10 =	sld [smem:$0x3FB4];
	_ =	sdelay $0x3  }
0x34: {  	[smem:$0x3FB4] =	sst s10  }
0x35: {  	s10 =	sld [smem:$0x3FB3];
	_ =	sdelay $0x3  }
0x36: {  	p1 =	seq.s32 s10, $0x1;
	s10 =	sld [smem:$0x3FB4];
	_ =	sdelay $0x3  }
0x37: {  	[smem:$0x3FB4] =	sst s10  }
0x38: {  	s10 =	sld [smem:$0x3FB5]  }
0x39: {  	_ = 	snop;
	(pc) =	sbr.ind lr, $3  }
0x3a: {  	_ = 	snop  }
0x3b: {  	_ = 	snop  }
0x3c: {  	p2 =	seq.s32 s10, $0x1;
	s10 =	sld [smem:$0x3FB4]  }
0x3d: {  	_ =	shalt  }
0x3e: {  	_ =	shalt  }
0x3f: {  	_ =	shalt  }
0x40: {  	_ =	shalt  }
0x41: {  	_ =	shalt  }
0x42: {  	_ =	shalt  }
0x43: {  	_ =	shalt  }
0x44: {  	_ =	shalt  }
0x45: {  	_ =	shalt  }
0x46: {  	_ =	shalt  }
0x47: {  	_ =	shalt  }
0x48: {  	_ =	shalt  }
0x49: {  	_ =	shalt  }
0x4a: {  	_ =	shalt  }
0x4b: {  	_ =	shalt  }
0x4c: {  	_ =	shalt  }
0x4d: {  	_ =	shalt  }
0x4e: {  	_ =	shalt  }
0x4f: {  	_ =	shalt  }
0x50: {  	_ =	shalt  }
0x51: {  	_ =	shalt  }
0x52: {  	_ =	shalt  }
0x53: {  	_ =	shalt  }
0x54: {  	_ =	shalt  }
0x55: {  	_ =	shalt  }
0x56: {  	_ =	shalt  }
0x57: {  	_ =	shalt  }
0x58: {  	_ =	shalt  }
0x59: {  	_ =	shalt  }
0x5a: {  	_ =	shalt  }
0x5b: {  	_ =	shalt  }
0x5c: {  	_ =	shalt  }
0x5d: {  	_ =	shalt  }
0x5e: {  	_ =	shalt  }
0x5f: {  	_ =	shalt  }
0x60: {  	_ =	shalt  }
0x61: {  	_ =	shalt  }
0x62: {  	_ =	shalt  }
0x63: {  	_ =	shalt  }
0x64: {  	_ =	shalt  }
0x65: {  	_ =	shalt  }
0x66: {  	_ =	shalt  }
0x67: {  	_ =	shalt  }
0x68: {  	_ =	shalt  }
0x69: {  	_ =	shalt  }
0x6a: {  	_ =	shalt  }
0x6b: {  	_ =	shalt  }
0x6c: {  	_ =	shalt  }
0x6d: {  	_ =	shalt  }
0x6e: {  	_ =	shalt  }
0x6f: {  	_ =	shalt  }
0x70: {  	_ =	shalt  }
0x71: {  	_ =	shalt  }
0x72: {  	_ =	shalt  }
0x73: {  	_ =	shalt  }
0x74: {  	_ =	shalt  }
0x75: {  	_ =	shalt  }
0x76: {  	_ =	shalt  }
0x77: {  	_ =	shalt  }
0x78: {  	_ =	shalt  }
0x79: {  	_ =	shalt  }
0x7a: {  	_ =	shalt  }
0x7b: {  	_ =	shalt  }
0x7c: {  	_ =	shalt  }
0x7d: {  	_ =	shalt  }
0x7e: {  	_ =	shalt  }
0x7f: {  	_ =	shalt  }
0x80: {  	_ =	shalt  }
0x81: {  	_ =	shalt  }
0x82: {  	_ =	shalt  }
0x83: {  	_ =	shalt  }
0x84: {  	_ =	shalt  }
0x85: {  	_ =	shalt  }
0x86: {  	_ =	shalt  }
0x87: {  	_ =	shalt  }
.Lfunc_end0:
.L_simem_size_0:
called_computation.3_lowered:
.L_overlay_start_0:
0x88: {  	s2 =	sld [smem:$0x3FD9]  }
0x89: {  	s3 =	sld [smem:$0x3FFE];
	_ =	sdelay $0x1  }
0x8a: {  	s1 =	srdreg.scid  }
0x8b: {  	s0 =	sand.u32 $0x1, s1  }
0x8c: {  	s14 =	sshll.u32 s0, $0xA;
	s2 =	sadd.s32 s3, s2  }
0x8d: {  	s2 =	sadd.s32 s2, s14  }
0x8e: {  	[smem:$0x3FC0] =	sst s2  }
0x8f: {  	_ = 	snop  }
0x90: {  	s2 =	sld [smem:$0x3FD0];
	_ =	sdelay $0x2  }
0x91: {  	s15 =	simm.s32 $0xA;
	s4 =	simm.s32 $0x10  }
0x92: {  	[smem:s4], [sflag:s15] =	dma.local [hbm:s2], $0x1  }
0x93: {  	_ =	swait.eq [sflag:s15], $0x1  }
0x94: {  	[sflag:s15] =	ssyncset.done $0x0  }
0x95: {  	s16 =	sld [smem:$0x10];
	[sflag:s15] =	ssyncadd.s32 $0xFFFFFFFF  }
0x96: {  	s17 =	sld [smem:$0x11];
	(tm) =	ssettm $0x1  }
0x97: {  	s18 =	sld [smem:$0x3FFB];
	_ =	sdelay $0x3  }
0x98: {  	_ =	strace s18  }
0x99: {  	s4 =	sld [smem:$0x3FFC];
	_ =	sdelay $0x3  }
0x9a: {  	_ =	strace s4  }
0x9b: {  	s4 =	sld [smem:$0x3FFD];
	_ =	sdelay $0x3  }
0x9c: {  	_ =	strace s4  }
0x9d: {  	_ =	strace $0x8FFFFFFF  }
0x9e: {  	s19 =	sld [smem:$0x3FDB];
	_ =	sdelay $0x1  }
0x9f: {  	s5 =	simm.s32 $_scs_section_size  }
0xa0: {  	s6 =	simm.s32 $_size__tile_overlayer_lowered;
	s7 =	simm.s32 $_tile_overlayer_lowered  }
0xa1: {  	s22 =	simm.s32 $0x1BFF;
	s21 =	sshll.u32 s7, $0x1;
	s4 =	sadd.s32 s5, s19  }
0xa2: {  	s8 =	simm.s32 $0x0;
	s20 =	sshll.u32 s6, $0x1;
	s6 =	sadd.s32 s21, s4  }
0xa3: {  	[timem:s8], [sflag:s22] =	dma.local [hbm:s6], s20  }
0xa4: {  	_ =	swait.ge [sflag:s22], s20  }
0xa5: {  	s5 =	ssub.s32 $0x0, s20;
	[sflag:s22] =	ssyncset.done $0x0  }
0xa6: {  	[sflag:s22] =	ssyncadd.s32 s5;
	_ =	sdelay $0x1  }
0xa7: {  	s23 =	simm.s32 $0x1B8B  }
0xa8: {  	_ =	swait.ge [sflag:s23], $0x1  }
0xa9: {  	[sflag:s23] =	ssyncset.done $0x0  }
0xaa: {  	s25 =	simm.s32 $0x1B8E;
	s24 =	sld [smem:$0x3FFE];
	[sflag:s23] =	ssyncadd.s32 $0xFFFFFFFF  }
0xab: {  	s26 =	simm.s32 $execute0_lowered;
	[smem:$0x3FD2] =	sst s25  }
0xac: {  	s6 =	sshll.u32 s26, $0x1;
	_ =	strace $0x8000004F;
	[dreg:$0x1] =	wrdreg $0xFFFFFFFF  }
0xad: {  	s28 =	simm.s32 $_size_execute0_lowered;
	s4 =	sadd.s32 s4, s6;
	[dreg:$0x0] =	wrdreg $0x0  }
0xae: {  	s6 =	sshll.u32 s28, $0x1;
	[dreg:$0x2] =	wrdreg s4  }
0xaf: {  	[dreg:$0x3] =	wrdreg s6  }
0xb0: {  	[dreg:$0x4] =	wrdreg $0xC0  }
0xb1: {  	_ =	task [dreg:s8], $0x5FFFF  }
0xb2: {  	[dreg:$0x1] =	wrdreg $0xFFFFFFFF  }
0xb3: {  	[dreg:$0x0] =	wrdreg $0x60  }
0xb4: {  	[dreg:$0x2] =	wrdreg s24  }
0xb5: {  	[dreg:$0x3] =	wrdreg s17  }
0xb6: {  	[dreg:$0x4] =	wrdreg s16  }
0xb7: {  	[dreg:$0x5] =	wrdreg $0x82000  }
0xb8: {  	[dreg:$0x6] =	wrdreg $0x9  }
0xb9: {  	_ =	task.clear_ibuf [dreg:s8], $0x7FFFF;
	_ =	strace $0x9000004F  }
0xba: {  	s29 =	simm.s32 $0x9;
	_ =	strace $0x80000051  }
0xbb: {  	_ =	swait.ge [sflag:s29], $0x1  }
0xbc: {  	[sflag:s29] =	ssyncadd.s32 $0xFFFFFFFF  }
0xbd: {  	_ =	strace $0x90000051  }
0xbe: {  	_ =	sfence  }
0xbf: {  	s30 =	sld [smem:$0x0];
	_ =	sdelay $0x2  }
0xc0: {  	s31 =	sshll.u32 s1, $0xD;
	s1 =	sshrl.u32 s1, $0x2  }
0xc1: {  	s3 =	sand.u32 $0x4000, s31;
	s1 =	sadd.s32 s1, s30  }
0xc2: {  	s0 =	sor.u32 s3, s0;
	s1 =	sshll.u32 s1, $0x11  }
0xc3: {  	s0 =	sor.u32 s1, s0  }
0xc4: {  	s0 =	sadd.s32 $0x8F2B, s0  }
0xc5: {  	[sflag:s0] =	ssyncadd.remote.s32 $0x1  }
0xc6: {  	_ =	sfence.sel $0xFFFF  }
0xc7: {  	[dreg:$0x0] =	wrdreg $0xFFFFFFFF;
	(pc) =	sbr.abs _section_cstart, $3  }
0xc8: {  	[dreg:$0x1] =	wrdreg $0xFFFFFFFF  }
0xc9: {  	_ =	task.clear_ibuf [dreg:s8], $0x2FFFF;
	_ =	strace $0x9FFFFFFF  }
0xca: {  	(tm) =	ssettm $0x7FFFFFFF  }
0xcb: {  	_ =	shalt  }
tec
execute0_lowered:
.L_overlay_start_1:
0x0: {  	(tag) =	ssettag $0x1  }
0x1: {  	s6 =	rddreg [dreg:$0x0]  }
0x2: {  	s7 =	rddreg [dreg:$0x1]  }
0x3: {  	s8 =	rddreg [dreg:$0x2]  }
0x4: {  	s1 =	rddreg [dreg:$0x3]  }
0x5: {  	s0 =	rddreg [dreg:$0x4]  }
0x6: {  	s2 =	simm.s32 $0x0;
	s3 =	srdreg.scid;
	s14 =	simm.s32 $0x200  }
0x7: {  	s17 =	simm.s32 $0x180;
	s18 =	simm.s32 $0x2;
	s19 =	simm.s32 $0x1  }
0x8: {  	s20 =	simm.s32 $0x4200;
	[smem:$0x7FF] =	sst s2;
	s4 =	sadd.s32 $0x5C00, s6  }
0x9: {  	s9 =	sand.u32 $0x1, s3;
	s5 =	sadd.s32 $0x3400, s6;
	s3 =	stileid.u32  }
0xa: {  	_ =	strace $0x80000050;
	s10 =	smul.u32 $0x28000, s9;
	s11 =	ssub.s32 $0x2, s9  }
0xb: {  	s12 =	smul.u32 $0x50000, s3;
	s13 =	sshll.u32 s3, $0x1;
	s31 =	sshll.u32 s3, $0x6  }
0xc: {  	s22 =	smul.u32 $0x2800, s3;
	s30 =	sshrl.u32 s11, $0x1;
	s9 =	sor.u32 s9, s13  }
0xd: {  	s13 =	simm.s32 $0x80;
	s10 =	sadd.s32 s10, s6;
	s9 =	smul.u32 $0x500, s9  }
0xe: {  	s12 =	sshrl.u32 s12, $0x2;
	s11 =	ssub.s32 s11, s30;
	s6 =	sor.u32 $0x1C03, s31  }
0xf: {  	s12 =	sadd.s32 s12, s1;
	s21 =	sadd.s32 $0x2DC00, s10;
	s7 =	sadd.s32 s7, s9  }
0x10: {  	s8 =	sadd.s32 s8, s9;
	s9 =	smax.u32 s11, $0x1;
	s10 =	sshrl.u32 s12, $0x3  }
0x11: {  	s11 =	simm.s32 $0x3;
	s12 =	simm.s32 $0x100;
	s21 =	sadd.s32 s22, s21  }
0x12: {  	s22 =	simm.s32 $0x0;
	s15 =	sadd.s32 $0x10, s7;
	s16 =	sadd.s32 $0x10, s8  }
.LBB2_1:
0x13: {  	[spmem:s10], [sflag:s6] =	dma.local [hbm:s5], $0x2800  }
0x14: {  	_ =	swait.ge [sflag:s11], $0x2800  }
0x15: {  	[sflag:s11] =	ssyncset.done $0x0  }
0x16: {  	[sflag:s11] =	ssyncadd.s32 $0xFFFFD800  }
0x17: {  	[bflag:$0x0] =	sbarrier.arrive $0xFFFF  }
0x18: {  	[tilespmem:s2], [sflag:$0x3] =	stream.linear.gather [hbm4b:s7+s2], $0x80, $0x38;
	[tilespmem:$0x1C200] =	vst v63  }
0x19: {  	_ =	swait.ge [sflag:s11], $0x80  }
0x1a: {  	[sflag:s11] =	ssyncset.done $0x0  }
0x1b: {  	[sflag:s11] =	ssyncadd.s32 $0xFFFFFF80  }
0x1c: {  	[tilespmem:s12], [sflag:$0x3] =	stream.linear.gather [hbm4b:s8+s2], $0x80, $0x38;
	[tilespmem:$0x1C200] =	vst v63  }
0x1d: {  	_ =	swait.ge [sflag:s11], $0x80  }
0x1e: {  	[sflag:s11] =	ssyncset.done $0x0  }
0x1f: {  	[sflag:s11] =	ssyncadd.s32 $0xFFFFFF80  }
0x20: {  	[tilespmem:s14], [sflag:$0x1] =	stream.indirect.gather [hbm4b:s4+s13], $0x80, s2, s13, $0xb8;
	[tilespmem:$0x1C200] =	vst v63  }
0x21: {  	_ = 	snop  }
0x22: {  	[tilespmem:s13], [sflag:$0x2] =	stream.linear.gather [hbm4b:s15+s2], $0x80, $0x38;
	[tilespmem:$0x1C200] =	vst v63  }
0x23: {  	_ = 	snop  }
0x24: {  	[tilespmem:s17], [sflag:$0x2] =	stream.linear.gather [hbm4b:s16+s2], $0x80, $0x38;
	[tilespmem:$0x1C200] =	vst v63  }
0x25: {  	_ =	swait.ge [sflag:s18], $0x80  }
0x26: {  	[sflag:s18] =	ssyncset.done $0x0  }
0x27: {  	[sflag:s18] =	ssyncadd.s32 $0xFFFFFF80  }
0x28: {  	_ =	swait.ge [sflag:s18], $0x80  }
0x29: {  	[sflag:s18] =	ssyncset.done $0x0  }
0x2a: {  	[sflag:s18] =	ssyncadd.s32 $0xFFFFFF80  }
0x2b: {  	_ =	swait.ge [sflag:s19], $0x4000  }
0x2c: {  	[sflag:s19] =	ssyncset.done $0x0  }
0x2d: {  	[sflag:s19] =	ssyncadd.s32 $0xFFFFC000  }
0x2e: {  	[tilespmem:s20], [sflag:$0x1] =	stream.indirect.gather [hbm4b:s4+s13], $0x80, s13, s13, $0xb8;
	[tilespmem:$0x1C200] =	vst v63  }
0x2f: {  	_ = 	snop  }
0x30: {  	[spmem:s1] =	stream.indirect.scatter.add.f32 [tilespmem:s14], [sflag:$0x3], $0x80, s12, s13, $0xb8;
	[tilespmem:$0x1C200] =	vst v63  }
0x31: {  	_ =	swait.ge [sflag:s11], $0x4000  }
0x32: {  	s23 =	sadd.s32 $0xFFFFFB20, s7;
	[sflag:s11] =	ssyncset.done $0x0  }
0x33: {  	s25 =	sadd.s32 $0xFFFFFB20, s8;
	s24 =	sadd.s32 $0x500, s23;
	[sflag:s11] =	ssyncadd.s32 $0xFFFFC000  }
0x34: {  	[tilespmem:s2], [sflag:$0x2] =	stream.linear.gather [hbm4b:s24+s2], $0x80, $0x38;
	[tilespmem:$0x1C200] =	vst v63  }
0x35: {  	s31 =	sadd.s32 $0x500, s25  }
0x36: {  	[tilespmem:s12], [sflag:$0x2] =	stream.linear.gather [hbm4b:s31+s2], $0x80, $0x38;
	[tilespmem:$0x1C200] =	vst v63  }
0x37: {  	_ =	swait.ge [sflag:s18], $0x80  }
0x38: {  	[sflag:s18] =	ssyncset.done $0x0  }
0x39: {  	[sflag:s18] =	ssyncadd.s32 $0xFFFFFF80  }
0x3a: {  	_ =	swait.ge [sflag:s18], $0x80  }
0x3b: {  	[sflag:s18] =	ssyncset.done $0x0  }
0x3c: {  	[sflag:s18] =	ssyncadd.s32 $0xFFFFFF80  }
0x3d: {  	_ =	swait.ge [sflag:s19], $0x4000  }
0x3e: {  	[sflag:s19] =	ssyncset.done $0x0  }
0x3f: {  	[sflag:s19] =	ssyncadd.s32 $0xFFFFC000  }
0x40: {  	[tilespmem:s14], [sflag:$0x1] =	stream.indirect.gather [hbm4b:s4+s13], $0x80, s2, s13, $0xb8;
	[tilespmem:$0x1C200] =	vst v63  }
0x41: {  	_ = 	snop  }
0x42: {  	[spmem:s1] =	stream.indirect.scatter.add.f32 [tilespmem:s20], [sflag:$0x3], $0x80, s17, s13, $0xb8;
	[tilespmem:$0x1C200] =	vst v63  }
0x43: {  	_ =	swait.ge [sflag:s11], $0x4000  }
0x44: {  	[sflag:s11] =	ssyncset.done $0x0  }
0x45: {  	s23 =	sadd.s32 $0x510, s23;
	[sflag:s11] =	ssyncadd.s32 $0xFFFFC000  }
0x46: {  	[tilespmem:s13], [sflag:$0x2] =	stream.linear.gather [hbm4b:s23+s2], $0x80, $0x38;
	[tilespmem:$0x1C200] =	vst v63  }
0x47: {  	s24 =	sadd.s32 $0x510, s25;
	s23 =	simm.s32 $0xFFFFFB40  }
.LBB2_2:
0x48: {  	[tilespmem:s17], [sflag:$0x2] =	stream.linear.gather [hbm4b:s24+s2], $0x80, $0x38;
	[tilespmem:$0x1C200] =	vst v63  }
0x49: {  	s24 =	smov.u32 s23  }
0x4a: {  	p0 =	sne.s32 s23, $0xFFFFFFE0;
	s23 =	sadd.s32 $0x20, s23;
	_ =	swait.ge [sflag:s18], $0x80  }
0x4b: {  	[sflag:s18] =	ssyncset.done $0x0  }
0x4c: {  	[sflag:s18] =	ssyncadd.s32 $0xFFFFFF80  }
0x4d: {  	_ =	swait.ge [sflag:s18], $0x80  }
0x4e: {  	[sflag:s18] =	ssyncset.done $0x0  }
0x4f: {  	[sflag:s18] =	ssyncadd.s32 $0xFFFFFF80  }
0x50: {  	_ =	swait.ge [sflag:s19], $0x4000  }
0x51: {  	[sflag:s19] =	ssyncset.done $0x0  }
0x52: {  	[sflag:s19] =	ssyncadd.s32 $0xFFFFC000  }
0x53: {  	[tilespmem:s20], [sflag:$0x1] =	stream.indirect.gather [hbm4b:s4+s13], $0x80, s13, s13, $0xb8;
	[tilespmem:$0x1C200] =	vst v63  }
0x54: {  	_ = 	snop  }
0x55: {  	[spmem:s1] =	stream.indirect.scatter.add.f32 [tilespmem:s14], [sflag:$0x3], $0x80, s12, s13, $0xb8;
	[tilespmem:$0x1C200] =	vst v63  }
0x56: {  	_ =	swait.ge [sflag:s11], $0x4000  }
0x57: {  	s25 =	sadd.s32 s24, s7;
	[sflag:s11] =	ssyncset.done $0x0  }
0x58: {  	s24 =	sadd.s32 s24, s8;
	s26 =	sadd.s32 $0x500, s25;
	[sflag:s11] =	ssyncadd.s32 $0xFFFFC000  }
0x59: {  	[tilespmem:s2], [sflag:$0x2] =	stream.linear.gather [hbm4b:s26+s2], $0x80, $0x38;
	[tilespmem:$0x1C200] =	vst v63  }
0x5a: {  	s26 =	sadd.s32 $0x500, s24  }
0x5b: {  	[tilespmem:s12], [sflag:$0x2] =	stream.linear.gather [hbm4b:s26+s2], $0x80, $0x38;
	[tilespmem:$0x1C200] =	vst v63  }
0x5c: {  	_ =	swait.ge [sflag:s18], $0x80  }
0x5d: {  	[sflag:s18] =	ssyncset.done $0x0  }
0x5e: {  	[sflag:s18] =	ssyncadd.s32 $0xFFFFFF80  }
0x5f: {  	_ =	swait.ge [sflag:s18], $0x80  }
0x60: {  	[sflag:s18] =	ssyncset.done $0x0  }
0x61: {  	[sflag:s18] =	ssyncadd.s32 $0xFFFFFF80  }
0x62: {  	_ =	swait.ge [sflag:s19], $0x4000  }
0x63: {  	[sflag:s19] =	ssyncset.done $0x0  }
0x64: {  	[sflag:s19] =	ssyncadd.s32 $0xFFFFC000  }
0x65: {  	[tilespmem:s14], [sflag:$0x1] =	stream.indirect.gather [hbm4b:s4+s13], $0x80, s2, s13, $0xb8;
	[tilespmem:$0x1C200] =	vst v63  }
0x66: {  	_ = 	snop  }
0x67: {  	[spmem:s1] =	stream.indirect.scatter.add.f32 [tilespmem:s20], [sflag:$0x3], $0x80, s17, s13, $0xb8;
	[tilespmem:$0x1C200] =	vst v63  }
.Ltmp0:
0x68: {  	_ =	swait.ge [sflag:s11], $0x4000;
	(pc) =	sbr.rel @p0 .LBB2_2-.Ltmp0, $4  }
0x69: {  	[sflag:s11] =	ssyncset.done $0x0  }
0x6a: {  	s25 =	sadd.s32 $0x510, s25;
	[sflag:s11] =	ssyncadd.s32 $0xFFFFC000  }
0x6b: {  	[tilespmem:s13], [sflag:$0x2] =	stream.linear.gather [hbm4b:s25+s2], $0x80, $0x38;
	[tilespmem:$0x1C200] =	vst v63  }
0x6c: {  	s24 =	sadd.s32 $0x510, s24  }
0x6d: {  	[tilespmem:s17], [sflag:$0x2] =	stream.linear.gather [hbm4b:s24+s2], $0x80, $0x38;
	[tilespmem:$0x1C200] =	vst v63  }
0x6e: {  	_ =	swait.ge [sflag:s18], $0x80  }
0x6f: {  	[sflag:s18] =	ssyncset.done $0x0  }
0x70: {  	[sflag:s18] =	ssyncadd.s32 $0xFFFFFF80  }
0x71: {  	_ =	swait.ge [sflag:s18], $0x80  }
0x72: {  	[sflag:s18] =	ssyncset.done $0x0  }
0x73: {  	[sflag:s18] =	ssyncadd.s32 $0xFFFFFF80  }
0x74: {  	_ =	swait.ge [sflag:s19], $0x4000  }
0x75: {  	[sflag:s19] =	ssyncset.done $0x0  }
0x76: {  	[sflag:s19] =	ssyncadd.s32 $0xFFFFC000  }
0x77: {  	[tilespmem:s20], [sflag:$0x1] =	stream.indirect.gather [hbm4b:s4+s13], $0x80, s13, s13, $0xb8;
	[tilespmem:$0x1C200] =	vst v63  }
0x78: {  	_ = 	snop  }
0x79: {  	[spmem:s1] =	stream.indirect.scatter.add.f32 [tilespmem:s14], [sflag:$0x3], $0x80, s12, s13, $0xb8;
	[tilespmem:$0x1C200] =	vst v63  }
0x7a: {  	_ =	swait.ge [sflag:s11], $0x4000  }
0x7b: {  	[sflag:s11] =	ssyncset.done $0x0  }
0x7c: {  	[sflag:s11] =	ssyncadd.s32 $0xFFFFC000  }
0x7d: {  	_ =	swait.ge [sflag:s19], $0x4000  }
0x7e: {  	[sflag:s19] =	ssyncset.done $0x0  }
0x7f: {  	[sflag:s19] =	ssyncadd.s32 $0xFFFFC000  }
0x80: {  	[spmem:s1] =	stream.indirect.scatter.add.f32 [tilespmem:s20], [sflag:$0x3], $0x80, s17, s13, $0xb8;
	[tilespmem:$0x1C200] =	vst v63  }
0x81: {  	_ =	swait.ge [sflag:s11], $0x4000  }
0x82: {  	s22 =	sadd.s32 $0x1, s22;
	[sflag:s11] =	ssyncset.done $0x0  }
0x83: {  	p0 =	sne.s32 s22, s9;
	[sflag:s11] =	ssyncadd.s32 $0xFFFFC000  }
.Ltmp1:
0x84: {  	[bflag:$0x0] =	sbarrier.arrive $0xFFFF;
	(pc) =	sbr.rel @p0 .LBB2_1-.Ltmp1, $4  }
0x85: {  	[hbm:s21], [sflag:s6] =	dma.local [spmem:s10], $0x2800  }
0x86: {  	_ =	swait.ge [sflag:s11], $0x2800  }
0x87: {  	[sflag:s11] =	ssyncset.done $0x0  }
0x88: {  	[sflag:s11] =	ssyncadd.s32 $0xFFFFD800  }
0x89: {  	_ =	sfence.sel $0x180000  }
0x8a: {  	[bflag:$0x0] =	sbarrier.arrive $0xFFFF  }
0x8b: {  	p0 =	sne.s32 s3, $0x0;
	_ =	strace $0x90000050  }
0x8c: {  	s0 =	sadd.s32 @!p0 $0x100000, s0;
	[bflag:$0x2] =	sbarrier.arrive $0xFFFF  }
0x8d: {  	[sflag:s0] =	ssyncadd.tile.s32 @!p0 $0x1;
	_ =	shalt  }
.Lfunc_end2:
_tile_overlayer_lowered:
.L_overlay_start_2:
0x8e: {  	(tag) =	ssettag $0x2  }
0x8f: {  	s0 =	rddreg [dreg:$0x0];
	s2 =	stileid.u32  }
0x90: {  	s1 =	rddreg [dreg:$0x1];
	p0 =	sne.s32 s2, $0x0  }
0x91: {  	s3 =	rddreg [dreg:$0x2];
	[bflag:$0x3] =	sbarrier.arrive $0xFFFF;
	s2 =	simm.s32 @!p0 $0x1C03  }
0x92: {  	[timem:s3], [sflag:s2] =	dma.local @!p0 [hbm:s0], s1  }
0x93: {  	s0 =	simm.s32 @!p0 $0x3  }
0x94: {  	_ =	swait.ge @!p0 [sflag:s0], s1  }
0x95: {  	s1 =	ssub.s32 @!p0 $0x0, s1;
	[sflag:s0] =	ssyncset.done @!p0 $0x0  }
0x96: {  	[sflag:s0] =	ssyncadd.s32 @!p0 s1  }
0x97: {  	[bflag:$0x3] =	sbarrier.arrive $0xFFFF  }
0x98: {  	_ =	shalt  }

</sc_bundles>
